<compile_context>
chip_gen: v7x
topology: tpu7x:2x2x1
jax: 0.10.2.dev20260603
libtpu: 0.0.44.dev20260713+nightly
codegen_flags: <defaults>
</compile_context>

<pallas_src>
import functools

import jax
import jax.numpy as jnp
from jax import lax
from jax.experimental import pallas as pl
from jax.experimental.pallas import tpu as pltpu
from jax.experimental.pallas import tpu_sc as plsc

BATCH = 16384
SEQ = 200
EMB_DIM = 64
D_MODEL = 64
VOCAB = 100
N_SEG = 5
SEG = 40

NC = 2
NS = 16
L = 16
NW = NC * NS

GROUPS_PER_WORKER = BATCH // (L * NW)
OUT_COLS = N_SEG * D_MODEL
PAIRS = D_MODEL // 2

IDS_STRIDE = SEQ + 1
TAB_STRIDE = PAIRS + 1
OUT_STRIDE = OUT_COLS + 1


def _fuse_table_body(emb_ref, w_ref, b_ref, out_ref):
    acc = jnp.dot(emb_ref[...], w_ref[...], preferred_element_type=jnp.float32)
    out_ref[...] = (acc + b_ref[...]) * (1.0 / SEG)


def _fuse_table(emb_table, lin_w, lin_b):
    return pl.pallas_call(
        _fuse_table_body,
        out_shape=jax.ShapeDtypeStruct((VOCAB, D_MODEL), jnp.float32),
    )(emb_table, lin_w, lin_b.reshape(1, D_MODEL))


def _sc_body(chars_hbm, table_hbm, out_hbm, ids_v, tab_v, out_v):
    wid = lax.axis_index("s") * NC + lax.axis_index("c")
    pltpu.sync_copy(table_hbm, tab_v)

    iota = lax.iota(jnp.int32, L)
    row_off = iota * IDS_STRIDE
    col_off = iota * OUT_STRIDE

    def group_body(g, carry):
        base = wid * GROUPS_PER_WORKER + g
        pltpu.sync_copy(
            chars_hbm.at[pl.ds(base * (L * IDS_STRIDE), L * IDS_STRIDE)], ids_v
        )

        for s in range(N_SEG):
            def t_body(t, accs):
                cv = plsc.load_gather(ids_v, [row_off + (s * SEG + t)])
                fb = cv * TAB_STRIDE
                return tuple(
                    accs[p]
                    + plsc.bitcast(plsc.load_gather(tab_v, [fb + p]), jnp.bfloat16)
                    for p in range(PAIRS)
                )

            accs = lax.fori_loop(
                0, SEG, t_body,
                tuple(jnp.zeros((2 * L,), jnp.bfloat16) for _ in range(PAIRS)),
            )
            for p in range(PAIRS):
                lo, hi = plsc.unpack(accs[p], format=plsc.PackFormat.INTERLEAVED)
                c0 = s * D_MODEL + 2 * p
                plsc.store_scatter(out_v, [col_off + c0], lo)
                plsc.store_scatter(out_v, [col_off + (c0 + 1)], hi)

        pltpu.sync_copy(
            out_v, out_hbm.at[pl.ds(base * (L * OUT_STRIDE), L * OUT_STRIDE)]
        )
        return carry

    lax.fori_loop(0, GROUPS_PER_WORKER, group_body, 0)


@functools.partial(jax.jit, static_argnames=())
def kernel(char_input, emb_table, lin_w, lin_b):
    table = _fuse_table(emb_table, lin_w, lin_b)

    chars_padded = jnp.pad(
        char_input.astype(jnp.int32), ((0, 0), (0, IDS_STRIDE - SEQ))
    ).reshape(BATCH * IDS_STRIDE)
    packed = lax.bitcast_convert_type(
        table.astype(jnp.bfloat16).reshape(VOCAB, PAIRS, 2), jnp.int32
    )
    packed = jnp.pad(packed, ((0, 0), (0, TAB_STRIDE - PAIRS))).reshape(
        VOCAB * TAB_STRIDE
    )

    sc_fn = functools.partial(
        pl.kernel,
        mesh=plsc.VectorSubcoreMesh(core_axis_name="c", subcore_axis_name="s"),
        out_type=jax.ShapeDtypeStruct((BATCH * OUT_STRIDE,), jnp.float32),
        scratch_types=[
            pltpu.VMEM((L * IDS_STRIDE,), jnp.int32),
            pltpu.VMEM((VOCAB * TAB_STRIDE,), jnp.int32),
            pltpu.VMEM((L * OUT_STRIDE,), jnp.float32),
        ],
        compiler_params=pltpu.CompilerParams(needs_layout_passes=False),
    )(_sc_body)

    out = sc_fn(chars_padded, packed)
    return out.reshape(BATCH, OUT_STRIDE)[:, :OUT_COLS].reshape(
        BATCH, N_SEG, D_MODEL
    )

# --- scband reference (transcript-rebuilt; emitter-appended) ---
"""Pipeline reference for scband-char-embedding-46059229283147 (READ-ONLY COPY).

The authoritative reference and input builder live on the scoring server;
editing this copy changes nothing except your own understanding.
"""

import jax, jax.numpy as jnp
import numpy as np

WORK_DIMS = [40, 40, 40]
SYS_DIMS = [40, 40]
WORK_LEN = 120
SYS_LEN = 80
BATCH = 16384
SEQ = 200
EMB_DIM = 64
D_MODEL = 64
VOCAB = 100


def setup_inputs(seed: int = 0) -> dict:
    key = jax.random.key(seed)
    k1, k2, k3 = jax.random.split(key, 3)
    char_input = jax.random.randint(k1, (BATCH, SEQ), 0, VOCAB)
    emb_table = jax.random.normal(k2, (VOCAB, EMB_DIM), dtype=jnp.float32)
    lin_w = jax.random.normal(k3, (EMB_DIM, D_MODEL), dtype=jnp.float32) * (1.0 / np.sqrt(EMB_DIM))
    lin_b = jnp.zeros((D_MODEL,), dtype=jnp.float32)
    return {"char_input": char_input, "emb_table": emb_table, "lin_w": lin_w, "lin_b": lin_b}


def _pooled_feature(x, dims):
    # avg_pool1d with kernel_size=dim, stride=dim over a segment of exactly dim -> mean
    feats = []
    left = 0
    for d in dims:
        seg = x[:, left:left + d, :]
        feats.append(jnp.mean(seg, axis=1, keepdims=True))
        left += d
    return jnp.concatenate(feats, axis=1)


def reference(char_input, emb_table, lin_w, lin_b):
    char_input = char_input.astype(jnp.int32)
    mask = (char_input != 0).astype(jnp.float32)
    ci = char_input * mask.astype(char_input.dtype)
    char_embedding = jnp.take(emb_table, ci, axis=0)
    char_embedding = char_embedding @ lin_w + lin_b
    sys_char = char_embedding[:, -SYS_LEN:, :]
    work_char = char_embedding[:, :WORK_LEN, :]
    sys_pooled = _pooled_feature(sys_char, SYS_DIMS)
    work_pooled = _pooled_feature(work_char, WORK_DIMS)
    output = jnp.concatenate([work_pooled, sys_pooled], axis=1)
    return output

if __name__ == "__main__":
    import jax
    _d = setup_inputs()
    print(jax.jit(kernel)(*tuple(_d.values())))

</pallas_src>

<mosaic_0001>
#map = affine_map<(d0, d1) -> (0)>
module attributes {stable_mosaic.version = 14 : i64} {
  func.func @_sc_body(%arg0: i32, %arg1: i32, %arg2: memref<3293184xi32, #tpu.memory_space<hbm>>, %arg3: memref<3300xi32, #tpu.memory_space<hbm>>, %arg4: memref<5259264xf32, #tpu.memory_space<hbm>>, %arg5: memref<3216xi32, #tpu.memory_space<vmem>>, %arg6: memref<3300xi32, #tpu.memory_space<vmem>>, %arg7: memref<5136xf32, #tpu.memory_space<vmem>>) attributes {dimension_semantics = [#tpu.dimension_semantics<core_parallel>, #tpu.dimension_semantics<subcore_parallel>], iteration_bounds = array<i64: 2, 16>, scalar_prefetch = 0 : i64, scratch_operands = 3 : i64, tpu.core_type = #tpu.core_type<sc_vector_subcore>, window_params = [{transform_indices = #map}, {transform_indices = #map}, {transform_indices = #map}]} {
    %mul3A = arith.constant 2 : i32
    %mul3A_0 = arith.muli %arg1, %mul3A : i32
    %add3A = arith.addi %mul3A_0, %arg0 : i32
    "tpu.region"() ({
      %run_scoped3A = tpu.sem_alloc : memref<!tpu.dma_semaphore, #tpu.memory_space<semaphore_mem>>
      tpu.enqueue_dma source(%arg3 : memref<3300xi32, #tpu.memory_space<hbm>>) target(%arg6 : memref<3300xi32, #tpu.memory_space<vmem>>) target_semaphore(%run_scoped3A : memref<!tpu.dma_semaphore, #tpu.memory_space<semaphore_mem>>)
      tpu.wait_dma2 semaphore(%run_scoped3A : memref<!tpu.dma_semaphore, #tpu.memory_space<semaphore_mem>>) src(%arg3 : memref<3300xi32, #tpu.memory_space<hbm>>) dst(%arg6 : memref<3300xi32, #tpu.memory_space<vmem>>)
      tpu.yield
    }) : () -> ()
    %iota3A = tpu.iota {dimensions = array<i32: 0>} : vector<16xi32>
    %mul3A_1 = arith.constant 201 : i32
    %mul3A_2 = vector.broadcast %mul3A_1 : i32 to vector<16xi32>
    %mul3A_3 = arith.muli %iota3A, %mul3A_2 : vector<16xi32>
    %mul3A_4 = arith.constant 321 : i32
    %mul3A_5 = vector.broadcast %mul3A_4 : i32 to vector<16xi32>
    %mul3A_6 = arith.muli %iota3A, %mul3A_5 : vector<16xi32>
    %scan3A = arith.constant 0 : i32
    %scan3A_7 = arith.constant 0 : i32
    %scan3A_8 = arith.constant 32 : i32
    %scan3A_9 = arith.addi %scan3A_7, %scan3A_8 : i32
    %scan3A_10 = arith.constant 1 : i32
    scf.for %scan3A_12 = %scan3A_7 to %scan3A_9 step %scan3A_10  : i32 {
      %mul3A_13 = arith.constant 32 : i32
      %mul3A_14 = arith.muli %add3A, %mul3A_13 : i32
      %add3A_15 = arith.addi %mul3A_14, %scan3A_12 : i32
      %mul3A_16 = arith.constant 3216 : i32
      %mul3A_17 = arith.muli %add3A_15, %mul3A_16 : i32
      "tpu.region"() ({
        %run_scoped3A = tpu.sem_alloc : memref<!tpu.dma_semaphore, #tpu.memory_space<semaphore_mem>>
        %dma_start3A = tpu.memref_slice %arg2[%mul3A_17] : memref<3293184xi32, #tpu.memory_space<hbm>> -> memref<3216xi32, #tpu.memory_space<hbm>>
        %dma_start3A_1648 = tpu.memref_slice %arg2[%mul3A_17] : memref<3293184xi32, #tpu.memory_space<hbm>> -> memref<3216xi32, #tpu.memory_space<hbm>>
        tpu.enqueue_dma source(%dma_start3A_1648 : memref<3216xi32, #tpu.memory_space<hbm>>) target(%arg5 : memref<3216xi32, #tpu.memory_space<vmem>>) target_semaphore(%run_scoped3A : memref<!tpu.dma_semaphore, #tpu.memory_space<semaphore_mem>>)
        %dma_wait3A = tpu.memref_slice %arg2[%mul3A_17] : memref<3293184xi32, #tpu.memory_space<hbm>> -> memref<3216xi32, #tpu.memory_space<hbm>>
        %dma_wait3A_1649 = tpu.memref_slice %arg2[%mul3A_17] : memref<3293184xi32, #tpu.memory_space<hbm>> -> memref<3216xi32, #tpu.memory_space<hbm>>
        tpu.wait_dma2 semaphore(%run_scoped3A : memref<!tpu.dma_semaphore, #tpu.memory_space<semaphore_mem>>) src(%dma_wait3A_1649 : memref<3216xi32, #tpu.memory_space<hbm>>) dst(%arg5 : memref<3216xi32, #tpu.memory_space<vmem>>)
        tpu.yield
      }) : () -> ()
      %broadcast_in_dim3A = arith.constant 0.000000e+00 : bf16
      %broadcast_in_dim3A_18 = vector.broadcast %broadcast_in_dim3A : bf16 to vector<32xbf16>
      %broadcast_in_dim3A_19 = arith.constant 0.000000e+00 : bf16
      %broadcast_in_dim3A_20 = vector.broadcast %broadcast_in_dim3A_19 : bf16 to vector<32xbf16>
      %broadcast_in_dim3A_21 = arith.constant 0.000000e+00 : bf16
      %broadcast_in_dim3A_22 = vector.broadcast %broadcast_in_dim3A_21 : bf16 to vector<32xbf16>
      %broadcast_in_dim3A_23 = arith.constant 0.000000e+00 : bf16
      %broadcast_in_dim3A_24 = vector.broadcast %broadcast_in_dim3A_23 : bf16 to vector<32xbf16>
      %broadcast_in_dim3A_25 = arith.constant 0.000000e+00 : bf16
      %broadcast_in_dim3A_26 = vector.broadcast %broadcast_in_dim3A_25 : bf16 to vector<32xbf16>
      %broadcast_in_dim3A_27 = arith.constant 0.000000e+00 : bf16
      %broadcast_in_dim3A_28 = vector.broadcast %broadcast_in_dim3A_27 : bf16 to vector<32xbf16>
      %broadcast_in_dim3A_29 = arith.constant 0.000000e+00 : bf16
      %broadcast_in_dim3A_30 = vector.broadcast %broadcast_in_dim3A_29 : bf16 to vector<32xbf16>
      %broadcast_in_dim3A_31 = arith.constant 0.000000e+00 : bf16
      %broadcast_in_dim3A_32 = vector.broadcast %broadcast_in_dim3A_31 : bf16 to vector<32xbf16>
      %broadcast_in_dim3A_33 = arith.constant 0.000000e+00 : bf16
      %broadcast_in_dim3A_34 = vector.broadcast %broadcast_in_dim3A_33 : bf16 to vector<32xbf16>
      %broadcast_in_dim3A_35 = arith.constant 0.000000e+00 : bf16
      %broadcast_in_dim3A_36 = vector.broadcast %broadcast_in_dim3A_35 : bf16 to vector<32xbf16>
      %broadcast_in_dim3A_37 = arith.constant 0.000000e+00 : bf16
      %broadcast_in_dim3A_38 = vector.broadcast %broadcast_in_dim3A_37 : bf16 to vector<32xbf16>
      %broadcast_in_dim3A_39 = arith.constant 0.000000e+00 : bf16
      %broadcast_in_dim3A_40 = vector.broadcast %broadcast_in_dim3A_39 : bf16 to vector<32xbf16>
      %broadcast_in_dim3A_41 = arith.constant 0.000000e+00 : bf16
      %broadcast_in_dim3A_42 = vector.broadcast %broadcast_in_dim3A_41 : bf16 to vector<32xbf16>
      %broadcast_in_dim3A_43 = arith.constant 0.000000e+00 : bf16
      %broadcast_in_dim3A_44 = vector.broadcast %broadcast_in_dim3A_43 : bf16 to vector<32xbf16>
      %broadcast_in_dim3A_45 = arith.constant 0.000000e+00 : bf16
      %broadcast_in_dim3A_46 = vector.broadcast %broadcast_in_dim3A_45 : bf16 to vector<32xbf16>
      %broadcast_in_dim3A_47 = arith.constant 0.000000e+00 : bf16
      %broadcast_in_dim3A_48 = vector.broadcast %broadcast_in_dim3A_47 : bf16 to vector<32xbf16>
      %broadcast_in_dim3A_49 = arith.constant 0.000000e+00 : bf16
      %broadcast_in_dim3A_50 = vector.broadcast %broadcast_in_dim3A_49 : bf16 to vector<32xbf16>
      %broadcast_in_dim3A_51 = arith.constant 0.000000e+00 : bf16
      %broadcast_in_dim3A_52 = vector.broadcast %broadcast_in_dim3A_51 : bf16 to vector<32xbf16>
      %broadcast_in_dim3A_53 = arith.constant 0.000000e+00 : bf16
      %broadcast_in_dim3A_54 = vector.broadcast %broadcast_in_dim3A_53 : bf16 to vector<32xbf16>
      %broadcast_in_dim3A_55 = arith.constant 0.000000e+00 : bf16
      %broadcast_in_dim3A_56 = vector.broadcast %broadcast_in_dim3A_55 : bf16 to vector<32xbf16>
      %broadcast_in_dim3A_57 = arith.constant 0.000000e+00 : bf16
      %broadcast_in_dim3A_58 = vector.broadcast %broadcast_in_dim3A_57 : bf16 to vector<32xbf16>
      %broadcast_in_dim3A_59 = arith.constant 0.000000e+00 : bf16
      %broadcast_in_dim3A_60 = vector.broadcast %broadcast_in_dim3A_59 : bf16 to vector<32xbf16>
      %broadcast_in_dim3A_61 = arith.constant 0.000000e+00 : bf16
      %broadcast_in_dim3A_62 = vector.broadcast %broadcast_in_dim3A_61 : bf16 to vector<32xbf16>
      %broadcast_in_dim3A_63 = arith.constant 0.000000e+00 : bf16
      %broadcast_in_dim3A_64 = vector.broadcast %broadcast_in_dim3A_63 : bf16 to vector<32xbf16>
      %broadcast_in_dim3A_65 = arith.constant 0.000000e+00 : bf16
      %broadcast_in_dim3A_66 = vector.broadcast %broadcast_in_dim3A_65 : bf16 to vector<32xbf16>
      %broadcast_in_dim3A_67 = arith.constant 0.000000e+00 : bf16
      %broadcast_in_dim3A_68 = vector.broadcast %broadcast_in_dim3A_67 : bf16 to vector<32xbf16>
      %broadcast_in_dim3A_69 = arith.constant 0.000000e+00 : bf16
      %broadcast_in_dim3A_70 = vector.broadcast %broadcast_in_dim3A_69 : bf16 to vector<32xbf16>
      %broadcast_in_dim3A_71 = arith.constant 0.000000e+00 : bf16
      %broadcast_in_dim3A_72 = vector.broadcast %broadcast_in_dim3A_71 : bf16 to vector<32xbf16>
      %broadcast_in_dim3A_73 = arith.constant 0.000000e+00 : bf16
      %broadcast_in_dim3A_74 = vector.broadcast %broadcast_in_dim3A_73 : bf16 to vector<32xbf16>
      %broadcast_in_dim3A_75 = arith.constant 0.000000e+00 : bf16
      %broadcast_in_dim3A_76 = vector.broadcast %broadcast_in_dim3A_75 : bf16 to vector<32xbf16>
      %broadcast_in_dim3A_77 = arith.constant 0.000000e+00 : bf16
      %broadcast_in_dim3A_78 = vector.broadcast %broadcast_in_dim3A_77 : bf16 to vector<32xbf16>
      %broadcast_in_dim3A_79 = arith.constant 0.000000e+00 : bf16
      %broadcast_in_dim3A_80 = vector.broadcast %broadcast_in_dim3A_79 : bf16 to vector<32xbf16>
      %scan3A_81 = arith.constant 0 : i32
      %scan3A_82 = arith.constant 40 : i32
      %scan3A_83 = arith.addi %scan3A_81, %scan3A_82 : i32
      %scan3A_84 = arith.constant 1 : i32
      %scan3A_85:32 = scf.for %scan3A_1648 = %scan3A_81 to %scan3A_83 step %scan3A_84 iter_args(%scan3A_1649 = %broadcast_in_dim3A_18, %scan3A_1650 = %broadcast_in_dim3A_20, %scan3A_1651 = %broadcast_in_dim3A_22, %scan3A_1652 = %broadcast_in_dim3A_24, %scan3A_1653 = %broadcast_in_dim3A_26, %scan3A_1654 = %broadcast_in_dim3A_28, %scan3A_1655 = %broadcast_in_dim3A_30, %scan3A_1656 = %broadcast_in_dim3A_32, %scan3A_1657 = %broadcast_in_dim3A_34, %scan3A_1658 = %broadcast_in_dim3A_36, %scan3A_1659 = %broadcast_in_dim3A_38, %scan3A_1660 = %broadcast_in_dim3A_40, %scan3A_1661 = %broadcast_in_dim3A_42, %scan3A_1662 = %broadcast_in_dim3A_44, %scan3A_1663 = %broadcast_in_dim3A_46, %scan3A_1664 = %broadcast_in_dim3A_48, %scan3A_1665 = %broadcast_in_dim3A_50, %scan3A_1666 = %broadcast_in_dim3A_52, %scan3A_1667 = %broadcast_in_dim3A_54, %scan3A_1668 = %broadcast_in_dim3A_56, %scan3A_1669 = %broadcast_in_dim3A_58, %scan3A_1670 = %broadcast_in_dim3A_60, %scan3A_1671 = %broadcast_in_dim3A_62, %scan3A_1672 = %broadcast_in_dim3A_64, %scan3A_1673 = %broadcast_in_dim3A_66, %scan3A_1674 = %broadcast_in_dim3A_68, %scan3A_1675 = %broadcast_in_dim3A_70, %scan3A_1676 = %broadcast_in_dim3A_72, %scan3A_1677 = %broadcast_in_dim3A_74, %scan3A_1678 = %broadcast_in_dim3A_76, %scan3A_1679 = %broadcast_in_dim3A_78, %scan3A_1680 = %broadcast_in_dim3A_80) -> (vector<32xbf16>, vector<32xbf16>, vector<32xbf16>, vector<32xbf16>, vector<32xbf16>, vector<32xbf16>, vector<32xbf16>, vector<32xbf16>, vector<32xbf16>, vector<32xbf16>, vector<32xbf16>, vector<32xbf16>, vector<32xbf16>, vector<32xbf16>, vector<32xbf16>, vector<32xbf16>, vector<32xbf16>, vector<32xbf16>, vector<32xbf16>, vector<32xbf16>, vector<32xbf16>, vector<32xbf16>, vector<32xbf16>, vector<32xbf16>, vector<32xbf16>, vector<32xbf16>, vector<32xbf16>, vector<32xbf16>, vector<32xbf16>, vector<32xbf16>, vector<32xbf16>, vector<32xbf16>)  : i32 {
        %add3A_1681 = arith.constant 0 : i32
        %add3A_1682 = arith.addi %add3A_1681, %scan3A_1648 : i32
        %add3A_1683 = vector.broadcast %add3A_1682 : i32 to vector<16xi32>
        %add3A_1684 = arith.addi %mul3A_3, %add3A_1683 : vector<16xi32>
        %gather3A = tpu.vector_load_idx %arg5[%add3A_1684] : memref<3216xi32, #tpu.memory_space<vmem>>[vector<16xi32>], vector<16xi32>,
        %mul3A_1685 = arith.constant 33 : i32
        %mul3A_1686 = vector.broadcast %mul3A_1685 : i32 to vector<16xi32>
        %mul3A_1687 = arith.muli %gather3A, %mul3A_1686 : vector<16xi32>
        %add3A_1688 = arith.constant 0 : i32
        %add3A_1689 = vector.broadcast %add3A_1688 : i32 to vector<16xi32>
        %add3A_1690 = arith.addi %mul3A_1687, %add3A_1689 : vector<16xi32>
        %gather3A_1691 = tpu.vector_load_idx %arg6[%add3A_1690] : memref<3300xi32, #tpu.memory_space<vmem>>[vector<16xi32>], vector<16xi32>,
        %bitcast3A = vector.bitcast %gather3A_1691 : vector<16xi32> to vector<32xbf16>
        %add3A_1692 = arith.addf %scan3A_1649, %bitcast3A : vector<32xbf16>
        %add3A_1693 = arith.constant 1 : i32
        %add3A_1694 = vector.broadcast %add3A_1693 : i32 to vector<16xi32>
        %add3A_1695 = arith.addi %mul3A_1687, %add3A_1694 : vector<16xi32>
        %gather3A_1696 = tpu.vector_load_idx %arg6[%add3A_1695] : memref<3300xi32, #tpu.memory_space<vmem>>[vector<16xi32>], vector<16xi32>,
        %bitcast3A_1697 = vector.bitcast %gather3A_1696 : vector<16xi32> to vector<32xbf16>
        %add3A_1698 = arith.addf %scan3A_1650, %bitcast3A_1697 : vector<32xbf16>
        %add3A_1699 = arith.constant 2 : i32
        %add3A_1700 = vector.broadcast %add3A_1699 : i32 to vector<16xi32>
        %add3A_1701 = arith.addi %mul3A_1687, %add3A_1700 : vector<16xi32>
        %gather3A_1702 = tpu.vector_load_idx %arg6[%add3A_1701] : memref<3300xi32, #tpu.memory_space<vmem>>[vector<16xi32>], vector<16xi32>,
        %bitcast3A_1703 = vector.bitcast %gather3A_1702 : vector<16xi32> to vector<32xbf16>
        %add3A_1704 = arith.addf %scan3A_1651, %bitcast3A_1703 : vector<32xbf16>
        %add3A_1705 = arith.constant 3 : i32
        %add3A_1706 = vector.broadcast %add3A_1705 : i32 to vector<16xi32>
        %add3A_1707 = arith.addi %mul3A_1687, %add3A_1706 : vector<16xi32>
        %gather3A_1708 = tpu.vector_load_idx %arg6[%add3A_1707] : memref<3300xi32, #tpu.memory_space<vmem>>[vector<16xi32>], vector<16xi32>,
        %bitcast3A_1709 = vector.bitcast %gather3A_1708 : vector<16xi32> to vector<32xbf16>
        %add3A_1710 = arith.addf %scan3A_1652, %bitcast3A_1709 : vector<32xbf16>
        %add3A_1711 = arith.constant 4 : i32
        %add3A_1712 = vector.broadcast %add3A_1711 : i32 to vector<16xi32>
        %add3A_1713 = arith.addi %mul3A_1687, %add3A_1712 : vector<16xi32>
        %gather3A_1714 = tpu.vector_load_idx %arg6[%add3A_1713] : memref<3300xi32, #tpu.memory_space<vmem>>[vector<16xi32>], vector<16xi32>,
        %bitcast3A_1715 = vector.bitcast %gather3A_1714 : vector<16xi32> to vector<32xbf16>
        %add3A_1716 = arith.addf %scan3A_1653, %bitcast3A_1715 : vector<32xbf16>
        %add3A_1717 = arith.constant 5 : i32
        %add3A_1718 = vector.broadcast %add3A_1717 : i32 to vector<16xi32>
        %add3A_1719 = arith.addi %mul3A_1687, %add3A_1718 : vector<16xi32>
        %gather3A_1720 = tpu.vector_load_idx %arg6[%add3A_1719] : memref<3300xi32, #tpu.memory_space<vmem>>[vector<16xi32>], vector<16xi32>,
        %bitcast3A_1721 = vector.bitcast %gather3A_1720 : vector<16xi32> to vector<32xbf16>
        %add3A_1722 = arith.addf %scan3A_1654, %bitcast3A_1721 : vector<32xbf16>
        %add3A_1723 = arith.constant 6 : i32
        %add3A_1724 = vector.broadcast %add3A_1723 : i32 to vector<16xi32>
        %add3A_1725 = arith.addi %mul3A_1687, %add3A_1724 : vector<16xi32>
        %gather3A_1726 = tpu.vector_load_idx %arg6[%add3A_1725] : memref<3300xi32, #tpu.memory_space<vmem>>[vector<16xi32>], vector<16xi32>,
        %bitcast3A_1727 = vector.bitcast %gather3A_1726 : vector<16xi32> to vector<32xbf16>
        %add3A_1728 = arith.addf %scan3A_1655, %bitcast3A_1727 : vector<32xbf16>
        %add3A_1729 = arith.constant 7 : i32
        %add3A_1730 = vector.broadcast %add3A_1729 : i32 to vector<16xi32>
        %add3A_1731 = arith.addi %mul3A_1687, %add3A_1730 : vector<16xi32>
        %gather3A_1732 = tpu.vector_load_idx %arg6[%add3A_1731] : memref<3300xi32, #tpu.memory_space<vmem>>[vector<16xi32>], vector<16xi32>,
        %bitcast3A_1733 = vector.bitcast %gather3A_1732 : vector<16xi32> to vector<32xbf16>
        %add3A_1734 = arith.addf %scan3A_1656, %bitcast3A_1733 : vector<32xbf16>
        %add3A_1735 = arith.constant 8 : i32
        %add3A_1736 = vector.broadcast %add3A_1735 : i32 to vector<16xi32>
        %add3A_1737 = arith.addi %mul3A_1687, %add3A_1736 : vector<16xi32>
        %gather3A_1738 = tpu.vector_load_idx %arg6[%add3A_1737] : memref<3300xi32, #tpu.memory_space<vmem>>[vector<16xi32>], vector<16xi32>,
        %bitcast3A_1739 = vector.bitcast %gather3A_1738 : vector<16xi32> to vector<32xbf16>
        %add3A_1740 = arith.addf %scan3A_1657, %bitcast3A_1739 : vector<32xbf16>
        %add3A_1741 = arith.constant 9 : i32
        %add3A_1742 = vector.broadcast %add3A_1741 : i32 to vector<16xi32>
        %add3A_1743 = arith.addi %mul3A_1687, %add3A_1742 : vector<16xi32>
        %gather3A_1744 = tpu.vector_load_idx %arg6[%add3A_1743] : memref<3300xi32, #tpu.memory_space<vmem>>[vector<16xi32>], vector<16xi32>,
        %bitcast3A_1745 = vector.bitcast %gather3A_1744 : vector<16xi32> to vector<32xbf16>
        %add3A_1746 = arith.addf %scan3A_1658, %bitcast3A_1745 : vector<32xbf16>
        %add3A_1747 = arith.constant 10 : i32
        %add3A_1748 = vector.broadcast %add3A_1747 : i32 to vector<16xi32>
        %add3A_1749 = arith.addi %mul3A_1687, %add3A_1748 : vector<16xi32>
        %gather3A_1750 = tpu.vector_load_idx %arg6[%add3A_1749] : memref<3300xi32, #tpu.memory_space<vmem>>[vector<16xi32>], vector<16xi32>,
        %bitcast3A_1751 = vector.bitcast %gather3A_1750 : vector<16xi32> to vector<32xbf16>
        %add3A_1752 = arith.addf %scan3A_1659, %bitcast3A_1751 : vector<32xbf16>
        %add3A_1753 = arith.constant 11 : i32
        %add3A_1754 = vector.broadcast %add3A_1753 : i32 to vector<16xi32>
        %add3A_1755 = arith.addi %mul3A_1687, %add3A_1754 : vector<16xi32>
        %gather3A_1756 = tpu.vector_load_idx %arg6[%add3A_1755] : memref<3300xi32, #tpu.memory_space<vmem>>[vector<16xi32>], vector<16xi32>,
        %bitcast3A_1757 = vector.bitcast %gather3A_1756 : vector<16xi32> to vector<32xbf16>
        %add3A_1758 = arith.addf %scan3A_1660, %bitcast3A_1757 : vector<32xbf16>
        %add3A_1759 = arith.constant 12 : i32
        %add3A_1760 = vector.broadcast %add3A_1759 : i32 to vector<16xi32>
        %add3A_1761 = arith.addi %mul3A_1687, %add3A_1760 : vector<16xi32>
        %gather3A_1762 = tpu.vector_load_idx %arg6[%add3A_1761] : memref<3300xi32, #tpu.memory_space<vmem>>[vector<16xi32>], vector<16xi32>,
        %bitcast3A_1763 = vector.bitcast %gather3A_1762 : vector<16xi32> to vector<32xbf16>
        %add3A_1764 = arith.addf %scan3A_1661, %bitcast3A_1763 : vector<32xbf16>
        %add3A_1765 = arith.constant 13 : i32
        %add3A_1766 = vector.broadcast %add3A_1765 : i32 to vector<16xi32>
        %add3A_1767 = arith.addi %mul3A_1687, %add3A_1766 : vector<16xi32>
        %gather3A_1768 = tpu.vector_load_idx %arg6[%add3A_1767] : memref<3300xi32, #tpu.memory_space<vmem>>[vector<16xi32>], vector<16xi32>,
        %bitcast3A_1769 = vector.bitcast %gather3A_1768 : vector<16xi32> to vector<32xbf16>
        %add3A_1770 = arith.addf %scan3A_1662, %bitcast3A_1769 : vector<32xbf16>
        %add3A_1771 = arith.constant 14 : i32
        %add3A_1772 = vector.broadcast %add3A_1771 : i32 to vector<16xi32>
        %add3A_1773 = arith.addi %mul3A_1687, %add3A_1772 : vector<16xi32>
        %gather3A_1774 = tpu.vector_load_idx %arg6[%add3A_1773] : memref<3300xi32, #tpu.memory_space<vmem>>[vector<16xi32>], vector<16xi32>,
        %bitcast3A_1775 = vector.bitcast %gather3A_1774 : vector<16xi32> to vector<32xbf16>
        %add3A_1776 = arith.addf %scan3A_1663, %bitcast3A_1775 : vector<32xbf16>
        %add3A_1777 = arith.constant 15 : i32
        %add3A_1778 = vector.broadcast %add3A_1777 : i32 to vector<16xi32>
        %add3A_1779 = arith.addi %mul3A_1687, %add3A_1778 : vector<16xi32>
        %gather3A_1780 = tpu.vector_load_idx %arg6[%add3A_1779] : memref<3300xi32, #tpu.memory_space<vmem>>[vector<16xi32>], vector<16xi32>,
        %bitcast3A_1781 = vector.bitcast %gather3A_1780 : vector<16xi32> to vector<32xbf16>
        %add3A_1782 = arith.addf %scan3A_1664, %bitcast3A_1781 : vector<32xbf16>
        %add3A_1783 = arith.constant 16 : i32
        %add3A_1784 = vector.broadcast %add3A_1783 : i32 to vector<16xi32>
        %add3A_1785 = arith.addi %mul3A_1687, %add3A_1784 : vector<16xi32>
        %gather3A_1786 = tpu.vector_load_idx %arg6[%add3A_1785] : memref<3300xi32, #tpu.memory_space<vmem>>[vector<16xi32>], vector<16xi32>,
        %bitcast3A_1787 = vector.bitcast %gather3A_1786 : vector<16xi32> to vector<32xbf16>
        %add3A_1788 = arith.addf %scan3A_1665, %bitcast3A_1787 : vector<32xbf16>
        %add3A_1789 = arith.constant 17 : i32
        %add3A_1790 = vector.broadcast %add3A_1789 : i32 to vector<16xi32>
        %add3A_1791 = arith.addi %mul3A_1687, %add3A_1790 : vector<16xi32>
        %gather3A_1792 = tpu.vector_load_idx %arg6[%add3A_1791] : memref<3300xi32, #tpu.memory_space<vmem>>[vector<16xi32>], vector<16xi32>,
        %bitcast3A_1793 = vector.bitcast %gather3A_1792 : vector<16xi32> to vector<32xbf16>
        %add3A_1794 = arith.addf %scan3A_1666, %bitcast3A_1793 : vector<32xbf16>
        %add3A_1795 = arith.constant 18 : i32
        %add3A_1796 = vector.broadcast %add3A_1795 : i32 to vector<16xi32>
        %add3A_1797 = arith.addi %mul3A_1687, %add3A_1796 : vector<16xi32>
        %gather3A_1798 = tpu.vector_load_idx %arg6[%add3A_1797] : memref<3300xi32, #tpu.memory_space<vmem>>[vector<16xi32>], vector<16xi32>,
        %bitcast3A_1799 = vector.bitcast %gather3A_1798 : vector<16xi32> to vector<32xbf16>
        %add3A_1800 = arith.addf %scan3A_1667, %bitcast3A_1799 : vector<32xbf16>
        %add3A_1801 = arith.constant 19 : i32
        %add3A_1802 = vector.broadcast %add3A_1801 : i32 to vector<16xi32>
        %add3A_1803 = arith.addi %mul3A_1687, %add3A_1802 : vector<16xi32>
        %gather3A_1804 = tpu.vector_load_idx %arg6[%add3A_1803] : memref<3300xi32, #tpu.memory_space<vmem>>[vector<16xi32>], vector<16xi32>,
        %bitcast3A_1805 = vector.bitcast %gather3A_1804 : vector<16xi32> to vector<32xbf16>
        %add3A_1806 = arith.addf %scan3A_1668, %bitcast3A_1805 : vector<32xbf16>
        %add3A_1807 = arith.constant 20 : i32
        %add3A_1808 = vector.broadcast %add3A_1807 : i32 to vector<16xi32>
        %add3A_1809 = arith.addi %mul3A_1687, %add3A_1808 : vector<16xi32>
        %gather3A_1810 = tpu.vector_load_idx %arg6[%add3A_1809] : memref<3300xi32, #tpu.memory_space<vmem>>[vector<16xi32>], vector<16xi32>,
        %bitcast3A_1811 = vector.bitcast %gather3A_1810 : vector<16xi32> to vector<32xbf16>
        %add3A_1812 = arith.addf %scan3A_1669, %bitcast3A_1811 : vector<32xbf16>
        %add3A_1813 = arith.constant 21 : i32
        %add3A_1814 = vector.broadcast %add3A_1813 : i32 to vector<16xi32>
        %add3A_1815 = arith.addi %mul3A_1687, %add3A_1814 : vector<16xi32>
        %gather3A_1816 = tpu.vector_load_idx %arg6[%add3A_1815] : memref<3300xi32, #tpu.memory_space<vmem>>[vector<16xi32>], vector<16xi32>,
        %bitcast3A_1817 = vector.bitcast %gather3A_1816 : vector<16xi32> to vector<32xbf16>
        %add3A_1818 = arith.addf %scan3A_1670, %bitcast3A_1817 : vector<32xbf16>
        %add3A_1819 = arith.constant 22 : i32
        %add3A_1820 = vector.broadcast %add3A_1819 : i32 to vector<16xi32>
        %add3A_1821 = arith.addi %mul3A_1687, %add3A_1820 : vector<16xi32>
        %gather3A_1822 = tpu.vector_load_idx %arg6[%add3A_1821] : memref<3300xi32, #tpu.memory_space<vmem>>[vector<16xi32>], vector<16xi32>,
        %bitcast3A_1823 = vector.bitcast %gather3A_1822 : vector<16xi32> to vector<32xbf16>
        %add3A_1824 = arith.addf %scan3A_1671, %bitcast3A_1823 : vector<32xbf16>
        %add3A_1825 = arith.constant 23 : i32
        %add3A_1826 = vector.broadcast %add3A_1825 : i32 to vector<16xi32>
        %add3A_1827 = arith.addi %mul3A_1687, %add3A_1826 : vector<16xi32>
        %gather3A_1828 = tpu.vector_load_idx %arg6[%add3A_1827] : memref<3300xi32, #tpu.memory_space<vmem>>[vector<16xi32>], vector<16xi32>,
        %bitcast3A_1829 = vector.bitcast %gather3A_1828 : vector<16xi32> to vector<32xbf16>
        %add3A_1830 = arith.addf %scan3A_1672, %bitcast3A_1829 : vector<32xbf16>
        %add3A_1831 = arith.constant 24 : i32
        %add3A_1832 = vector.broadcast %add3A_1831 : i32 to vector<16xi32>
        %add3A_1833 = arith.addi %mul3A_1687, %add3A_1832 : vector<16xi32>
        %gather3A_1834 = tpu.vector_load_idx %arg6[%add3A_1833] : memref<3300xi32, #tpu.memory_space<vmem>>[vector<16xi32>], vector<16xi32>,
        %bitcast3A_1835 = vector.bitcast %gather3A_1834 : vector<16xi32> to vector<32xbf16>
        %add3A_1836 = arith.addf %scan3A_1673, %bitcast3A_1835 : vector<32xbf16>
        %add3A_1837 = arith.constant 25 : i32
        %add3A_1838 = vector.broadcast %add3A_1837 : i32 to vector<16xi32>
        %add3A_1839 = arith.addi %mul3A_1687, %add3A_1838 : vector<16xi32>
        %gather3A_1840 = tpu.vector_load_idx %arg6[%add3A_1839] : memref<3300xi32, #tpu.memory_space<vmem>>[vector<16xi32>], vector<16xi32>,
        %bitcast3A_1841 = vector.bitcast %gather3A_1840 : vector<16xi32> to vector<32xbf16>
        %add3A_1842 = arith.addf %scan3A_1674, %bitcast3A_1841 : vector<32xbf16>
        %add3A_1843 = arith.constant 26 : i32
        %add3A_1844 = vector.broadcast %add3A_1843 : i32 to vector<16xi32>
        %add3A_1845 = arith.addi %mul3A_1687, %add3A_1844 : vector<16xi32>
        %gather3A_1846 = tpu.vector_load_idx %arg6[%add3A_1845] : memref<3300xi32, #tpu.memory_space<vmem>>[vector<16xi32>], vector<16xi32>,
        %bitcast3A_1847 = vector.bitcast %gather3A_1846 : vector<16xi32> to vector<32xbf16>
        %add3A_1848 = arith.addf %scan3A_1675, %bitcast3A_1847 : vector<32xbf16>
        %add3A_1849 = arith.constant 27 : i32
        %add3A_1850 = vector.broadcast %add3A_1849 : i32 to vector<16xi32>
        %add3A_1851 = arith.addi %mul3A_1687, %add3A_1850 : vector<16xi32>
        %gather3A_1852 = tpu.vector_load_idx %arg6[%add3A_1851] : memref<3300xi32, #tpu.memory_space<vmem>>[vector<16xi32>], vector<16xi32>,
        %bitcast3A_1853 = vector.bitcast %gather3A_1852 : vector<16xi32> to vector<32xbf16>
        %add3A_1854 = arith.addf %scan3A_1676, %bitcast3A_1853 : vector<32xbf16>
        %add3A_1855 = arith.constant 28 : i32
        %add3A_1856 = vector.broadcast %add3A_1855 : i32 to vector<16xi32>
        %add3A_1857 = arith.addi %mul3A_1687, %add3A_1856 : vector<16xi32>
        %gather3A_1858 = tpu.vector_load_idx %arg6[%add3A_1857] : memref<3300xi32, #tpu.memory_space<vmem>>[vector<16xi32>], vector<16xi32>,
        %bitcast3A_1859 = vector.bitcast %gather3A_1858 : vector<16xi32> to vector<32xbf16>
        %add3A_1860 = arith.addf %scan3A_1677, %bitcast3A_1859 : vector<32xbf16>
        %add3A_1861 = arith.constant 29 : i32
        %add3A_1862 = vector.broadcast %add3A_1861 : i32 to vector<16xi32>
        %add3A_1863 = arith.addi %mul3A_1687, %add3A_1862 : vector<16xi32>
        %gather3A_1864 = tpu.vector_load_idx %arg6[%add3A_1863] : memref<3300xi32, #tpu.memory_space<vmem>>[vector<16xi32>], vector<16xi32>,
        %bitcast3A_1865 = vector.bitcast %gather3A_1864 : vector<16xi32> to vector<32xbf16>
        %add3A_1866 = arith.addf %scan3A_1678, %bitcast3A_1865 : vector<32xbf16>
        %add3A_1867 = arith.constant 30 : i32
        %add3A_1868 = vector.broadcast %add3A_1867 : i32 to vector<16xi32>
        %add3A_1869 = arith.addi %mul3A_1687, %add3A_1868 : vector<16xi32>
        %gather3A_1870 = tpu.vector_load_idx %arg6[%add3A_1869] : memref<3300xi32, #tpu.memory_space<vmem>>[vector<16xi32>], vector<16xi32>,
        %bitcast3A_1871 = vector.bitcast %gather3A_1870 : vector<16xi32> to vector<32xbf16>
        %add3A_1872 = arith.addf %scan3A_1679, %bitcast3A_1871 : vector<32xbf16>
        %add3A_1873 = arith.constant 31 : i32
        %add3A_1874 = vector.broadcast %add3A_1873 : i32 to vector<16xi32>
        %add3A_1875 = arith.addi %mul3A_1687, %add3A_1874 : vector<16xi32>
        %gather3A_1876 = tpu.vector_load_idx %arg6[%add3A_1875] : memref<3300xi32, #tpu.memory_space<vmem>>[vector<16xi32>], vector<16xi32>,
        %bitcast3A_1877 = vector.bitcast %gather3A_1876 : vector<16xi32> to vector<32xbf16>
        %add3A_1878 = arith.addf %scan3A_1680, %bitcast3A_1877 : vector<32xbf16>
        scf.yield %add3A_1692, %add3A_1698, %add3A_1704, %add3A_1710, %add3A_1716, %add3A_1722, %add3A_1728, %add3A_1734, %add3A_1740, %add3A_1746, %add3A_1752, %add3A_1758, %add3A_1764, %add3A_1770, %add3A_1776, %add3A_1782, %add3A_1788, %add3A_1794, %add3A_1800, %add3A_1806, %add3A_1812, %add3A_1818, %add3A_1824, %add3A_1830, %add3A_1836, %add3A_1842, %add3A_1848, %add3A_1854, %add3A_1860, %add3A_1866, %add3A_1872, %add3A_1878 : vector<32xbf16>, vector<32xbf16>, vector<32xbf16>, vector<32xbf16>, vector<32xbf16>, vector<32xbf16>, vector<32xbf16>, vector<32xbf16>, vector<32xbf16>, vector<32xbf16>, vector<32xbf16>, vector<32xbf16>, vector<32xbf16>, vector<32xbf16>, vector<32xbf16>, vector<32xbf16>, vector<32xbf16>, vector<32xbf16>, vector<32xbf16>, vector<32xbf16>, vector<32xbf16>, vector<32xbf16>, vector<32xbf16>, vector<32xbf16>, vector<32xbf16>, vector<32xbf16>, vector<32xbf16>, vector<32xbf16>, vector<32xbf16>, vector<32xbf16>, vector<32xbf16>, vector<32xbf16>
      }
      %scan3A_86 = arith.constant 40 : i32
      %unpack3A = tpu.unpack_subelements %scan3A_85#0, 0 {pack_format = #tpu.pack_format<interleaved>} : vector<32xbf16> -> vector<16xf32>
      %unpack3A_87 = tpu.unpack_subelements %scan3A_85#0, 1 {pack_format = #tpu.pack_format<interleaved>} : vector<32xbf16> -> vector<16xf32>
      %add3A_88 = arith.constant 0 : i32
      %add3A_89 = vector.broadcast %add3A_88 : i32 to vector<16xi32>
      %add3A_90 = arith.addi %mul3A_6, %add3A_89 : vector<16xi32>
      tpu.vector_store_idx %arg7[%add3A_90], %unpack3A : memref<5136xf32, #tpu.memory_space<vmem>>[vector<16xi32>], vector<16xf32>,
      %add3A_91 = arith.constant 1 : i32
      %add3A_92 = vector.broadcast %add3A_91 : i32 to vector<16xi32>
      %add3A_93 = arith.addi %mul3A_6, %add3A_92 : vector<16xi32>
      tpu.vector_store_idx %arg7[%add3A_93], %unpack3A_87 : memref<5136xf32, #tpu.memory_space<vmem>>[vector<16xi32>], vector<16xf32>,
      %unpack3A_94 = tpu.unpack_subelements %scan3A_85#1, 0 {pack_format = #tpu.pack_format<interleaved>} : vector<32xbf16> -> vector<16xf32>
      %unpack3A_95 = tpu.unpack_subelements %scan3A_85#1, 1 {pack_format = #tpu.pack_format<interleaved>} : vector<32xbf16> -> vector<16xf32>
      %add3A_96 = arith.constant 2 : i32
      %add3A_97 = vector.broadcast %add3A_96 : i32 to vector<16xi32>
      %add3A_98 = arith.addi %mul3A_6, %add3A_97 : vector<16xi32>
      tpu.vector_store_idx %arg7[%add3A_98], %unpack3A_94 : memref<5136xf32, #tpu.memory_space<vmem>>[vector<16xi32>], vector<16xf32>,
      %add3A_99 = arith.constant 3 : i32
      %add3A_100 = vector.broadcast %add3A_99 : i32 to vector<16xi32>
      %add3A_101 = arith.addi %mul3A_6, %add3A_100 : vector<16xi32>
      tpu.vector_store_idx %arg7[%add3A_101], %unpack3A_95 : memref<5136xf32, #tpu.memory_space<vmem>>[vector<16xi32>], vector<16xf32>,
      %unpack3A_102 = tpu.unpack_subelements %scan3A_85#2, 0 {pack_format = #tpu.pack_format<interleaved>} : vector<32xbf16> -> vector<16xf32>
      %unpack3A_103 = tpu.unpack_subelements %scan3A_85#2, 1 {pack_format = #tpu.pack_format<interleaved>} : vector<32xbf16> -> vector<16xf32>
      %add3A_104 = arith.constant 4 : i32
      %add3A_105 = vector.broadcast %add3A_104 : i32 to vector<16xi32>
      %add3A_106 = arith.addi %mul3A_6, %add3A_105 : vector<16xi32>
      tpu.vector_store_idx %arg7[%add3A_106], %unpack3A_102 : memref<5136xf32, #tpu.memory_space<vmem>>[vector<16xi32>], vector<16xf32>,
      %add3A_107 = arith.constant 5 : i32
      %add3A_108 = vector.broadcast %add3A_107 : i32 to vector<16xi32>
      %add3A_109 = arith.addi %mul3A_6, %add3A_108 : vector<16xi32>
      tpu.vector_store_idx %arg7[%add3A_109], %unpack3A_103 : memref<5136xf32, #tpu.memory_space<vmem>>[vector<16xi32>], vector<16xf32>,
      %unpack3A_110 = tpu.unpack_subelements %scan3A_85#3, 0 {pack_format = #tpu.pack_format<interleaved>} : vector<32xbf16> -> vector<16xf32>
      %unpack3A_111 = tpu.unpack_subelements %scan3A_85#3, 1 {pack_format = #tpu.pack_format<interleaved>} : vector<32xbf16> -> vector<16xf32>
      %add3A_112 = arith.constant 6 : i32
      %add3A_113 = vector.broadcast %add3A_112 : i32 to vector<16xi32>
      %add3A_114 = arith.addi %mul3A_6, %add3A_113 : vector<16xi32>
      tpu.vector_store_idx %arg7[%add3A_114], %unpack3A_110 : memref<5136xf32, #tpu.memory_space<vmem>>[vector<16xi32>], vector<16xf32>,
      %add3A_115 = arith.constant 7 : i32
      %add3A_116 = vector.broadcast %add3A_115 : i32 to vector<16xi32>
      %add3A_117 = arith.addi %mul3A_6, %add3A_116 : vector<16xi32>
      tpu.vector_store_idx %arg7[%add3A_117], %unpack3A_111 : memref<5136xf32, #tpu.memory_space<vmem>>[vector<16xi32>], vector<16xf32>,
      %unpack3A_118 = tpu.unpack_subelements %scan3A_85#4, 0 {pack_format = #tpu.pack_format<interleaved>} : vector<32xbf16> -> vector<16xf32>
      %unpack3A_119 = tpu.unpack_subelements %scan3A_85#4, 1 {pack_format = #tpu.pack_format<interleaved>} : vector<32xbf16> -> vector<16xf32>
      %add3A_120 = arith.constant 8 : i32
      %add3A_121 = vector.broadcast %add3A_120 : i32 to vector<16xi32>
      %add3A_122 = arith.addi %mul3A_6, %add3A_121 : vector<16xi32>
      tpu.vector_store_idx %arg7[%add3A_122], %unpack3A_118 : memref<5136xf32, #tpu.memory_space<vmem>>[vector<16xi32>], vector<16xf32>,
      %add3A_123 = arith.constant 9 : i32
      %add3A_124 = vector.broadcast %add3A_123 : i32 to vector<16xi32>
      %add3A_125 = arith.addi %mul3A_6, %add3A_124 : vector<16xi32>
      tpu.vector_store_idx %arg7[%add3A_125], %unpack3A_119 : memref<5136xf32, #tpu.memory_space<vmem>>[vector<16xi32>], vector<16xf32>,
      %unpack3A_126 = tpu.unpack_subelements %scan3A_85#5, 0 {pack_format = #tpu.pack_format<interleaved>} : vector<32xbf16> -> vector<16xf32>
      %unpack3A_127 = tpu.unpack_subelements %scan3A_85#5, 1 {pack_format = #tpu.pack_format<interleaved>} : vector<32xbf16> -> vector<16xf32>
      %add3A_128 = arith.constant 10 : i32
      %add3A_129 = vector.broadcast %add3A_128 : i32 to vector<16xi32>
      %add3A_130 = arith.addi %mul3A_6, %add3A_129 : vector<16xi32>
      tpu.vector_store_idx %arg7[%add3A_130], %unpack3A_126 : memref<5136xf32, #tpu.memory_space<vmem>>[vector<16xi32>], vector<16xf32>,
      %add3A_131 = arith.constant 11 : i32
      %add3A_132 = vector.broadcast %add3A_131 : i32 to vector<16xi32>
      %add3A_133 = arith.addi %mul3A_6, %add3A_132 : vector<16xi32>
      tpu.vector_store_idx %arg7[%add3A_133], %unpack3A_127 : memref<5136xf32, #tpu.memory_space<vmem>>[vector<16xi32>], vector<16xf32>,
      %unpack3A_134 = tpu.unpack_subelements %scan3A_85#6, 0 {pack_format = #tpu.pack_format<interleaved>} : vector<32xbf16> -> vector<16xf32>
      %unpack3A_135 = tpu.unpack_subelements %scan3A_85#6, 1 {pack_format = #tpu.pack_format<interleaved>} : vector<32xbf16> -> vector<16xf32>
      %add3A_136 = arith.constant 12 : i32
      %add3A_137 = vector.broadcast %add3A_136 : i32 to vector<16xi32>
      %add3A_138 = arith.addi %mul3A_6, %add3A_137 : vector<16xi32>
      tpu.vector_store_idx %arg7[%add3A_138], %unpack3A_134 : memref<5136xf32, #tpu.memory_space<vmem>>[vector<16xi32>], vector<16xf32>,
      %add3A_139 = arith.constant 13 : i32
      %add3A_140 = vector.broadcast %add3A_139 : i32 to vector<16xi32>
      %add3A_141 = arith.addi %mul3A_6, %add3A_140 : vector<16xi32>
      tpu.vector_store_idx %arg7[%add3A_141], %unpack3A_135 : memref<5136xf32, #tpu.memory_space<vmem>>[vector<16xi32>], vector<16xf32>,
      %unpack3A_142 = tpu.unpack_subelements %scan3A_85#7, 0 {pack_format = #tpu.pack_format<interleaved>} : vector<32xbf16> -> vector<16xf32>
      %unpack3A_143 = tpu.unpack_subelements %scan3A_85#7, 1 {pack_format = #tpu.pack_format<interleaved>} : vector<32xbf16> -> vector<16xf32>
      %add3A_144 = arith.constant 14 : i32
      %add3A_145 = vector.broadcast %add3A_144 : i32 to vector<16xi32>
      %add3A_146 = arith.addi %mul3A_6, %add3A_145 : vector<16xi32>
      tpu.vector_store_idx %arg7[%add3A_146], %unpack3A_142 : memref<5136xf32, #tpu.memory_space<vmem>>[vector<16xi32>], vector<16xf32>,
      %add3A_147 = arith.constant 15 : i32
      %add3A_148 = vector.broadcast %add3A_147 : i32 to vector<16xi32>
      %add3A_149 = arith.addi %mul3A_6, %add3A_148 : vector<16xi32>
      tpu.vector_store_idx %arg7[%add3A_149], %unpack3A_143 : memref<5136xf32, #tpu.memory_space<vmem>>[vector<16xi32>], vector<16xf32>,
      %unpack3A_150 = tpu.unpack_subelements %scan3A_85#8, 0 {pack_format = #tpu.pack_format<interleaved>} : vector<32xbf16> -> vector<16xf32>
      %unpack3A_151 = tpu.unpack_subelements %scan3A_85#8, 1 {pack_format = #tpu.pack_format<interleaved>} : vector<32xbf16> -> vector<16xf32>
      %add3A_152 = arith.constant 16 : i32
      %add3A_153 = vector.broadcast %add3A_152 : i32 to vector<16xi32>
      %add3A_154 = arith.addi %mul3A_6, %add3A_153 : vector<16xi32>
      tpu.vector_store_idx %arg7[%add3A_154], %unpack3A_150 : memref<5136xf32, #tpu.memory_space<vmem>>[vector<16xi32>], vector<16xf32>,
      %add3A_155 = arith.constant 17 : i32
      %add3A_156 = vector.broadcast %add3A_155 : i32 to vector<16xi32>
      %add3A_157 = arith.addi %mul3A_6, %add3A_156 : vector<16xi32>
      tpu.vector_store_idx %arg7[%add3A_157], %unpack3A_151 : memref<5136xf32, #tpu.memory_space<vmem>>[vector<16xi32>], vector<16xf32>,
      %unpack3A_158 = tpu.unpack_subelements %scan3A_85#9, 0 {pack_format = #tpu.pack_format<interleaved>} : vector<32xbf16> -> vector<16xf32>
      %unpack3A_159 = tpu.unpack_subelements %scan3A_85#9, 1 {pack_format = #tpu.pack_format<interleaved>} : vector<32xbf16> -> vector<16xf32>
      %add3A_160 = arith.constant 18 : i32
      %add3A_161 = vector.broadcast %add3A_160 : i32 to vector<16xi32>
      %add3A_162 = arith.addi %mul3A_6, %add3A_161 : vector<16xi32>
      tpu.vector_store_idx %arg7[%add3A_162], %unpack3A_158 : memref<5136xf32, #tpu.memory_space<vmem>>[vector<16xi32>], vector<16xf32>,
      %add3A_163 = arith.constant 19 : i32
      %add3A_164 = vector.broadcast %add3A_163 : i32 to vector<16xi32>
      %add3A_165 = arith.addi %mul3A_6, %add3A_164 : vector<16xi32>
      tpu.vector_store_idx %arg7[%add3A_165], %unpack3A_159 : memref<5136xf32, #tpu.memory_space<vmem>>[vector<16xi32>], vector<16xf32>,
      %unpack3A_166 = tpu.unpack_subelements %scan3A_85#10, 0 {pack_format = #tpu.pack_format<interleaved>} : vector<32xbf16> -> vector<16xf32>
      %unpack3A_167 = tpu.unpack_subelements %scan3A_85#10, 1 {pack_format = #tpu.pack_format<interleaved>} : vector<32xbf16> -> vector<16xf32>
      %add3A_168 = arith.constant 20 : i32
      %add3A_169 = vector.broadcast %add3A_168 : i32 to vector<16xi32>
      %add3A_170 = arith.addi %mul3A_6, %add3A_169 : vector<16xi32>
      tpu.vector_store_idx %arg7[%add3A_170], %unpack3A_166 : memref<5136xf32, #tpu.memory_space<vmem>>[vector<16xi32>], vector<16xf32>,
      %add3A_171 = arith.constant 21 : i32
      %add3A_172 = vector.broadcast %add3A_171 : i32 to vector<16xi32>
      %add3A_173 = arith.addi %mul3A_6, %add3A_172 : vector<16xi32>
      tpu.vector_store_idx %arg7[%add3A_173], %unpack3A_167 : memref<5136xf32, #tpu.memory_space<vmem>>[vector<16xi32>], vector<16xf32>,
      %unpack3A_174 = tpu.unpack_subelements %scan3A_85#11, 0 {pack_format = #tpu.pack_format<interleaved>} : vector<32xbf16> -> vector<16xf32>
      %unpack3A_175 = tpu.unpack_subelements %scan3A_85#11, 1 {pack_format = #tpu.pack_format<interleaved>} : vector<32xbf16> -> vector<16xf32>
      %add3A_176 = arith.constant 22 : i32
      %add3A_177 = vector.broadcast %add3A_176 : i32 to vector<16xi32>
      %add3A_178 = arith.addi %mul3A_6, %add3A_177 : vector<16xi32>
      tpu.vector_store_idx %arg7[%add3A_178], %unpack3A_174 : memref<5136xf32, #tpu.memory_space<vmem>>[vector<16xi32>], vector<16xf32>,
      %add3A_179 = arith.constant 23 : i32
      %add3A_180 = vector.broadcast %add3A_179 : i32 to vector<16xi32>
      %add3A_181 = arith.addi %mul3A_6, %add3A_180 : vector<16xi32>
      tpu.vector_store_idx %arg7[%add3A_181], %unpack3A_175 : memref<5136xf32, #tpu.memory_space<vmem>>[vector<16xi32>], vector<16xf32>,
      %unpack3A_182 = tpu.unpack_subelements %scan3A_85#12, 0 {pack_format = #tpu.pack_format<interleaved>} : vector<32xbf16> -> vector<16xf32>
      %unpack3A_183 = tpu.unpack_subelements %scan3A_85#12, 1 {pack_format = #tpu.pack_format<interleaved>} : vector<32xbf16> -> vector<16xf32>
      %add3A_184 = arith.constant 24 : i32
      %add3A_185 = vector.broadcast %add3A_184 : i32 to vector<16xi32>
      %add3A_186 = arith.addi %mul3A_6, %add3A_185 : vector<16xi32>
      tpu.vector_store_idx %arg7[%add3A_186], %unpack3A_182 : memref<5136xf32, #tpu.memory_space<vmem>>[vector<16xi32>], vector<16xf32>,
      %add3A_187 = arith.constant 25 : i32
      %add3A_188 = vector.broadcast %add3A_187 : i32 to vector<16xi32>
      %add3A_189 = arith.addi %mul3A_6, %add3A_188 : vector<16xi32>
      tpu.vector_store_idx %arg7[%add3A_189], %unpack3A_183 : memref<5136xf32, #tpu.memory_space<vmem>>[vector<16xi32>], vector<16xf32>,
      %unpack3A_190 = tpu.unpack_subelements %scan3A_85#13, 0 {pack_format = #tpu.pack_format<interleaved>} : vector<32xbf16> -> vector<16xf32>
      %unpack3A_191 = tpu.unpack_subelements %scan3A_85#13, 1 {pack_format = #tpu.pack_format<interleaved>} : vector<32xbf16> -> vector<16xf32>
      %add3A_192 = arith.constant 26 : i32
      %add3A_193 = vector.broadcast %add3A_192 : i32 to vector<16xi32>
      %add3A_194 = arith.addi %mul3A_6, %add3A_193 : vector<16xi32>
      tpu.vector_store_idx %arg7[%add3A_194], %unpack3A_190 : memref<5136xf32, #tpu.memory_space<vmem>>[vector<16xi32>], vector<16xf32>,
      %add3A_195 = arith.constant 27 : i32
      %add3A_196 = vector.broadcast %add3A_195 : i32 to vector<16xi32>
      %add3A_197 = arith.addi %mul3A_6, %add3A_196 : vector<16xi32>
      tpu.vector_store_idx %arg7[%add3A_197], %unpack3A_191 : memref<5136xf32, #tpu.memory_space<vmem>>[vector<16xi32>], vector<16xf32>,
      %unpack3A_198 = tpu.unpack_subelements %scan3A_85#14, 0 {pack_format = #tpu.pack_format<interleaved>} : vector<32xbf16> -> vector<16xf32>
      %unpack3A_199 = tpu.unpack_subelements %scan3A_85#14, 1 {pack_format = #tpu.pack_format<interleaved>} : vector<32xbf16> -> vector<16xf32>
      %add3A_200 = arith.constant 28 : i32
      %add3A_201 = vector.broadcast %add3A_200 : i32 to vector<16xi32>
      %add3A_202 = arith.addi %mul3A_6, %add3A_201 : vector<16xi32>
      tpu.vector_store_idx %arg7[%add3A_202], %unpack3A_198 : memref<5136xf32, #tpu.memory_space<vmem>>[vector<16xi32>], vector<16xf32>,
      %add3A_203 = arith.constant 29 : i32
      %add3A_204 = vector.broadcast %add3A_203 : i32 to vector<16xi32>
      %add3A_205 = arith.addi %mul3A_6, %add3A_204 : vector<16xi32>
      tpu.vector_store_idx %arg7[%add3A_205], %unpack3A_199 : memref<5136xf32, #tpu.memory_space<vmem>>[vector<16xi32>], vector<16xf32>,
      %unpack3A_206 = tpu.unpack_subelements %scan3A_85#15, 0 {pack_format = #tpu.pack_format<interleaved>} : vector<32xbf16> -> vector<16xf32>
      %unpack3A_207 = tpu.unpack_subelements %scan3A_85#15, 1 {pack_format = #tpu.pack_format<interleaved>} : vector<32xbf16> -> vector<16xf32>
      %add3A_208 = arith.constant 30 : i32
      %add3A_209 = vector.broadcast %add3A_208 : i32 to vector<16xi32>
      %add3A_210 = arith.addi %mul3A_6, %add3A_209 : vector<16xi32>
      tpu.vector_store_idx %arg7[%add3A_210], %unpack3A_206 : memref<5136xf32, #tpu.memory_space<vmem>>[vector<16xi32>], vector<16xf32>,
      %add3A_211 = arith.constant 31 : i32
      %add3A_212 = vector.broadcast %add3A_211 : i32 to vector<16xi32>
      %add3A_213 = arith.addi %mul3A_6, %add3A_212 : vector<16xi32>
      tpu.vector_store_idx %arg7[%add3A_213], %unpack3A_207 : memref<5136xf32, #tpu.memory_space<vmem>>[vector<16xi32>], vector<16xf32>,
      %unpack3A_214 = tpu.unpack_subelements %scan3A_85#16, 0 {pack_format = #tpu.pack_format<interleaved>} : vector<32xbf16> -> vector<16xf32>
      %unpack3A_215 = tpu.unpack_subelements %scan3A_85#16, 1 {pack_format = #tpu.pack_format<interleaved>} : vector<32xbf16> -> vector<16xf32>
      %add3A_216 = arith.constant 32 : i32
      %add3A_217 = vector.broadcast %add3A_216 : i32 to vector<16xi32>
      %add3A_218 = arith.addi %mul3A_6, %add3A_217 : vector<16xi32>
      tpu.vector_store_idx %arg7[%add3A_218], %unpack3A_214 : memref<5136xf32, #tpu.memory_space<vmem>>[vector<16xi32>], vector<16xf32>,
      %add3A_219 = arith.constant 33 : i32
      %add3A_220 = vector.broadcast %add3A_219 : i32 to vector<16xi32>
      %add3A_221 = arith.addi %mul3A_6, %add3A_220 : vector<16xi32>
      tpu.vector_store_idx %arg7[%add3A_221], %unpack3A_215 : memref<5136xf32, #tpu.memory_space<vmem>>[vector<16xi32>], vector<16xf32>,
      %unpack3A_222 = tpu.unpack_subelements %scan3A_85#17, 0 {pack_format = #tpu.pack_format<interleaved>} : vector<32xbf16> -> vector<16xf32>
      %unpack3A_223 = tpu.unpack_subelements %scan3A_85#17, 1 {pack_format = #tpu.pack_format<interleaved>} : vector<32xbf16> -> vector<16xf32>
      %add3A_224 = arith.constant 34 : i32
      %add3A_225 = vector.broadcast %add3A_224 : i32 to vector<16xi32>
      %add3A_226 = arith.addi %mul3A_6, %add3A_225 : vector<16xi32>
      tpu.vector_store_idx %arg7[%add3A_226], %unpack3A_222 : memref<5136xf32, #tpu.memory_space<vmem>>[vector<16xi32>], vector<16xf32>,
      %add3A_227 = arith.constant 35 : i32
      %add3A_228 = vector.broadcast %add3A_227 : i32 to vector<16xi32>
      %add3A_229 = arith.addi %mul3A_6, %add3A_228 : vector<16xi32>
      tpu.vector_store_idx %arg7[%add3A_229], %unpack3A_223 : memref<5136xf32, #tpu.memory_space<vmem>>[vector<16xi32>], vector<16xf32>,
      %unpack3A_230 = tpu.unpack_subelements %scan3A_85#18, 0 {pack_format = #tpu.pack_format<interleaved>} : vector<32xbf16> -> vector<16xf32>
      %unpack3A_231 = tpu.unpack_subelements %scan3A_85#18, 1 {pack_format = #tpu.pack_format<interleaved>} : vector<32xbf16> -> vector<16xf32>
      %add3A_232 = arith.constant 36 : i32
      %add3A_233 = vector.broadcast %add3A_232 : i32 to vector<16xi32>
      %add3A_234 = arith.addi %mul3A_6, %add3A_233 : vector<16xi32>
      tpu.vector_store_idx %arg7[%add3A_234], %unpack3A_230 : memref<5136xf32, #tpu.memory_space<vmem>>[vector<16xi32>], vector<16xf32>,
      %add3A_235 = arith.constant 37 : i32
      %add3A_236 = vector.broadcast %add3A_235 : i32 to vector<16xi32>
      %add3A_237 = arith.addi %mul3A_6, %add3A_236 : vector<16xi32>
      tpu.vector_store_idx %arg7[%add3A_237], %unpack3A_231 : memref<5136xf32, #tpu.memory_space<vmem>>[vector<16xi32>], vector<16xf32>,
      %unpack3A_238 = tpu.unpack_subelements %scan3A_85#19, 0 {pack_format = #tpu.pack_format<interleaved>} : vector<32xbf16> -> vector<16xf32>
      %unpack3A_239 = tpu.unpack_subelements %scan3A_85#19, 1 {pack_format = #tpu.pack_format<interleaved>} : vector<32xbf16> -> vector<16xf32>
      %add3A_240 = arith.constant 38 : i32
      %add3A_241 = vector.broadcast %add3A_240 : i32 to vector<16xi32>
      %add3A_242 = arith.addi %mul3A_6, %add3A_241 : vector<16xi32>
      tpu.vector_store_idx %arg7[%add3A_242], %unpack3A_238 : memref<5136xf32, #tpu.memory_space<vmem>>[vector<16xi32>], vector<16xf32>,
      %add3A_243 = arith.constant 39 : i32
      %add3A_244 = vector.broadcast %add3A_243 : i32 to vector<16xi32>
      %add3A_245 = arith.addi %mul3A_6, %add3A_244 : vector<16xi32>
      tpu.vector_store_idx %arg7[%add3A_245], %unpack3A_239 : memref<5136xf32, #tpu.memory_space<vmem>>[vector<16xi32>], vector<16xf32>,
      %unpack3A_246 = tpu.unpack_subelements %scan3A_85#20, 0 {pack_format = #tpu.pack_format<interleaved>} : vector<32xbf16> -> vector<16xf32>
      %unpack3A_247 = tpu.unpack_subelements %scan3A_85#20, 1 {pack_format = #tpu.pack_format<interleaved>} : vector<32xbf16> -> vector<16xf32>
      %add3A_248 = arith.constant 40 : i32
      %add3A_249 = vector.broadcast %add3A_248 : i32 to vector<16xi32>
      %add3A_250 = arith.addi %mul3A_6, %add3A_249 : vector<16xi32>
      tpu.vector_store_idx %arg7[%add3A_250], %unpack3A_246 : memref<5136xf32, #tpu.memory_space<vmem>>[vector<16xi32>], vector<16xf32>,
      %add3A_251 = arith.constant 41 : i32
      %add3A_252 = vector.broadcast %add3A_251 : i32 to vector<16xi32>
      %add3A_253 = arith.addi %mul3A_6, %add3A_252 : vector<16xi32>
      tpu.vector_store_idx %arg7[%add3A_253], %unpack3A_247 : memref<5136xf32, #tpu.memory_space<vmem>>[vector<16xi32>], vector<16xf32>,
      %unpack3A_254 = tpu.unpack_subelements %scan3A_85#21, 0 {pack_format = #tpu.pack_format<interleaved>} : vector<32xbf16> -> vector<16xf32>
      %unpack3A_255 = tpu.unpack_subelements %scan3A_85#21, 1 {pack_format = #tpu.pack_format<interleaved>} : vector<32xbf16> -> vector<16xf32>
      %add3A_256 = arith.constant 42 : i32
      %add3A_257 = vector.broadcast %add3A_256 : i32 to vector<16xi32>
      %add3A_258 = arith.addi %mul3A_6, %add3A_257 : vector<16xi32>
      tpu.vector_store_idx %arg7[%add3A_258], %unpack3A_254 : memref<5136xf32, #tpu.memory_space<vmem>>[vector<16xi32>], vector<16xf32>,
      %add3A_259 = arith.constant 43 : i32
      %add3A_260 = vector.broadcast %add3A_259 : i32 to vector<16xi32>
      %add3A_261 = arith.addi %mul3A_6, %add3A_260 : vector<16xi32>
      tpu.vector_store_idx %arg7[%add3A_261], %unpack3A_255 : memref<5136xf32, #tpu.memory_space<vmem>>[vector<16xi32>], vector<16xf32>,
      %unpack3A_262 = tpu.unpack_subelements %scan3A_85#22, 0 {pack_format = #tpu.pack_format<interleaved>} : vector<32xbf16> -> vector<16xf32>
      %unpack3A_263 = tpu.unpack_subelements %scan3A_85#22, 1 {pack_format = #tpu.pack_format<interleaved>} : vector<32xbf16> -> vector<16xf32>
      %add3A_264 = arith.constant 44 : i32
      %add3A_265 = vector.broadcast %add3A_264 : i32 to vector<16xi32>
      %add3A_266 = arith.addi %mul3A_6, %add3A_265 : vector<16xi32>
      tpu.vector_store_idx %arg7[%add3A_266], %unpack3A_262 : memref<5136xf32, #tpu.memory_space<vmem>>[vector<16xi32>], vector<16xf32>,
      %add3A_267 = arith.constant 45 : i32
      %add3A_268 = vector.broadcast %add3A_267 : i32 to vector<16xi32>
      %add3A_269 = arith.addi %mul3A_6, %add3A_268 : vector<16xi32>
      tpu.vector_store_idx %arg7[%add3A_269], %unpack3A_263 : memref<5136xf32, #tpu.memory_space<vmem>>[vector<16xi32>], vector<16xf32>,
      %unpack3A_270 = tpu.unpack_subelements %scan3A_85#23, 0 {pack_format = #tpu.pack_format<interleaved>} : vector<32xbf16> -> vector<16xf32>
      %unpack3A_271 = tpu.unpack_subelements %scan3A_85#23, 1 {pack_format = #tpu.pack_format<interleaved>} : vector<32xbf16> -> vector<16xf32>
      %add3A_272 = arith.constant 46 : i32
      %add3A_273 = vector.broadcast %add3A_272 : i32 to vector<16xi32>
      %add3A_274 = arith.addi %mul3A_6, %add3A_273 : vector<16xi32>
      tpu.vector_store_idx %arg7[%add3A_274], %unpack3A_270 : memref<5136xf32, #tpu.memory_space<vmem>>[vector<16xi32>], vector<16xf32>,
      %add3A_275 = arith.constant 47 : i32
      %add3A_276 = vector.broadcast %add3A_275 : i32 to vector<16xi32>
      %add3A_277 = arith.addi %mul3A_6, %add3A_276 : vector<16xi32>
      tpu.vector_store_idx %arg7[%add3A_277], %unpack3A_271 : memref<5136xf32, #tpu.memory_space<vmem>>[vector<16xi32>], vector<16xf32>,
      %unpack3A_278 = tpu.unpack_subelements %scan3A_85#24, 0 {pack_format = #tpu.pack_format<interleaved>} : vector<32xbf16> -> vector<16xf32>
      %unpack3A_279 = tpu.unpack_subelements %scan3A_85#24, 1 {pack_format = #tpu.pack_format<interleaved>} : vector<32xbf16> -> vector<16xf32>
      %add3A_280 = arith.constant 48 : i32
      %add3A_281 = vector.broadcast %add3A_280 : i32 to vector<16xi32>
      %add3A_282 = arith.addi %mul3A_6, %add3A_281 : vector<16xi32>
      tpu.vector_store_idx %arg7[%add3A_282], %unpack3A_278 : memref<5136xf32, #tpu.memory_space<vmem>>[vector<16xi32>], vector<16xf32>,
      %add3A_283 = arith.constant 49 : i32
      %add3A_284 = vector.broadcast %add3A_283 : i32 to vector<16xi32>
      %add3A_285 = arith.addi %mul3A_6, %add3A_284 : vector<16xi32>
      tpu.vector_store_idx %arg7[%add3A_285], %unpack3A_279 : memref<5136xf32, #tpu.memory_space<vmem>>[vector<16xi32>], vector<16xf32>,
      %unpack3A_286 = tpu.unpack_subelements %scan3A_85#25, 0 {pack_format = #tpu.pack_format<interleaved>} : vector<32xbf16> -> vector<16xf32>
      %unpack3A_287 = tpu.unpack_subelements %scan3A_85#25, 1 {pack_format = #tpu.pack_format<interleaved>} : vector<32xbf16> -> vector<16xf32>
      %add3A_288 = arith.constant 50 : i32
      %add3A_289 = vector.broadcast %add3A_288 : i32 to vector<16xi32>
      %add3A_290 = arith.addi %mul3A_6, %add3A_289 : vector<16xi32>
      tpu.vector_store_idx %arg7[%add3A_290], %unpack3A_286 : memref<5136xf32, #tpu.memory_space<vmem>>[vector<16xi32>], vector<16xf32>,
      %add3A_291 = arith.constant 51 : i32
      %add3A_292 = vector.broadcast %add3A_291 : i32 to vector<16xi32>
      %add3A_293 = arith.addi %mul3A_6, %add3A_292 : vector<16xi32>
      tpu.vector_store_idx %arg7[%add3A_293], %unpack3A_287 : memref<5136xf32, #tpu.memory_space<vmem>>[vector<16xi32>], vector<16xf32>,
      %unpack3A_294 = tpu.unpack_subelements %scan3A_85#26, 0 {pack_format = #tpu.pack_format<interleaved>} : vector<32xbf16> -> vector<16xf32>
      %unpack3A_295 = tpu.unpack_subelements %scan3A_85#26, 1 {pack_format = #tpu.pack_format<interleaved>} : vector<32xbf16> -> vector<16xf32>
      %add3A_296 = arith.constant 52 : i32
      %add3A_297 = vector.broadcast %add3A_296 : i32 to vector<16xi32>
      %add3A_298 = arith.addi %mul3A_6, %add3A_297 : vector<16xi32>
      tpu.vector_store_idx %arg7[%add3A_298], %unpack3A_294 : memref<5136xf32, #tpu.memory_space<vmem>>[vector<16xi32>], vector<16xf32>,
      %add3A_299 = arith.constant 53 : i32
      %add3A_300 = vector.broadcast %add3A_299 : i32 to vector<16xi32>
      %add3A_301 = arith.addi %mul3A_6, %add3A_300 : vector<16xi32>
      tpu.vector_store_idx %arg7[%add3A_301], %unpack3A_295 : memref<5136xf32, #tpu.memory_space<vmem>>[vector<16xi32>], vector<16xf32>,
      %unpack3A_302 = tpu.unpack_subelements %scan3A_85#27, 0 {pack_format = #tpu.pack_format<interleaved>} : vector<32xbf16> -> vector<16xf32>
      %unpack3A_303 = tpu.unpack_subelements %scan3A_85#27, 1 {pack_format = #tpu.pack_format<interleaved>} : vector<32xbf16> -> vector<16xf32>
      %add3A_304 = arith.constant 54 : i32
      %add3A_305 = vector.broadcast %add3A_304 : i32 to vector<16xi32>
      %add3A_306 = arith.addi %mul3A_6, %add3A_305 : vector<16xi32>
      tpu.vector_store_idx %arg7[%add3A_306], %unpack3A_302 : memref<5136xf32, #tpu.memory_space<vmem>>[vector<16xi32>], vector<16xf32>,
      %add3A_307 = arith.constant 55 : i32
      %add3A_308 = vector.broadcast %add3A_307 : i32 to vector<16xi32>
      %add3A_309 = arith.addi %mul3A_6, %add3A_308 : vector<16xi32>
      tpu.vector_store_idx %arg7[%add3A_309], %unpack3A_303 : memref<5136xf32, #tpu.memory_space<vmem>>[vector<16xi32>], vector<16xf32>,
      %unpack3A_310 = tpu.unpack_subelements %scan3A_85#28, 0 {pack_format = #tpu.pack_format<interleaved>} : vector<32xbf16> -> vector<16xf32>
      %unpack3A_311 = tpu.unpack_subelements %scan3A_85#28, 1 {pack_format = #tpu.pack_format<interleaved>} : vector<32xbf16> -> vector<16xf32>
      %add3A_312 = arith.constant 56 : i32
      %add3A_313 = vector.broadcast %add3A_312 : i32 to vector<16xi32>
      %add3A_314 = arith.addi %mul3A_6, %add3A_313 : vector<16xi32>
      tpu.vector_store_idx %arg7[%add3A_314], %unpack3A_310 : memref<5136xf32, #tpu.memory_space<vmem>>[vector<16xi32>], vector<16xf32>,
      %add3A_315 = arith.constant 57 : i32
      %add3A_316 = vector.broadcast %add3A_315 : i32 to vector<16xi32>
      %add3A_317 = arith.addi %mul3A_6, %add3A_316 : vector<16xi32>
      tpu.vector_store_idx %arg7[%add3A_317], %unpack3A_311 : memref<5136xf32, #tpu.memory_space<vmem>>[vector<16xi32>], vector<16xf32>,
      %unpack3A_318 = tpu.unpack_subelements %scan3A_85#29, 0 {pack_format = #tpu.pack_format<interleaved>} : vector<32xbf16> -> vector<16xf32>
      %unpack3A_319 = tpu.unpack_subelements %scan3A_85#29, 1 {pack_format = #tpu.pack_format<interleaved>} : vector<32xbf16> -> vector<16xf32>
      %add3A_320 = arith.constant 58 : i32
      %add3A_321 = vector.broadcast %add3A_320 : i32 to vector<16xi32>
      %add3A_322 = arith.addi %mul3A_6, %add3A_321 : vector<16xi32>
      tpu.vector_store_idx %arg7[%add3A_322], %unpack3A_318 : memref<5136xf32, #tpu.memory_space<vmem>>[vector<16xi32>], vector<16xf32>,
      %add3A_323 = arith.constant 59 : i32
      %add3A_324 = vector.broadcast %add3A_323 : i32 to vector<16xi32>
      %add3A_325 = arith.addi %mul3A_6, %add3A_324 : vector<16xi32>
      tpu.vector_store_idx %arg7[%add3A_325], %unpack3A_319 : memref<5136xf32, #tpu.memory_space<vmem>>[vector<16xi32>], vector<16xf32>,
      %unpack3A_326 = tpu.unpack_subelements %scan3A_85#30, 0 {pack_format = #tpu.pack_format<interleaved>} : vector<32xbf16> -> vector<16xf32>
      %unpack3A_327 = tpu.unpack_subelements %scan3A_85#30, 1 {pack_format = #tpu.pack_format<interleaved>} : vector<32xbf16> -> vector<16xf32>
      %add3A_328 = arith.constant 60 : i32
      %add3A_329 = vector.broadcast %add3A_328 : i32 to vector<16xi32>
      %add3A_330 = arith.addi %mul3A_6, %add3A_329 : vector<16xi32>
      tpu.vector_store_idx %arg7[%add3A_330], %unpack3A_326 : memref<5136xf32, #tpu.memory_space<vmem>>[vector<16xi32>], vector<16xf32>,
      %add3A_331 = arith.constant 61 : i32
      %add3A_332 = vector.broadcast %add3A_331 : i32 to vector<16xi32>
      %add3A_333 = arith.addi %mul3A_6, %add3A_332 : vector<16xi32>
      tpu.vector_store_idx %arg7[%add3A_333], %unpack3A_327 : memref<5136xf32, #tpu.memory_space<vmem>>[vector<16xi32>], vector<16xf32>,
      %unpack3A_334 = tpu.unpack_subelements %scan3A_85#31, 0 {pack_format = #tpu.pack_format<interleaved>} : vector<32xbf16> -> vector<16xf32>
      %unpack3A_335 = tpu.unpack_subelements %scan3A_85#31, 1 {pack_format = #tpu.pack_format<interleaved>} : vector<32xbf16> -> vector<16xf32>
      %add3A_336 = arith.constant 62 : i32
      %add3A_337 = vector.broadcast %add3A_336 : i32 to vector<16xi32>
      %add3A_338 = arith.addi %mul3A_6, %add3A_337 : vector<16xi32>
      tpu.vector_store_idx %arg7[%add3A_338], %unpack3A_334 : memref<5136xf32, #tpu.memory_space<vmem>>[vector<16xi32>], vector<16xf32>,
      %add3A_339 = arith.constant 63 : i32
      %add3A_340 = vector.broadcast %add3A_339 : i32 to vector<16xi32>
      %add3A_341 = arith.addi %mul3A_6, %add3A_340 : vector<16xi32>
      tpu.vector_store_idx %arg7[%add3A_341], %unpack3A_335 : memref<5136xf32, #tpu.memory_space<vmem>>[vector<16xi32>], vector<16xf32>,
      %broadcast_in_dim3A_342 = arith.constant 0.000000e+00 : bf16
      %broadcast_in_dim3A_343 = vector.broadcast %broadcast_in_dim3A_342 : bf16 to vector<32xbf16>
      %broadcast_in_dim3A_344 = arith.constant 0.000000e+00 : bf16
      %broadcast_in_dim3A_345 = vector.broadcast %broadcast_in_dim3A_344 : bf16 to vector<32xbf16>
      %broadcast_in_dim3A_346 = arith.constant 0.000000e+00 : bf16
      %broadcast_in_dim3A_347 = vector.broadcast %broadcast_in_dim3A_346 : bf16 to vector<32xbf16>
      %broadcast_in_dim3A_348 = arith.constant 0.000000e+00 : bf16
      %broadcast_in_dim3A_349 = vector.broadcast %broadcast_in_dim3A_348 : bf16 to vector<32xbf16>
      %broadcast_in_dim3A_350 = arith.constant 0.000000e+00 : bf16
      %broadcast_in_dim3A_351 = vector.broadcast %broadcast_in_dim3A_350 : bf16 to vector<32xbf16>
      %broadcast_in_dim3A_352 = arith.constant 0.000000e+00 : bf16
      %broadcast_in_dim3A_353 = vector.broadcast %broadcast_in_dim3A_352 : bf16 to vector<32xbf16>
      %broadcast_in_dim3A_354 = arith.constant 0.000000e+00 : bf16
      %broadcast_in_dim3A_355 = vector.broadcast %broadcast_in_dim3A_354 : bf16 to vector<32xbf16>
      %broadcast_in_dim3A_356 = arith.constant 0.000000e+00 : bf16
      %broadcast_in_dim3A_357 = vector.broadcast %broadcast_in_dim3A_356 : bf16 to vector<32xbf16>
      %broadcast_in_dim3A_358 = arith.constant 0.000000e+00 : bf16
      %broadcast_in_dim3A_359 = vector.broadcast %broadcast_in_dim3A_358 : bf16 to vector<32xbf16>
      %broadcast_in_dim3A_360 = arith.constant 0.000000e+00 : bf16
      %broadcast_in_dim3A_361 = vector.broadcast %broadcast_in_dim3A_360 : bf16 to vector<32xbf16>
      %broadcast_in_dim3A_362 = arith.constant 0.000000e+00 : bf16
      %broadcast_in_dim3A_363 = vector.broadcast %broadcast_in_dim3A_362 : bf16 to vector<32xbf16>
      %broadcast_in_dim3A_364 = arith.constant 0.000000e+00 : bf16
      %broadcast_in_dim3A_365 = vector.broadcast %broadcast_in_dim3A_364 : bf16 to vector<32xbf16>
      %broadcast_in_dim3A_366 = arith.constant 0.000000e+00 : bf16
      %broadcast_in_dim3A_367 = vector.broadcast %broadcast_in_dim3A_366 : bf16 to vector<32xbf16>
      %broadcast_in_dim3A_368 = arith.constant 0.000000e+00 : bf16
      %broadcast_in_dim3A_369 = vector.broadcast %broadcast_in_dim3A_368 : bf16 to vector<32xbf16>
      %broadcast_in_dim3A_370 = arith.constant 0.000000e+00 : bf16
      %broadcast_in_dim3A_371 = vector.broadcast %broadcast_in_dim3A_370 : bf16 to vector<32xbf16>
      %broadcast_in_dim3A_372 = arith.constant 0.000000e+00 : bf16
      %broadcast_in_dim3A_373 = vector.broadcast %broadcast_in_dim3A_372 : bf16 to vector<32xbf16>
      %broadcast_in_dim3A_374 = arith.constant 0.000000e+00 : bf16
      %broadcast_in_dim3A_375 = vector.broadcast %broadcast_in_dim3A_374 : bf16 to vector<32xbf16>
      %broadcast_in_dim3A_376 = arith.constant 0.000000e+00 : bf16
      %broadcast_in_dim3A_377 = vector.broadcast %broadcast_in_dim3A_376 : bf16 to vector<32xbf16>
      %broadcast_in_dim3A_378 = arith.constant 0.000000e+00 : bf16
      %broadcast_in_dim3A_379 = vector.broadcast %broadcast_in_dim3A_378 : bf16 to vector<32xbf16>
      %broadcast_in_dim3A_380 = arith.constant 0.000000e+00 : bf16
      %broadcast_in_dim3A_381 = vector.broadcast %broadcast_in_dim3A_380 : bf16 to vector<32xbf16>
      %broadcast_in_dim3A_382 = arith.constant 0.000000e+00 : bf16
      %broadcast_in_dim3A_383 = vector.broadcast %broadcast_in_dim3A_382 : bf16 to vector<32xbf16>
      %broadcast_in_dim3A_384 = arith.constant 0.000000e+00 : bf16
      %broadcast_in_dim3A_385 = vector.broadcast %broadcast_in_dim3A_384 : bf16 to vector<32xbf16>
      %broadcast_in_dim3A_386 = arith.constant 0.000000e+00 : bf16
      %broadcast_in_dim3A_387 = vector.broadcast %broadcast_in_dim3A_386 : bf16 to vector<32xbf16>
      %broadcast_in_dim3A_388 = arith.constant 0.000000e+00 : bf16
      %broadcast_in_dim3A_389 = vector.broadcast %broadcast_in_dim3A_388 : bf16 to vector<32xbf16>
      %broadcast_in_dim3A_390 = arith.constant 0.000000e+00 : bf16
      %broadcast_in_dim3A_391 = vector.broadcast %broadcast_in_dim3A_390 : bf16 to vector<32xbf16>
      %broadcast_in_dim3A_392 = arith.constant 0.000000e+00 : bf16
      %broadcast_in_dim3A_393 = vector.broadcast %broadcast_in_dim3A_392 : bf16 to vector<32xbf16>
      %broadcast_in_dim3A_394 = arith.constant 0.000000e+00 : bf16
      %broadcast_in_dim3A_395 = vector.broadcast %broadcast_in_dim3A_394 : bf16 to vector<32xbf16>
      %broadcast_in_dim3A_396 = arith.constant 0.000000e+00 : bf16
      %broadcast_in_dim3A_397 = vector.broadcast %broadcast_in_dim3A_396 : bf16 to vector<32xbf16>
      %broadcast_in_dim3A_398 = arith.constant 0.000000e+00 : bf16
      %broadcast_in_dim3A_399 = vector.broadcast %broadcast_in_dim3A_398 : bf16 to vector<32xbf16>
      %broadcast_in_dim3A_400 = arith.constant 0.000000e+00 : bf16
      %broadcast_in_dim3A_401 = vector.broadcast %broadcast_in_dim3A_400 : bf16 to vector<32xbf16>
      %broadcast_in_dim3A_402 = arith.constant 0.000000e+00 : bf16
      %broadcast_in_dim3A_403 = vector.broadcast %broadcast_in_dim3A_402 : bf16 to vector<32xbf16>
      %broadcast_in_dim3A_404 = arith.constant 0.000000e+00 : bf16
      %broadcast_in_dim3A_405 = vector.broadcast %broadcast_in_dim3A_404 : bf16 to vector<32xbf16>
      %scan3A_406 = arith.constant 0 : i32
      %scan3A_407 = arith.constant 40 : i32
      %scan3A_408 = arith.addi %scan3A_406, %scan3A_407 : i32
      %scan3A_409 = arith.constant 1 : i32
      %scan3A_410:32 = scf.for %scan3A_1648 = %scan3A_406 to %scan3A_408 step %scan3A_409 iter_args(%scan3A_1649 = %broadcast_in_dim3A_343, %scan3A_1650 = %broadcast_in_dim3A_345, %scan3A_1651 = %broadcast_in_dim3A_347, %scan3A_1652 = %broadcast_in_dim3A_349, %scan3A_1653 = %broadcast_in_dim3A_351, %scan3A_1654 = %broadcast_in_dim3A_353, %scan3A_1655 = %broadcast_in_dim3A_355, %scan3A_1656 = %broadcast_in_dim3A_357, %scan3A_1657 = %broadcast_in_dim3A_359, %scan3A_1658 = %broadcast_in_dim3A_361, %scan3A_1659 = %broadcast_in_dim3A_363, %scan3A_1660 = %broadcast_in_dim3A_365, %scan3A_1661 = %broadcast_in_dim3A_367, %scan3A_1662 = %broadcast_in_dim3A_369, %scan3A_1663 = %broadcast_in_dim3A_371, %scan3A_1664 = %broadcast_in_dim3A_373, %scan3A_1665 = %broadcast_in_dim3A_375, %scan3A_1666 = %broadcast_in_dim3A_377, %scan3A_1667 = %broadcast_in_dim3A_379, %scan3A_1668 = %broadcast_in_dim3A_381, %scan3A_1669 = %broadcast_in_dim3A_383, %scan3A_1670 = %broadcast_in_dim3A_385, %scan3A_1671 = %broadcast_in_dim3A_387, %scan3A_1672 = %broadcast_in_dim3A_389, %scan3A_1673 = %broadcast_in_dim3A_391, %scan3A_1674 = %broadcast_in_dim3A_393, %scan3A_1675 = %broadcast_in_dim3A_395, %scan3A_1676 = %broadcast_in_dim3A_397, %scan3A_1677 = %broadcast_in_dim3A_399, %scan3A_1678 = %broadcast_in_dim3A_401, %scan3A_1679 = %broadcast_in_dim3A_403, %scan3A_1680 = %broadcast_in_dim3A_405) -> (vector<32xbf16>, vector<32xbf16>, vector<32xbf16>, vector<32xbf16>, vector<32xbf16>, vector<32xbf16>, vector<32xbf16>, vector<32xbf16>, vector<32xbf16>, vector<32xbf16>, vector<32xbf16>, vector<32xbf16>, vector<32xbf16>, vector<32xbf16>, vector<32xbf16>, vector<32xbf16>, vector<32xbf16>, vector<32xbf16>, vector<32xbf16>, vector<32xbf16>, vector<32xbf16>, vector<32xbf16>, vector<32xbf16>, vector<32xbf16>, vector<32xbf16>, vector<32xbf16>, vector<32xbf16>, vector<32xbf16>, vector<32xbf16>, vector<32xbf16>, vector<32xbf16>, vector<32xbf16>)  : i32 {
        %add3A_1681 = arith.constant 40 : i32
        %add3A_1682 = arith.addi %add3A_1681, %scan3A_1648 : i32
        %add3A_1683 = vector.broadcast %add3A_1682 : i32 to vector<16xi32>
        %add3A_1684 = arith.addi %mul3A_3, %add3A_1683 : vector<16xi32>
        %gather3A = tpu.vector_load_idx %arg5[%add3A_1684] : memref<3216xi32, #tpu.memory_space<vmem>>[vector<16xi32>], vector<16xi32>,
        %mul3A_1685 = arith.constant 33 : i32
        %mul3A_1686 = vector.broadcast %mul3A_1685 : i32 to vector<16xi32>
        %mul3A_1687 = arith.muli %gather3A, %mul3A_1686 : vector<16xi32>
        %add3A_1688 = arith.constant 0 : i32
        %add3A_1689 = vector.broadcast %add3A_1688 : i32 to vector<16xi32>
        %add3A_1690 = arith.addi %mul3A_1687, %add3A_1689 : vector<16xi32>
        %gather3A_1691 = tpu.vector_load_idx %arg6[%add3A_1690] : memref<3300xi32, #tpu.memory_space<vmem>>[vector<16xi32>], vector<16xi32>,
        %bitcast3A = vector.bitcast %gather3A_1691 : vector<16xi32> to vector<32xbf16>
        %add3A_1692 = arith.addf %scan3A_1649, %bitcast3A : vector<32xbf16>
        %add3A_1693 = arith.constant 1 : i32
        %add3A_1694 = vector.broadcast %add3A_1693 : i32 to vector<16xi32>
        %add3A_1695 = arith.addi %mul3A_1687, %add3A_1694 : vector<16xi32>
        %gather3A_1696 = tpu.vector_load_idx %arg6[%add3A_1695] : memref<3300xi32, #tpu.memory_space<vmem>>[vector<16xi32>], vector<16xi32>,
        %bitcast3A_1697 = vector.bitcast %gather3A_1696 : vector<16xi32> to vector<32xbf16>
        %add3A_1698 = arith.addf %scan3A_1650, %bitcast3A_1697 : vector<32xbf16>
        %add3A_1699 = arith.constant 2 : i32
        %add3A_1700 = vector.broadcast %add3A_1699 : i32 to vector<16xi32>
        %add3A_1701 = arith.addi %mul3A_1687, %add3A_1700 : vector<16xi32>
        %gather3A_1702 = tpu.vector_load_idx %arg6[%add3A_1701] : memref<3300xi32, #tpu.memory_space<vmem>>[vector<16xi32>], vector<16xi32>,
        %bitcast3A_1703 = vector.bitcast %gather3A_1702 : vector<16xi32> to vector<32xbf16>
        %add3A_1704 = arith.addf %scan3A_1651, %bitcast3A_1703 : vector<32xbf16>
        %add3A_1705 = arith.constant 3 : i32
        %add3A_1706 = vector.broadcast %add3A_1705 : i32 to vector<16xi32>
        %add3A_1707 = arith.addi %mul3A_1687, %add3A_1706 : vector<16xi32>
        %gather3A_1708 = tpu.vector_load_idx %arg6[%add3A_1707] : memref<3300xi32, #tpu.memory_space<vmem>>[vector<16xi32>], vector<16xi32>,
        %bitcast3A_1709 = vector.bitcast %gather3A_1708 : vector<16xi32> to vector<32xbf16>
        %add3A_1710 = arith.addf %scan3A_1652, %bitcast3A_1709 : vector<32xbf16>
        %add3A_1711 = arith.constant 4 : i32
        %add3A_1712 = vector.broadcast %add3A_1711 : i32 to vector<16xi32>
        %add3A_1713 = arith.addi %mul3A_1687, %add3A_1712 : vector<16xi32>
        %gather3A_1714 = tpu.vector_load_idx %arg6[%add3A_1713] : memref<3300xi32, #tpu.memory_space<vmem>>[vector<16xi32>], vector<16xi32>,
        %bitcast3A_1715 = vector.bitcast %gather3A_1714 : vector<16xi32> to vector<32xbf16>
        %add3A_1716 = arith.addf %scan3A_1653, %bitcast3A_1715 : vector<32xbf16>
        %add3A_1717 = arith.constant 5 : i32
        %add3A_1718 = vector.broadcast %add3A_1717 : i32 to vector<16xi32>
        %add3A_1719 = arith.addi %mul3A_1687, %add3A_1718 : vector<16xi32>
        %gather3A_1720 = tpu.vector_load_idx %arg6[%add3A_1719] : memref<3300xi32, #tpu.memory_space<vmem>>[vector<16xi32>], vector<16xi32>,
        %bitcast3A_1721 = vector.bitcast %gather3A_1720 : vector<16xi32> to vector<32xbf16>
        %add3A_1722 = arith.addf %scan3A_1654, %bitcast3A_1721 : vector<32xbf16>
        %add3A_1723 = arith.constant 6 : i32
        %add3A_1724 = vector.broadcast %add3A_1723 : i32 to vector<16xi32>
        %add3A_1725 = arith.addi %mul3A_1687, %add3A_1724 : vector<16xi32>
        %gather3A_1726 = tpu.vector_load_idx %arg6[%add3A_1725] : memref<3300xi32, #tpu.memory_space<vmem>>[vector<16xi32>], vector<16xi32>,
        %bitcast3A_1727 = vector.bitcast %gather3A_1726 : vector<16xi32> to vector<32xbf16>
        %add3A_1728 = arith.addf %scan3A_1655, %bitcast3A_1727 : vector<32xbf16>
        %add3A_1729 = arith.constant 7 : i32
        %add3A_1730 = vector.broadcast %add3A_1729 : i32 to vector<16xi32>
        %add3A_1731 = arith.addi %mul3A_1687, %add3A_1730 : vector<16xi32>
        %gather3A_1732 = tpu.vector_load_idx %arg6[%add3A_1731] : memref<3300xi32, #tpu.memory_space<vmem>>[vector<16xi32>], vector<16xi32>,
        %bitcast3A_1733 = vector.bitcast %gather3A_1732 : vector<16xi32> to vector<32xbf16>
        %add3A_1734 = arith.addf %scan3A_1656, %bitcast3A_1733 : vector<32xbf16>
        %add3A_1735 = arith.constant 8 : i32
        %add3A_1736 = vector.broadcast %add3A_1735 : i32 to vector<16xi32>
        %add3A_1737 = arith.addi %mul3A_1687, %add3A_1736 : vector<16xi32>
        %gather3A_1738 = tpu.vector_load_idx %arg6[%add3A_1737] : memref<3300xi32, #tpu.memory_space<vmem>>[vector<16xi32>], vector<16xi32>,
        %bitcast3A_1739 = vector.bitcast %gather3A_1738 : vector<16xi32> to vector<32xbf16>
        %add3A_1740 = arith.addf %scan3A_1657, %bitcast3A_1739 : vector<32xbf16>
        %add3A_1741 = arith.constant 9 : i32
        %add3A_1742 = vector.broadcast %add3A_1741 : i32 to vector<16xi32>
        %add3A_1743 = arith.addi %mul3A_1687, %add3A_1742 : vector<16xi32>
        %gather3A_1744 = tpu.vector_load_idx %arg6[%add3A_1743] : memref<3300xi32, #tpu.memory_space<vmem>>[vector<16xi32>], vector<16xi32>,
        %bitcast3A_1745 = vector.bitcast %gather3A_1744 : vector<16xi32> to vector<32xbf16>
        %add3A_1746 = arith.addf %scan3A_1658, %bitcast3A_1745 : vector<32xbf16>
        %add3A_1747 = arith.constant 10 : i32
        %add3A_1748 = vector.broadcast %add3A_1747 : i32 to vector<16xi32>
        %add3A_1749 = arith.addi %mul3A_1687, %add3A_1748 : vector<16xi32>
        %gather3A_1750 = tpu.vector_load_idx %arg6[%add3A_1749] : memref<3300xi32, #tpu.memory_space<vmem>>[vector<16xi32>], vector<16xi32>,
        %bitcast3A_1751 = vector.bitcast %gather3A_1750 : vector<16xi32> to vector<32xbf16>
        %add3A_1752 = arith.addf %scan3A_1659, %bitcast3A_1751 : vector<32xbf16>
        %add3A_1753 = arith.constant 11 : i32
        %add3A_1754 = vector.broadcast %add3A_1753 : i32 to vector<16xi32>
        %add3A_1755 = arith.addi %mul3A_1687, %add3A_1754 : vector<16xi32>
        %gather3A_1756 = tpu.vector_load_idx %arg6[%add3A_1755] : memref<3300xi32, #tpu.memory_space<vmem>>[vector<16xi32>], vector<16xi32>,
        %bitcast3A_1757 = vector.bitcast %gather3A_1756 : vector<16xi32> to vector<32xbf16>
        %add3A_1758 = arith.addf %scan3A_1660, %bitcast3A_1757 : vector<32xbf16>
        %add3A_1759 = arith.constant 12 : i32
        %add3A_1760 = vector.broadcast %add3A_1759 : i32 to vector<16xi32>
        %add3A_1761 = arith.addi %mul3A_1687, %add3A_1760 : vector<16xi32>
        %gather3A_1762 = tpu.vector_load_idx %arg6[%add3A_1761] : memref<3300xi32, #tpu.memory_space<vmem>>[vector<16xi32>], vector<16xi32>,
        %bitcast3A_1763 = vector.bitcast %gather3A_1762 : vector<16xi32> to vector<32xbf16>
        %add3A_1764 = arith.addf %scan3A_1661, %bitcast3A_1763 : vector<32xbf16>
        %add3A_1765 = arith.constant 13 : i32
        %add3A_1766 = vector.broadcast %add3A_1765 : i32 to vector<16xi32>
        %add3A_1767 = arith.addi %mul3A_1687, %add3A_1766 : vector<16xi32>
        %gather3A_1768 = tpu.vector_load_idx %arg6[%add3A_1767] : memref<3300xi32, #tpu.memory_space<vmem>>[vector<16xi32>], vector<16xi32>,
        %bitcast3A_1769 = vector.bitcast %gather3A_1768 : vector<16xi32> to vector<32xbf16>
        %add3A_1770 = arith.addf %scan3A_1662, %bitcast3A_1769 : vector<32xbf16>
        %add3A_1771 = arith.constant 14 : i32
        %add3A_1772 = vector.broadcast %add3A_1771 : i32 to vector<16xi32>
        %add3A_1773 = arith.addi %mul3A_1687, %add3A_1772 : vector<16xi32>
        %gather3A_1774 = tpu.vector_load_idx %arg6[%add3A_1773] : memref<3300xi32, #tpu.memory_space<vmem>>[vector<16xi32>], vector<16xi32>,
        %bitcast3A_1775 = vector.bitcast %gather3A_1774 : vector<16xi32> to vector<32xbf16>
        %add3A_1776 = arith.addf %scan3A_1663, %bitcast3A_1775 : vector<32xbf16>
        %add3A_1777 = arith.constant 15 : i32
        %add3A_1778 = vector.broadcast %add3A_1777 : i32 to vector<16xi32>
        %add3A_1779 = arith.addi %mul3A_1687, %add3A_1778 : vector<16xi32>
        %gather3A_1780 = tpu.vector_load_idx %arg6[%add3A_1779] : memref<3300xi32, #tpu.memory_space<vmem>>[vector<16xi32>], vector<16xi32>,
        %bitcast3A_1781 = vector.bitcast %gather3A_1780 : vector<16xi32> to vector<32xbf16>
        %add3A_1782 = arith.addf %scan3A_1664, %bitcast3A_1781 : vector<32xbf16>
        %add3A_1783 = arith.constant 16 : i32
        %add3A_1784 = vector.broadcast %add3A_1783 : i32 to vector<16xi32>
        %add3A_1785 = arith.addi %mul3A_1687, %add3A_1784 : vector<16xi32>
        %gather3A_1786 = tpu.vector_load_idx %arg6[%add3A_1785] : memref<3300xi32, #tpu.memory_space<vmem>>[vector<16xi32>], vector<16xi32>,
        %bitcast3A_1787 = vector.bitcast %gather3A_1786 : vector<16xi32> to vector<32xbf16>
        %add3A_1788 = arith.addf %scan3A_1665, %bitcast3A_1787 : vector<32xbf16>
        %add3A_1789 = arith.constant 17 : i32
        %add3A_1790 = vector.broadcast %add3A_1789 : i32 to vector<16xi32>
        %add3A_1791 = arith.addi %mul3A_1687, %add3A_1790 : vector<16xi32>
        %gather3A_1792 = tpu.vector_load_idx %arg6[%add3A_1791] : memref<3300xi32, #tpu.memory_space<vmem>>[vector<16xi32>], vector<16xi32>,
        %bitcast3A_1793 = vector.bitcast %gather3A_1792 : vector<16xi32> to vector<32xbf16>
        %add3A_1794 = arith.addf %scan3A_1666, %bitcast3A_1793 : vector<32xbf16>
        %add3A_1795 = arith.constant 18 : i32
        %add3A_1796 = vector.broadcast %add3A_1795 : i32 to vector<16xi32>
        %add3A_1797 = arith.addi %mul3A_1687, %add3A_1796 : vector<16xi32>
        %gather3A_1798 = tpu.vector_load_idx %arg6[%add3A_1797] : memref<3300xi32, #tpu.memory_space<vmem>>[vector<16xi32>], vector<16xi32>,
        %bitcast3A_1799 = vector.bitcast %gather3A_1798 : vector<16xi32> to vector<32xbf16>
        %add3A_1800 = arith.addf %scan3A_1667, %bitcast3A_1799 : vector<32xbf16>
        %add3A_1801 = arith.constant 19 : i32
        %add3A_1802 = vector.broadcast %add3A_1801 : i32 to vector<16xi32>
        %add3A_1803 = arith.addi %mul3A_1687, %add3A_1802 : vector<16xi32>
        %gather3A_1804 = tpu.vector_load_idx %arg6[%add3A_1803] : memref<3300xi32, #tpu.memory_space<vmem>>[vector<16xi32>], vector<16xi32>,
        %bitcast3A_1805 = vector.bitcast %gather3A_1804 : vector<16xi32> to vector<32xbf16>
        %add3A_1806 = arith.addf %scan3A_1668, %bitcast3A_1805 : vector<32xbf16>
        %add3A_1807 = arith.constant 20 : i32
        %add3A_1808 = vector.broadcast %add3A_1807 : i32 to vector<16xi32>
        %add3A_1809 = arith.addi %mul3A_1687, %add3A_1808 : vector<16xi32>
        %gather3A_1810 = tpu.vector_load_idx %arg6[%add3A_1809] : memref<3300xi32, #tpu.memory_space<vmem>>[vector<16xi32>], vector<16xi32>,
        %bitcast3A_1811 = vector.bitcast %gather3A_1810 : vector<16xi32> to vector<32xbf16>
        %add3A_1812 = arith.addf %scan3A_1669, %bitcast3A_1811 : vector<32xbf16>
        %add3A_1813 = arith.constant 21 : i32
        %add3A_1814 = vector.broadcast %add3A_1813 : i32 to vector<16xi32>
        %add3A_1815 = arith.addi %mul3A_1687, %add3A_1814 : vector<16xi32>
        %gather3A_1816 = tpu.vector_load_idx %arg6[%add3A_1815] : memref<3300xi32, #tpu.memory_space<vmem>>[vector<16xi32>], vector<16xi32>,
        %bitcast3A_1817 = vector.bitcast %gather3A_1816 : vector<16xi32> to vector<32xbf16>
        %add3A_1818 = arith.addf %scan3A_1670, %bitcast3A_1817 : vector<32xbf16>
        %add3A_1819 = arith.constant 22 : i32
        %add3A_1820 = vector.broadcast %add3A_1819 : i32 to vector<16xi32>
        %add3A_1821 = arith.addi %mul3A_1687, %add3A_1820 : vector<16xi32>
        %gather3A_1822 = tpu.vector_load_idx %arg6[%add3A_1821] : memref<3300xi32, #tpu.memory_space<vmem>>[vector<16xi32>], vector<16xi32>,
        %bitcast3A_1823 = vector.bitcast %gather3A_1822 : vector<16xi32> to vector<32xbf16>
        %add3A_1824 = arith.addf %scan3A_1671, %bitcast3A_1823 : vector<32xbf16>
        %add3A_1825 = arith.constant 23 : i32
        %add3A_1826 = vector.broadcast %add3A_1825 : i32 to vector<16xi32>
        %add3A_1827 = arith.addi %mul3A_1687, %add3A_1826 : vector<16xi32>
        %gather3A_1828 = tpu.vector_load_idx %arg6[%add3A_1827] : memref<3300xi32, #tpu.memory_space<vmem>>[vector<16xi32>], vector<16xi32>,
        %bitcast3A_1829 = vector.bitcast %gather3A_1828 : vector<16xi32> to vector<32xbf16>
        %add3A_1830 = arith.addf %scan3A_1672, %bitcast3A_1829 : vector<32xbf16>
        %add3A_1831 = arith.constant 24 : i32
        %add3A_1832 = vector.broadcast %add3A_1831 : i32 to vector<16xi32>
        %add3A_1833 = arith.addi %mul3A_1687, %add3A_1832 : vector<16xi32>
        %gather3A_1834 = tpu.vector_load_idx %arg6[%add3A_1833] : memref<3300xi32, #tpu.memory_space<vmem>>[vector<16xi32>], vector<16xi32>,
        %bitcast3A_1835 = vector.bitcast %gather3A_1834 : vector<16xi32> to vector<32xbf16>
        %add3A_1836 = arith.addf %scan3A_1673, %bitcast3A_1835 : vector<32xbf16>
        %add3A_1837 = arith.constant 25 : i32
        %add3A_1838 = vector.broadcast %add3A_1837 : i32 to vector<16xi32>
        %add3A_1839 = arith.addi %mul3A_1687, %add3A_1838 : vector<16xi32>
        %gather3A_1840 = tpu.vector_load_idx %arg6[%add3A_1839] : memref<3300xi32, #tpu.memory_space<vmem>>[vector<16xi32>], vector<16xi32>,
        %bitcast3A_1841 = vector.bitcast %gather3A_1840 : vector<16xi32> to vector<32xbf16>
        %add3A_1842 = arith.addf %scan3A_1674, %bitcast3A_1841 : vector<32xbf16>
        %add3A_1843 = arith.constant 26 : i32
        %add3A_1844 = vector.broadcast %add3A_1843 : i32 to vector<16xi32>
        %add3A_1845 = arith.addi %mul3A_1687, %add3A_1844 : vector<16xi32>
        %gather3A_1846 = tpu.vector_load_idx %arg6[%add3A_1845] : memref<3300xi32, #tpu.memory_space<vmem>>[vector<16xi32>], vector<16xi32>,
        %bitcast3A_1847 = vector.bitcast %gather3A_1846 : vector<16xi32> to vector<32xbf16>
        %add3A_1848 = arith.addf %scan3A_1675, %bitcast3A_1847 : vector<32xbf16>
        %add3A_1849 = arith.constant 27 : i32
        %add3A_1850 = vector.broadcast %add3A_1849 : i32 to vector<16xi32>
        %add3A_1851 = arith.addi %mul3A_1687, %add3A_1850 : vector<16xi32>
        %gather3A_1852 = tpu.vector_load_idx %arg6[%add3A_1851] : memref<3300xi32, #tpu.memory_space<vmem>>[vector<16xi32>], vector<16xi32>,
        %bitcast3A_1853 = vector.bitcast %gather3A_1852 : vector<16xi32> to vector<32xbf16>
        %add3A_1854 = arith.addf %scan3A_1676, %bitcast3A_1853 : vector<32xbf16>
        %add3A_1855 = arith.constant 28 : i32
        %add3A_1856 = vector.broadcast %add3A_1855 : i32 to vector<16xi32>
        %add3A_1857 = arith.addi %mul3A_1687, %add3A_1856 : vector<16xi32>
        %gather3A_1858 = tpu.vector_load_idx %arg6[%add3A_1857] : memref<3300xi32, #tpu.memory_space<vmem>>[vector<16xi32>], vector<16xi32>,
        %bitcast3A_1859 = vector.bitcast %gather3A_1858 : vector<16xi32> to vector<32xbf16>
        %add3A_1860 = arith.addf %scan3A_1677, %bitcast3A_1859 : vector<32xbf16>
        %add3A_1861 = arith.constant 29 : i32
        %add3A_1862 = vector.broadcast %add3A_1861 : i32 to vector<16xi32>
        %add3A_1863 = arith.addi %mul3A_1687, %add3A_1862 : vector<16xi32>
        %gather3A_1864 = tpu.vector_load_idx %arg6[%add3A_1863] : memref<3300xi32, #tpu.memory_space<vmem>>[vector<16xi32>], vector<16xi32>,
        %bitcast3A_1865 = vector.bitcast %gather3A_1864 : vector<16xi32> to vector<32xbf16>
        %add3A_1866 = arith.addf %scan3A_1678, %bitcast3A_1865 : vector<32xbf16>
        %add3A_1867 = arith.constant 30 : i32
        %add3A_1868 = vector.broadcast %add3A_1867 : i32 to vector<16xi32>
        %add3A_1869 = arith.addi %mul3A_1687, %add3A_1868 : vector<16xi32>
        %gather3A_1870 = tpu.vector_load_idx %arg6[%add3A_1869] : memref<3300xi32, #tpu.memory_space<vmem>>[vector<16xi32>], vector<16xi32>,
        %bitcast3A_1871 = vector.bitcast %gather3A_1870 : vector<16xi32> to vector<32xbf16>
        %add3A_1872 = arith.addf %scan3A_1679, %bitcast3A_1871 : vector<32xbf16>
        %add3A_1873 = arith.constant 31 : i32
        %add3A_1874 = vector.broadcast %add3A_1873 : i32 to vector<16xi32>
        %add3A_1875 = arith.addi %mul3A_1687, %add3A_1874 : vector<16xi32>
        %gather3A_1876 = tpu.vector_load_idx %arg6[%add3A_1875] : memref<3300xi32, #tpu.memory_space<vmem>>[vector<16xi32>], vector<16xi32>,
        %bitcast3A_1877 = vector.bitcast %gather3A_1876 : vector<16xi32> to vector<32xbf16>
        %add3A_1878 = arith.addf %scan3A_1680, %bitcast3A_1877 : vector<32xbf16>
        scf.yield %add3A_1692, %add3A_1698, %add3A_1704, %add3A_1710, %add3A_1716, %add3A_1722, %add3A_1728, %add3A_1734, %add3A_1740, %add3A_1746, %add3A_1752, %add3A_1758, %add3A_1764, %add3A_1770, %add3A_1776, %add3A_1782, %add3A_1788, %add3A_1794, %add3A_1800, %add3A_1806, %add3A_1812, %add3A_1818, %add3A_1824, %add3A_1830, %add3A_1836, %add3A_1842, %add3A_1848, %add3A_1854, %add3A_1860, %add3A_1866, %add3A_1872, %add3A_1878 : vector<32xbf16>, vector<32xbf16>, vector<32xbf16>, vector<32xbf16>, vector<32xbf16>, vector<32xbf16>, vector<32xbf16>, vector<32xbf16>, vector<32xbf16>, vector<32xbf16>, vector<32xbf16>, vector<32xbf16>, vector<32xbf16>, vector<32xbf16>, vector<32xbf16>, vector<32xbf16>, vector<32xbf16>, vector<32xbf16>, vector<32xbf16>, vector<32xbf16>, vector<32xbf16>, vector<32xbf16>, vector<32xbf16>, vector<32xbf16>, vector<32xbf16>, vector<32xbf16>, vector<32xbf16>, vector<32xbf16>, vector<32xbf16>, vector<32xbf16>, vector<32xbf16>, vector<32xbf16>
      }
      %scan3A_411 = arith.constant 40 : i32
      %unpack3A_412 = tpu.unpack_subelements %scan3A_410#0, 0 {pack_format = #tpu.pack_format<interleaved>} : vector<32xbf16> -> vector<16xf32>
      %unpack3A_413 = tpu.unpack_subelements %scan3A_410#0, 1 {pack_format = #tpu.pack_format<interleaved>} : vector<32xbf16> -> vector<16xf32>
      %add3A_414 = arith.constant 64 : i32
      %add3A_415 = vector.broadcast %add3A_414 : i32 to vector<16xi32>
      %add3A_416 = arith.addi %mul3A_6, %add3A_415 : vector<16xi32>
      tpu.vector_store_idx %arg7[%add3A_416], %unpack3A_412 : memref<5136xf32, #tpu.memory_space<vmem>>[vector<16xi32>], vector<16xf32>,
      %add3A_417 = arith.constant 65 : i32
      %add3A_418 = vector.broadcast %add3A_417 : i32 to vector<16xi32>
      %add3A_419 = arith.addi %mul3A_6, %add3A_418 : vector<16xi32>
      tpu.vector_store_idx %arg7[%add3A_419], %unpack3A_413 : memref<5136xf32, #tpu.memory_space<vmem>>[vector<16xi32>], vector<16xf32>,
      %unpack3A_420 = tpu.unpack_subelements %scan3A_410#1, 0 {pack_format = #tpu.pack_format<interleaved>} : vector<32xbf16> -> vector<16xf32>
      %unpack3A_421 = tpu.unpack_subelements %scan3A_410#1, 1 {pack_format = #tpu.pack_format<interleaved>} : vector<32xbf16> -> vector<16xf32>
      %add3A_422 = arith.constant 66 : i32
      %add3A_423 = vector.broadcast %add3A_422 : i32 to vector<16xi32>
      %add3A_424 = arith.addi %mul3A_6, %add3A_423 : vector<16xi32>
      tpu.vector_store_idx %arg7[%add3A_424], %unpack3A_420 : memref<5136xf32, #tpu.memory_space<vmem>>[vector<16xi32>], vector<16xf32>,
      %add3A_425 = arith.constant 67 : i32
      %add3A_426 = vector.broadcast %add3A_425 : i32 to vector<16xi32>
      %add3A_427 = arith.addi %mul3A_6, %add3A_426 : vector<16xi32>
      tpu.vector_store_idx %arg7[%add3A_427], %unpack3A_421 : memref<5136xf32, #tpu.memory_space<vmem>>[vector<16xi32>], vector<16xf32>,
      %unpack3A_428 = tpu.unpack_subelements %scan3A_410#2, 0 {pack_format = #tpu.pack_format<interleaved>} : vector<32xbf16> -> vector<16xf32>
      %unpack3A_429 = tpu.unpack_subelements %scan3A_410#2, 1 {pack_format = #tpu.pack_format<interleaved>} : vector<32xbf16> -> vector<16xf32>
      %add3A_430 = arith.constant 68 : i32
      %add3A_431 = vector.broadcast %add3A_430 : i32 to vector<16xi32>
      %add3A_432 = arith.addi %mul3A_6, %add3A_431 : vector<16xi32>
      tpu.vector_store_idx %arg7[%add3A_432], %unpack3A_428 : memref<5136xf32, #tpu.memory_space<vmem>>[vector<16xi32>], vector<16xf32>,
      %add3A_433 = arith.constant 69 : i32
      %add3A_434 = vector.broadcast %add3A_433 : i32 to vector<16xi32>
      %add3A_435 = arith.addi %mul3A_6, %add3A_434 : vector<16xi32>
      tpu.vector_store_idx %arg7[%add3A_435], %unpack3A_429 : memref<5136xf32, #tpu.memory_space<vmem>>[vector<16xi32>], vector<16xf32>,
      %unpack3A_436 = tpu.unpack_subelements %scan3A_410#3, 0 {pack_format = #tpu.pack_format<interleaved>} : vector<32xbf16> -> vector<16xf32>
      %unpack3A_437 = tpu.unpack_subelements %scan3A_410#3, 1 {pack_format = #tpu.pack_format<interleaved>} : vector<32xbf16> -> vector<16xf32>
      %add3A_438 = arith.constant 70 : i32
      %add3A_439 = vector.broadcast %add3A_438 : i32 to vector<16xi32>
      %add3A_440 = arith.addi %mul3A_6, %add3A_439 : vector<16xi32>
      tpu.vector_store_idx %arg7[%add3A_440], %unpack3A_436 : memref<5136xf32, #tpu.memory_space<vmem>>[vector<16xi32>], vector<16xf32>,
      %add3A_441 = arith.constant 71 : i32
      %add3A_442 = vector.broadcast %add3A_441 : i32 to vector<16xi32>
      %add3A_443 = arith.addi %mul3A_6, %add3A_442 : vector<16xi32>
      tpu.vector_store_idx %arg7[%add3A_443], %unpack3A_437 : memref<5136xf32, #tpu.memory_space<vmem>>[vector<16xi32>], vector<16xf32>,
      %unpack3A_444 = tpu.unpack_subelements %scan3A_410#4, 0 {pack_format = #tpu.pack_format<interleaved>} : vector<32xbf16> -> vector<16xf32>
      %unpack3A_445 = tpu.unpack_subelements %scan3A_410#4, 1 {pack_format = #tpu.pack_format<interleaved>} : vector<32xbf16> -> vector<16xf32>
      %add3A_446 = arith.constant 72 : i32
      %add3A_447 = vector.broadcast %add3A_446 : i32 to vector<16xi32>
      %add3A_448 = arith.addi %mul3A_6, %add3A_447 : vector<16xi32>
      tpu.vector_store_idx %arg7[%add3A_448], %unpack3A_444 : memref<5136xf32, #tpu.memory_space<vmem>>[vector<16xi32>], vector<16xf32>,
      %add3A_449 = arith.constant 73 : i32
      %add3A_450 = vector.broadcast %add3A_449 : i32 to vector<16xi32>
      %add3A_451 = arith.addi %mul3A_6, %add3A_450 : vector<16xi32>
      tpu.vector_store_idx %arg7[%add3A_451], %unpack3A_445 : memref<5136xf32, #tpu.memory_space<vmem>>[vector<16xi32>], vector<16xf32>,
      %unpack3A_452 = tpu.unpack_subelements %scan3A_410#5, 0 {pack_format = #tpu.pack_format<interleaved>} : vector<32xbf16> -> vector<16xf32>
      %unpack3A_453 = tpu.unpack_subelements %scan3A_410#5, 1 {pack_format = #tpu.pack_format<interleaved>} : vector<32xbf16> -> vector<16xf32>
      %add3A_454 = arith.constant 74 : i32
      %add3A_455 = vector.broadcast %add3A_454 : i32 to vector<16xi32>
      %add3A_456 = arith.addi %mul3A_6, %add3A_455 : vector<16xi32>
      tpu.vector_store_idx %arg7[%add3A_456], %unpack3A_452 : memref<5136xf32, #tpu.memory_space<vmem>>[vector<16xi32>], vector<16xf32>,
      %add3A_457 = arith.constant 75 : i32
      %add3A_458 = vector.broadcast %add3A_457 : i32 to vector<16xi32>
      %add3A_459 = arith.addi %mul3A_6, %add3A_458 : vector<16xi32>
      tpu.vector_store_idx %arg7[%add3A_459], %unpack3A_453 : memref<5136xf32, #tpu.memory_space<vmem>>[vector<16xi32>], vector<16xf32>,
      %unpack3A_460 = tpu.unpack_subelements %scan3A_410#6, 0 {pack_format = #tpu.pack_format<interleaved>} : vector<32xbf16> -> vector<16xf32>
      %unpack3A_461 = tpu.unpack_subelements %scan3A_410#6, 1 {pack_format = #tpu.pack_format<interleaved>} : vector<32xbf16> -> vector<16xf32>
      %add3A_462 = arith.constant 76 : i32
      %add3A_463 = vector.broadcast %add3A_462 : i32 to vector<16xi32>
      %add3A_464 = arith.addi %mul3A_6, %add3A_463 : vector<16xi32>
      tpu.vector_store_idx %arg7[%add3A_464], %unpack3A_460 : memref<5136xf32, #tpu.memory_space<vmem>>[vector<16xi32>], vector<16xf32>,
      %add3A_465 = arith.constant 77 : i32
      %add3A_466 = vector.broadcast %add3A_465 : i32 to vector<16xi32>
      %add3A_467 = arith.addi %mul3A_6, %add3A_466 : vector<16xi32>
      tpu.vector_store_idx %arg7[%add3A_467], %unpack3A_461 : memref<5136xf32, #tpu.memory_space<vmem>>[vector<16xi32>], vector<16xf32>,
      %unpack3A_468 = tpu.unpack_subelements %scan3A_410#7, 0 {pack_format = #tpu.pack_format<interleaved>} : vector<32xbf16> -> vector<16xf32>
      %unpack3A_469 = tpu.unpack_subelements %scan3A_410#7, 1 {pack_format = #tpu.pack_format<interleaved>} : vector<32xbf16> -> vector<16xf32>
      %add3A_470 = arith.constant 78 : i32
      %add3A_471 = vector.broadcast %add3A_470 : i32 to vector<16xi32>
      %add3A_472 = arith.addi %mul3A_6, %add3A_471 : vector<16xi32>
      tpu.vector_store_idx %arg7[%add3A_472], %unpack3A_468 : memref<5136xf32, #tpu.memory_space<vmem>>[vector<16xi32>], vector<16xf32>,
      %add3A_473 = arith.constant 79 : i32
      %add3A_474 = vector.broadcast %add3A_473 : i32 to vector<16xi32>
      %add3A_475 = arith.addi %mul3A_6, %add3A_474 : vector<16xi32>
      tpu.vector_store_idx %arg7[%add3A_475], %unpack3A_469 : memref<5136xf32, #tpu.memory_space<vmem>>[vector<16xi32>], vector<16xf32>,
      %unpack3A_476 = tpu.unpack_subelements %scan3A_410#8, 0 {pack_format = #tpu.pack_format<interleaved>} : vector<32xbf16> -> vector<16xf32>
      %unpack3A_477 = tpu.unpack_subelements %scan3A_410#8, 1 {pack_format = #tpu.pack_format<interleaved>} : vector<32xbf16> -> vector<16xf32>
      %add3A_478 = arith.constant 80 : i32
      %add3A_479 = vector.broadcast %add3A_478 : i32 to vector<16xi32>
      %add3A_480 = arith.addi %mul3A_6, %add3A_479 : vector<16xi32>
      tpu.vector_store_idx %arg7[%add3A_480], %unpack3A_476 : memref<5136xf32, #tpu.memory_space<vmem>>[vector<16xi32>], vector<16xf32>,
      %add3A_481 = arith.constant 81 : i32
      %add3A_482 = vector.broadcast %add3A_481 : i32 to vector<16xi32>
      %add3A_483 = arith.addi %mul3A_6, %add3A_482 : vector<16xi32>
      tpu.vector_store_idx %arg7[%add3A_483], %unpack3A_477 : memref<5136xf32, #tpu.memory_space<vmem>>[vector<16xi32>], vector<16xf32>,
      %unpack3A_484 = tpu.unpack_subelements %scan3A_410#9, 0 {pack_format = #tpu.pack_format<interleaved>} : vector<32xbf16> -> vector<16xf32>
      %unpack3A_485 = tpu.unpack_subelements %scan3A_410#9, 1 {pack_format = #tpu.pack_format<interleaved>} : vector<32xbf16> -> vector<16xf32>
      %add3A_486 = arith.constant 82 : i32
      %add3A_487 = vector.broadcast %add3A_486 : i32 to vector<16xi32>
      %add3A_488 = arith.addi %mul3A_6, %add3A_487 : vector<16xi32>
      tpu.vector_store_idx %arg7[%add3A_488], %unpack3A_484 : memref<5136xf32, #tpu.memory_space<vmem>>[vector<16xi32>], vector<16xf32>,
      %add3A_489 = arith.constant 83 : i32
      %add3A_490 = vector.broadcast %add3A_489 : i32 to vector<16xi32>
      %add3A_491 = arith.addi %mul3A_6, %add3A_490 : vector<16xi32>
      tpu.vector_store_idx %arg7[%add3A_491], %unpack3A_485 : memref<5136xf32, #tpu.memory_space<vmem>>[vector<16xi32>], vector<16xf32>,
      %unpack3A_492 = tpu.unpack_subelements %scan3A_410#10, 0 {pack_format = #tpu.pack_format<interleaved>} : vector<32xbf16> -> vector<16xf32>
      %unpack3A_493 = tpu.unpack_subelements %scan3A_410#10, 1 {pack_format = #tpu.pack_format<interleaved>} : vector<32xbf16> -> vector<16xf32>
      %add3A_494 = arith.constant 84 : i32
      %add3A_495 = vector.broadcast %add3A_494 : i32 to vector<16xi32>
      %add3A_496 = arith.addi %mul3A_6, %add3A_495 : vector<16xi32>
      tpu.vector_store_idx %arg7[%add3A_496], %unpack3A_492 : memref<5136xf32, #tpu.memory_space<vmem>>[vector<16xi32>], vector<16xf32>,
      %add3A_497 = arith.constant 85 : i32
      %add3A_498 = vector.broadcast %add3A_497 : i32 to vector<16xi32>
      %add3A_499 = arith.addi %mul3A_6, %add3A_498 : vector<16xi32>
      tpu.vector_store_idx %arg7[%add3A_499], %unpack3A_493 : memref<5136xf32, #tpu.memory_space<vmem>>[vector<16xi32>], vector<16xf32>,
      %unpack3A_500 = tpu.unpack_subelements %scan3A_410#11, 0 {pack_format = #tpu.pack_format<interleaved>} : vector<32xbf16> -> vector<16xf32>
      %unpack3A_501 = tpu.unpack_subelements %scan3A_410#11, 1 {pack_format = #tpu.pack_format<interleaved>} : vector<32xbf16> -> vector<16xf32>
      %add3A_502 = arith.constant 86 : i32
      %add3A_503 = vector.broadcast %add3A_502 : i32 to vector<16xi32>
      %add3A_504 = arith.addi %mul3A_6, %add3A_503 : vector<16xi32>
      tpu.vector_store_idx %arg7[%add3A_504], %unpack3A_500 : memref<5136xf32, #tpu.memory_space<vmem>>[vector<16xi32>], vector<16xf32>,
      %add3A_505 = arith.constant 87 : i32
      %add3A_506 = vector.broadcast %add3A_505 : i32 to vector<16xi32>
      %add3A_507 = arith.addi %mul3A_6, %add3A_506 : vector<16xi32>
      tpu.vector_store_idx %arg7[%add3A_507], %unpack3A_501 : memref<5136xf32, #tpu.memory_space<vmem>>[vector<16xi32>], vector<16xf32>,
      %unpack3A_508 = tpu.unpack_subelements %scan3A_410#12, 0 {pack_format = #tpu.pack_format<interleaved>} : vector<32xbf16> -> vector<16xf32>
      %unpack3A_509 = tpu.unpack_subelements %scan3A_410#12, 1 {pack_format = #tpu.pack_format<interleaved>} : vector<32xbf16> -> vector<16xf32>
      %add3A_510 = arith.constant 88 : i32
      %add3A_511 = vector.broadcast %add3A_510 : i32 to vector<16xi32>
      %add3A_512 = arith.addi %mul3A_6, %add3A_511 : vector<16xi32>
      tpu.vector_store_idx %arg7[%add3A_512], %unpack3A_508 : memref<5136xf32, #tpu.memory_space<vmem>>[vector<16xi32>], vector<16xf32>,
      %add3A_513 = arith.constant 89 : i32
      %add3A_514 = vector.broadcast %add3A_513 : i32 to vector<16xi32>
      %add3A_515 = arith.addi %mul3A_6, %add3A_514 : vector<16xi32>
      tpu.vector_store_idx %arg7[%add3A_515], %unpack3A_509 : memref<5136xf32, #tpu.memory_space<vmem>>[vector<16xi32>], vector<16xf32>,
      %unpack3A_516 = tpu.unpack_subelements %scan3A_410#13, 0 {pack_format = #tpu.pack_format<interleaved>} : vector<32xbf16> -> vector<16xf32>
      %unpack3A_517 = tpu.unpack_subelements %scan3A_410#13, 1 {pack_format = #tpu.pack_format<interleaved>} : vector<32xbf16> -> vector<16xf32>
      %add3A_518 = arith.constant 90 : i32
      %add3A_519 = vector.broadcast %add3A_518 : i32 to vector<16xi32>
      %add3A_520 = arith.addi %mul3A_6, %add3A_519 : vector<16xi32>
      tpu.vector_store_idx %arg7[%add3A_520], %unpack3A_516 : memref<5136xf32, #tpu.memory_space<vmem>>[vector<16xi32>], vector<16xf32>,
      %add3A_521 = arith.constant 91 : i32
      %add3A_522 = vector.broadcast %add3A_521 : i32 to vector<16xi32>
      %add3A_523 = arith.addi %mul3A_6, %add3A_522 : vector<16xi32>
      tpu.vector_store_idx %arg7[%add3A_523], %unpack3A_517 : memref<5136xf32, #tpu.memory_space<vmem>>[vector<16xi32>], vector<16xf32>,
      %unpack3A_524 = tpu.unpack_subelements %scan3A_410#14, 0 {pack_format = #tpu.pack_format<interleaved>} : vector<32xbf16> -> vector<16xf32>
      %unpack3A_525 = tpu.unpack_subelements %scan3A_410#14, 1 {pack_format = #tpu.pack_format<interleaved>} : vector<32xbf16> -> vector<16xf32>
      %add3A_526 = arith.constant 92 : i32
      %add3A_527 = vector.broadcast %add3A_526 : i32 to vector<16xi32>
      %add3A_528 = arith.addi %mul3A_6, %add3A_527 : vector<16xi32>
      tpu.vector_store_idx %arg7[%add3A_528], %unpack3A_524 : memref<5136xf32, #tpu.memory_space<vmem>>[vector<16xi32>], vector<16xf32>,
      %add3A_529 = arith.constant 93 : i32
      %add3A_530 = vector.broadcast %add3A_529 : i32 to vector<16xi32>
      %add3A_531 = arith.addi %mul3A_6, %add3A_530 : vector<16xi32>
      tpu.vector_store_idx %arg7[%add3A_531], %unpack3A_525 : memref<5136xf32, #tpu.memory_space<vmem>>[vector<16xi32>], vector<16xf32>,
      %unpack3A_532 = tpu.unpack_subelements %scan3A_410#15, 0 {pack_format = #tpu.pack_format<interleaved>} : vector<32xbf16> -> vector<16xf32>
      %unpack3A_533 = tpu.unpack_subelements %scan3A_410#15, 1 {pack_format = #tpu.pack_format<interleaved>} : vector<32xbf16> -> vector<16xf32>
      %add3A_534 = arith.constant 94 : i32
      %add3A_535 = vector.broadcast %add3A_534 : i32 to vector<16xi32>
      %add3A_536 = arith.addi %mul3A_6, %add3A_535 : vector<16xi32>
      tpu.vector_store_idx %arg7[%add3A_536], %unpack3A_532 : memref<5136xf32, #tpu.memory_space<vmem>>[vector<16xi32>], vector<16xf32>,
      %add3A_537 = arith.constant 95 : i32
      %add3A_538 = vector.broadcast %add3A_537 : i32 to vector<16xi32>
      %add3A_539 = arith.addi %mul3A_6, %add3A_538 : vector<16xi32>
      tpu.vector_store_idx %arg7[%add3A_539], %unpack3A_533 : memref<5136xf32, #tpu.memory_space<vmem>>[vector<16xi32>], vector<16xf32>,
      %unpack3A_540 = tpu.unpack_subelements %scan3A_410#16, 0 {pack_format = #tpu.pack_format<interleaved>} : vector<32xbf16> -> vector<16xf32>
      %unpack3A_541 = tpu.unpack_subelements %scan3A_410#16, 1 {pack_format = #tpu.pack_format<interleaved>} : vector<32xbf16> -> vector<16xf32>
      %add3A_542 = arith.constant 96 : i32
      %add3A_543 = vector.broadcast %add3A_542 : i32 to vector<16xi32>
      %add3A_544 = arith.addi %mul3A_6, %add3A_543 : vector<16xi32>
      tpu.vector_store_idx %arg7[%add3A_544], %unpack3A_540 : memref<5136xf32, #tpu.memory_space<vmem>>[vector<16xi32>], vector<16xf32>,
      %add3A_545 = arith.constant 97 : i32
      %add3A_546 = vector.broadcast %add3A_545 : i32 to vector<16xi32>
      %add3A_547 = arith.addi %mul3A_6, %add3A_546 : vector<16xi32>
      tpu.vector_store_idx %arg7[%add3A_547], %unpack3A_541 : memref<5136xf32, #tpu.memory_space<vmem>>[vector<16xi32>], vector<16xf32>,
      %unpack3A_548 = tpu.unpack_subelements %scan3A_410#17, 0 {pack_format = #tpu.pack_format<interleaved>} : vector<32xbf16> -> vector<16xf32>
      %unpack3A_549 = tpu.unpack_subelements %scan3A_410#17, 1 {pack_format = #tpu.pack_format<interleaved>} : vector<32xbf16> -> vector<16xf32>
      %add3A_550 = arith.constant 98 : i32
      %add3A_551 = vector.broadcast %add3A_550 : i32 to vector<16xi32>
      %add3A_552 = arith.addi %mul3A_6, %add3A_551 : vector<16xi32>
      tpu.vector_store_idx %arg7[%add3A_552], %unpack3A_548 : memref<5136xf32, #tpu.memory_space<vmem>>[vector<16xi32>], vector<16xf32>,
      %add3A_553 = arith.constant 99 : i32
      %add3A_554 = vector.broadcast %add3A_553 : i32 to vector<16xi32>
      %add3A_555 = arith.addi %mul3A_6, %add3A_554 : vector<16xi32>
      tpu.vector_store_idx %arg7[%add3A_555], %unpack3A_549 : memref<5136xf32, #tpu.memory_space<vmem>>[vector<16xi32>], vector<16xf32>,
      %unpack3A_556 = tpu.unpack_subelements %scan3A_410#18, 0 {pack_format = #tpu.pack_format<interleaved>} : vector<32xbf16> -> vector<16xf32>
      %unpack3A_557 = tpu.unpack_subelements %scan3A_410#18, 1 {pack_format = #tpu.pack_format<interleaved>} : vector<32xbf16> -> vector<16xf32>
      %add3A_558 = arith.constant 100 : i32
      %add3A_559 = vector.broadcast %add3A_558 : i32 to vector<16xi32>
      %add3A_560 = arith.addi %mul3A_6, %add3A_559 : vector<16xi32>
      tpu.vector_store_idx %arg7[%add3A_560], %unpack3A_556 : memref<5136xf32, #tpu.memory_space<vmem>>[vector<16xi32>], vector<16xf32>,
      %add3A_561 = arith.constant 101 : i32
      %add3A_562 = vector.broadcast %add3A_561 : i32 to vector<16xi32>
      %add3A_563 = arith.addi %mul3A_6, %add3A_562 : vector<16xi32>
      tpu.vector_store_idx %arg7[%add3A_563], %unpack3A_557 : memref<5136xf32, #tpu.memory_space<vmem>>[vector<16xi32>], vector<16xf32>,
      %unpack3A_564 = tpu.unpack_subelements %scan3A_410#19, 0 {pack_format = #tpu.pack_format<interleaved>} : vector<32xbf16> -> vector<16xf32>
      %unpack3A_565 = tpu.unpack_subelements %scan3A_410#19, 1 {pack_format = #tpu.pack_format<interleaved>} : vector<32xbf16> -> vector<16xf32>
      %add3A_566 = arith.constant 102 : i32
      %add3A_567 = vector.broadcast %add3A_566 : i32 to vector<16xi32>
      %add3A_568 = arith.addi %mul3A_6, %add3A_567 : vector<16xi32>
      tpu.vector_store_idx %arg7[%add3A_568], %unpack3A_564 : memref<5136xf32, #tpu.memory_space<vmem>>[vector<16xi32>], vector<16xf32>,
      %add3A_569 = arith.constant 103 : i32
      %add3A_570 = vector.broadcast %add3A_569 : i32 to vector<16xi32>
      %add3A_571 = arith.addi %mul3A_6, %add3A_570 : vector<16xi32>
      tpu.vector_store_idx %arg7[%add3A_571], %unpack3A_565 : memref<5136xf32, #tpu.memory_space<vmem>>[vector<16xi32>], vector<16xf32>,
      %unpack3A_572 = tpu.unpack_subelements %scan3A_410#20, 0 {pack_format = #tpu.pack_format<interleaved>} : vector<32xbf16> -> vector<16xf32>
      %unpack3A_573 = tpu.unpack_subelements %scan3A_410#20, 1 {pack_format = #tpu.pack_format<interleaved>} : vector<32xbf16> -> vector<16xf32>
      %add3A_574 = arith.constant 104 : i32
      %add3A_575 = vector.broadcast %add3A_574 : i32 to vector<16xi32>
      %add3A_576 = arith.addi %mul3A_6, %add3A_575 : vector<16xi32>
      tpu.vector_store_idx %arg7[%add3A_576], %unpack3A_572 : memref<5136xf32, #tpu.memory_space<vmem>>[vector<16xi32>], vector<16xf32>,
      %add3A_577 = arith.constant 105 : i32
      %add3A_578 = vector.broadcast %add3A_577 : i32 to vector<16xi32>
      %add3A_579 = arith.addi %mul3A_6, %add3A_578 : vector<16xi32>
      tpu.vector_store_idx %arg7[%add3A_579], %unpack3A_573 : memref<5136xf32, #tpu.memory_space<vmem>>[vector<16xi32>], vector<16xf32>,
      %unpack3A_580 = tpu.unpack_subelements %scan3A_410#21, 0 {pack_format = #tpu.pack_format<interleaved>} : vector<32xbf16> -> vector<16xf32>
      %unpack3A_581 = tpu.unpack_subelements %scan3A_410#21, 1 {pack_format = #tpu.pack_format<interleaved>} : vector<32xbf16> -> vector<16xf32>
      %add3A_582 = arith.constant 106 : i32
      %add3A_583 = vector.broadcast %add3A_582 : i32 to vector<16xi32>
      %add3A_584 = arith.addi %mul3A_6, %add3A_583 : vector<16xi32>
      tpu.vector_store_idx %arg7[%add3A_584], %unpack3A_580 : memref<5136xf32, #tpu.memory_space<vmem>>[vector<16xi32>], vector<16xf32>,
      %add3A_585 = arith.constant 107 : i32
      %add3A_586 = vector.broadcast %add3A_585 : i32 to vector<16xi32>
      %add3A_587 = arith.addi %mul3A_6, %add3A_586 : vector<16xi32>
      tpu.vector_store_idx %arg7[%add3A_587], %unpack3A_581 : memref<5136xf32, #tpu.memory_space<vmem>>[vector<16xi32>], vector<16xf32>,
      %unpack3A_588 = tpu.unpack_subelements %scan3A_410#22, 0 {pack_format = #tpu.pack_format<interleaved>} : vector<32xbf16> -> vector<16xf32>
      %unpack3A_589 = tpu.unpack_subelements %scan3A_410#22, 1 {pack_format = #tpu.pack_format<interleaved>} : vector<32xbf16> -> vector<16xf32>
      %add3A_590 = arith.constant 108 : i32
      %add3A_591 = vector.broadcast %add3A_590 : i32 to vector<16xi32>
      %add3A_592 = arith.addi %mul3A_6, %add3A_591 : vector<16xi32>
      tpu.vector_store_idx %arg7[%add3A_592], %unpack3A_588 : memref<5136xf32, #tpu.memory_space<vmem>>[vector<16xi32>], vector<16xf32>,
      %add3A_593 = arith.constant 109 : i32
      %add3A_594 = vector.broadcast %add3A_593 : i32 to vector<16xi32>
      %add3A_595 = arith.addi %mul3A_6, %add3A_594 : vector<16xi32>
      tpu.vector_store_idx %arg7[%add3A_595], %unpack3A_589 : memref<5136xf32, #tpu.memory_space<vmem>>[vector<16xi32>], vector<16xf32>,
      %unpack3A_596 = tpu.unpack_subelements %scan3A_410#23, 0 {pack_format = #tpu.pack_format<interleaved>} : vector<32xbf16> -> vector<16xf32>
      %unpack3A_597 = tpu.unpack_subelements %scan3A_410#23, 1 {pack_format = #tpu.pack_format<interleaved>} : vector<32xbf16> -> vector<16xf32>
      %add3A_598 = arith.constant 110 : i32
      %add3A_599 = vector.broadcast %add3A_598 : i32 to vector<16xi32>
      %add3A_600 = arith.addi %mul3A_6, %add3A_599 : vector<16xi32>
      tpu.vector_store_idx %arg7[%add3A_600], %unpack3A_596 : memref<5136xf32, #tpu.memory_space<vmem>>[vector<16xi32>], vector<16xf32>,
      %add3A_601 = arith.constant 111 : i32
      %add3A_602 = vector.broadcast %add3A_601 : i32 to vector<16xi32>
      %add3A_603 = arith.addi %mul3A_6, %add3A_602 : vector<16xi32>
      tpu.vector_store_idx %arg7[%add3A_603], %unpack3A_597 : memref<5136xf32, #tpu.memory_space<vmem>>[vector<16xi32>], vector<16xf32>,
      %unpack3A_604 = tpu.unpack_subelements %scan3A_410#24, 0 {pack_format = #tpu.pack_format<interleaved>} : vector<32xbf16> -> vector<16xf32>
      %unpack3A_605 = tpu.unpack_subelements %scan3A_410#24, 1 {pack_format = #tpu.pack_format<interleaved>} : vector<32xbf16> -> vector<16xf32>
      %add3A_606 = arith.constant 112 : i32
      %add3A_607 = vector.broadcast %add3A_606 : i32 to vector<16xi32>
      %add3A_608 = arith.addi %mul3A_6, %add3A_607 : vector<16xi32>
      tpu.vector_store_idx %arg7[%add3A_608], %unpack3A_604 : memref<5136xf32, #tpu.memory_space<vmem>>[vector<16xi32>], vector<16xf32>,
      %add3A_609 = arith.constant 113 : i32
      %add3A_610 = vector.broadcast %add3A_609 : i32 to vector<16xi32>
      %add3A_611 = arith.addi %mul3A_6, %add3A_610 : vector<16xi32>
      tpu.vector_store_idx %arg7[%add3A_611], %unpack3A_605 : memref<5136xf32, #tpu.memory_space<vmem>>[vector<16xi32>], vector<16xf32>,
      %unpack3A_612 = tpu.unpack_subelements %scan3A_410#25, 0 {pack_format = #tpu.pack_format<interleaved>} : vector<32xbf16> -> vector<16xf32>
      %unpack3A_613 = tpu.unpack_subelements %scan3A_410#25, 1 {pack_format = #tpu.pack_format<interleaved>} : vector<32xbf16> -> vector<16xf32>
      %add3A_614 = arith.constant 114 : i32
      %add3A_615 = vector.broadcast %add3A_614 : i32 to vector<16xi32>
      %add3A_616 = arith.addi %mul3A_6, %add3A_615 : vector<16xi32>
      tpu.vector_store_idx %arg7[%add3A_616], %unpack3A_612 : memref<5136xf32, #tpu.memory_space<vmem>>[vector<16xi32>], vector<16xf32>,
      %add3A_617 = arith.constant 115 : i32
      %add3A_618 = vector.broadcast %add3A_617 : i32 to vector<16xi32>
      %add3A_619 = arith.addi %mul3A_6, %add3A_618 : vector<16xi32>
      tpu.vector_store_idx %arg7[%add3A_619], %unpack3A_613 : memref<5136xf32, #tpu.memory_space<vmem>>[vector<16xi32>], vector<16xf32>,
      %unpack3A_620 = tpu.unpack_subelements %scan3A_410#26, 0 {pack_format = #tpu.pack_format<interleaved>} : vector<32xbf16> -> vector<16xf32>
      %unpack3A_621 = tpu.unpack_subelements %scan3A_410#26, 1 {pack_format = #tpu.pack_format<interleaved>} : vector<32xbf16> -> vector<16xf32>
      %add3A_622 = arith.constant 116 : i32
      %add3A_623 = vector.broadcast %add3A_622 : i32 to vector<16xi32>
      %add3A_624 = arith.addi %mul3A_6, %add3A_623 : vector<16xi32>
      tpu.vector_store_idx %arg7[%add3A_624], %unpack3A_620 : memref<5136xf32, #tpu.memory_space<vmem>>[vector<16xi32>], vector<16xf32>,
      %add3A_625 = arith.constant 117 : i32
      %add3A_626 = vector.broadcast %add3A_625 : i32 to vector<16xi32>
      %add3A_627 = arith.addi %mul3A_6, %add3A_626 : vector<16xi32>
      tpu.vector_store_idx %arg7[%add3A_627], %unpack3A_621 : memref<5136xf32, #tpu.memory_space<vmem>>[vector<16xi32>], vector<16xf32>,
      %unpack3A_628 = tpu.unpack_subelements %scan3A_410#27, 0 {pack_format = #tpu.pack_format<interleaved>} : vector<32xbf16> -> vector<16xf32>
      %unpack3A_629 = tpu.unpack_subelements %scan3A_410#27, 1 {pack_format = #tpu.pack_format<interleaved>} : vector<32xbf16> -> vector<16xf32>
      %add3A_630 = arith.constant 118 : i32
      %add3A_631 = vector.broadcast %add3A_630 : i32 to vector<16xi32>
      %add3A_632 = arith.addi %mul3A_6, %add3A_631 : vector<16xi32>
      tpu.vector_store_idx %arg7[%add3A_632], %unpack3A_628 : memref<5136xf32, #tpu.memory_space<vmem>>[vector<16xi32>], vector<16xf32>,
      %add3A_633 = arith.constant 119 : i32
      %add3A_634 = vector.broadcast %add3A_633 : i32 to vector<16xi32>
      %add3A_635 = arith.addi %mul3A_6, %add3A_634 : vector<16xi32>
      tpu.vector_store_idx %arg7[%add3A_635], %unpack3A_629 : memref<5136xf32, #tpu.memory_space<vmem>>[vector<16xi32>], vector<16xf32>,
      %unpack3A_636 = tpu.unpack_subelements %scan3A_410#28, 0 {pack_format = #tpu.pack_format<interleaved>} : vector<32xbf16> -> vector<16xf32>
      %unpack3A_637 = tpu.unpack_subelements %scan3A_410#28, 1 {pack_format = #tpu.pack_format<interleaved>} : vector<32xbf16> -> vector<16xf32>
      %add3A_638 = arith.constant 120 : i32
      %add3A_639 = vector.broadcast %add3A_638 : i32 to vector<16xi32>
      %add3A_640 = arith.addi %mul3A_6, %add3A_639 : vector<16xi32>
      tpu.vector_store_idx %arg7[%add3A_640], %unpack3A_636 : memref<5136xf32, #tpu.memory_space<vmem>>[vector<16xi32>], vector<16xf32>,
      %add3A_641 = arith.constant 121 : i32
      %add3A_642 = vector.broadcast %add3A_641 : i32 to vector<16xi32>
      %add3A_643 = arith.addi %mul3A_6, %add3A_642 : vector<16xi32>
      tpu.vector_store_idx %arg7[%add3A_643], %unpack3A_637 : memref<5136xf32, #tpu.memory_space<vmem>>[vector<16xi32>], vector<16xf32>,
      %unpack3A_644 = tpu.unpack_subelements %scan3A_410#29, 0 {pack_format = #tpu.pack_format<interleaved>} : vector<32xbf16> -> vector<16xf32>
      %unpack3A_645 = tpu.unpack_subelements %scan3A_410#29, 1 {pack_format = #tpu.pack_format<interleaved>} : vector<32xbf16> -> vector<16xf32>
      %add3A_646 = arith.constant 122 : i32
      %add3A_647 = vector.broadcast %add3A_646 : i32 to vector<16xi32>
      %add3A_648 = arith.addi %mul3A_6, %add3A_647 : vector<16xi32>
      tpu.vector_store_idx %arg7[%add3A_648], %unpack3A_644 : memref<5136xf32, #tpu.memory_space<vmem>>[vector<16xi32>], vector<16xf32>,
      %add3A_649 = arith.constant 123 : i32
      %add3A_650 = vector.broadcast %add3A_649 : i32 to vector<16xi32>
      %add3A_651 = arith.addi %mul3A_6, %add3A_650 : vector<16xi32>
      tpu.vector_store_idx %arg7[%add3A_651], %unpack3A_645 : memref<5136xf32, #tpu.memory_space<vmem>>[vector<16xi32>], vector<16xf32>,
      %unpack3A_652 = tpu.unpack_subelements %scan3A_410#30, 0 {pack_format = #tpu.pack_format<interleaved>} : vector<32xbf16> -> vector<16xf32>
      %unpack3A_653 = tpu.unpack_subelements %scan3A_410#30, 1 {pack_format = #tpu.pack_format<interleaved>} : vector<32xbf16> -> vector<16xf32>
      %add3A_654 = arith.constant 124 : i32
      %add3A_655 = vector.broadcast %add3A_654 : i32 to vector<16xi32>
      %add3A_656 = arith.addi %mul3A_6, %add3A_655 : vector<16xi32>
      tpu.vector_store_idx %arg7[%add3A_656], %unpack3A_652 : memref<5136xf32, #tpu.memory_space<vmem>>[vector<16xi32>], vector<16xf32>,
      %add3A_657 = arith.constant 125 : i32
      %add3A_658 = vector.broadcast %add3A_657 : i32 to vector<16xi32>
      %add3A_659 = arith.addi %mul3A_6, %add3A_658 : vector<16xi32>
      tpu.vector_store_idx %arg7[%add3A_659], %unpack3A_653 : memref<5136xf32, #tpu.memory_space<vmem>>[vector<16xi32>], vector<16xf32>,
      %unpack3A_660 = tpu.unpack_subelements %scan3A_410#31, 0 {pack_format = #tpu.pack_format<interleaved>} : vector<32xbf16> -> vector<16xf32>
      %unpack3A_661 = tpu.unpack_subelements %scan3A_410#31, 1 {pack_format = #tpu.pack_format<interleaved>} : vector<32xbf16> -> vector<16xf32>
      %add3A_662 = arith.constant 126 : i32
      %add3A_663 = vector.broadcast %add3A_662 : i32 to vector<16xi32>
      %add3A_664 = arith.addi %mul3A_6, %add3A_663 : vector<16xi32>
      tpu.vector_store_idx %arg7[%add3A_664], %unpack3A_660 : memref<5136xf32, #tpu.memory_space<vmem>>[vector<16xi32>], vector<16xf32>,
      %add3A_665 = arith.constant 127 : i32
      %add3A_666 = vector.broadcast %add3A_665 : i32 to vector<16xi32>
      %add3A_667 = arith.addi %mul3A_6, %add3A_666 : vector<16xi32>
      tpu.vector_store_idx %arg7[%add3A_667], %unpack3A_661 : memref<5136xf32, #tpu.memory_space<vmem>>[vector<16xi32>], vector<16xf32>,
      %broadcast_in_dim3A_668 = arith.constant 0.000000e+00 : bf16
      %broadcast_in_dim3A_669 = vector.broadcast %broadcast_in_dim3A_668 : bf16 to vector<32xbf16>
      %broadcast_in_dim3A_670 = arith.constant 0.000000e+00 : bf16
      %broadcast_in_dim3A_671 = vector.broadcast %broadcast_in_dim3A_670 : bf16 to vector<32xbf16>
      %broadcast_in_dim3A_672 = arith.constant 0.000000e+00 : bf16
      %broadcast_in_dim3A_673 = vector.broadcast %broadcast_in_dim3A_672 : bf16 to vector<32xbf16>
      %broadcast_in_dim3A_674 = arith.constant 0.000000e+00 : bf16
      %broadcast_in_dim3A_675 = vector.broadcast %broadcast_in_dim3A_674 : bf16 to vector<32xbf16>
      %broadcast_in_dim3A_676 = arith.constant 0.000000e+00 : bf16
      %broadcast_in_dim3A_677 = vector.broadcast %broadcast_in_dim3A_676 : bf16 to vector<32xbf16>
      %broadcast_in_dim3A_678 = arith.constant 0.000000e+00 : bf16
      %broadcast_in_dim3A_679 = vector.broadcast %broadcast_in_dim3A_678 : bf16 to vector<32xbf16>
      %broadcast_in_dim3A_680 = arith.constant 0.000000e+00 : bf16
      %broadcast_in_dim3A_681 = vector.broadcast %broadcast_in_dim3A_680 : bf16 to vector<32xbf16>
      %broadcast_in_dim3A_682 = arith.constant 0.000000e+00 : bf16
      %broadcast_in_dim3A_683 = vector.broadcast %broadcast_in_dim3A_682 : bf16 to vector<32xbf16>
      %broadcast_in_dim3A_684 = arith.constant 0.000000e+00 : bf16
      %broadcast_in_dim3A_685 = vector.broadcast %broadcast_in_dim3A_684 : bf16 to vector<32xbf16>
      %broadcast_in_dim3A_686 = arith.constant 0.000000e+00 : bf16
      %broadcast_in_dim3A_687 = vector.broadcast %broadcast_in_dim3A_686 : bf16 to vector<32xbf16>
      %broadcast_in_dim3A_688 = arith.constant 0.000000e+00 : bf16
      %broadcast_in_dim3A_689 = vector.broadcast %broadcast_in_dim3A_688 : bf16 to vector<32xbf16>
      %broadcast_in_dim3A_690 = arith.constant 0.000000e+00 : bf16
      %broadcast_in_dim3A_691 = vector.broadcast %broadcast_in_dim3A_690 : bf16 to vector<32xbf16>
      %broadcast_in_dim3A_692 = arith.constant 0.000000e+00 : bf16
      %broadcast_in_dim3A_693 = vector.broadcast %broadcast_in_dim3A_692 : bf16 to vector<32xbf16>
      %broadcast_in_dim3A_694 = arith.constant 0.000000e+00 : bf16
      %broadcast_in_dim3A_695 = vector.broadcast %broadcast_in_dim3A_694 : bf16 to vector<32xbf16>
      %broadcast_in_dim3A_696 = arith.constant 0.000000e+00 : bf16
      %broadcast_in_dim3A_697 = vector.broadcast %broadcast_in_dim3A_696 : bf16 to vector<32xbf16>
      %broadcast_in_dim3A_698 = arith.constant 0.000000e+00 : bf16
      %broadcast_in_dim3A_699 = vector.broadcast %broadcast_in_dim3A_698 : bf16 to vector<32xbf16>
      %broadcast_in_dim3A_700 = arith.constant 0.000000e+00 : bf16
      %broadcast_in_dim3A_701 = vector.broadcast %broadcast_in_dim3A_700 : bf16 to vector<32xbf16>
      %broadcast_in_dim3A_702 = arith.constant 0.000000e+00 : bf16
      %broadcast_in_dim3A_703 = vector.broadcast %broadcast_in_dim3A_702 : bf16 to vector<32xbf16>
      %broadcast_in_dim3A_704 = arith.constant 0.000000e+00 : bf16
      %broadcast_in_dim3A_705 = vector.broadcast %broadcast_in_dim3A_704 : bf16 to vector<32xbf16>
      %broadcast_in_dim3A_706 = arith.constant 0.000000e+00 : bf16
      %broadcast_in_dim3A_707 = vector.broadcast %broadcast_in_dim3A_706 : bf16 to vector<32xbf16>
      %broadcast_in_dim3A_708 = arith.constant 0.000000e+00 : bf16
      %broadcast_in_dim3A_709 = vector.broadcast %broadcast_in_dim3A_708 : bf16 to vector<32xbf16>
      %broadcast_in_dim3A_710 = arith.constant 0.000000e+00 : bf16
      %broadcast_in_dim3A_711 = vector.broadcast %broadcast_in_dim3A_710 : bf16 to vector<32xbf16>
      %broadcast_in_dim3A_712 = arith.constant 0.000000e+00 : bf16
      %broadcast_in_dim3A_713 = vector.broadcast %broadcast_in_dim3A_712 : bf16 to vector<32xbf16>
      %broadcast_in_dim3A_714 = arith.constant 0.000000e+00 : bf16
      %broadcast_in_dim3A_715 = vector.broadcast %broadcast_in_dim3A_714 : bf16 to vector<32xbf16>
      %broadcast_in_dim3A_716 = arith.constant 0.000000e+00 : bf16
      %broadcast_in_dim3A_717 = vector.broadcast %broadcast_in_dim3A_716 : bf16 to vector<32xbf16>
      %broadcast_in_dim3A_718 = arith.constant 0.000000e+00 : bf16
      %broadcast_in_dim3A_719 = vector.broadcast %broadcast_in_dim3A_718 : bf16 to vector<32xbf16>
      %broadcast_in_dim3A_720 = arith.constant 0.000000e+00 : bf16
      %broadcast_in_dim3A_721 = vector.broadcast %broadcast_in_dim3A_720 : bf16 to vector<32xbf16>
      %broadcast_in_dim3A_722 = arith.constant 0.000000e+00 : bf16
      %broadcast_in_dim3A_723 = vector.broadcast %broadcast_in_dim3A_722 : bf16 to vector<32xbf16>
      %broadcast_in_dim3A_724 = arith.constant 0.000000e+00 : bf16
      %broadcast_in_dim3A_725 = vector.broadcast %broadcast_in_dim3A_724 : bf16 to vector<32xbf16>
      %broadcast_in_dim3A_726 = arith.constant 0.000000e+00 : bf16
      %broadcast_in_dim3A_727 = vector.broadcast %broadcast_in_dim3A_726 : bf16 to vector<32xbf16>
      %broadcast_in_dim3A_728 = arith.constant 0.000000e+00 : bf16
      %broadcast_in_dim3A_729 = vector.broadcast %broadcast_in_dim3A_728 : bf16 to vector<32xbf16>
      %broadcast_in_dim3A_730 = arith.constant 0.000000e+00 : bf16
      %broadcast_in_dim3A_731 = vector.broadcast %broadcast_in_dim3A_730 : bf16 to vector<32xbf16>
      %scan3A_732 = arith.constant 0 : i32
      %scan3A_733 = arith.constant 40 : i32
      %scan3A_734 = arith.addi %scan3A_732, %scan3A_733 : i32
      %scan3A_735 = arith.constant 1 : i32
      %scan3A_736:32 = scf.for %scan3A_1648 = %scan3A_732 to %scan3A_734 step %scan3A_735 iter_args(%scan3A_1649 = %broadcast_in_dim3A_669, %scan3A_1650 = %broadcast_in_dim3A_671, %scan3A_1651 = %broadcast_in_dim3A_673, %scan3A_1652 = %broadcast_in_dim3A_675, %scan3A_1653 = %broadcast_in_dim3A_677, %scan3A_1654 = %broadcast_in_dim3A_679, %scan3A_1655 = %broadcast_in_dim3A_681, %scan3A_1656 = %broadcast_in_dim3A_683, %scan3A_1657 = %broadcast_in_dim3A_685, %scan3A_1658 = %broadcast_in_dim3A_687, %scan3A_1659 = %broadcast_in_dim3A_689, %scan3A_1660 = %broadcast_in_dim3A_691, %scan3A_1661 = %broadcast_in_dim3A_693, %scan3A_1662 = %broadcast_in_dim3A_695, %scan3A_1663 = %broadcast_in_dim3A_697, %scan3A_1664 = %broadcast_in_dim3A_699, %scan3A_1665 = %broadcast_in_dim3A_701, %scan3A_1666 = %broadcast_in_dim3A_703, %scan3A_1667 = %broadcast_in_dim3A_705, %scan3A_1668 = %broadcast_in_dim3A_707, %scan3A_1669 = %broadcast_in_dim3A_709, %scan3A_1670 = %broadcast_in_dim3A_711, %scan3A_1671 = %broadcast_in_dim3A_713, %scan3A_1672 = %broadcast_in_dim3A_715, %scan3A_1673 = %broadcast_in_dim3A_717, %scan3A_1674 = %broadcast_in_dim3A_719, %scan3A_1675 = %broadcast_in_dim3A_721, %scan3A_1676 = %broadcast_in_dim3A_723, %scan3A_1677 = %broadcast_in_dim3A_725, %scan3A_1678 = %broadcast_in_dim3A_727, %scan3A_1679 = %broadcast_in_dim3A_729, %scan3A_1680 = %broadcast_in_dim3A_731) -> (vector<32xbf16>, vector<32xbf16>, vector<32xbf16>, vector<32xbf16>, vector<32xbf16>, vector<32xbf16>, vector<32xbf16>, vector<32xbf16>, vector<32xbf16>, vector<32xbf16>, vector<32xbf16>, vector<32xbf16>, vector<32xbf16>, vector<32xbf16>, vector<32xbf16>, vector<32xbf16>, vector<32xbf16>, vector<32xbf16>, vector<32xbf16>, vector<32xbf16>, vector<32xbf16>, vector<32xbf16>, vector<32xbf16>, vector<32xbf16>, vector<32xbf16>, vector<32xbf16>, vector<32xbf16>, vector<32xbf16>, vector<32xbf16>, vector<32xbf16>, vector<32xbf16>, vector<32xbf16>)  : i32 {
        %add3A_1681 = arith.constant 80 : i32
        %add3A_1682 = arith.addi %add3A_1681, %scan3A_1648 : i32
        %add3A_1683 = vector.broadcast %add3A_1682 : i32 to vector<16xi32>
        %add3A_1684 = arith.addi %mul3A_3, %add3A_1683 : vector<16xi32>
        %gather3A = tpu.vector_load_idx %arg5[%add3A_1684] : memref<3216xi32, #tpu.memory_space<vmem>>[vector<16xi32>], vector<16xi32>,
        %mul3A_1685 = arith.constant 33 : i32
        %mul3A_1686 = vector.broadcast %mul3A_1685 : i32 to vector<16xi32>
        %mul3A_1687 = arith.muli %gather3A, %mul3A_1686 : vector<16xi32>
        %add3A_1688 = arith.constant 0 : i32
        %add3A_1689 = vector.broadcast %add3A_1688 : i32 to vector<16xi32>
        %add3A_1690 = arith.addi %mul3A_1687, %add3A_1689 : vector<16xi32>
        %gather3A_1691 = tpu.vector_load_idx %arg6[%add3A_1690] : memref<3300xi32, #tpu.memory_space<vmem>>[vector<16xi32>], vector<16xi32>,
        %bitcast3A = vector.bitcast %gather3A_1691 : vector<16xi32> to vector<32xbf16>
        %add3A_1692 = arith.addf %scan3A_1649, %bitcast3A : vector<32xbf16>
        %add3A_1693 = arith.constant 1 : i32
        %add3A_1694 = vector.broadcast %add3A_1693 : i32 to vector<16xi32>
        %add3A_1695 = arith.addi %mul3A_1687, %add3A_1694 : vector<16xi32>
        %gather3A_1696 = tpu.vector_load_idx %arg6[%add3A_1695] : memref<3300xi32, #tpu.memory_space<vmem>>[vector<16xi32>], vector<16xi32>,
        %bitcast3A_1697 = vector.bitcast %gather3A_1696 : vector<16xi32> to vector<32xbf16>
        %add3A_1698 = arith.addf %scan3A_1650, %bitcast3A_1697 : vector<32xbf16>
        %add3A_1699 = arith.constant 2 : i32
        %add3A_1700 = vector.broadcast %add3A_1699 : i32 to vector<16xi32>
        %add3A_1701 = arith.addi %mul3A_1687, %add3A_1700 : vector<16xi32>
        %gather3A_1702 = tpu.vector_load_idx %arg6[%add3A_1701] : memref<3300xi32, #tpu.memory_space<vmem>>[vector<16xi32>], vector<16xi32>,
        %bitcast3A_1703 = vector.bitcast %gather3A_1702 : vector<16xi32> to vector<32xbf16>
        %add3A_1704 = arith.addf %scan3A_1651, %bitcast3A_1703 : vector<32xbf16>
        %add3A_1705 = arith.constant 3 : i32
        %add3A_1706 = vector.broadcast %add3A_1705 : i32 to vector<16xi32>
        %add3A_1707 = arith.addi %mul3A_1687, %add3A_1706 : vector<16xi32>
        %gather3A_1708 = tpu.vector_load_idx %arg6[%add3A_1707] : memref<3300xi32, #tpu.memory_space<vmem>>[vector<16xi32>], vector<16xi32>,
        %bitcast3A_1709 = vector.bitcast %gather3A_1708 : vector<16xi32> to vector<32xbf16>
        %add3A_1710 = arith.addf %scan3A_1652, %bitcast3A_1709 : vector<32xbf16>
        %add3A_1711 = arith.constant 4 : i32
        %add3A_1712 = vector.broadcast %add3A_1711 : i32 to vector<16xi32>
        %add3A_1713 = arith.addi %mul3A_1687, %add3A_1712 : vector<16xi32>
        %gather3A_1714 = tpu.vector_load_idx %arg6[%add3A_1713] : memref<3300xi32, #tpu.memory_space<vmem>>[vector<16xi32>], vector<16xi32>,
        %bitcast3A_1715 = vector.bitcast %gather3A_1714 : vector<16xi32> to vector<32xbf16>
        %add3A_1716 = arith.addf %scan3A_1653, %bitcast3A_1715 : vector<32xbf16>
        %add3A_1717 = arith.constant 5 : i32
        %add3A_1718 = vector.broadcast %add3A_1717 : i32 to vector<16xi32>
        %add3A_1719 = arith.addi %mul3A_1687, %add3A_1718 : vector<16xi32>
        %gather3A_1720 = tpu.vector_load_idx %arg6[%add3A_1719] : memref<3300xi32, #tpu.memory_space<vmem>>[vector<16xi32>], vector<16xi32>,
        %bitcast3A_1721 = vector.bitcast %gather3A_1720 : vector<16xi32> to vector<32xbf16>
        %add3A_1722 = arith.addf %scan3A_1654, %bitcast3A_1721 : vector<32xbf16>
        %add3A_1723 = arith.constant 6 : i32
        %add3A_1724 = vector.broadcast %add3A_1723 : i32 to vector<16xi32>
        %add3A_1725 = arith.addi %mul3A_1687, %add3A_1724 : vector<16xi32>
        %gather3A_1726 = tpu.vector_load_idx %arg6[%add3A_1725] : memref<3300xi32, #tpu.memory_space<vmem>>[vector<16xi32>], vector<16xi32>,
        %bitcast3A_1727 = vector.bitcast %gather3A_1726 : vector<16xi32> to vector<32xbf16>
        %add3A_1728 = arith.addf %scan3A_1655, %bitcast3A_1727 : vector<32xbf16>
        %add3A_1729 = arith.constant 7 : i32
        %add3A_1730 = vector.broadcast %add3A_1729 : i32 to vector<16xi32>
        %add3A_1731 = arith.addi %mul3A_1687, %add3A_1730 : vector<16xi32>
        %gather3A_1732 = tpu.vector_load_idx %arg6[%add3A_1731] : memref<3300xi32, #tpu.memory_space<vmem>>[vector<16xi32>], vector<16xi32>,
        %bitcast3A_1733 = vector.bitcast %gather3A_1732 : vector<16xi32> to vector<32xbf16>
        %add3A_1734 = arith.addf %scan3A_1656, %bitcast3A_1733 : vector<32xbf16>
        %add3A_1735 = arith.constant 8 : i32
        %add3A_1736 = vector.broadcast %add3A_1735 : i32 to vector<16xi32>
        %add3A_1737 = arith.addi %mul3A_1687, %add3A_1736 : vector<16xi32>
        %gather3A_1738 = tpu.vector_load_idx %arg6[%add3A_1737] : memref<3300xi32, #tpu.memory_space<vmem>>[vector<16xi32>], vector<16xi32>,
        %bitcast3A_1739 = vector.bitcast %gather3A_1738 : vector<16xi32> to vector<32xbf16>
        %add3A_1740 = arith.addf %scan3A_1657, %bitcast3A_1739 : vector<32xbf16>
        %add3A_1741 = arith.constant 9 : i32
        %add3A_1742 = vector.broadcast %add3A_1741 : i32 to vector<16xi32>
        %add3A_1743 = arith.addi %mul3A_1687, %add3A_1742 : vector<16xi32>
        %gather3A_1744 = tpu.vector_load_idx %arg6[%add3A_1743] : memref<3300xi32, #tpu.memory_space<vmem>>[vector<16xi32>], vector<16xi32>,
        %bitcast3A_1745 = vector.bitcast %gather3A_1744 : vector<16xi32> to vector<32xbf16>
        %add3A_1746 = arith.addf %scan3A_1658, %bitcast3A_1745 : vector<32xbf16>
        %add3A_1747 = arith.constant 10 : i32
        %add3A_1748 = vector.broadcast %add3A_1747 : i32 to vector<16xi32>
        %add3A_1749 = arith.addi %mul3A_1687, %add3A_1748 : vector<16xi32>
        %gather3A_1750 = tpu.vector_load_idx %arg6[%add3A_1749] : memref<3300xi32, #tpu.memory_space<vmem>>[vector<16xi32>], vector<16xi32>,
        %bitcast3A_1751 = vector.bitcast %gather3A_1750 : vector<16xi32> to vector<32xbf16>
        %add3A_1752 = arith.addf %scan3A_1659, %bitcast3A_1751 : vector<32xbf16>
        %add3A_1753 = arith.constant 11 : i32
        %add3A_1754 = vector.broadcast %add3A_1753 : i32 to vector<16xi32>
        %add3A_1755 = arith.addi %mul3A_1687, %add3A_1754 : vector<16xi32>
        %gather3A_1756 = tpu.vector_load_idx %arg6[%add3A_1755] : memref<3300xi32, #tpu.memory_space<vmem>>[vector<16xi32>], vector<16xi32>,
        %bitcast3A_1757 = vector.bitcast %gather3A_1756 : vector<16xi32> to vector<32xbf16>
        %add3A_1758 = arith.addf %scan3A_1660, %bitcast3A_1757 : vector<32xbf16>
        %add3A_1759 = arith.constant 12 : i32
        %add3A_1760 = vector.broadcast %add3A_1759 : i32 to vector<16xi32>
        %add3A_1761 = arith.addi %mul3A_1687, %add3A_1760 : vector<16xi32>
        %gather3A_1762 = tpu.vector_load_idx %arg6[%add3A_1761] : memref<3300xi32, #tpu.memory_space<vmem>>[vector<16xi32>], vector<16xi32>,
        %bitcast3A_1763 = vector.bitcast %gather3A_1762 : vector<16xi32> to vector<32xbf16>
        %add3A_1764 = arith.addf %scan3A_1661, %bitcast3A_1763 : vector<32xbf16>
        %add3A_1765 = arith.constant 13 : i32
        %add3A_1766 = vector.broadcast %add3A_1765 : i32 to vector<16xi32>
        %add3A_1767 = arith.addi %mul3A_1687, %add3A_1766 : vector<16xi32>
        %gather3A_1768 = tpu.vector_load_idx %arg6[%add3A_1767] : memref<3300xi32, #tpu.memory_space<vmem>>[vector<16xi32>], vector<16xi32>,
        %bitcast3A_1769 = vector.bitcast %gather3A_1768 : vector<16xi32> to vector<32xbf16>
        %add3A_1770 = arith.addf %scan3A_1662, %bitcast3A_1769 : vector<32xbf16>
        %add3A_1771 = arith.constant 14 : i32
        %add3A_1772 = vector.broadcast %add3A_1771 : i32 to vector<16xi32>
        %add3A_1773 = arith.addi %mul3A_1687, %add3A_1772 : vector<16xi32>
        %gather3A_1774 = tpu.vector_load_idx %arg6[%add3A_1773] : memref<3300xi32, #tpu.memory_space<vmem>>[vector<16xi32>], vector<16xi32>,
        %bitcast3A_1775 = vector.bitcast %gather3A_1774 : vector<16xi32> to vector<32xbf16>
        %add3A_1776 = arith.addf %scan3A_1663, %bitcast3A_1775 : vector<32xbf16>
        %add3A_1777 = arith.constant 15 : i32
        %add3A_1778 = vector.broadcast %add3A_1777 : i32 to vector<16xi32>
        %add3A_1779 = arith.addi %mul3A_1687, %add3A_1778 : vector<16xi32>
        %gather3A_1780 = tpu.vector_load_idx %arg6[%add3A_1779] : memref<3300xi32, #tpu.memory_space<vmem>>[vector<16xi32>], vector<16xi32>,
        %bitcast3A_1781 = vector.bitcast %gather3A_1780 : vector<16xi32> to vector<32xbf16>
        %add3A_1782 = arith.addf %scan3A_1664, %bitcast3A_1781 : vector<32xbf16>
        %add3A_1783 = arith.constant 16 : i32
        %add3A_1784 = vector.broadcast %add3A_1783 : i32 to vector<16xi32>
        %add3A_1785 = arith.addi %mul3A_1687, %add3A_1784 : vector<16xi32>
        %gather3A_1786 = tpu.vector_load_idx %arg6[%add3A_1785] : memref<3300xi32, #tpu.memory_space<vmem>>[vector<16xi32>], vector<16xi32>,
        %bitcast3A_1787 = vector.bitcast %gather3A_1786 : vector<16xi32> to vector<32xbf16>
        %add3A_1788 = arith.addf %scan3A_1665, %bitcast3A_1787 : vector<32xbf16>
        %add3A_1789 = arith.constant 17 : i32
        %add3A_1790 = vector.broadcast %add3A_1789 : i32 to vector<16xi32>
        %add3A_1791 = arith.addi %mul3A_1687, %add3A_1790 : vector<16xi32>
        %gather3A_1792 = tpu.vector_load_idx %arg6[%add3A_1791] : memref<3300xi32, #tpu.memory_space<vmem>>[vector<16xi32>], vector<16xi32>,
        %bitcast3A_1793 = vector.bitcast %gather3A_1792 : vector<16xi32> to vector<32xbf16>
        %add3A_1794 = arith.addf %scan3A_1666, %bitcast3A_1793 : vector<32xbf16>
        %add3A_1795 = arith.constant 18 : i32
        %add3A_1796 = vector.broadcast %add3A_1795 : i32 to vector<16xi32>
        %add3A_1797 = arith.addi %mul3A_1687, %add3A_1796 : vector<16xi32>
        %gather3A_1798 = tpu.vector_load_idx %arg6[%add3A_1797] : memref<3300xi32, #tpu.memory_space<vmem>>[vector<16xi32>], vector<16xi32>,
        %bitcast3A_1799 = vector.bitcast %gather3A_1798 : vector<16xi32> to vector<32xbf16>
        %add3A_1800 = arith.addf %scan3A_1667, %bitcast3A_1799 : vector<32xbf16>
        %add3A_1801 = arith.constant 19 : i32
        %add3A_1802 = vector.broadcast %add3A_1801 : i32 to vector<16xi32>
        %add3A_1803 = arith.addi %mul3A_1687, %add3A_1802 : vector<16xi32>
        %gather3A_1804 = tpu.vector_load_idx %arg6[%add3A_1803] : memref<3300xi32, #tpu.memory_space<vmem>>[vector<16xi32>], vector<16xi32>,
        %bitcast3A_1805 = vector.bitcast %gather3A_1804 : vector<16xi32> to vector<32xbf16>
        %add3A_1806 = arith.addf %scan3A_1668, %bitcast3A_1805 : vector<32xbf16>
        %add3A_1807 = arith.constant 20 : i32
        %add3A_1808 = vector.broadcast %add3A_1807 : i32 to vector<16xi32>
        %add3A_1809 = arith.addi %mul3A_1687, %add3A_1808 : vector<16xi32>
        %gather3A_1810 = tpu.vector_load_idx %arg6[%add3A_1809] : memref<3300xi32, #tpu.memory_space<vmem>>[vector<16xi32>], vector<16xi32>,
        %bitcast3A_1811 = vector.bitcast %gather3A_1810 : vector<16xi32> to vector<32xbf16>
        %add3A_1812 = arith.addf %scan3A_1669, %bitcast3A_1811 : vector<32xbf16>
        %add3A_1813 = arith.constant 21 : i32
        %add3A_1814 = vector.broadcast %add3A_1813 : i32 to vector<16xi32>
        %add3A_1815 = arith.addi %mul3A_1687, %add3A_1814 : vector<16xi32>
        %gather3A_1816 = tpu.vector_load_idx %arg6[%add3A_1815] : memref<3300xi32, #tpu.memory_space<vmem>>[vector<16xi32>], vector<16xi32>,
        %bitcast3A_1817 = vector.bitcast %gather3A_1816 : vector<16xi32> to vector<32xbf16>
        %add3A_1818 = arith.addf %scan3A_1670, %bitcast3A_1817 : vector<32xbf16>
        %add3A_1819 = arith.constant 22 : i32
        %add3A_1820 = vector.broadcast %add3A_1819 : i32 to vector<16xi32>
        %add3A_1821 = arith.addi %mul3A_1687, %add3A_1820 : vector<16xi32>
        %gather3A_1822 = tpu.vector_load_idx %arg6[%add3A_1821] : memref<3300xi32, #tpu.memory_space<vmem>>[vector<16xi32>], vector<16xi32>,
        %bitcast3A_1823 = vector.bitcast %gather3A_1822 : vector<16xi32> to vector<32xbf16>
        %add3A_1824 = arith.addf %scan3A_1671, %bitcast3A_1823 : vector<32xbf16>
        %add3A_1825 = arith.constant 23 : i32
        %add3A_1826 = vector.broadcast %add3A_1825 : i32 to vector<16xi32>
        %add3A_1827 = arith.addi %mul3A_1687, %add3A_1826 : vector<16xi32>
        %gather3A_1828 = tpu.vector_load_idx %arg6[%add3A_1827] : memref<3300xi32, #tpu.memory_space<vmem>>[vector<16xi32>], vector<16xi32>,
        %bitcast3A_1829 = vector.bitcast %gather3A_1828 : vector<16xi32> to vector<32xbf16>
        %add3A_1830 = arith.addf %scan3A_1672, %bitcast3A_1829 : vector<32xbf16>
        %add3A_1831 = arith.constant 24 : i32
        %add3A_1832 = vector.broadcast %add3A_1831 : i32 to vector<16xi32>
        %add3A_1833 = arith.addi %mul3A_1687, %add3A_1832 : vector<16xi32>
        %gather3A_1834 = tpu.vector_load_idx %arg6[%add3A_1833] : memref<3300xi32, #tpu.memory_space<vmem>>[vector<16xi32>], vector<16xi32>,
        %bitcast3A_1835 = vector.bitcast %gather3A_1834 : vector<16xi32> to vector<32xbf16>
        %add3A_1836 = arith.addf %scan3A_1673, %bitcast3A_1835 : vector<32xbf16>
        %add3A_1837 = arith.constant 25 : i32
        %add3A_1838 = vector.broadcast %add3A_1837 : i32 to vector<16xi32>
        %add3A_1839 = arith.addi %mul3A_1687, %add3A_1838 : vector<16xi32>
        %gather3A_1840 = tpu.vector_load_idx %arg6[%add3A_1839] : memref<3300xi32, #tpu.memory_space<vmem>>[vector<16xi32>], vector<16xi32>,
        %bitcast3A_1841 = vector.bitcast %gather3A_1840 : vector<16xi32> to vector<32xbf16>
        %add3A_1842 = arith.addf %scan3A_1674, %bitcast3A_1841 : vector<32xbf16>
        %add3A_1843 = arith.constant 26 : i32
        %add3A_1844 = vector.broadcast %add3A_1843 : i32 to vector<16xi32>
        %add3A_1845 = arith.addi %mul3A_1687, %add3A_1844 : vector<16xi32>
        %gather3A_1846 = tpu.vector_load_idx %arg6[%add3A_1845] : memref<3300xi32, #tpu.memory_space<vmem>>[vector<16xi32>], vector<16xi32>,
        %bitcast3A_1847 = vector.bitcast %gather3A_1846 : vector<16xi32> to vector<32xbf16>
        %add3A_1848 = arith.addf %scan3A_1675, %bitcast3A_1847 : vector<32xbf16>
        %add3A_1849 = arith.constant 27 : i32
        %add3A_1850 = vector.broadcast %add3A_1849 : i32 to vector<16xi32>
        %add3A_1851 = arith.addi %mul3A_1687, %add3A_1850 : vector<16xi32>
        %gather3A_1852 = tpu.vector_load_idx %arg6[%add3A_1851] : memref<3300xi32, #tpu.memory_space<vmem>>[vector<16xi32>], vector<16xi32>,
        %bitcast3A_1853 = vector.bitcast %gather3A_1852 : vector<16xi32> to vector<32xbf16>
        %add3A_1854 = arith.addf %scan3A_1676, %bitcast3A_1853 : vector<32xbf16>
        %add3A_1855 = arith.constant 28 : i32
        %add3A_1856 = vector.broadcast %add3A_1855 : i32 to vector<16xi32>
        %add3A_1857 = arith.addi %mul3A_1687, %add3A_1856 : vector<16xi32>
        %gather3A_1858 = tpu.vector_load_idx %arg6[%add3A_1857] : memref<3300xi32, #tpu.memory_space<vmem>>[vector<16xi32>], vector<16xi32>,
        %bitcast3A_1859 = vector.bitcast %gather3A_1858 : vector<16xi32> to vector<32xbf16>
        %add3A_1860 = arith.addf %scan3A_1677, %bitcast3A_1859 : vector<32xbf16>
        %add3A_1861 = arith.constant 29 : i32
        %add3A_1862 = vector.broadcast %add3A_1861 : i32 to vector<16xi32>
        %add3A_1863 = arith.addi %mul3A_1687, %add3A_1862 : vector<16xi32>
        %gather3A_1864 = tpu.vector_load_idx %arg6[%add3A_1863] : memref<3300xi32, #tpu.memory_space<vmem>>[vector<16xi32>], vector<16xi32>,
        %bitcast3A_1865 = vector.bitcast %gather3A_1864 : vector<16xi32> to vector<32xbf16>
        %add3A_1866 = arith.addf %scan3A_1678, %bitcast3A_1865 : vector<32xbf16>
        %add3A_1867 = arith.constant 30 : i32
        %add3A_1868 = vector.broadcast %add3A_1867 : i32 to vector<16xi32>
        %add3A_1869 = arith.addi %mul3A_1687, %add3A_1868 : vector<16xi32>
        %gather3A_1870 = tpu.vector_load_idx %arg6[%add3A_1869] : memref<3300xi32, #tpu.memory_space<vmem>>[vector<16xi32>], vector<16xi32>,
        %bitcast3A_1871 = vector.bitcast %gather3A_1870 : vector<16xi32> to vector<32xbf16>
        %add3A_1872 = arith.addf %scan3A_1679, %bitcast3A_1871 : vector<32xbf16>
        %add3A_1873 = arith.constant 31 : i32
        %add3A_1874 = vector.broadcast %add3A_1873 : i32 to vector<16xi32>
        %add3A_1875 = arith.addi %mul3A_1687, %add3A_1874 : vector<16xi32>
        %gather3A_1876 = tpu.vector_load_idx %arg6[%add3A_1875] : memref<3300xi32, #tpu.memory_space<vmem>>[vector<16xi32>], vector<16xi32>,
        %bitcast3A_1877 = vector.bitcast %gather3A_1876 : vector<16xi32> to vector<32xbf16>
        %add3A_1878 = arith.addf %scan3A_1680, %bitcast3A_1877 : vector<32xbf16>
        scf.yield %add3A_1692, %add3A_1698, %add3A_1704, %add3A_1710, %add3A_1716, %add3A_1722, %add3A_1728, %add3A_1734, %add3A_1740, %add3A_1746, %add3A_1752, %add3A_1758, %add3A_1764, %add3A_1770, %add3A_1776, %add3A_1782, %add3A_1788, %add3A_1794, %add3A_1800, %add3A_1806, %add3A_1812, %add3A_1818, %add3A_1824, %add3A_1830, %add3A_1836, %add3A_1842, %add3A_1848, %add3A_1854, %add3A_1860, %add3A_1866, %add3A_1872, %add3A_1878 : vector<32xbf16>, vector<32xbf16>, vector<32xbf16>, vector<32xbf16>, vector<32xbf16>, vector<32xbf16>, vector<32xbf16>, vector<32xbf16>, vector<32xbf16>, vector<32xbf16>, vector<32xbf16>, vector<32xbf16>, vector<32xbf16>, vector<32xbf16>, vector<32xbf16>, vector<32xbf16>, vector<32xbf16>, vector<32xbf16>, vector<32xbf16>, vector<32xbf16>, vector<32xbf16>, vector<32xbf16>, vector<32xbf16>, vector<32xbf16>, vector<32xbf16>, vector<32xbf16>, vector<32xbf16>, vector<32xbf16>, vector<32xbf16>, vector<32xbf16>, vector<32xbf16>, vector<32xbf16>
      }
      %scan3A_737 = arith.constant 40 : i32
      %unpack3A_738 = tpu.unpack_subelements %scan3A_736#0, 0 {pack_format = #tpu.pack_format<interleaved>} : vector<32xbf16> -> vector<16xf32>
      %unpack3A_739 = tpu.unpack_subelements %scan3A_736#0, 1 {pack_format = #tpu.pack_format<interleaved>} : vector<32xbf16> -> vector<16xf32>
      %add3A_740 = arith.constant 128 : i32
      %add3A_741 = vector.broadcast %add3A_740 : i32 to vector<16xi32>
      %add3A_742 = arith.addi %mul3A_6, %add3A_741 : vector<16xi32>
      tpu.vector_store_idx %arg7[%add3A_742], %unpack3A_738 : memref<5136xf32, #tpu.memory_space<vmem>>[vector<16xi32>], vector<16xf32>,
      %add3A_743 = arith.constant 129 : i32
      %add3A_744 = vector.broadcast %add3A_743 : i32 to vector<16xi32>
      %add3A_745 = arith.addi %mul3A_6, %add3A_744 : vector<16xi32>
      tpu.vector_store_idx %arg7[%add3A_745], %unpack3A_739 : memref<5136xf32, #tpu.memory_space<vmem>>[vector<16xi32>], vector<16xf32>,
      %unpack3A_746 = tpu.unpack_subelements %scan3A_736#1, 0 {pack_format = #tpu.pack_format<interleaved>} : vector<32xbf16> -> vector<16xf32>
      %unpack3A_747 = tpu.unpack_subelements %scan3A_736#1, 1 {pack_format = #tpu.pack_format<interleaved>} : vector<32xbf16> -> vector<16xf32>
      %add3A_748 = arith.constant 130 : i32
      %add3A_749 = vector.broadcast %add3A_748 : i32 to vector<16xi32>
      %add3A_750 = arith.addi %mul3A_6, %add3A_749 : vector<16xi32>
      tpu.vector_store_idx %arg7[%add3A_750], %unpack3A_746 : memref<5136xf32, #tpu.memory_space<vmem>>[vector<16xi32>], vector<16xf32>,
      %add3A_751 = arith.constant 131 : i32
      %add3A_752 = vector.broadcast %add3A_751 : i32 to vector<16xi32>
      %add3A_753 = arith.addi %mul3A_6, %add3A_752 : vector<16xi32>
      tpu.vector_store_idx %arg7[%add3A_753], %unpack3A_747 : memref<5136xf32, #tpu.memory_space<vmem>>[vector<16xi32>], vector<16xf32>,
      %unpack3A_754 = tpu.unpack_subelements %scan3A_736#2, 0 {pack_format = #tpu.pack_format<interleaved>} : vector<32xbf16> -> vector<16xf32>
      %unpack3A_755 = tpu.unpack_subelements %scan3A_736#2, 1 {pack_format = #tpu.pack_format<interleaved>} : vector<32xbf16> -> vector<16xf32>
      %add3A_756 = arith.constant 132 : i32
      %add3A_757 = vector.broadcast %add3A_756 : i32 to vector<16xi32>
      %add3A_758 = arith.addi %mul3A_6, %add3A_757 : vector<16xi32>
      tpu.vector_store_idx %arg7[%add3A_758], %unpack3A_754 : memref<5136xf32, #tpu.memory_space<vmem>>[vector<16xi32>], vector<16xf32>,
      %add3A_759 = arith.constant 133 : i32
      %add3A_760 = vector.broadcast %add3A_759 : i32 to vector<16xi32>
      %add3A_761 = arith.addi %mul3A_6, %add3A_760 : vector<16xi32>
      tpu.vector_store_idx %arg7[%add3A_761], %unpack3A_755 : memref<5136xf32, #tpu.memory_space<vmem>>[vector<16xi32>], vector<16xf32>,
      %unpack3A_762 = tpu.unpack_subelements %scan3A_736#3, 0 {pack_format = #tpu.pack_format<interleaved>} : vector<32xbf16> -> vector<16xf32>
      %unpack3A_763 = tpu.unpack_subelements %scan3A_736#3, 1 {pack_format = #tpu.pack_format<interleaved>} : vector<32xbf16> -> vector<16xf32>
      %add3A_764 = arith.constant 134 : i32
      %add3A_765 = vector.broadcast %add3A_764 : i32 to vector<16xi32>
      %add3A_766 = arith.addi %mul3A_6, %add3A_765 : vector<16xi32>
      tpu.vector_store_idx %arg7[%add3A_766], %unpack3A_762 : memref<5136xf32, #tpu.memory_space<vmem>>[vector<16xi32>], vector<16xf32>,
      %add3A_767 = arith.constant 135 : i32
      %add3A_768 = vector.broadcast %add3A_767 : i32 to vector<16xi32>
      %add3A_769 = arith.addi %mul3A_6, %add3A_768 : vector<16xi32>
      tpu.vector_store_idx %arg7[%add3A_769], %unpack3A_763 : memref<5136xf32, #tpu.memory_space<vmem>>[vector<16xi32>], vector<16xf32>,
      %unpack3A_770 = tpu.unpack_subelements %scan3A_736#4, 0 {pack_format = #tpu.pack_format<interleaved>} : vector<32xbf16> -> vector<16xf32>
      %unpack3A_771 = tpu.unpack_subelements %scan3A_736#4, 1 {pack_format = #tpu.pack_format<interleaved>} : vector<32xbf16> -> vector<16xf32>
      %add3A_772 = arith.constant 136 : i32
      %add3A_773 = vector.broadcast %add3A_772 : i32 to vector<16xi32>
      %add3A_774 = arith.addi %mul3A_6, %add3A_773 : vector<16xi32>
      tpu.vector_store_idx %arg7[%add3A_774], %unpack3A_770 : memref<5136xf32, #tpu.memory_space<vmem>>[vector<16xi32>], vector<16xf32>,
      %add3A_775 = arith.constant 137 : i32
      %add3A_776 = vector.broadcast %add3A_775 : i32 to vector<16xi32>
      %add3A_777 = arith.addi %mul3A_6, %add3A_776 : vector<16xi32>
      tpu.vector_store_idx %arg7[%add3A_777], %unpack3A_771 : memref<5136xf32, #tpu.memory_space<vmem>>[vector<16xi32>], vector<16xf32>,
      %unpack3A_778 = tpu.unpack_subelements %scan3A_736#5, 0 {pack_format = #tpu.pack_format<interleaved>} : vector<32xbf16> -> vector<16xf32>
      %unpack3A_779 = tpu.unpack_subelements %scan3A_736#5, 1 {pack_format = #tpu.pack_format<interleaved>} : vector<32xbf16> -> vector<16xf32>
      %add3A_780 = arith.constant 138 : i32
      %add3A_781 = vector.broadcast %add3A_780 : i32 to vector<16xi32>
      %add3A_782 = arith.addi %mul3A_6, %add3A_781 : vector<16xi32>
      tpu.vector_store_idx %arg7[%add3A_782], %unpack3A_778 : memref<5136xf32, #tpu.memory_space<vmem>>[vector<16xi32>], vector<16xf32>,
      %add3A_783 = arith.constant 139 : i32
      %add3A_784 = vector.broadcast %add3A_783 : i32 to vector<16xi32>
      %add3A_785 = arith.addi %mul3A_6, %add3A_784 : vector<16xi32>
      tpu.vector_store_idx %arg7[%add3A_785], %unpack3A_779 : memref<5136xf32, #tpu.memory_space<vmem>>[vector<16xi32>], vector<16xf32>,
      %unpack3A_786 = tpu.unpack_subelements %scan3A_736#6, 0 {pack_format = #tpu.pack_format<interleaved>} : vector<32xbf16> -> vector<16xf32>
      %unpack3A_787 = tpu.unpack_subelements %scan3A_736#6, 1 {pack_format = #tpu.pack_format<interleaved>} : vector<32xbf16> -> vector<16xf32>
      %add3A_788 = arith.constant 140 : i32
      %add3A_789 = vector.broadcast %add3A_788 : i32 to vector<16xi32>
      %add3A_790 = arith.addi %mul3A_6, %add3A_789 : vector<16xi32>
      tpu.vector_store_idx %arg7[%add3A_790], %unpack3A_786 : memref<5136xf32, #tpu.memory_space<vmem>>[vector<16xi32>], vector<16xf32>,
      %add3A_791 = arith.constant 141 : i32
      %add3A_792 = vector.broadcast %add3A_791 : i32 to vector<16xi32>
      %add3A_793 = arith.addi %mul3A_6, %add3A_792 : vector<16xi32>
      tpu.vector_store_idx %arg7[%add3A_793], %unpack3A_787 : memref<5136xf32, #tpu.memory_space<vmem>>[vector<16xi32>], vector<16xf32>,
      %unpack3A_794 = tpu.unpack_subelements %scan3A_736#7, 0 {pack_format = #tpu.pack_format<interleaved>} : vector<32xbf16> -> vector<16xf32>
      %unpack3A_795 = tpu.unpack_subelements %scan3A_736#7, 1 {pack_format = #tpu.pack_format<interleaved>} : vector<32xbf16> -> vector<16xf32>
      %add3A_796 = arith.constant 142 : i32
      %add3A_797 = vector.broadcast %add3A_796 : i32 to vector<16xi32>
      %add3A_798 = arith.addi %mul3A_6, %add3A_797 : vector<16xi32>
      tpu.vector_store_idx %arg7[%add3A_798], %unpack3A_794 : memref<5136xf32, #tpu.memory_space<vmem>>[vector<16xi32>], vector<16xf32>,
      %add3A_799 = arith.constant 143 : i32
      %add3A_800 = vector.broadcast %add3A_799 : i32 to vector<16xi32>
      %add3A_801 = arith.addi %mul3A_6, %add3A_800 : vector<16xi32>
      tpu.vector_store_idx %arg7[%add3A_801], %unpack3A_795 : memref<5136xf32, #tpu.memory_space<vmem>>[vector<16xi32>], vector<16xf32>,
      %unpack3A_802 = tpu.unpack_subelements %scan3A_736#8, 0 {pack_format = #tpu.pack_format<interleaved>} : vector<32xbf16> -> vector<16xf32>
      %unpack3A_803 = tpu.unpack_subelements %scan3A_736#8, 1 {pack_format = #tpu.pack_format<interleaved>} : vector<32xbf16> -> vector<16xf32>
      %add3A_804 = arith.constant 144 : i32
      %add3A_805 = vector.broadcast %add3A_804 : i32 to vector<16xi32>
      %add3A_806 = arith.addi %mul3A_6, %add3A_805 : vector<16xi32>
      tpu.vector_store_idx %arg7[%add3A_806], %unpack3A_802 : memref<5136xf32, #tpu.memory_space<vmem>>[vector<16xi32>], vector<16xf32>,
      %add3A_807 = arith.constant 145 : i32
      %add3A_808 = vector.broadcast %add3A_807 : i32 to vector<16xi32>
      %add3A_809 = arith.addi %mul3A_6, %add3A_808 : vector<16xi32>
      tpu.vector_store_idx %arg7[%add3A_809], %unpack3A_803 : memref<5136xf32, #tpu.memory_space<vmem>>[vector<16xi32>], vector<16xf32>,
      %unpack3A_810 = tpu.unpack_subelements %scan3A_736#9, 0 {pack_format = #tpu.pack_format<interleaved>} : vector<32xbf16> -> vector<16xf32>
      %unpack3A_811 = tpu.unpack_subelements %scan3A_736#9, 1 {pack_format = #tpu.pack_format<interleaved>} : vector<32xbf16> -> vector<16xf32>
      %add3A_812 = arith.constant 146 : i32
      %add3A_813 = vector.broadcast %add3A_812 : i32 to vector<16xi32>
      %add3A_814 = arith.addi %mul3A_6, %add3A_813 : vector<16xi32>
      tpu.vector_store_idx %arg7[%add3A_814], %unpack3A_810 : memref<5136xf32, #tpu.memory_space<vmem>>[vector<16xi32>], vector<16xf32>,
      %add3A_815 = arith.constant 147 : i32
      %add3A_816 = vector.broadcast %add3A_815 : i32 to vector<16xi32>
      %add3A_817 = arith.addi %mul3A_6, %add3A_816 : vector<16xi32>
      tpu.vector_store_idx %arg7[%add3A_817], %unpack3A_811 : memref<5136xf32, #tpu.memory_space<vmem>>[vector<16xi32>], vector<16xf32>,
      %unpack3A_818 = tpu.unpack_subelements %scan3A_736#10, 0 {pack_format = #tpu.pack_format<interleaved>} : vector<32xbf16> -> vector<16xf32>
      %unpack3A_819 = tpu.unpack_subelements %scan3A_736#10, 1 {pack_format = #tpu.pack_format<interleaved>} : vector<32xbf16> -> vector<16xf32>
      %add3A_820 = arith.constant 148 : i32
      %add3A_821 = vector.broadcast %add3A_820 : i32 to vector<16xi32>
      %add3A_822 = arith.addi %mul3A_6, %add3A_821 : vector<16xi32>
      tpu.vector_store_idx %arg7[%add3A_822], %unpack3A_818 : memref<5136xf32, #tpu.memory_space<vmem>>[vector<16xi32>], vector<16xf32>,
      %add3A_823 = arith.constant 149 : i32
      %add3A_824 = vector.broadcast %add3A_823 : i32 to vector<16xi32>
      %add3A_825 = arith.addi %mul3A_6, %add3A_824 : vector<16xi32>
      tpu.vector_store_idx %arg7[%add3A_825], %unpack3A_819 : memref<5136xf32, #tpu.memory_space<vmem>>[vector<16xi32>], vector<16xf32>,
      %unpack3A_826 = tpu.unpack_subelements %scan3A_736#11, 0 {pack_format = #tpu.pack_format<interleaved>} : vector<32xbf16> -> vector<16xf32>
      %unpack3A_827 = tpu.unpack_subelements %scan3A_736#11, 1 {pack_format = #tpu.pack_format<interleaved>} : vector<32xbf16> -> vector<16xf32>
      %add3A_828 = arith.constant 150 : i32
      %add3A_829 = vector.broadcast %add3A_828 : i32 to vector<16xi32>
      %add3A_830 = arith.addi %mul3A_6, %add3A_829 : vector<16xi32>
      tpu.vector_store_idx %arg7[%add3A_830], %unpack3A_826 : memref<5136xf32, #tpu.memory_space<vmem>>[vector<16xi32>], vector<16xf32>,
      %add3A_831 = arith.constant 151 : i32
      %add3A_832 = vector.broadcast %add3A_831 : i32 to vector<16xi32>
      %add3A_833 = arith.addi %mul3A_6, %add3A_832 : vector<16xi32>
      tpu.vector_store_idx %arg7[%add3A_833], %unpack3A_827 : memref<5136xf32, #tpu.memory_space<vmem>>[vector<16xi32>], vector<16xf32>,
      %unpack3A_834 = tpu.unpack_subelements %scan3A_736#12, 0 {pack_format = #tpu.pack_format<interleaved>} : vector<32xbf16> -> vector<16xf32>
      %unpack3A_835 = tpu.unpack_subelements %scan3A_736#12, 1 {pack_format = #tpu.pack_format<interleaved>} : vector<32xbf16> -> vector<16xf32>
      %add3A_836 = arith.constant 152 : i32
      %add3A_837 = vector.broadcast %add3A_836 : i32 to vector<16xi32>
      %add3A_838 = arith.addi %mul3A_6, %add3A_837 : vector<16xi32>
      tpu.vector_store_idx %arg7[%add3A_838], %unpack3A_834 : memref<5136xf32, #tpu.memory_space<vmem>>[vector<16xi32>], vector<16xf32>,
      %add3A_839 = arith.constant 153 : i32
      %add3A_840 = vector.broadcast %add3A_839 : i32 to vector<16xi32>
      %add3A_841 = arith.addi %mul3A_6, %add3A_840 : vector<16xi32>
      tpu.vector_store_idx %arg7[%add3A_841], %unpack3A_835 : memref<5136xf32, #tpu.memory_space<vmem>>[vector<16xi32>], vector<16xf32>,
      %unpack3A_842 = tpu.unpack_subelements %scan3A_736#13, 0 {pack_format = #tpu.pack_format<interleaved>} : vector<32xbf16> -> vector<16xf32>
      %unpack3A_843 = tpu.unpack_subelements %scan3A_736#13, 1 {pack_format = #tpu.pack_format<interleaved>} : vector<32xbf16> -> vector<16xf32>
      %add3A_844 = arith.constant 154 : i32
      %add3A_845 = vector.broadcast %add3A_844 : i32 to vector<16xi32>
      %add3A_846 = arith.addi %mul3A_6, %add3A_845 : vector<16xi32>
      tpu.vector_store_idx %arg7[%add3A_846], %unpack3A_842 : memref<5136xf32, #tpu.memory_space<vmem>>[vector<16xi32>], vector<16xf32>,
      %add3A_847 = arith.constant 155 : i32
      %add3A_848 = vector.broadcast %add3A_847 : i32 to vector<16xi32>
      %add3A_849 = arith.addi %mul3A_6, %add3A_848 : vector<16xi32>
      tpu.vector_store_idx %arg7[%add3A_849], %unpack3A_843 : memref<5136xf32, #tpu.memory_space<vmem>>[vector<16xi32>], vector<16xf32>,
      %unpack3A_850 = tpu.unpack_subelements %scan3A_736#14, 0 {pack_format = #tpu.pack_format<interleaved>} : vector<32xbf16> -> vector<16xf32>
      %unpack3A_851 = tpu.unpack_subelements %scan3A_736#14, 1 {pack_format = #tpu.pack_format<interleaved>} : vector<32xbf16> -> vector<16xf32>
      %add3A_852 = arith.constant 156 : i32
      %add3A_853 = vector.broadcast %add3A_852 : i32 to vector<16xi32>
      %add3A_854 = arith.addi %mul3A_6, %add3A_853 : vector<16xi32>
      tpu.vector_store_idx %arg7[%add3A_854], %unpack3A_850 : memref<5136xf32, #tpu.memory_space<vmem>>[vector<16xi32>], vector<16xf32>,
      %add3A_855 = arith.constant 157 : i32
      %add3A_856 = vector.broadcast %add3A_855 : i32 to vector<16xi32>
      %add3A_857 = arith.addi %mul3A_6, %add3A_856 : vector<16xi32>
      tpu.vector_store_idx %arg7[%add3A_857], %unpack3A_851 : memref<5136xf32, #tpu.memory_space<vmem>>[vector<16xi32>], vector<16xf32>,
      %unpack3A_858 = tpu.unpack_subelements %scan3A_736#15, 0 {pack_format = #tpu.pack_format<interleaved>} : vector<32xbf16> -> vector<16xf32>
      %unpack3A_859 = tpu.unpack_subelements %scan3A_736#15, 1 {pack_format = #tpu.pack_format<interleaved>} : vector<32xbf16> -> vector<16xf32>
      %add3A_860 = arith.constant 158 : i32
      %add3A_861 = vector.broadcast %add3A_860 : i32 to vector<16xi32>
      %add3A_862 = arith.addi %mul3A_6, %add3A_861 : vector<16xi32>
      tpu.vector_store_idx %arg7[%add3A_862], %unpack3A_858 : memref<5136xf32, #tpu.memory_space<vmem>>[vector<16xi32>], vector<16xf32>,
      %add3A_863 = arith.constant 159 : i32
      %add3A_864 = vector.broadcast %add3A_863 : i32 to vector<16xi32>
      %add3A_865 = arith.addi %mul3A_6, %add3A_864 : vector<16xi32>
      tpu.vector_store_idx %arg7[%add3A_865], %unpack3A_859 : memref<5136xf32, #tpu.memory_space<vmem>>[vector<16xi32>], vector<16xf32>,
      %unpack3A_866 = tpu.unpack_subelements %scan3A_736#16, 0 {pack_format = #tpu.pack_format<interleaved>} : vector<32xbf16> -> vector<16xf32>
      %unpack3A_867 = tpu.unpack_subelements %scan3A_736#16, 1 {pack_format = #tpu.pack_format<interleaved>} : vector<32xbf16> -> vector<16xf32>
      %add3A_868 = arith.constant 160 : i32
      %add3A_869 = vector.broadcast %add3A_868 : i32 to vector<16xi32>
      %add3A_870 = arith.addi %mul3A_6, %add3A_869 : vector<16xi32>
      tpu.vector_store_idx %arg7[%add3A_870], %unpack3A_866 : memref<5136xf32, #tpu.memory_space<vmem>>[vector<16xi32>], vector<16xf32>,
      %add3A_871 = arith.constant 161 : i32
      %add3A_872 = vector.broadcast %add3A_871 : i32 to vector<16xi32>
      %add3A_873 = arith.addi %mul3A_6, %add3A_872 : vector<16xi32>
      tpu.vector_store_idx %arg7[%add3A_873], %unpack3A_867 : memref<5136xf32, #tpu.memory_space<vmem>>[vector<16xi32>], vector<16xf32>,
      %unpack3A_874 = tpu.unpack_subelements %scan3A_736#17, 0 {pack_format = #tpu.pack_format<interleaved>} : vector<32xbf16> -> vector<16xf32>
      %unpack3A_875 = tpu.unpack_subelements %scan3A_736#17, 1 {pack_format = #tpu.pack_format<interleaved>} : vector<32xbf16> -> vector<16xf32>
      %add3A_876 = arith.constant 162 : i32
      %add3A_877 = vector.broadcast %add3A_876 : i32 to vector<16xi32>
      %add3A_878 = arith.addi %mul3A_6, %add3A_877 : vector<16xi32>
      tpu.vector_store_idx %arg7[%add3A_878], %unpack3A_874 : memref<5136xf32, #tpu.memory_space<vmem>>[vector<16xi32>], vector<16xf32>,
      %add3A_879 = arith.constant 163 : i32
      %add3A_880 = vector.broadcast %add3A_879 : i32 to vector<16xi32>
      %add3A_881 = arith.addi %mul3A_6, %add3A_880 : vector<16xi32>
      tpu.vector_store_idx %arg7[%add3A_881], %unpack3A_875 : memref<5136xf32, #tpu.memory_space<vmem>>[vector<16xi32>], vector<16xf32>,
      %unpack3A_882 = tpu.unpack_subelements %scan3A_736#18, 0 {pack_format = #tpu.pack_format<interleaved>} : vector<32xbf16> -> vector<16xf32>
      %unpack3A_883 = tpu.unpack_subelements %scan3A_736#18, 1 {pack_format = #tpu.pack_format<interleaved>} : vector<32xbf16> -> vector<16xf32>
      %add3A_884 = arith.constant 164 : i32
      %add3A_885 = vector.broadcast %add3A_884 : i32 to vector<16xi32>
      %add3A_886 = arith.addi %mul3A_6, %add3A_885 : vector<16xi32>
      tpu.vector_store_idx %arg7[%add3A_886], %unpack3A_882 : memref<5136xf32, #tpu.memory_space<vmem>>[vector<16xi32>], vector<16xf32>,
      %add3A_887 = arith.constant 165 : i32
      %add3A_888 = vector.broadcast %add3A_887 : i32 to vector<16xi32>
      %add3A_889 = arith.addi %mul3A_6, %add3A_888 : vector<16xi32>
      tpu.vector_store_idx %arg7[%add3A_889], %unpack3A_883 : memref<5136xf32, #tpu.memory_space<vmem>>[vector<16xi32>], vector<16xf32>,
      %unpack3A_890 = tpu.unpack_subelements %scan3A_736#19, 0 {pack_format = #tpu.pack_format<interleaved>} : vector<32xbf16> -> vector<16xf32>
      %unpack3A_891 = tpu.unpack_subelements %scan3A_736#19, 1 {pack_format = #tpu.pack_format<interleaved>} : vector<32xbf16> -> vector<16xf32>
      %add3A_892 = arith.constant 166 : i32
      %add3A_893 = vector.broadcast %add3A_892 : i32 to vector<16xi32>
      %add3A_894 = arith.addi %mul3A_6, %add3A_893 : vector<16xi32>
      tpu.vector_store_idx %arg7[%add3A_894], %unpack3A_890 : memref<5136xf32, #tpu.memory_space<vmem>>[vector<16xi32>], vector<16xf32>,
      %add3A_895 = arith.constant 167 : i32
      %add3A_896 = vector.broadcast %add3A_895 : i32 to vector<16xi32>
      %add3A_897 = arith.addi %mul3A_6, %add3A_896 : vector<16xi32>
      tpu.vector_store_idx %arg7[%add3A_897], %unpack3A_891 : memref<5136xf32, #tpu.memory_space<vmem>>[vector<16xi32>], vector<16xf32>,
      %unpack3A_898 = tpu.unpack_subelements %scan3A_736#20, 0 {pack_format = #tpu.pack_format<interleaved>} : vector<32xbf16> -> vector<16xf32>
      %unpack3A_899 = tpu.unpack_subelements %scan3A_736#20, 1 {pack_format = #tpu.pack_format<interleaved>} : vector<32xbf16> -> vector<16xf32>
      %add3A_900 = arith.constant 168 : i32
      %add3A_901 = vector.broadcast %add3A_900 : i32 to vector<16xi32>
      %add3A_902 = arith.addi %mul3A_6, %add3A_901 : vector<16xi32>
      tpu.vector_store_idx %arg7[%add3A_902], %unpack3A_898 : memref<5136xf32, #tpu.memory_space<vmem>>[vector<16xi32>], vector<16xf32>,
      %add3A_903 = arith.constant 169 : i32
      %add3A_904 = vector.broadcast %add3A_903 : i32 to vector<16xi32>
      %add3A_905 = arith.addi %mul3A_6, %add3A_904 : vector<16xi32>
      tpu.vector_store_idx %arg7[%add3A_905], %unpack3A_899 : memref<5136xf32, #tpu.memory_space<vmem>>[vector<16xi32>], vector<16xf32>,
      %unpack3A_906 = tpu.unpack_subelements %scan3A_736#21, 0 {pack_format = #tpu.pack_format<interleaved>} : vector<32xbf16> -> vector<16xf32>
      %unpack3A_907 = tpu.unpack_subelements %scan3A_736#21, 1 {pack_format = #tpu.pack_format<interleaved>} : vector<32xbf16> -> vector<16xf32>
      %add3A_908 = arith.constant 170 : i32
      %add3A_909 = vector.broadcast %add3A_908 : i32 to vector<16xi32>
      %add3A_910 = arith.addi %mul3A_6, %add3A_909 : vector<16xi32>
      tpu.vector_store_idx %arg7[%add3A_910], %unpack3A_906 : memref<5136xf32, #tpu.memory_space<vmem>>[vector<16xi32>], vector<16xf32>,
      %add3A_911 = arith.constant 171 : i32
      %add3A_912 = vector.broadcast %add3A_911 : i32 to vector<16xi32>
      %add3A_913 = arith.addi %mul3A_6, %add3A_912 : vector<16xi32>
      tpu.vector_store_idx %arg7[%add3A_913], %unpack3A_907 : memref<5136xf32, #tpu.memory_space<vmem>>[vector<16xi32>], vector<16xf32>,
      %unpack3A_914 = tpu.unpack_subelements %scan3A_736#22, 0 {pack_format = #tpu.pack_format<interleaved>} : vector<32xbf16> -> vector<16xf32>
      %unpack3A_915 = tpu.unpack_subelements %scan3A_736#22, 1 {pack_format = #tpu.pack_format<interleaved>} : vector<32xbf16> -> vector<16xf32>
      %add3A_916 = arith.constant 172 : i32
      %add3A_917 = vector.broadcast %add3A_916 : i32 to vector<16xi32>
      %add3A_918 = arith.addi %mul3A_6, %add3A_917 : vector<16xi32>
      tpu.vector_store_idx %arg7[%add3A_918], %unpack3A_914 : memref<5136xf32, #tpu.memory_space<vmem>>[vector<16xi32>], vector<16xf32>,
      %add3A_919 = arith.constant 173 : i32
      %add3A_920 = vector.broadcast %add3A_919 : i32 to vector<16xi32>
      %add3A_921 = arith.addi %mul3A_6, %add3A_920 : vector<16xi32>
      tpu.vector_store_idx %arg7[%add3A_921], %unpack3A_915 : memref<5136xf32, #tpu.memory_space<vmem>>[vector<16xi32>], vector<16xf32>,
      %unpack3A_922 = tpu.unpack_subelements %scan3A_736#23, 0 {pack_format = #tpu.pack_format<interleaved>} : vector<32xbf16> -> vector<16xf32>
      %unpack3A_923 = tpu.unpack_subelements %scan3A_736#23, 1 {pack_format = #tpu.pack_format<interleaved>} : vector<32xbf16> -> vector<16xf32>
      %add3A_924 = arith.constant 174 : i32
      %add3A_925 = vector.broadcast %add3A_924 : i32 to vector<16xi32>
      %add3A_926 = arith.addi %mul3A_6, %add3A_925 : vector<16xi32>
      tpu.vector_store_idx %arg7[%add3A_926], %unpack3A_922 : memref<5136xf32, #tpu.memory_space<vmem>>[vector<16xi32>], vector<16xf32>,
      %add3A_927 = arith.constant 175 : i32
      %add3A_928 = vector.broadcast %add3A_927 : i32 to vector<16xi32>
      %add3A_929 = arith.addi %mul3A_6, %add3A_928 : vector<16xi32>
      tpu.vector_store_idx %arg7[%add3A_929], %unpack3A_923 : memref<5136xf32, #tpu.memory_space<vmem>>[vector<16xi32>], vector<16xf32>,
      %unpack3A_930 = tpu.unpack_subelements %scan3A_736#24, 0 {pack_format = #tpu.pack_format<interleaved>} : vector<32xbf16> -> vector<16xf32>
      %unpack3A_931 = tpu.unpack_subelements %scan3A_736#24, 1 {pack_format = #tpu.pack_format<interleaved>} : vector<32xbf16> -> vector<16xf32>
      %add3A_932 = arith.constant 176 : i32
      %add3A_933 = vector.broadcast %add3A_932 : i32 to vector<16xi32>
      %add3A_934 = arith.addi %mul3A_6, %add3A_933 : vector<16xi32>
      tpu.vector_store_idx %arg7[%add3A_934], %unpack3A_930 : memref<5136xf32, #tpu.memory_space<vmem>>[vector<16xi32>], vector<16xf32>,
      %add3A_935 = arith.constant 177 : i32
      %add3A_936 = vector.broadcast %add3A_935 : i32 to vector<16xi32>
      %add3A_937 = arith.addi %mul3A_6, %add3A_936 : vector<16xi32>
      tpu.vector_store_idx %arg7[%add3A_937], %unpack3A_931 : memref<5136xf32, #tpu.memory_space<vmem>>[vector<16xi32>], vector<16xf32>,
      %unpack3A_938 = tpu.unpack_subelements %scan3A_736#25, 0 {pack_format = #tpu.pack_format<interleaved>} : vector<32xbf16> -> vector<16xf32>
      %unpack3A_939 = tpu.unpack_subelements %scan3A_736#25, 1 {pack_format = #tpu.pack_format<interleaved>} : vector<32xbf16> -> vector<16xf32>
      %add3A_940 = arith.constant 178 : i32
      %add3A_941 = vector.broadcast %add3A_940 : i32 to vector<16xi32>
      %add3A_942 = arith.addi %mul3A_6, %add3A_941 : vector<16xi32>
      tpu.vector_store_idx %arg7[%add3A_942], %unpack3A_938 : memref<5136xf32, #tpu.memory_space<vmem>>[vector<16xi32>], vector<16xf32>,
      %add3A_943 = arith.constant 179 : i32
      %add3A_944 = vector.broadcast %add3A_943 : i32 to vector<16xi32>
      %add3A_945 = arith.addi %mul3A_6, %add3A_944 : vector<16xi32>
      tpu.vector_store_idx %arg7[%add3A_945], %unpack3A_939 : memref<5136xf32, #tpu.memory_space<vmem>>[vector<16xi32>], vector<16xf32>,
      %unpack3A_946 = tpu.unpack_subelements %scan3A_736#26, 0 {pack_format = #tpu.pack_format<interleaved>} : vector<32xbf16> -> vector<16xf32>
      %unpack3A_947 = tpu.unpack_subelements %scan3A_736#26, 1 {pack_format = #tpu.pack_format<interleaved>} : vector<32xbf16> -> vector<16xf32>
      %add3A_948 = arith.constant 180 : i32
      %add3A_949 = vector.broadcast %add3A_948 : i32 to vector<16xi32>
      %add3A_950 = arith.addi %mul3A_6, %add3A_949 : vector<16xi32>
      tpu.vector_store_idx %arg7[%add3A_950], %unpack3A_946 : memref<5136xf32, #tpu.memory_space<vmem>>[vector<16xi32>], vector<16xf32>,
      %add3A_951 = arith.constant 181 : i32
      %add3A_952 = vector.broadcast %add3A_951 : i32 to vector<16xi32>
      %add3A_953 = arith.addi %mul3A_6, %add3A_952 : vector<16xi32>
      tpu.vector_store_idx %arg7[%add3A_953], %unpack3A_947 : memref<5136xf32, #tpu.memory_space<vmem>>[vector<16xi32>], vector<16xf32>,
      %unpack3A_954 = tpu.unpack_subelements %scan3A_736#27, 0 {pack_format = #tpu.pack_format<interleaved>} : vector<32xbf16> -> vector<16xf32>
      %unpack3A_955 = tpu.unpack_subelements %scan3A_736#27, 1 {pack_format = #tpu.pack_format<interleaved>} : vector<32xbf16> -> vector<16xf32>
      %add3A_956 = arith.constant 182 : i32
      %add3A_957 = vector.broadcast %add3A_956 : i32 to vector<16xi32>
      %add3A_958 = arith.addi %mul3A_6, %add3A_957 : vector<16xi32>
      tpu.vector_store_idx %arg7[%add3A_958], %unpack3A_954 : memref<5136xf32, #tpu.memory_space<vmem>>[vector<16xi32>], vector<16xf32>,
      %add3A_959 = arith.constant 183 : i32
      %add3A_960 = vector.broadcast %add3A_959 : i32 to vector<16xi32>
      %add3A_961 = arith.addi %mul3A_6, %add3A_960 : vector<16xi32>
      tpu.vector_store_idx %arg7[%add3A_961], %unpack3A_955 : memref<5136xf32, #tpu.memory_space<vmem>>[vector<16xi32>], vector<16xf32>,
      %unpack3A_962 = tpu.unpack_subelements %scan3A_736#28, 0 {pack_format = #tpu.pack_format<interleaved>} : vector<32xbf16> -> vector<16xf32>
      %unpack3A_963 = tpu.unpack_subelements %scan3A_736#28, 1 {pack_format = #tpu.pack_format<interleaved>} : vector<32xbf16> -> vector<16xf32>
      %add3A_964 = arith.constant 184 : i32
      %add3A_965 = vector.broadcast %add3A_964 : i32 to vector<16xi32>
      %add3A_966 = arith.addi %mul3A_6, %add3A_965 : vector<16xi32>
      tpu.vector_store_idx %arg7[%add3A_966], %unpack3A_962 : memref<5136xf32, #tpu.memory_space<vmem>>[vector<16xi32>], vector<16xf32>,
      %add3A_967 = arith.constant 185 : i32
      %add3A_968 = vector.broadcast %add3A_967 : i32 to vector<16xi32>
      %add3A_969 = arith.addi %mul3A_6, %add3A_968 : vector<16xi32>
      tpu.vector_store_idx %arg7[%add3A_969], %unpack3A_963 : memref<5136xf32, #tpu.memory_space<vmem>>[vector<16xi32>], vector<16xf32>,
      %unpack3A_970 = tpu.unpack_subelements %scan3A_736#29, 0 {pack_format = #tpu.pack_format<interleaved>} : vector<32xbf16> -> vector<16xf32>
      %unpack3A_971 = tpu.unpack_subelements %scan3A_736#29, 1 {pack_format = #tpu.pack_format<interleaved>} : vector<32xbf16> -> vector<16xf32>
      %add3A_972 = arith.constant 186 : i32
      %add3A_973 = vector.broadcast %add3A_972 : i32 to vector<16xi32>
      %add3A_974 = arith.addi %mul3A_6, %add3A_973 : vector<16xi32>
      tpu.vector_store_idx %arg7[%add3A_974], %unpack3A_970 : memref<5136xf32, #tpu.memory_space<vmem>>[vector<16xi32>], vector<16xf32>,
      %add3A_975 = arith.constant 187 : i32
      %add3A_976 = vector.broadcast %add3A_975 : i32 to vector<16xi32>
      %add3A_977 = arith.addi %mul3A_6, %add3A_976 : vector<16xi32>
      tpu.vector_store_idx %arg7[%add3A_977], %unpack3A_971 : memref<5136xf32, #tpu.memory_space<vmem>>[vector<16xi32>], vector<16xf32>,
      %unpack3A_978 = tpu.unpack_subelements %scan3A_736#30, 0 {pack_format = #tpu.pack_format<interleaved>} : vector<32xbf16> -> vector<16xf32>
      %unpack3A_979 = tpu.unpack_subelements %scan3A_736#30, 1 {pack_format = #tpu.pack_format<interleaved>} : vector<32xbf16> -> vector<16xf32>
      %add3A_980 = arith.constant 188 : i32
      %add3A_981 = vector.broadcast %add3A_980 : i32 to vector<16xi32>
      %add3A_982 = arith.addi %mul3A_6, %add3A_981 : vector<16xi32>
      tpu.vector_store_idx %arg7[%add3A_982], %unpack3A_978 : memref<5136xf32, #tpu.memory_space<vmem>>[vector<16xi32>], vector<16xf32>,
      %add3A_983 = arith.constant 189 : i32
      %add3A_984 = vector.broadcast %add3A_983 : i32 to vector<16xi32>
      %add3A_985 = arith.addi %mul3A_6, %add3A_984 : vector<16xi32>
      tpu.vector_store_idx %arg7[%add3A_985], %unpack3A_979 : memref<5136xf32, #tpu.memory_space<vmem>>[vector<16xi32>], vector<16xf32>,
      %unpack3A_986 = tpu.unpack_subelements %scan3A_736#31, 0 {pack_format = #tpu.pack_format<interleaved>} : vector<32xbf16> -> vector<16xf32>
      %unpack3A_987 = tpu.unpack_subelements %scan3A_736#31, 1 {pack_format = #tpu.pack_format<interleaved>} : vector<32xbf16> -> vector<16xf32>
      %add3A_988 = arith.constant 190 : i32
      %add3A_989 = vector.broadcast %add3A_988 : i32 to vector<16xi32>
      %add3A_990 = arith.addi %mul3A_6, %add3A_989 : vector<16xi32>
      tpu.vector_store_idx %arg7[%add3A_990], %unpack3A_986 : memref<5136xf32, #tpu.memory_space<vmem>>[vector<16xi32>], vector<16xf32>,
      %add3A_991 = arith.constant 191 : i32
      %add3A_992 = vector.broadcast %add3A_991 : i32 to vector<16xi32>
      %add3A_993 = arith.addi %mul3A_6, %add3A_992 : vector<16xi32>
      tpu.vector_store_idx %arg7[%add3A_993], %unpack3A_987 : memref<5136xf32, #tpu.memory_space<vmem>>[vector<16xi32>], vector<16xf32>,
      %broadcast_in_dim3A_994 = arith.constant 0.000000e+00 : bf16
      %broadcast_in_dim3A_995 = vector.broadcast %broadcast_in_dim3A_994 : bf16 to vector<32xbf16>
      %broadcast_in_dim3A_996 = arith.constant 0.000000e+00 : bf16
      %broadcast_in_dim3A_997 = vector.broadcast %broadcast_in_dim3A_996 : bf16 to vector<32xbf16>
      %broadcast_in_dim3A_998 = arith.constant 0.000000e+00 : bf16
      %broadcast_in_dim3A_999 = vector.broadcast %broadcast_in_dim3A_998 : bf16 to vector<32xbf16>
      %broadcast_in_dim3A_1000 = arith.constant 0.000000e+00 : bf16
      %broadcast_in_dim3A_1001 = vector.broadcast %broadcast_in_dim3A_1000 : bf16 to vector<32xbf16>
      %broadcast_in_dim3A_1002 = arith.constant 0.000000e+00 : bf16
      %broadcast_in_dim3A_1003 = vector.broadcast %broadcast_in_dim3A_1002 : bf16 to vector<32xbf16>
      %broadcast_in_dim3A_1004 = arith.constant 0.000000e+00 : bf16
      %broadcast_in_dim3A_1005 = vector.broadcast %broadcast_in_dim3A_1004 : bf16 to vector<32xbf16>
      %broadcast_in_dim3A_1006 = arith.constant 0.000000e+00 : bf16
      %broadcast_in_dim3A_1007 = vector.broadcast %broadcast_in_dim3A_1006 : bf16 to vector<32xbf16>
      %broadcast_in_dim3A_1008 = arith.constant 0.000000e+00 : bf16
      %broadcast_in_dim3A_1009 = vector.broadcast %broadcast_in_dim3A_1008 : bf16 to vector<32xbf16>
      %broadcast_in_dim3A_1010 = arith.constant 0.000000e+00 : bf16
      %broadcast_in_dim3A_1011 = vector.broadcast %broadcast_in_dim3A_1010 : bf16 to vector<32xbf16>
      %broadcast_in_dim3A_1012 = arith.constant 0.000000e+00 : bf16
      %broadcast_in_dim3A_1013 = vector.broadcast %broadcast_in_dim3A_1012 : bf16 to vector<32xbf16>
      %broadcast_in_dim3A_1014 = arith.constant 0.000000e+00 : bf16
      %broadcast_in_dim3A_1015 = vector.broadcast %broadcast_in_dim3A_1014 : bf16 to vector<32xbf16>
      %broadcast_in_dim3A_1016 = arith.constant 0.000000e+00 : bf16
      %broadcast_in_dim3A_1017 = vector.broadcast %broadcast_in_dim3A_1016 : bf16 to vector<32xbf16>
      %broadcast_in_dim3A_1018 = arith.constant 0.000000e+00 : bf16
      %broadcast_in_dim3A_1019 = vector.broadcast %broadcast_in_dim3A_1018 : bf16 to vector<32xbf16>
      %broadcast_in_dim3A_1020 = arith.constant 0.000000e+00 : bf16
      %broadcast_in_dim3A_1021 = vector.broadcast %broadcast_in_dim3A_1020 : bf16 to vector<32xbf16>
      %broadcast_in_dim3A_1022 = arith.constant 0.000000e+00 : bf16
      %broadcast_in_dim3A_1023 = vector.broadcast %broadcast_in_dim3A_1022 : bf16 to vector<32xbf16>
      %broadcast_in_dim3A_1024 = arith.constant 0.000000e+00 : bf16
      %broadcast_in_dim3A_1025 = vector.broadcast %broadcast_in_dim3A_1024 : bf16 to vector<32xbf16>
      %broadcast_in_dim3A_1026 = arith.constant 0.000000e+00 : bf16
      %broadcast_in_dim3A_1027 = vector.broadcast %broadcast_in_dim3A_1026 : bf16 to vector<32xbf16>
      %broadcast_in_dim3A_1028 = arith.constant 0.000000e+00 : bf16
      %broadcast_in_dim3A_1029 = vector.broadcast %broadcast_in_dim3A_1028 : bf16 to vector<32xbf16>
      %broadcast_in_dim3A_1030 = arith.constant 0.000000e+00 : bf16
      %broadcast_in_dim3A_1031 = vector.broadcast %broadcast_in_dim3A_1030 : bf16 to vector<32xbf16>
      %broadcast_in_dim3A_1032 = arith.constant 0.000000e+00 : bf16
      %broadcast_in_dim3A_1033 = vector.broadcast %broadcast_in_dim3A_1032 : bf16 to vector<32xbf16>
      %broadcast_in_dim3A_1034 = arith.constant 0.000000e+00 : bf16
      %broadcast_in_dim3A_1035 = vector.broadcast %broadcast_in_dim3A_1034 : bf16 to vector<32xbf16>
      %broadcast_in_dim3A_1036 = arith.constant 0.000000e+00 : bf16
      %broadcast_in_dim3A_1037 = vector.broadcast %broadcast_in_dim3A_1036 : bf16 to vector<32xbf16>
      %broadcast_in_dim3A_1038 = arith.constant 0.000000e+00 : bf16
      %broadcast_in_dim3A_1039 = vector.broadcast %broadcast_in_dim3A_1038 : bf16 to vector<32xbf16>
      %broadcast_in_dim3A_1040 = arith.constant 0.000000e+00 : bf16
      %broadcast_in_dim3A_1041 = vector.broadcast %broadcast_in_dim3A_1040 : bf16 to vector<32xbf16>
      %broadcast_in_dim3A_1042 = arith.constant 0.000000e+00 : bf16
      %broadcast_in_dim3A_1043 = vector.broadcast %broadcast_in_dim3A_1042 : bf16 to vector<32xbf16>
      %broadcast_in_dim3A_1044 = arith.constant 0.000000e+00 : bf16
      %broadcast_in_dim3A_1045 = vector.broadcast %broadcast_in_dim3A_1044 : bf16 to vector<32xbf16>
      %broadcast_in_dim3A_1046 = arith.constant 0.000000e+00 : bf16
      %broadcast_in_dim3A_1047 = vector.broadcast %broadcast_in_dim3A_1046 : bf16 to vector<32xbf16>
      %broadcast_in_dim3A_1048 = arith.constant 0.000000e+00 : bf16
      %broadcast_in_dim3A_1049 = vector.broadcast %broadcast_in_dim3A_1048 : bf16 to vector<32xbf16>
      %broadcast_in_dim3A_1050 = arith.constant 0.000000e+00 : bf16
      %broadcast_in_dim3A_1051 = vector.broadcast %broadcast_in_dim3A_1050 : bf16 to vector<32xbf16>
      %broadcast_in_dim3A_1052 = arith.constant 0.000000e+00 : bf16
      %broadcast_in_dim3A_1053 = vector.broadcast %broadcast_in_dim3A_1052 : bf16 to vector<32xbf16>
      %broadcast_in_dim3A_1054 = arith.constant 0.000000e+00 : bf16
      %broadcast_in_dim3A_1055 = vector.broadcast %broadcast_in_dim3A_1054 : bf16 to vector<32xbf16>
      %broadcast_in_dim3A_1056 = arith.constant 0.000000e+00 : bf16
      %broadcast_in_dim3A_1057 = vector.broadcast %broadcast_in_dim3A_1056 : bf16 to vector<32xbf16>
      %scan3A_1058 = arith.constant 0 : i32
      %scan3A_1059 = arith.constant 40 : i32
      %scan3A_1060 = arith.addi %scan3A_1058, %scan3A_1059 : i32
      %scan3A_1061 = arith.constant 1 : i32
      %scan3A_1062:32 = scf.for %scan3A_1648 = %scan3A_1058 to %scan3A_1060 step %scan3A_1061 iter_args(%scan3A_1649 = %broadcast_in_dim3A_995, %scan3A_1650 = %broadcast_in_dim3A_997, %scan3A_1651 = %broadcast_in_dim3A_999, %scan3A_1652 = %broadcast_in_dim3A_1001, %scan3A_1653 = %broadcast_in_dim3A_1003, %scan3A_1654 = %broadcast_in_dim3A_1005, %scan3A_1655 = %broadcast_in_dim3A_1007, %scan3A_1656 = %broadcast_in_dim3A_1009, %scan3A_1657 = %broadcast_in_dim3A_1011, %scan3A_1658 = %broadcast_in_dim3A_1013, %scan3A_1659 = %broadcast_in_dim3A_1015, %scan3A_1660 = %broadcast_in_dim3A_1017, %scan3A_1661 = %broadcast_in_dim3A_1019, %scan3A_1662 = %broadcast_in_dim3A_1021, %scan3A_1663 = %broadcast_in_dim3A_1023, %scan3A_1664 = %broadcast_in_dim3A_1025, %scan3A_1665 = %broadcast_in_dim3A_1027, %scan3A_1666 = %broadcast_in_dim3A_1029, %scan3A_1667 = %broadcast_in_dim3A_1031, %scan3A_1668 = %broadcast_in_dim3A_1033, %scan3A_1669 = %broadcast_in_dim3A_1035, %scan3A_1670 = %broadcast_in_dim3A_1037, %scan3A_1671 = %broadcast_in_dim3A_1039, %scan3A_1672 = %broadcast_in_dim3A_1041, %scan3A_1673 = %broadcast_in_dim3A_1043, %scan3A_1674 = %broadcast_in_dim3A_1045, %scan3A_1675 = %broadcast_in_dim3A_1047, %scan3A_1676 = %broadcast_in_dim3A_1049, %scan3A_1677 = %broadcast_in_dim3A_1051, %scan3A_1678 = %broadcast_in_dim3A_1053, %scan3A_1679 = %broadcast_in_dim3A_1055, %scan3A_1680 = %broadcast_in_dim3A_1057) -> (vector<32xbf16>, vector<32xbf16>, vector<32xbf16>, vector<32xbf16>, vector<32xbf16>, vector<32xbf16>, vector<32xbf16>, vector<32xbf16>, vector<32xbf16>, vector<32xbf16>, vector<32xbf16>, vector<32xbf16>, vector<32xbf16>, vector<32xbf16>, vector<32xbf16>, vector<32xbf16>, vector<32xbf16>, vector<32xbf16>, vector<32xbf16>, vector<32xbf16>, vector<32xbf16>, vector<32xbf16>, vector<32xbf16>, vector<32xbf16>, vector<32xbf16>, vector<32xbf16>, vector<32xbf16>, vector<32xbf16>, vector<32xbf16>, vector<32xbf16>, vector<32xbf16>, vector<32xbf16>)  : i32 {
        %add3A_1681 = arith.constant 120 : i32
        %add3A_1682 = arith.addi %add3A_1681, %scan3A_1648 : i32
        %add3A_1683 = vector.broadcast %add3A_1682 : i32 to vector<16xi32>
        %add3A_1684 = arith.addi %mul3A_3, %add3A_1683 : vector<16xi32>
        %gather3A = tpu.vector_load_idx %arg5[%add3A_1684] : memref<3216xi32, #tpu.memory_space<vmem>>[vector<16xi32>], vector<16xi32>,
        %mul3A_1685 = arith.constant 33 : i32
        %mul3A_1686 = vector.broadcast %mul3A_1685 : i32 to vector<16xi32>
        %mul3A_1687 = arith.muli %gather3A, %mul3A_1686 : vector<16xi32>
        %add3A_1688 = arith.constant 0 : i32
        %add3A_1689 = vector.broadcast %add3A_1688 : i32 to vector<16xi32>
        %add3A_1690 = arith.addi %mul3A_1687, %add3A_1689 : vector<16xi32>
        %gather3A_1691 = tpu.vector_load_idx %arg6[%add3A_1690] : memref<3300xi32, #tpu.memory_space<vmem>>[vector<16xi32>], vector<16xi32>,
        %bitcast3A = vector.bitcast %gather3A_1691 : vector<16xi32> to vector<32xbf16>
        %add3A_1692 = arith.addf %scan3A_1649, %bitcast3A : vector<32xbf16>
        %add3A_1693 = arith.constant 1 : i32
        %add3A_1694 = vector.broadcast %add3A_1693 : i32 to vector<16xi32>
        %add3A_1695 = arith.addi %mul3A_1687, %add3A_1694 : vector<16xi32>
        %gather3A_1696 = tpu.vector_load_idx %arg6[%add3A_1695] : memref<3300xi32, #tpu.memory_space<vmem>>[vector<16xi32>], vector<16xi32>,
        %bitcast3A_1697 = vector.bitcast %gather3A_1696 : vector<16xi32> to vector<32xbf16>
        %add3A_1698 = arith.addf %scan3A_1650, %bitcast3A_1697 : vector<32xbf16>
        %add3A_1699 = arith.constant 2 : i32
        %add3A_1700 = vector.broadcast %add3A_1699 : i32 to vector<16xi32>
        %add3A_1701 = arith.addi %mul3A_1687, %add3A_1700 : vector<16xi32>
        %gather3A_1702 = tpu.vector_load_idx %arg6[%add3A_1701] : memref<3300xi32, #tpu.memory_space<vmem>>[vector<16xi32>], vector<16xi32>,
        %bitcast3A_1703 = vector.bitcast %gather3A_1702 : vector<16xi32> to vector<32xbf16>
        %add3A_1704 = arith.addf %scan3A_1651, %bitcast3A_1703 : vector<32xbf16>
        %add3A_1705 = arith.constant 3 : i32
        %add3A_1706 = vector.broadcast %add3A_1705 : i32 to vector<16xi32>
        %add3A_1707 = arith.addi %mul3A_1687, %add3A_1706 : vector<16xi32>
        %gather3A_1708 = tpu.vector_load_idx %arg6[%add3A_1707] : memref<3300xi32, #tpu.memory_space<vmem>>[vector<16xi32>], vector<16xi32>,
        %bitcast3A_1709 = vector.bitcast %gather3A_1708 : vector<16xi32> to vector<32xbf16>
        %add3A_1710 = arith.addf %scan3A_1652, %bitcast3A_1709 : vector<32xbf16>
        %add3A_1711 = arith.constant 4 : i32
        %add3A_1712 = vector.broadcast %add3A_1711 : i32 to vector<16xi32>
        %add3A_1713 = arith.addi %mul3A_1687, %add3A_1712 : vector<16xi32>
        %gather3A_1714 = tpu.vector_load_idx %arg6[%add3A_1713] : memref<3300xi32, #tpu.memory_space<vmem>>[vector<16xi32>], vector<16xi32>,
        %bitcast3A_1715 = vector.bitcast %gather3A_1714 : vector<16xi32> to vector<32xbf16>
        %add3A_1716 = arith.addf %scan3A_1653, %bitcast3A_1715 : vector<32xbf16>
        %add3A_1717 = arith.constant 5 : i32
        %add3A_1718 = vector.broadcast %add3A_1717 : i32 to vector<16xi32>
        %add3A_1719 = arith.addi %mul3A_1687, %add3A_1718 : vector<16xi32>
        %gather3A_1720 = tpu.vector_load_idx %arg6[%add3A_1719] : memref<3300xi32, #tpu.memory_space<vmem>>[vector<16xi32>], vector<16xi32>,
        %bitcast3A_1721 = vector.bitcast %gather3A_1720 : vector<16xi32> to vector<32xbf16>
        %add3A_1722 = arith.addf %scan3A_1654, %bitcast3A_1721 : vector<32xbf16>
        %add3A_1723 = arith.constant 6 : i32
        %add3A_1724 = vector.broadcast %add3A_1723 : i32 to vector<16xi32>
        %add3A_1725 = arith.addi %mul3A_1687, %add3A_1724 : vector<16xi32>
        %gather3A_1726 = tpu.vector_load_idx %arg6[%add3A_1725] : memref<3300xi32, #tpu.memory_space<vmem>>[vector<16xi32>], vector<16xi32>,
        %bitcast3A_1727 = vector.bitcast %gather3A_1726 : vector<16xi32> to vector<32xbf16>
        %add3A_1728 = arith.addf %scan3A_1655, %bitcast3A_1727 : vector<32xbf16>
        %add3A_1729 = arith.constant 7 : i32
        %add3A_1730 = vector.broadcast %add3A_1729 : i32 to vector<16xi32>
        %add3A_1731 = arith.addi %mul3A_1687, %add3A_1730 : vector<16xi32>
        %gather3A_1732 = tpu.vector_load_idx %arg6[%add3A_1731] : memref<3300xi32, #tpu.memory_space<vmem>>[vector<16xi32>], vector<16xi32>,
        %bitcast3A_1733 = vector.bitcast %gather3A_1732 : vector<16xi32> to vector<32xbf16>
        %add3A_1734 = arith.addf %scan3A_1656, %bitcast3A_1733 : vector<32xbf16>
        %add3A_1735 = arith.constant 8 : i32
        %add3A_1736 = vector.broadcast %add3A_1735 : i32 to vector<16xi32>
        %add3A_1737 = arith.addi %mul3A_1687, %add3A_1736 : vector<16xi32>
        %gather3A_1738 = tpu.vector_load_idx %arg6[%add3A_1737] : memref<3300xi32, #tpu.memory_space<vmem>>[vector<16xi32>], vector<16xi32>,
        %bitcast3A_1739 = vector.bitcast %gather3A_1738 : vector<16xi32> to vector<32xbf16>
        %add3A_1740 = arith.addf %scan3A_1657, %bitcast3A_1739 : vector<32xbf16>
        %add3A_1741 = arith.constant 9 : i32
        %add3A_1742 = vector.broadcast %add3A_1741 : i32 to vector<16xi32>
        %add3A_1743 = arith.addi %mul3A_1687, %add3A_1742 : vector<16xi32>
        %gather3A_1744 = tpu.vector_load_idx %arg6[%add3A_1743] : memref<3300xi32, #tpu.memory_space<vmem>>[vector<16xi32>], vector<16xi32>,
        %bitcast3A_1745 = vector.bitcast %gather3A_1744 : vector<16xi32> to vector<32xbf16>
        %add3A_1746 = arith.addf %scan3A_1658, %bitcast3A_1745 : vector<32xbf16>
        %add3A_1747 = arith.constant 10 : i32
        %add3A_1748 = vector.broadcast %add3A_1747 : i32 to vector<16xi32>
        %add3A_1749 = arith.addi %mul3A_1687, %add3A_1748 : vector<16xi32>
        %gather3A_1750 = tpu.vector_load_idx %arg6[%add3A_1749] : memref<3300xi32, #tpu.memory_space<vmem>>[vector<16xi32>], vector<16xi32>,
        %bitcast3A_1751 = vector.bitcast %gather3A_1750 : vector<16xi32> to vector<32xbf16>
        %add3A_1752 = arith.addf %scan3A_1659, %bitcast3A_1751 : vector<32xbf16>
        %add3A_1753 = arith.constant 11 : i32
        %add3A_1754 = vector.broadcast %add3A_1753 : i32 to vector<16xi32>
        %add3A_1755 = arith.addi %mul3A_1687, %add3A_1754 : vector<16xi32>
        %gather3A_1756 = tpu.vector_load_idx %arg6[%add3A_1755] : memref<3300xi32, #tpu.memory_space<vmem>>[vector<16xi32>], vector<16xi32>,
        %bitcast3A_1757 = vector.bitcast %gather3A_1756 : vector<16xi32> to vector<32xbf16>
        %add3A_1758 = arith.addf %scan3A_1660, %bitcast3A_1757 : vector<32xbf16>
        %add3A_1759 = arith.constant 12 : i32
        %add3A_1760 = vector.broadcast %add3A_1759 : i32 to vector<16xi32>
        %add3A_1761 = arith.addi %mul3A_1687, %add3A_1760 : vector<16xi32>
        %gather3A_1762 = tpu.vector_load_idx %arg6[%add3A_1761] : memref<3300xi32, #tpu.memory_space<vmem>>[vector<16xi32>], vector<16xi32>,
        %bitcast3A_1763 = vector.bitcast %gather3A_1762 : vector<16xi32> to vector<32xbf16>
        %add3A_1764 = arith.addf %scan3A_1661, %bitcast3A_1763 : vector<32xbf16>
        %add3A_1765 = arith.constant 13 : i32
        %add3A_1766 = vector.broadcast %add3A_1765 : i32 to vector<16xi32>
        %add3A_1767 = arith.addi %mul3A_1687, %add3A_1766 : vector<16xi32>
        %gather3A_1768 = tpu.vector_load_idx %arg6[%add3A_1767] : memref<3300xi32, #tpu.memory_space<vmem>>[vector<16xi32>], vector<16xi32>,
        %bitcast3A_1769 = vector.bitcast %gather3A_1768 : vector<16xi32> to vector<32xbf16>
        %add3A_1770 = arith.addf %scan3A_1662, %bitcast3A_1769 : vector<32xbf16>
        %add3A_1771 = arith.constant 14 : i32
        %add3A_1772 = vector.broadcast %add3A_1771 : i32 to vector<16xi32>
        %add3A_1773 = arith.addi %mul3A_1687, %add3A_1772 : vector<16xi32>
        %gather3A_1774 = tpu.vector_load_idx %arg6[%add3A_1773] : memref<3300xi32, #tpu.memory_space<vmem>>[vector<16xi32>], vector<16xi32>,
        %bitcast3A_1775 = vector.bitcast %gather3A_1774 : vector<16xi32> to vector<32xbf16>
        %add3A_1776 = arith.addf %scan3A_1663, %bitcast3A_1775 : vector<32xbf16>
        %add3A_1777 = arith.constant 15 : i32
        %add3A_1778 = vector.broadcast %add3A_1777 : i32 to vector<16xi32>
        %add3A_1779 = arith.addi %mul3A_1687, %add3A_1778 : vector<16xi32>
        %gather3A_1780 = tpu.vector_load_idx %arg6[%add3A_1779] : memref<3300xi32, #tpu.memory_space<vmem>>[vector<16xi32>], vector<16xi32>,
        %bitcast3A_1781 = vector.bitcast %gather3A_1780 : vector<16xi32> to vector<32xbf16>
        %add3A_1782 = arith.addf %scan3A_1664, %bitcast3A_1781 : vector<32xbf16>
        %add3A_1783 = arith.constant 16 : i32
        %add3A_1784 = vector.broadcast %add3A_1783 : i32 to vector<16xi32>
        %add3A_1785 = arith.addi %mul3A_1687, %add3A_1784 : vector<16xi32>
        %gather3A_1786 = tpu.vector_load_idx %arg6[%add3A_1785] : memref<3300xi32, #tpu.memory_space<vmem>>[vector<16xi32>], vector<16xi32>,
        %bitcast3A_1787 = vector.bitcast %gather3A_1786 : vector<16xi32> to vector<32xbf16>
        %add3A_1788 = arith.addf %scan3A_1665, %bitcast3A_1787 : vector<32xbf16>
        %add3A_1789 = arith.constant 17 : i32
        %add3A_1790 = vector.broadcast %add3A_1789 : i32 to vector<16xi32>
        %add3A_1791 = arith.addi %mul3A_1687, %add3A_1790 : vector<16xi32>
        %gather3A_1792 = tpu.vector_load_idx %arg6[%add3A_1791] : memref<3300xi32, #tpu.memory_space<vmem>>[vector<16xi32>], vector<16xi32>,
        %bitcast3A_1793 = vector.bitcast %gather3A_1792 : vector<16xi32> to vector<32xbf16>
        %add3A_1794 = arith.addf %scan3A_1666, %bitcast3A_1793 : vector<32xbf16>
        %add3A_1795 = arith.constant 18 : i32
        %add3A_1796 = vector.broadcast %add3A_1795 : i32 to vector<16xi32>
        %add3A_1797 = arith.addi %mul3A_1687, %add3A_1796 : vector<16xi32>
        %gather3A_1798 = tpu.vector_load_idx %arg6[%add3A_1797] : memref<3300xi32, #tpu.memory_space<vmem>>[vector<16xi32>], vector<16xi32>,
        %bitcast3A_1799 = vector.bitcast %gather3A_1798 : vector<16xi32> to vector<32xbf16>
        %add3A_1800 = arith.addf %scan3A_1667, %bitcast3A_1799 : vector<32xbf16>
        %add3A_1801 = arith.constant 19 : i32
        %add3A_1802 = vector.broadcast %add3A_1801 : i32 to vector<16xi32>
        %add3A_1803 = arith.addi %mul3A_1687, %add3A_1802 : vector<16xi32>
        %gather3A_1804 = tpu.vector_load_idx %arg6[%add3A_1803] : memref<3300xi32, #tpu.memory_space<vmem>>[vector<16xi32>], vector<16xi32>,
        %bitcast3A_1805 = vector.bitcast %gather3A_1804 : vector<16xi32> to vector<32xbf16>
        %add3A_1806 = arith.addf %scan3A_1668, %bitcast3A_1805 : vector<32xbf16>
        %add3A_1807 = arith.constant 20 : i32
        %add3A_1808 = vector.broadcast %add3A_1807 : i32 to vector<16xi32>
        %add3A_1809 = arith.addi %mul3A_1687, %add3A_1808 : vector<16xi32>
        %gather3A_1810 = tpu.vector_load_idx %arg6[%add3A_1809] : memref<3300xi32, #tpu.memory_space<vmem>>[vector<16xi32>], vector<16xi32>,
        %bitcast3A_1811 = vector.bitcast %gather3A_1810 : vector<16xi32> to vector<32xbf16>
        %add3A_1812 = arith.addf %scan3A_1669, %bitcast3A_1811 : vector<32xbf16>
        %add3A_1813 = arith.constant 21 : i32
        %add3A_1814 = vector.broadcast %add3A_1813 : i32 to vector<16xi32>
        %add3A_1815 = arith.addi %mul3A_1687, %add3A_1814 : vector<16xi32>
        %gather3A_1816 = tpu.vector_load_idx %arg6[%add3A_1815] : memref<3300xi32, #tpu.memory_space<vmem>>[vector<16xi32>], vector<16xi32>,
        %bitcast3A_1817 = vector.bitcast %gather3A_1816 : vector<16xi32> to vector<32xbf16>
        %add3A_1818 = arith.addf %scan3A_1670, %bitcast3A_1817 : vector<32xbf16>
        %add3A_1819 = arith.constant 22 : i32
        %add3A_1820 = vector.broadcast %add3A_1819 : i32 to vector<16xi32>
        %add3A_1821 = arith.addi %mul3A_1687, %add3A_1820 : vector<16xi32>
        %gather3A_1822 = tpu.vector_load_idx %arg6[%add3A_1821] : memref<3300xi32, #tpu.memory_space<vmem>>[vector<16xi32>], vector<16xi32>,
        %bitcast3A_1823 = vector.bitcast %gather3A_1822 : vector<16xi32> to vector<32xbf16>
        %add3A_1824 = arith.addf %scan3A_1671, %bitcast3A_1823 : vector<32xbf16>
        %add3A_1825 = arith.constant 23 : i32
        %add3A_1826 = vector.broadcast %add3A_1825 : i32 to vector<16xi32>
        %add3A_1827 = arith.addi %mul3A_1687, %add3A_1826 : vector<16xi32>
        %gather3A_1828 = tpu.vector_load_idx %arg6[%add3A_1827] : memref<3300xi32, #tpu.memory_space<vmem>>[vector<16xi32>], vector<16xi32>,
        %bitcast3A_1829 = vector.bitcast %gather3A_1828 : vector<16xi32> to vector<32xbf16>
        %add3A_1830 = arith.addf %scan3A_1672, %bitcast3A_1829 : vector<32xbf16>
        %add3A_1831 = arith.constant 24 : i32
        %add3A_1832 = vector.broadcast %add3A_1831 : i32 to vector<16xi32>
        %add3A_1833 = arith.addi %mul3A_1687, %add3A_1832 : vector<16xi32>
        %gather3A_1834 = tpu.vector_load_idx %arg6[%add3A_1833] : memref<3300xi32, #tpu.memory_space<vmem>>[vector<16xi32>], vector<16xi32>,
        %bitcast3A_1835 = vector.bitcast %gather3A_1834 : vector<16xi32> to vector<32xbf16>
        %add3A_1836 = arith.addf %scan3A_1673, %bitcast3A_1835 : vector<32xbf16>
        %add3A_1837 = arith.constant 25 : i32
        %add3A_1838 = vector.broadcast %add3A_1837 : i32 to vector<16xi32>
        %add3A_1839 = arith.addi %mul3A_1687, %add3A_1838 : vector<16xi32>
        %gather3A_1840 = tpu.vector_load_idx %arg6[%add3A_1839] : memref<3300xi32, #tpu.memory_space<vmem>>[vector<16xi32>], vector<16xi32>,
        %bitcast3A_1841 = vector.bitcast %gather3A_1840 : vector<16xi32> to vector<32xbf16>
        %add3A_1842 = arith.addf %scan3A_1674, %bitcast3A_1841 : vector<32xbf16>
        %add3A_1843 = arith.constant 26 : i32
        %add3A_1844 = vector.broadcast %add3A_1843 : i32 to vector<16xi32>
        %add3A_1845 = arith.addi %mul3A_1687, %add3A_1844 : vector<16xi32>
        %gather3A_1846 = tpu.vector_load_idx %arg6[%add3A_1845] : memref<3300xi32, #tpu.memory_space<vmem>>[vector<16xi32>], vector<16xi32>,
        %bitcast3A_1847 = vector.bitcast %gather3A_1846 : vector<16xi32> to vector<32xbf16>
        %add3A_1848 = arith.addf %scan3A_1675, %bitcast3A_1847 : vector<32xbf16>
        %add3A_1849 = arith.constant 27 : i32
        %add3A_1850 = vector.broadcast %add3A_1849 : i32 to vector<16xi32>
        %add3A_1851 = arith.addi %mul3A_1687, %add3A_1850 : vector<16xi32>
        %gather3A_1852 = tpu.vector_load_idx %arg6[%add3A_1851] : memref<3300xi32, #tpu.memory_space<vmem>>[vector<16xi32>], vector<16xi32>,
        %bitcast3A_1853 = vector.bitcast %gather3A_1852 : vector<16xi32> to vector<32xbf16>
        %add3A_1854 = arith.addf %scan3A_1676, %bitcast3A_1853 : vector<32xbf16>
        %add3A_1855 = arith.constant 28 : i32
        %add3A_1856 = vector.broadcast %add3A_1855 : i32 to vector<16xi32>
        %add3A_1857 = arith.addi %mul3A_1687, %add3A_1856 : vector<16xi32>
        %gather3A_1858 = tpu.vector_load_idx %arg6[%add3A_1857] : memref<3300xi32, #tpu.memory_space<vmem>>[vector<16xi32>], vector<16xi32>,
        %bitcast3A_1859 = vector.bitcast %gather3A_1858 : vector<16xi32> to vector<32xbf16>
        %add3A_1860 = arith.addf %scan3A_1677, %bitcast3A_1859 : vector<32xbf16>
        %add3A_1861 = arith.constant 29 : i32
        %add3A_1862 = vector.broadcast %add3A_1861 : i32 to vector<16xi32>
        %add3A_1863 = arith.addi %mul3A_1687, %add3A_1862 : vector<16xi32>
        %gather3A_1864 = tpu.vector_load_idx %arg6[%add3A_1863] : memref<3300xi32, #tpu.memory_space<vmem>>[vector<16xi32>], vector<16xi32>,
        %bitcast3A_1865 = vector.bitcast %gather3A_1864 : vector<16xi32> to vector<32xbf16>
        %add3A_1866 = arith.addf %scan3A_1678, %bitcast3A_1865 : vector<32xbf16>
        %add3A_1867 = arith.constant 30 : i32
        %add3A_1868 = vector.broadcast %add3A_1867 : i32 to vector<16xi32>
        %add3A_1869 = arith.addi %mul3A_1687, %add3A_1868 : vector<16xi32>
        %gather3A_1870 = tpu.vector_load_idx %arg6[%add3A_1869] : memref<3300xi32, #tpu.memory_space<vmem>>[vector<16xi32>], vector<16xi32>,
        %bitcast3A_1871 = vector.bitcast %gather3A_1870 : vector<16xi32> to vector<32xbf16>
        %add3A_1872 = arith.addf %scan3A_1679, %bitcast3A_1871 : vector<32xbf16>
        %add3A_1873 = arith.constant 31 : i32
        %add3A_1874 = vector.broadcast %add3A_1873 : i32 to vector<16xi32>
        %add3A_1875 = arith.addi %mul3A_1687, %add3A_1874 : vector<16xi32>
        %gather3A_1876 = tpu.vector_load_idx %arg6[%add3A_1875] : memref<3300xi32, #tpu.memory_space<vmem>>[vector<16xi32>], vector<16xi32>,
        %bitcast3A_1877 = vector.bitcast %gather3A_1876 : vector<16xi32> to vector<32xbf16>
        %add3A_1878 = arith.addf %scan3A_1680, %bitcast3A_1877 : vector<32xbf16>
        scf.yield %add3A_1692, %add3A_1698, %add3A_1704, %add3A_1710, %add3A_1716, %add3A_1722, %add3A_1728, %add3A_1734, %add3A_1740, %add3A_1746, %add3A_1752, %add3A_1758, %add3A_1764, %add3A_1770, %add3A_1776, %add3A_1782, %add3A_1788, %add3A_1794, %add3A_1800, %add3A_1806, %add3A_1812, %add3A_1818, %add3A_1824, %add3A_1830, %add3A_1836, %add3A_1842, %add3A_1848, %add3A_1854, %add3A_1860, %add3A_1866, %add3A_1872, %add3A_1878 : vector<32xbf16>, vector<32xbf16>, vector<32xbf16>, vector<32xbf16>, vector<32xbf16>, vector<32xbf16>, vector<32xbf16>, vector<32xbf16>, vector<32xbf16>, vector<32xbf16>, vector<32xbf16>, vector<32xbf16>, vector<32xbf16>, vector<32xbf16>, vector<32xbf16>, vector<32xbf16>, vector<32xbf16>, vector<32xbf16>, vector<32xbf16>, vector<32xbf16>, vector<32xbf16>, vector<32xbf16>, vector<32xbf16>, vector<32xbf16>, vector<32xbf16>, vector<32xbf16>, vector<32xbf16>, vector<32xbf16>, vector<32xbf16>, vector<32xbf16>, vector<32xbf16>, vector<32xbf16>
      }
      %scan3A_1063 = arith.constant 40 : i32
      %unpack3A_1064 = tpu.unpack_subelements %scan3A_1062#0, 0 {pack_format = #tpu.pack_format<interleaved>} : vector<32xbf16> -> vector<16xf32>
      %unpack3A_1065 = tpu.unpack_subelements %scan3A_1062#0, 1 {pack_format = #tpu.pack_format<interleaved>} : vector<32xbf16> -> vector<16xf32>
      %add3A_1066 = arith.constant 192 : i32
      %add3A_1067 = vector.broadcast %add3A_1066 : i32 to vector<16xi32>
      %add3A_1068 = arith.addi %mul3A_6, %add3A_1067 : vector<16xi32>
      tpu.vector_store_idx %arg7[%add3A_1068], %unpack3A_1064 : memref<5136xf32, #tpu.memory_space<vmem>>[vector<16xi32>], vector<16xf32>,
      %add3A_1069 = arith.constant 193 : i32
      %add3A_1070 = vector.broadcast %add3A_1069 : i32 to vector<16xi32>
      %add3A_1071 = arith.addi %mul3A_6, %add3A_1070 : vector<16xi32>
      tpu.vector_store_idx %arg7[%add3A_1071], %unpack3A_1065 : memref<5136xf32, #tpu.memory_space<vmem>>[vector<16xi32>], vector<16xf32>,
      %unpack3A_1072 = tpu.unpack_subelements %scan3A_1062#1, 0 {pack_format = #tpu.pack_format<interleaved>} : vector<32xbf16> -> vector<16xf32>
      %unpack3A_1073 = tpu.unpack_subelements %scan3A_1062#1, 1 {pack_format = #tpu.pack_format<interleaved>} : vector<32xbf16> -> vector<16xf32>
      %add3A_1074 = arith.constant 194 : i32
      %add3A_1075 = vector.broadcast %add3A_1074 : i32 to vector<16xi32>
      %add3A_1076 = arith.addi %mul3A_6, %add3A_1075 : vector<16xi32>
      tpu.vector_store_idx %arg7[%add3A_1076], %unpack3A_1072 : memref<5136xf32, #tpu.memory_space<vmem>>[vector<16xi32>], vector<16xf32>,
      %add3A_1077 = arith.constant 195 : i32
      %add3A_1078 = vector.broadcast %add3A_1077 : i32 to vector<16xi32>
      %add3A_1079 = arith.addi %mul3A_6, %add3A_1078 : vector<16xi32>
      tpu.vector_store_idx %arg7[%add3A_1079], %unpack3A_1073 : memref<5136xf32, #tpu.memory_space<vmem>>[vector<16xi32>], vector<16xf32>,
      %unpack3A_1080 = tpu.unpack_subelements %scan3A_1062#2, 0 {pack_format = #tpu.pack_format<interleaved>} : vector<32xbf16> -> vector<16xf32>
      %unpack3A_1081 = tpu.unpack_subelements %scan3A_1062#2, 1 {pack_format = #tpu.pack_format<interleaved>} : vector<32xbf16> -> vector<16xf32>
      %add3A_1082 = arith.constant 196 : i32
      %add3A_1083 = vector.broadcast %add3A_1082 : i32 to vector<16xi32>
      %add3A_1084 = arith.addi %mul3A_6, %add3A_1083 : vector<16xi32>
      tpu.vector_store_idx %arg7[%add3A_1084], %unpack3A_1080 : memref<5136xf32, #tpu.memory_space<vmem>>[vector<16xi32>], vector<16xf32>,
      %add3A_1085 = arith.constant 197 : i32
      %add3A_1086 = vector.broadcast %add3A_1085 : i32 to vector<16xi32>
      %add3A_1087 = arith.addi %mul3A_6, %add3A_1086 : vector<16xi32>
      tpu.vector_store_idx %arg7[%add3A_1087], %unpack3A_1081 : memref<5136xf32, #tpu.memory_space<vmem>>[vector<16xi32>], vector<16xf32>,
      %unpack3A_1088 = tpu.unpack_subelements %scan3A_1062#3, 0 {pack_format = #tpu.pack_format<interleaved>} : vector<32xbf16> -> vector<16xf32>
      %unpack3A_1089 = tpu.unpack_subelements %scan3A_1062#3, 1 {pack_format = #tpu.pack_format<interleaved>} : vector<32xbf16> -> vector<16xf32>
      %add3A_1090 = arith.constant 198 : i32
      %add3A_1091 = vector.broadcast %add3A_1090 : i32 to vector<16xi32>
      %add3A_1092 = arith.addi %mul3A_6, %add3A_1091 : vector<16xi32>
      tpu.vector_store_idx %arg7[%add3A_1092], %unpack3A_1088 : memref<5136xf32, #tpu.memory_space<vmem>>[vector<16xi32>], vector<16xf32>,
      %add3A_1093 = arith.constant 199 : i32
      %add3A_1094 = vector.broadcast %add3A_1093 : i32 to vector<16xi32>
      %add3A_1095 = arith.addi %mul3A_6, %add3A_1094 : vector<16xi32>
      tpu.vector_store_idx %arg7[%add3A_1095], %unpack3A_1089 : memref<5136xf32, #tpu.memory_space<vmem>>[vector<16xi32>], vector<16xf32>,
      %unpack3A_1096 = tpu.unpack_subelements %scan3A_1062#4, 0 {pack_format = #tpu.pack_format<interleaved>} : vector<32xbf16> -> vector<16xf32>
      %unpack3A_1097 = tpu.unpack_subelements %scan3A_1062#4, 1 {pack_format = #tpu.pack_format<interleaved>} : vector<32xbf16> -> vector<16xf32>
      %add3A_1098 = arith.constant 200 : i32
      %add3A_1099 = vector.broadcast %add3A_1098 : i32 to vector<16xi32>
      %add3A_1100 = arith.addi %mul3A_6, %add3A_1099 : vector<16xi32>
      tpu.vector_store_idx %arg7[%add3A_1100], %unpack3A_1096 : memref<5136xf32, #tpu.memory_space<vmem>>[vector<16xi32>], vector<16xf32>,
      %add3A_1101 = arith.constant 201 : i32
      %add3A_1102 = vector.broadcast %add3A_1101 : i32 to vector<16xi32>
      %add3A_1103 = arith.addi %mul3A_6, %add3A_1102 : vector<16xi32>
      tpu.vector_store_idx %arg7[%add3A_1103], %unpack3A_1097 : memref<5136xf32, #tpu.memory_space<vmem>>[vector<16xi32>], vector<16xf32>,
      %unpack3A_1104 = tpu.unpack_subelements %scan3A_1062#5, 0 {pack_format = #tpu.pack_format<interleaved>} : vector<32xbf16> -> vector<16xf32>
      %unpack3A_1105 = tpu.unpack_subelements %scan3A_1062#5, 1 {pack_format = #tpu.pack_format<interleaved>} : vector<32xbf16> -> vector<16xf32>
      %add3A_1106 = arith.constant 202 : i32
      %add3A_1107 = vector.broadcast %add3A_1106 : i32 to vector<16xi32>
      %add3A_1108 = arith.addi %mul3A_6, %add3A_1107 : vector<16xi32>
      tpu.vector_store_idx %arg7[%add3A_1108], %unpack3A_1104 : memref<5136xf32, #tpu.memory_space<vmem>>[vector<16xi32>], vector<16xf32>,
      %add3A_1109 = arith.constant 203 : i32
      %add3A_1110 = vector.broadcast %add3A_1109 : i32 to vector<16xi32>
      %add3A_1111 = arith.addi %mul3A_6, %add3A_1110 : vector<16xi32>
      tpu.vector_store_idx %arg7[%add3A_1111], %unpack3A_1105 : memref<5136xf32, #tpu.memory_space<vmem>>[vector<16xi32>], vector<16xf32>,
      %unpack3A_1112 = tpu.unpack_subelements %scan3A_1062#6, 0 {pack_format = #tpu.pack_format<interleaved>} : vector<32xbf16> -> vector<16xf32>
      %unpack3A_1113 = tpu.unpack_subelements %scan3A_1062#6, 1 {pack_format = #tpu.pack_format<interleaved>} : vector<32xbf16> -> vector<16xf32>
      %add3A_1114 = arith.constant 204 : i32
      %add3A_1115 = vector.broadcast %add3A_1114 : i32 to vector<16xi32>
      %add3A_1116 = arith.addi %mul3A_6, %add3A_1115 : vector<16xi32>
      tpu.vector_store_idx %arg7[%add3A_1116], %unpack3A_1112 : memref<5136xf32, #tpu.memory_space<vmem>>[vector<16xi32>], vector<16xf32>,
      %add3A_1117 = arith.constant 205 : i32
      %add3A_1118 = vector.broadcast %add3A_1117 : i32 to vector<16xi32>
      %add3A_1119 = arith.addi %mul3A_6, %add3A_1118 : vector<16xi32>
      tpu.vector_store_idx %arg7[%add3A_1119], %unpack3A_1113 : memref<5136xf32, #tpu.memory_space<vmem>>[vector<16xi32>], vector<16xf32>,
      %unpack3A_1120 = tpu.unpack_subelements %scan3A_1062#7, 0 {pack_format = #tpu.pack_format<interleaved>} : vector<32xbf16> -> vector<16xf32>
      %unpack3A_1121 = tpu.unpack_subelements %scan3A_1062#7, 1 {pack_format = #tpu.pack_format<interleaved>} : vector<32xbf16> -> vector<16xf32>
      %add3A_1122 = arith.constant 206 : i32
      %add3A_1123 = vector.broadcast %add3A_1122 : i32 to vector<16xi32>
      %add3A_1124 = arith.addi %mul3A_6, %add3A_1123 : vector<16xi32>
      tpu.vector_store_idx %arg7[%add3A_1124], %unpack3A_1120 : memref<5136xf32, #tpu.memory_space<vmem>>[vector<16xi32>], vector<16xf32>,
      %add3A_1125 = arith.constant 207 : i32
      %add3A_1126 = vector.broadcast %add3A_1125 : i32 to vector<16xi32>
      %add3A_1127 = arith.addi %mul3A_6, %add3A_1126 : vector<16xi32>
      tpu.vector_store_idx %arg7[%add3A_1127], %unpack3A_1121 : memref<5136xf32, #tpu.memory_space<vmem>>[vector<16xi32>], vector<16xf32>,
      %unpack3A_1128 = tpu.unpack_subelements %scan3A_1062#8, 0 {pack_format = #tpu.pack_format<interleaved>} : vector<32xbf16> -> vector<16xf32>
      %unpack3A_1129 = tpu.unpack_subelements %scan3A_1062#8, 1 {pack_format = #tpu.pack_format<interleaved>} : vector<32xbf16> -> vector<16xf32>
      %add3A_1130 = arith.constant 208 : i32
      %add3A_1131 = vector.broadcast %add3A_1130 : i32 to vector<16xi32>
      %add3A_1132 = arith.addi %mul3A_6, %add3A_1131 : vector<16xi32>
      tpu.vector_store_idx %arg7[%add3A_1132], %unpack3A_1128 : memref<5136xf32, #tpu.memory_space<vmem>>[vector<16xi32>], vector<16xf32>,
      %add3A_1133 = arith.constant 209 : i32
      %add3A_1134 = vector.broadcast %add3A_1133 : i32 to vector<16xi32>
      %add3A_1135 = arith.addi %mul3A_6, %add3A_1134 : vector<16xi32>
      tpu.vector_store_idx %arg7[%add3A_1135], %unpack3A_1129 : memref<5136xf32, #tpu.memory_space<vmem>>[vector<16xi32>], vector<16xf32>,
      %unpack3A_1136 = tpu.unpack_subelements %scan3A_1062#9, 0 {pack_format = #tpu.pack_format<interleaved>} : vector<32xbf16> -> vector<16xf32>
      %unpack3A_1137 = tpu.unpack_subelements %scan3A_1062#9, 1 {pack_format = #tpu.pack_format<interleaved>} : vector<32xbf16> -> vector<16xf32>
      %add3A_1138 = arith.constant 210 : i32
      %add3A_1139 = vector.broadcast %add3A_1138 : i32 to vector<16xi32>
      %add3A_1140 = arith.addi %mul3A_6, %add3A_1139 : vector<16xi32>
      tpu.vector_store_idx %arg7[%add3A_1140], %unpack3A_1136 : memref<5136xf32, #tpu.memory_space<vmem>>[vector<16xi32>], vector<16xf32>,
      %add3A_1141 = arith.constant 211 : i32
      %add3A_1142 = vector.broadcast %add3A_1141 : i32 to vector<16xi32>
      %add3A_1143 = arith.addi %mul3A_6, %add3A_1142 : vector<16xi32>
      tpu.vector_store_idx %arg7[%add3A_1143], %unpack3A_1137 : memref<5136xf32, #tpu.memory_space<vmem>>[vector<16xi32>], vector<16xf32>,
      %unpack3A_1144 = tpu.unpack_subelements %scan3A_1062#10, 0 {pack_format = #tpu.pack_format<interleaved>} : vector<32xbf16> -> vector<16xf32>
      %unpack3A_1145 = tpu.unpack_subelements %scan3A_1062#10, 1 {pack_format = #tpu.pack_format<interleaved>} : vector<32xbf16> -> vector<16xf32>
      %add3A_1146 = arith.constant 212 : i32
      %add3A_1147 = vector.broadcast %add3A_1146 : i32 to vector<16xi32>
      %add3A_1148 = arith.addi %mul3A_6, %add3A_1147 : vector<16xi32>
      tpu.vector_store_idx %arg7[%add3A_1148], %unpack3A_1144 : memref<5136xf32, #tpu.memory_space<vmem>>[vector<16xi32>], vector<16xf32>,
      %add3A_1149 = arith.constant 213 : i32
      %add3A_1150 = vector.broadcast %add3A_1149 : i32 to vector<16xi32>
      %add3A_1151 = arith.addi %mul3A_6, %add3A_1150 : vector<16xi32>
      tpu.vector_store_idx %arg7[%add3A_1151], %unpack3A_1145 : memref<5136xf32, #tpu.memory_space<vmem>>[vector<16xi32>], vector<16xf32>,
      %unpack3A_1152 = tpu.unpack_subelements %scan3A_1062#11, 0 {pack_format = #tpu.pack_format<interleaved>} : vector<32xbf16> -> vector<16xf32>
      %unpack3A_1153 = tpu.unpack_subelements %scan3A_1062#11, 1 {pack_format = #tpu.pack_format<interleaved>} : vector<32xbf16> -> vector<16xf32>
      %add3A_1154 = arith.constant 214 : i32
      %add3A_1155 = vector.broadcast %add3A_1154 : i32 to vector<16xi32>
      %add3A_1156 = arith.addi %mul3A_6, %add3A_1155 : vector<16xi32>
      tpu.vector_store_idx %arg7[%add3A_1156], %unpack3A_1152 : memref<5136xf32, #tpu.memory_space<vmem>>[vector<16xi32>], vector<16xf32>,
      %add3A_1157 = arith.constant 215 : i32
      %add3A_1158 = vector.broadcast %add3A_1157 : i32 to vector<16xi32>
      %add3A_1159 = arith.addi %mul3A_6, %add3A_1158 : vector<16xi32>
      tpu.vector_store_idx %arg7[%add3A_1159], %unpack3A_1153 : memref<5136xf32, #tpu.memory_space<vmem>>[vector<16xi32>], vector<16xf32>,
      %unpack3A_1160 = tpu.unpack_subelements %scan3A_1062#12, 0 {pack_format = #tpu.pack_format<interleaved>} : vector<32xbf16> -> vector<16xf32>
      %unpack3A_1161 = tpu.unpack_subelements %scan3A_1062#12, 1 {pack_format = #tpu.pack_format<interleaved>} : vector<32xbf16> -> vector<16xf32>
      %add3A_1162 = arith.constant 216 : i32
      %add3A_1163 = vector.broadcast %add3A_1162 : i32 to vector<16xi32>
      %add3A_1164 = arith.addi %mul3A_6, %add3A_1163 : vector<16xi32>
      tpu.vector_store_idx %arg7[%add3A_1164], %unpack3A_1160 : memref<5136xf32, #tpu.memory_space<vmem>>[vector<16xi32>], vector<16xf32>,
      %add3A_1165 = arith.constant 217 : i32
      %add3A_1166 = vector.broadcast %add3A_1165 : i32 to vector<16xi32>
      %add3A_1167 = arith.addi %mul3A_6, %add3A_1166 : vector<16xi32>
      tpu.vector_store_idx %arg7[%add3A_1167], %unpack3A_1161 : memref<5136xf32, #tpu.memory_space<vmem>>[vector<16xi32>], vector<16xf32>,
      %unpack3A_1168 = tpu.unpack_subelements %scan3A_1062#13, 0 {pack_format = #tpu.pack_format<interleaved>} : vector<32xbf16> -> vector<16xf32>
      %unpack3A_1169 = tpu.unpack_subelements %scan3A_1062#13, 1 {pack_format = #tpu.pack_format<interleaved>} : vector<32xbf16> -> vector<16xf32>
      %add3A_1170 = arith.constant 218 : i32
      %add3A_1171 = vector.broadcast %add3A_1170 : i32 to vector<16xi32>
      %add3A_1172 = arith.addi %mul3A_6, %add3A_1171 : vector<16xi32>
      tpu.vector_store_idx %arg7[%add3A_1172], %unpack3A_1168 : memref<5136xf32, #tpu.memory_space<vmem>>[vector<16xi32>], vector<16xf32>,
      %add3A_1173 = arith.constant 219 : i32
      %add3A_1174 = vector.broadcast %add3A_1173 : i32 to vector<16xi32>
      %add3A_1175 = arith.addi %mul3A_6, %add3A_1174 : vector<16xi32>
      tpu.vector_store_idx %arg7[%add3A_1175], %unpack3A_1169 : memref<5136xf32, #tpu.memory_space<vmem>>[vector<16xi32>], vector<16xf32>,
      %unpack3A_1176 = tpu.unpack_subelements %scan3A_1062#14, 0 {pack_format = #tpu.pack_format<interleaved>} : vector<32xbf16> -> vector<16xf32>
      %unpack3A_1177 = tpu.unpack_subelements %scan3A_1062#14, 1 {pack_format = #tpu.pack_format<interleaved>} : vector<32xbf16> -> vector<16xf32>
      %add3A_1178 = arith.constant 220 : i32
      %add3A_1179 = vector.broadcast %add3A_1178 : i32 to vector<16xi32>
      %add3A_1180 = arith.addi %mul3A_6, %add3A_1179 : vector<16xi32>
      tpu.vector_store_idx %arg7[%add3A_1180], %unpack3A_1176 : memref<5136xf32, #tpu.memory_space<vmem>>[vector<16xi32>], vector<16xf32>,
      %add3A_1181 = arith.constant 221 : i32
      %add3A_1182 = vector.broadcast %add3A_1181 : i32 to vector<16xi32>
      %add3A_1183 = arith.addi %mul3A_6, %add3A_1182 : vector<16xi32>
      tpu.vector_store_idx %arg7[%add3A_1183], %unpack3A_1177 : memref<5136xf32, #tpu.memory_space<vmem>>[vector<16xi32>], vector<16xf32>,
      %unpack3A_1184 = tpu.unpack_subelements %scan3A_1062#15, 0 {pack_format = #tpu.pack_format<interleaved>} : vector<32xbf16> -> vector<16xf32>
      %unpack3A_1185 = tpu.unpack_subelements %scan3A_1062#15, 1 {pack_format = #tpu.pack_format<interleaved>} : vector<32xbf16> -> vector<16xf32>
      %add3A_1186 = arith.constant 222 : i32
      %add3A_1187 = vector.broadcast %add3A_1186 : i32 to vector<16xi32>
      %add3A_1188 = arith.addi %mul3A_6, %add3A_1187 : vector<16xi32>
      tpu.vector_store_idx %arg7[%add3A_1188], %unpack3A_1184 : memref<5136xf32, #tpu.memory_space<vmem>>[vector<16xi32>], vector<16xf32>,
      %add3A_1189 = arith.constant 223 : i32
      %add3A_1190 = vector.broadcast %add3A_1189 : i32 to vector<16xi32>
      %add3A_1191 = arith.addi %mul3A_6, %add3A_1190 : vector<16xi32>
      tpu.vector_store_idx %arg7[%add3A_1191], %unpack3A_1185 : memref<5136xf32, #tpu.memory_space<vmem>>[vector<16xi32>], vector<16xf32>,
      %unpack3A_1192 = tpu.unpack_subelements %scan3A_1062#16, 0 {pack_format = #tpu.pack_format<interleaved>} : vector<32xbf16> -> vector<16xf32>
      %unpack3A_1193 = tpu.unpack_subelements %scan3A_1062#16, 1 {pack_format = #tpu.pack_format<interleaved>} : vector<32xbf16> -> vector<16xf32>
      %add3A_1194 = arith.constant 224 : i32
      %add3A_1195 = vector.broadcast %add3A_1194 : i32 to vector<16xi32>
      %add3A_1196 = arith.addi %mul3A_6, %add3A_1195 : vector<16xi32>
      tpu.vector_store_idx %arg7[%add3A_1196], %unpack3A_1192 : memref<5136xf32, #tpu.memory_space<vmem>>[vector<16xi32>], vector<16xf32>,
      %add3A_1197 = arith.constant 225 : i32
      %add3A_1198 = vector.broadcast %add3A_1197 : i32 to vector<16xi32>
      %add3A_1199 = arith.addi %mul3A_6, %add3A_1198 : vector<16xi32>
      tpu.vector_store_idx %arg7[%add3A_1199], %unpack3A_1193 : memref<5136xf32, #tpu.memory_space<vmem>>[vector<16xi32>], vector<16xf32>,
      %unpack3A_1200 = tpu.unpack_subelements %scan3A_1062#17, 0 {pack_format = #tpu.pack_format<interleaved>} : vector<32xbf16> -> vector<16xf32>
      %unpack3A_1201 = tpu.unpack_subelements %scan3A_1062#17, 1 {pack_format = #tpu.pack_format<interleaved>} : vector<32xbf16> -> vector<16xf32>
      %add3A_1202 = arith.constant 226 : i32
      %add3A_1203 = vector.broadcast %add3A_1202 : i32 to vector<16xi32>
      %add3A_1204 = arith.addi %mul3A_6, %add3A_1203 : vector<16xi32>
      tpu.vector_store_idx %arg7[%add3A_1204], %unpack3A_1200 : memref<5136xf32, #tpu.memory_space<vmem>>[vector<16xi32>], vector<16xf32>,
      %add3A_1205 = arith.constant 227 : i32
      %add3A_1206 = vector.broadcast %add3A_1205 : i32 to vector<16xi32>
      %add3A_1207 = arith.addi %mul3A_6, %add3A_1206 : vector<16xi32>
      tpu.vector_store_idx %arg7[%add3A_1207], %unpack3A_1201 : memref<5136xf32, #tpu.memory_space<vmem>>[vector<16xi32>], vector<16xf32>,
      %unpack3A_1208 = tpu.unpack_subelements %scan3A_1062#18, 0 {pack_format = #tpu.pack_format<interleaved>} : vector<32xbf16> -> vector<16xf32>
      %unpack3A_1209 = tpu.unpack_subelements %scan3A_1062#18, 1 {pack_format = #tpu.pack_format<interleaved>} : vector<32xbf16> -> vector<16xf32>
      %add3A_1210 = arith.constant 228 : i32
      %add3A_1211 = vector.broadcast %add3A_1210 : i32 to vector<16xi32>
      %add3A_1212 = arith.addi %mul3A_6, %add3A_1211 : vector<16xi32>
      tpu.vector_store_idx %arg7[%add3A_1212], %unpack3A_1208 : memref<5136xf32, #tpu.memory_space<vmem>>[vector<16xi32>], vector<16xf32>,
      %add3A_1213 = arith.constant 229 : i32
      %add3A_1214 = vector.broadcast %add3A_1213 : i32 to vector<16xi32>
      %add3A_1215 = arith.addi %mul3A_6, %add3A_1214 : vector<16xi32>
      tpu.vector_store_idx %arg7[%add3A_1215], %unpack3A_1209 : memref<5136xf32, #tpu.memory_space<vmem>>[vector<16xi32>], vector<16xf32>,
      %unpack3A_1216 = tpu.unpack_subelements %scan3A_1062#19, 0 {pack_format = #tpu.pack_format<interleaved>} : vector<32xbf16> -> vector<16xf32>
      %unpack3A_1217 = tpu.unpack_subelements %scan3A_1062#19, 1 {pack_format = #tpu.pack_format<interleaved>} : vector<32xbf16> -> vector<16xf32>
      %add3A_1218 = arith.constant 230 : i32
      %add3A_1219 = vector.broadcast %add3A_1218 : i32 to vector<16xi32>
      %add3A_1220 = arith.addi %mul3A_6, %add3A_1219 : vector<16xi32>
      tpu.vector_store_idx %arg7[%add3A_1220], %unpack3A_1216 : memref<5136xf32, #tpu.memory_space<vmem>>[vector<16xi32>], vector<16xf32>,
      %add3A_1221 = arith.constant 231 : i32
      %add3A_1222 = vector.broadcast %add3A_1221 : i32 to vector<16xi32>
      %add3A_1223 = arith.addi %mul3A_6, %add3A_1222 : vector<16xi32>
      tpu.vector_store_idx %arg7[%add3A_1223], %unpack3A_1217 : memref<5136xf32, #tpu.memory_space<vmem>>[vector<16xi32>], vector<16xf32>,
      %unpack3A_1224 = tpu.unpack_subelements %scan3A_1062#20, 0 {pack_format = #tpu.pack_format<interleaved>} : vector<32xbf16> -> vector<16xf32>
      %unpack3A_1225 = tpu.unpack_subelements %scan3A_1062#20, 1 {pack_format = #tpu.pack_format<interleaved>} : vector<32xbf16> -> vector<16xf32>
      %add3A_1226 = arith.constant 232 : i32
      %add3A_1227 = vector.broadcast %add3A_1226 : i32 to vector<16xi32>
      %add3A_1228 = arith.addi %mul3A_6, %add3A_1227 : vector<16xi32>
      tpu.vector_store_idx %arg7[%add3A_1228], %unpack3A_1224 : memref<5136xf32, #tpu.memory_space<vmem>>[vector<16xi32>], vector<16xf32>,
      %add3A_1229 = arith.constant 233 : i32
      %add3A_1230 = vector.broadcast %add3A_1229 : i32 to vector<16xi32>
      %add3A_1231 = arith.addi %mul3A_6, %add3A_1230 : vector<16xi32>
      tpu.vector_store_idx %arg7[%add3A_1231], %unpack3A_1225 : memref<5136xf32, #tpu.memory_space<vmem>>[vector<16xi32>], vector<16xf32>,
      %unpack3A_1232 = tpu.unpack_subelements %scan3A_1062#21, 0 {pack_format = #tpu.pack_format<interleaved>} : vector<32xbf16> -> vector<16xf32>
      %unpack3A_1233 = tpu.unpack_subelements %scan3A_1062#21, 1 {pack_format = #tpu.pack_format<interleaved>} : vector<32xbf16> -> vector<16xf32>
      %add3A_1234 = arith.constant 234 : i32
      %add3A_1235 = vector.broadcast %add3A_1234 : i32 to vector<16xi32>
      %add3A_1236 = arith.addi %mul3A_6, %add3A_1235 : vector<16xi32>
      tpu.vector_store_idx %arg7[%add3A_1236], %unpack3A_1232 : memref<5136xf32, #tpu.memory_space<vmem>>[vector<16xi32>], vector<16xf32>,
      %add3A_1237 = arith.constant 235 : i32
      %add3A_1238 = vector.broadcast %add3A_1237 : i32 to vector<16xi32>
      %add3A_1239 = arith.addi %mul3A_6, %add3A_1238 : vector<16xi32>
      tpu.vector_store_idx %arg7[%add3A_1239], %unpack3A_1233 : memref<5136xf32, #tpu.memory_space<vmem>>[vector<16xi32>], vector<16xf32>,
      %unpack3A_1240 = tpu.unpack_subelements %scan3A_1062#22, 0 {pack_format = #tpu.pack_format<interleaved>} : vector<32xbf16> -> vector<16xf32>
      %unpack3A_1241 = tpu.unpack_subelements %scan3A_1062#22, 1 {pack_format = #tpu.pack_format<interleaved>} : vector<32xbf16> -> vector<16xf32>
      %add3A_1242 = arith.constant 236 : i32
      %add3A_1243 = vector.broadcast %add3A_1242 : i32 to vector<16xi32>
      %add3A_1244 = arith.addi %mul3A_6, %add3A_1243 : vector<16xi32>
      tpu.vector_store_idx %arg7[%add3A_1244], %unpack3A_1240 : memref<5136xf32, #tpu.memory_space<vmem>>[vector<16xi32>], vector<16xf32>,
      %add3A_1245 = arith.constant 237 : i32
      %add3A_1246 = vector.broadcast %add3A_1245 : i32 to vector<16xi32>
      %add3A_1247 = arith.addi %mul3A_6, %add3A_1246 : vector<16xi32>
      tpu.vector_store_idx %arg7[%add3A_1247], %unpack3A_1241 : memref<5136xf32, #tpu.memory_space<vmem>>[vector<16xi32>], vector<16xf32>,
      %unpack3A_1248 = tpu.unpack_subelements %scan3A_1062#23, 0 {pack_format = #tpu.pack_format<interleaved>} : vector<32xbf16> -> vector<16xf32>
      %unpack3A_1249 = tpu.unpack_subelements %scan3A_1062#23, 1 {pack_format = #tpu.pack_format<interleaved>} : vector<32xbf16> -> vector<16xf32>
      %add3A_1250 = arith.constant 238 : i32
      %add3A_1251 = vector.broadcast %add3A_1250 : i32 to vector<16xi32>
      %add3A_1252 = arith.addi %mul3A_6, %add3A_1251 : vector<16xi32>
      tpu.vector_store_idx %arg7[%add3A_1252], %unpack3A_1248 : memref<5136xf32, #tpu.memory_space<vmem>>[vector<16xi32>], vector<16xf32>,
      %add3A_1253 = arith.constant 239 : i32
      %add3A_1254 = vector.broadcast %add3A_1253 : i32 to vector<16xi32>
      %add3A_1255 = arith.addi %mul3A_6, %add3A_1254 : vector<16xi32>
      tpu.vector_store_idx %arg7[%add3A_1255], %unpack3A_1249 : memref<5136xf32, #tpu.memory_space<vmem>>[vector<16xi32>], vector<16xf32>,
      %unpack3A_1256 = tpu.unpack_subelements %scan3A_1062#24, 0 {pack_format = #tpu.pack_format<interleaved>} : vector<32xbf16> -> vector<16xf32>
      %unpack3A_1257 = tpu.unpack_subelements %scan3A_1062#24, 1 {pack_format = #tpu.pack_format<interleaved>} : vector<32xbf16> -> vector<16xf32>
      %add3A_1258 = arith.constant 240 : i32
      %add3A_1259 = vector.broadcast %add3A_1258 : i32 to vector<16xi32>
      %add3A_1260 = arith.addi %mul3A_6, %add3A_1259 : vector<16xi32>
      tpu.vector_store_idx %arg7[%add3A_1260], %unpack3A_1256 : memref<5136xf32, #tpu.memory_space<vmem>>[vector<16xi32>], vector<16xf32>,
      %add3A_1261 = arith.constant 241 : i32
      %add3A_1262 = vector.broadcast %add3A_1261 : i32 to vector<16xi32>
      %add3A_1263 = arith.addi %mul3A_6, %add3A_1262 : vector<16xi32>
      tpu.vector_store_idx %arg7[%add3A_1263], %unpack3A_1257 : memref<5136xf32, #tpu.memory_space<vmem>>[vector<16xi32>], vector<16xf32>,
      %unpack3A_1264 = tpu.unpack_subelements %scan3A_1062#25, 0 {pack_format = #tpu.pack_format<interleaved>} : vector<32xbf16> -> vector<16xf32>
      %unpack3A_1265 = tpu.unpack_subelements %scan3A_1062#25, 1 {pack_format = #tpu.pack_format<interleaved>} : vector<32xbf16> -> vector<16xf32>
      %add3A_1266 = arith.constant 242 : i32
      %add3A_1267 = vector.broadcast %add3A_1266 : i32 to vector<16xi32>
      %add3A_1268 = arith.addi %mul3A_6, %add3A_1267 : vector<16xi32>
      tpu.vector_store_idx %arg7[%add3A_1268], %unpack3A_1264 : memref<5136xf32, #tpu.memory_space<vmem>>[vector<16xi32>], vector<16xf32>,
      %add3A_1269 = arith.constant 243 : i32
      %add3A_1270 = vector.broadcast %add3A_1269 : i32 to vector<16xi32>
      %add3A_1271 = arith.addi %mul3A_6, %add3A_1270 : vector<16xi32>
      tpu.vector_store_idx %arg7[%add3A_1271], %unpack3A_1265 : memref<5136xf32, #tpu.memory_space<vmem>>[vector<16xi32>], vector<16xf32>,
      %unpack3A_1272 = tpu.unpack_subelements %scan3A_1062#26, 0 {pack_format = #tpu.pack_format<interleaved>} : vector<32xbf16> -> vector<16xf32>
      %unpack3A_1273 = tpu.unpack_subelements %scan3A_1062#26, 1 {pack_format = #tpu.pack_format<interleaved>} : vector<32xbf16> -> vector<16xf32>
      %add3A_1274 = arith.constant 244 : i32
      %add3A_1275 = vector.broadcast %add3A_1274 : i32 to vector<16xi32>
      %add3A_1276 = arith.addi %mul3A_6, %add3A_1275 : vector<16xi32>
      tpu.vector_store_idx %arg7[%add3A_1276], %unpack3A_1272 : memref<5136xf32, #tpu.memory_space<vmem>>[vector<16xi32>], vector<16xf32>,
      %add3A_1277 = arith.constant 245 : i32
      %add3A_1278 = vector.broadcast %add3A_1277 : i32 to vector<16xi32>
      %add3A_1279 = arith.addi %mul3A_6, %add3A_1278 : vector<16xi32>
      tpu.vector_store_idx %arg7[%add3A_1279], %unpack3A_1273 : memref<5136xf32, #tpu.memory_space<vmem>>[vector<16xi32>], vector<16xf32>,
      %unpack3A_1280 = tpu.unpack_subelements %scan3A_1062#27, 0 {pack_format = #tpu.pack_format<interleaved>} : vector<32xbf16> -> vector<16xf32>
      %unpack3A_1281 = tpu.unpack_subelements %scan3A_1062#27, 1 {pack_format = #tpu.pack_format<interleaved>} : vector<32xbf16> -> vector<16xf32>
      %add3A_1282 = arith.constant 246 : i32
      %add3A_1283 = vector.broadcast %add3A_1282 : i32 to vector<16xi32>
      %add3A_1284 = arith.addi %mul3A_6, %add3A_1283 : vector<16xi32>
      tpu.vector_store_idx %arg7[%add3A_1284], %unpack3A_1280 : memref<5136xf32, #tpu.memory_space<vmem>>[vector<16xi32>], vector<16xf32>,
      %add3A_1285 = arith.constant 247 : i32
      %add3A_1286 = vector.broadcast %add3A_1285 : i32 to vector<16xi32>
      %add3A_1287 = arith.addi %mul3A_6, %add3A_1286 : vector<16xi32>
      tpu.vector_store_idx %arg7[%add3A_1287], %unpack3A_1281 : memref<5136xf32, #tpu.memory_space<vmem>>[vector<16xi32>], vector<16xf32>,
      %unpack3A_1288 = tpu.unpack_subelements %scan3A_1062#28, 0 {pack_format = #tpu.pack_format<interleaved>} : vector<32xbf16> -> vector<16xf32>
      %unpack3A_1289 = tpu.unpack_subelements %scan3A_1062#28, 1 {pack_format = #tpu.pack_format<interleaved>} : vector<32xbf16> -> vector<16xf32>
      %add3A_1290 = arith.constant 248 : i32
      %add3A_1291 = vector.broadcast %add3A_1290 : i32 to vector<16xi32>
      %add3A_1292 = arith.addi %mul3A_6, %add3A_1291 : vector<16xi32>
      tpu.vector_store_idx %arg7[%add3A_1292], %unpack3A_1288 : memref<5136xf32, #tpu.memory_space<vmem>>[vector<16xi32>], vector<16xf32>,
      %add3A_1293 = arith.constant 249 : i32
      %add3A_1294 = vector.broadcast %add3A_1293 : i32 to vector<16xi32>
      %add3A_1295 = arith.addi %mul3A_6, %add3A_1294 : vector<16xi32>
      tpu.vector_store_idx %arg7[%add3A_1295], %unpack3A_1289 : memref<5136xf32, #tpu.memory_space<vmem>>[vector<16xi32>], vector<16xf32>,
      %unpack3A_1296 = tpu.unpack_subelements %scan3A_1062#29, 0 {pack_format = #tpu.pack_format<interleaved>} : vector<32xbf16> -> vector<16xf32>
      %unpack3A_1297 = tpu.unpack_subelements %scan3A_1062#29, 1 {pack_format = #tpu.pack_format<interleaved>} : vector<32xbf16> -> vector<16xf32>
      %add3A_1298 = arith.constant 250 : i32
      %add3A_1299 = vector.broadcast %add3A_1298 : i32 to vector<16xi32>
      %add3A_1300 = arith.addi %mul3A_6, %add3A_1299 : vector<16xi32>
      tpu.vector_store_idx %arg7[%add3A_1300], %unpack3A_1296 : memref<5136xf32, #tpu.memory_space<vmem>>[vector<16xi32>], vector<16xf32>,
      %add3A_1301 = arith.constant 251 : i32
      %add3A_1302 = vector.broadcast %add3A_1301 : i32 to vector<16xi32>
      %add3A_1303 = arith.addi %mul3A_6, %add3A_1302 : vector<16xi32>
      tpu.vector_store_idx %arg7[%add3A_1303], %unpack3A_1297 : memref<5136xf32, #tpu.memory_space<vmem>>[vector<16xi32>], vector<16xf32>,
      %unpack3A_1304 = tpu.unpack_subelements %scan3A_1062#30, 0 {pack_format = #tpu.pack_format<interleaved>} : vector<32xbf16> -> vector<16xf32>
      %unpack3A_1305 = tpu.unpack_subelements %scan3A_1062#30, 1 {pack_format = #tpu.pack_format<interleaved>} : vector<32xbf16> -> vector<16xf32>
      %add3A_1306 = arith.constant 252 : i32
      %add3A_1307 = vector.broadcast %add3A_1306 : i32 to vector<16xi32>
      %add3A_1308 = arith.addi %mul3A_6, %add3A_1307 : vector<16xi32>
      tpu.vector_store_idx %arg7[%add3A_1308], %unpack3A_1304 : memref<5136xf32, #tpu.memory_space<vmem>>[vector<16xi32>], vector<16xf32>,
      %add3A_1309 = arith.constant 253 : i32
      %add3A_1310 = vector.broadcast %add3A_1309 : i32 to vector<16xi32>
      %add3A_1311 = arith.addi %mul3A_6, %add3A_1310 : vector<16xi32>
      tpu.vector_store_idx %arg7[%add3A_1311], %unpack3A_1305 : memref<5136xf32, #tpu.memory_space<vmem>>[vector<16xi32>], vector<16xf32>,
      %unpack3A_1312 = tpu.unpack_subelements %scan3A_1062#31, 0 {pack_format = #tpu.pack_format<interleaved>} : vector<32xbf16> -> vector<16xf32>
      %unpack3A_1313 = tpu.unpack_subelements %scan3A_1062#31, 1 {pack_format = #tpu.pack_format<interleaved>} : vector<32xbf16> -> vector<16xf32>
      %add3A_1314 = arith.constant 254 : i32
      %add3A_1315 = vector.broadcast %add3A_1314 : i32 to vector<16xi32>
      %add3A_1316 = arith.addi %mul3A_6, %add3A_1315 : vector<16xi32>
      tpu.vector_store_idx %arg7[%add3A_1316], %unpack3A_1312 : memref<5136xf32, #tpu.memory_space<vmem>>[vector<16xi32>], vector<16xf32>,
      %add3A_1317 = arith.constant 255 : i32
      %add3A_1318 = vector.broadcast %add3A_1317 : i32 to vector<16xi32>
      %add3A_1319 = arith.addi %mul3A_6, %add3A_1318 : vector<16xi32>
      tpu.vector_store_idx %arg7[%add3A_1319], %unpack3A_1313 : memref<5136xf32, #tpu.memory_space<vmem>>[vector<16xi32>], vector<16xf32>,
      %broadcast_in_dim3A_1320 = arith.constant 0.000000e+00 : bf16
      %broadcast_in_dim3A_1321 = vector.broadcast %broadcast_in_dim3A_1320 : bf16 to vector<32xbf16>
      %broadcast_in_dim3A_1322 = arith.constant 0.000000e+00 : bf16
      %broadcast_in_dim3A_1323 = vector.broadcast %broadcast_in_dim3A_1322 : bf16 to vector<32xbf16>
      %broadcast_in_dim3A_1324 = arith.constant 0.000000e+00 : bf16
      %broadcast_in_dim3A_1325 = vector.broadcast %broadcast_in_dim3A_1324 : bf16 to vector<32xbf16>
      %broadcast_in_dim3A_1326 = arith.constant 0.000000e+00 : bf16
      %broadcast_in_dim3A_1327 = vector.broadcast %broadcast_in_dim3A_1326 : bf16 to vector<32xbf16>
      %broadcast_in_dim3A_1328 = arith.constant 0.000000e+00 : bf16
      %broadcast_in_dim3A_1329 = vector.broadcast %broadcast_in_dim3A_1328 : bf16 to vector<32xbf16>
      %broadcast_in_dim3A_1330 = arith.constant 0.000000e+00 : bf16
      %broadcast_in_dim3A_1331 = vector.broadcast %broadcast_in_dim3A_1330 : bf16 to vector<32xbf16>
      %broadcast_in_dim3A_1332 = arith.constant 0.000000e+00 : bf16
      %broadcast_in_dim3A_1333 = vector.broadcast %broadcast_in_dim3A_1332 : bf16 to vector<32xbf16>
      %broadcast_in_dim3A_1334 = arith.constant 0.000000e+00 : bf16
      %broadcast_in_dim3A_1335 = vector.broadcast %broadcast_in_dim3A_1334 : bf16 to vector<32xbf16>
      %broadcast_in_dim3A_1336 = arith.constant 0.000000e+00 : bf16
      %broadcast_in_dim3A_1337 = vector.broadcast %broadcast_in_dim3A_1336 : bf16 to vector<32xbf16>
      %broadcast_in_dim3A_1338 = arith.constant 0.000000e+00 : bf16
      %broadcast_in_dim3A_1339 = vector.broadcast %broadcast_in_dim3A_1338 : bf16 to vector<32xbf16>
      %broadcast_in_dim3A_1340 = arith.constant 0.000000e+00 : bf16
      %broadcast_in_dim3A_1341 = vector.broadcast %broadcast_in_dim3A_1340 : bf16 to vector<32xbf16>
      %broadcast_in_dim3A_1342 = arith.constant 0.000000e+00 : bf16
      %broadcast_in_dim3A_1343 = vector.broadcast %broadcast_in_dim3A_1342 : bf16 to vector<32xbf16>
      %broadcast_in_dim3A_1344 = arith.constant 0.000000e+00 : bf16
      %broadcast_in_dim3A_1345 = vector.broadcast %broadcast_in_dim3A_1344 : bf16 to vector<32xbf16>
      %broadcast_in_dim3A_1346 = arith.constant 0.000000e+00 : bf16
      %broadcast_in_dim3A_1347 = vector.broadcast %broadcast_in_dim3A_1346 : bf16 to vector<32xbf16>
      %broadcast_in_dim3A_1348 = arith.constant 0.000000e+00 : bf16
      %broadcast_in_dim3A_1349 = vector.broadcast %broadcast_in_dim3A_1348 : bf16 to vector<32xbf16>
      %broadcast_in_dim3A_1350 = arith.constant 0.000000e+00 : bf16
      %broadcast_in_dim3A_1351 = vector.broadcast %broadcast_in_dim3A_1350 : bf16 to vector<32xbf16>
      %broadcast_in_dim3A_1352 = arith.constant 0.000000e+00 : bf16
      %broadcast_in_dim3A_1353 = vector.broadcast %broadcast_in_dim3A_1352 : bf16 to vector<32xbf16>
      %broadcast_in_dim3A_1354 = arith.constant 0.000000e+00 : bf16
      %broadcast_in_dim3A_1355 = vector.broadcast %broadcast_in_dim3A_1354 : bf16 to vector<32xbf16>
      %broadcast_in_dim3A_1356 = arith.constant 0.000000e+00 : bf16
      %broadcast_in_dim3A_1357 = vector.broadcast %broadcast_in_dim3A_1356 : bf16 to vector<32xbf16>
      %broadcast_in_dim3A_1358 = arith.constant 0.000000e+00 : bf16
      %broadcast_in_dim3A_1359 = vector.broadcast %broadcast_in_dim3A_1358 : bf16 to vector<32xbf16>
      %broadcast_in_dim3A_1360 = arith.constant 0.000000e+00 : bf16
      %broadcast_in_dim3A_1361 = vector.broadcast %broadcast_in_dim3A_1360 : bf16 to vector<32xbf16>
      %broadcast_in_dim3A_1362 = arith.constant 0.000000e+00 : bf16
      %broadcast_in_dim3A_1363 = vector.broadcast %broadcast_in_dim3A_1362 : bf16 to vector<32xbf16>
      %broadcast_in_dim3A_1364 = arith.constant 0.000000e+00 : bf16
      %broadcast_in_dim3A_1365 = vector.broadcast %broadcast_in_dim3A_1364 : bf16 to vector<32xbf16>
      %broadcast_in_dim3A_1366 = arith.constant 0.000000e+00 : bf16
      %broadcast_in_dim3A_1367 = vector.broadcast %broadcast_in_dim3A_1366 : bf16 to vector<32xbf16>
      %broadcast_in_dim3A_1368 = arith.constant 0.000000e+00 : bf16
      %broadcast_in_dim3A_1369 = vector.broadcast %broadcast_in_dim3A_1368 : bf16 to vector<32xbf16>
      %broadcast_in_dim3A_1370 = arith.constant 0.000000e+00 : bf16
      %broadcast_in_dim3A_1371 = vector.broadcast %broadcast_in_dim3A_1370 : bf16 to vector<32xbf16>
      %broadcast_in_dim3A_1372 = arith.constant 0.000000e+00 : bf16
      %broadcast_in_dim3A_1373 = vector.broadcast %broadcast_in_dim3A_1372 : bf16 to vector<32xbf16>
      %broadcast_in_dim3A_1374 = arith.constant 0.000000e+00 : bf16
      %broadcast_in_dim3A_1375 = vector.broadcast %broadcast_in_dim3A_1374 : bf16 to vector<32xbf16>
      %broadcast_in_dim3A_1376 = arith.constant 0.000000e+00 : bf16
      %broadcast_in_dim3A_1377 = vector.broadcast %broadcast_in_dim3A_1376 : bf16 to vector<32xbf16>
      %broadcast_in_dim3A_1378 = arith.constant 0.000000e+00 : bf16
      %broadcast_in_dim3A_1379 = vector.broadcast %broadcast_in_dim3A_1378 : bf16 to vector<32xbf16>
      %broadcast_in_dim3A_1380 = arith.constant 0.000000e+00 : bf16
      %broadcast_in_dim3A_1381 = vector.broadcast %broadcast_in_dim3A_1380 : bf16 to vector<32xbf16>
      %broadcast_in_dim3A_1382 = arith.constant 0.000000e+00 : bf16
      %broadcast_in_dim3A_1383 = vector.broadcast %broadcast_in_dim3A_1382 : bf16 to vector<32xbf16>
      %scan3A_1384 = arith.constant 0 : i32
      %scan3A_1385 = arith.constant 40 : i32
      %scan3A_1386 = arith.addi %scan3A_1384, %scan3A_1385 : i32
      %scan3A_1387 = arith.constant 1 : i32
      %scan3A_1388:32 = scf.for %scan3A_1648 = %scan3A_1384 to %scan3A_1386 step %scan3A_1387 iter_args(%scan3A_1649 = %broadcast_in_dim3A_1321, %scan3A_1650 = %broadcast_in_dim3A_1323, %scan3A_1651 = %broadcast_in_dim3A_1325, %scan3A_1652 = %broadcast_in_dim3A_1327, %scan3A_1653 = %broadcast_in_dim3A_1329, %scan3A_1654 = %broadcast_in_dim3A_1331, %scan3A_1655 = %broadcast_in_dim3A_1333, %scan3A_1656 = %broadcast_in_dim3A_1335, %scan3A_1657 = %broadcast_in_dim3A_1337, %scan3A_1658 = %broadcast_in_dim3A_1339, %scan3A_1659 = %broadcast_in_dim3A_1341, %scan3A_1660 = %broadcast_in_dim3A_1343, %scan3A_1661 = %broadcast_in_dim3A_1345, %scan3A_1662 = %broadcast_in_dim3A_1347, %scan3A_1663 = %broadcast_in_dim3A_1349, %scan3A_1664 = %broadcast_in_dim3A_1351, %scan3A_1665 = %broadcast_in_dim3A_1353, %scan3A_1666 = %broadcast_in_dim3A_1355, %scan3A_1667 = %broadcast_in_dim3A_1357, %scan3A_1668 = %broadcast_in_dim3A_1359, %scan3A_1669 = %broadcast_in_dim3A_1361, %scan3A_1670 = %broadcast_in_dim3A_1363, %scan3A_1671 = %broadcast_in_dim3A_1365, %scan3A_1672 = %broadcast_in_dim3A_1367, %scan3A_1673 = %broadcast_in_dim3A_1369, %scan3A_1674 = %broadcast_in_dim3A_1371, %scan3A_1675 = %broadcast_in_dim3A_1373, %scan3A_1676 = %broadcast_in_dim3A_1375, %scan3A_1677 = %broadcast_in_dim3A_1377, %scan3A_1678 = %broadcast_in_dim3A_1379, %scan3A_1679 = %broadcast_in_dim3A_1381, %scan3A_1680 = %broadcast_in_dim3A_1383) -> (vector<32xbf16>, vector<32xbf16>, vector<32xbf16>, vector<32xbf16>, vector<32xbf16>, vector<32xbf16>, vector<32xbf16>, vector<32xbf16>, vector<32xbf16>, vector<32xbf16>, vector<32xbf16>, vector<32xbf16>, vector<32xbf16>, vector<32xbf16>, vector<32xbf16>, vector<32xbf16>, vector<32xbf16>, vector<32xbf16>, vector<32xbf16>, vector<32xbf16>, vector<32xbf16>, vector<32xbf16>, vector<32xbf16>, vector<32xbf16>, vector<32xbf16>, vector<32xbf16>, vector<32xbf16>, vector<32xbf16>, vector<32xbf16>, vector<32xbf16>, vector<32xbf16>, vector<32xbf16>)  : i32 {
        %add3A_1681 = arith.constant 160 : i32
        %add3A_1682 = arith.addi %add3A_1681, %scan3A_1648 : i32
        %add3A_1683 = vector.broadcast %add3A_1682 : i32 to vector<16xi32>
        %add3A_1684 = arith.addi %mul3A_3, %add3A_1683 : vector<16xi32>
        %gather3A = tpu.vector_load_idx %arg5[%add3A_1684] : memref<3216xi32, #tpu.memory_space<vmem>>[vector<16xi32>], vector<16xi32>,
        %mul3A_1685 = arith.constant 33 : i32
        %mul3A_1686 = vector.broadcast %mul3A_1685 : i32 to vector<16xi32>
        %mul3A_1687 = arith.muli %gather3A, %mul3A_1686 : vector<16xi32>
        %add3A_1688 = arith.constant 0 : i32
        %add3A_1689 = vector.broadcast %add3A_1688 : i32 to vector<16xi32>
        %add3A_1690 = arith.addi %mul3A_1687, %add3A_1689 : vector<16xi32>
        %gather3A_1691 = tpu.vector_load_idx %arg6[%add3A_1690] : memref<3300xi32, #tpu.memory_space<vmem>>[vector<16xi32>], vector<16xi32>,
        %bitcast3A = vector.bitcast %gather3A_1691 : vector<16xi32> to vector<32xbf16>
        %add3A_1692 = arith.addf %scan3A_1649, %bitcast3A : vector<32xbf16>
        %add3A_1693 = arith.constant 1 : i32
        %add3A_1694 = vector.broadcast %add3A_1693 : i32 to vector<16xi32>
        %add3A_1695 = arith.addi %mul3A_1687, %add3A_1694 : vector<16xi32>
        %gather3A_1696 = tpu.vector_load_idx %arg6[%add3A_1695] : memref<3300xi32, #tpu.memory_space<vmem>>[vector<16xi32>], vector<16xi32>,
        %bitcast3A_1697 = vector.bitcast %gather3A_1696 : vector<16xi32> to vector<32xbf16>
        %add3A_1698 = arith.addf %scan3A_1650, %bitcast3A_1697 : vector<32xbf16>
        %add3A_1699 = arith.constant 2 : i32
        %add3A_1700 = vector.broadcast %add3A_1699 : i32 to vector<16xi32>
        %add3A_1701 = arith.addi %mul3A_1687, %add3A_1700 : vector<16xi32>
        %gather3A_1702 = tpu.vector_load_idx %arg6[%add3A_1701] : memref<3300xi32, #tpu.memory_space<vmem>>[vector<16xi32>], vector<16xi32>,
        %bitcast3A_1703 = vector.bitcast %gather3A_1702 : vector<16xi32> to vector<32xbf16>
        %add3A_1704 = arith.addf %scan3A_1651, %bitcast3A_1703 : vector<32xbf16>
        %add3A_1705 = arith.constant 3 : i32
        %add3A_1706 = vector.broadcast %add3A_1705 : i32 to vector<16xi32>
        %add3A_1707 = arith.addi %mul3A_1687, %add3A_1706 : vector<16xi32>
        %gather3A_1708 = tpu.vector_load_idx %arg6[%add3A_1707] : memref<3300xi32, #tpu.memory_space<vmem>>[vector<16xi32>], vector<16xi32>,
        %bitcast3A_1709 = vector.bitcast %gather3A_1708 : vector<16xi32> to vector<32xbf16>
        %add3A_1710 = arith.addf %scan3A_1652, %bitcast3A_1709 : vector<32xbf16>
        %add3A_1711 = arith.constant 4 : i32
        %add3A_1712 = vector.broadcast %add3A_1711 : i32 to vector<16xi32>
        %add3A_1713 = arith.addi %mul3A_1687, %add3A_1712 : vector<16xi32>
        %gather3A_1714 = tpu.vector_load_idx %arg6[%add3A_1713] : memref<3300xi32, #tpu.memory_space<vmem>>[vector<16xi32>], vector<16xi32>,
        %bitcast3A_1715 = vector.bitcast %gather3A_1714 : vector<16xi32> to vector<32xbf16>
        %add3A_1716 = arith.addf %scan3A_1653, %bitcast3A_1715 : vector<32xbf16>
        %add3A_1717 = arith.constant 5 : i32
        %add3A_1718 = vector.broadcast %add3A_1717 : i32 to vector<16xi32>
        %add3A_1719 = arith.addi %mul3A_1687, %add3A_1718 : vector<16xi32>
        %gather3A_1720 = tpu.vector_load_idx %arg6[%add3A_1719] : memref<3300xi32, #tpu.memory_space<vmem>>[vector<16xi32>], vector<16xi32>,
        %bitcast3A_1721 = vector.bitcast %gather3A_1720 : vector<16xi32> to vector<32xbf16>
        %add3A_1722 = arith.addf %scan3A_1654, %bitcast3A_1721 : vector<32xbf16>
        %add3A_1723 = arith.constant 6 : i32
        %add3A_1724 = vector.broadcast %add3A_1723 : i32 to vector<16xi32>
        %add3A_1725 = arith.addi %mul3A_1687, %add3A_1724 : vector<16xi32>
        %gather3A_1726 = tpu.vector_load_idx %arg6[%add3A_1725] : memref<3300xi32, #tpu.memory_space<vmem>>[vector<16xi32>], vector<16xi32>,
        %bitcast3A_1727 = vector.bitcast %gather3A_1726 : vector<16xi32> to vector<32xbf16>
        %add3A_1728 = arith.addf %scan3A_1655, %bitcast3A_1727 : vector<32xbf16>
        %add3A_1729 = arith.constant 7 : i32
        %add3A_1730 = vector.broadcast %add3A_1729 : i32 to vector<16xi32>
        %add3A_1731 = arith.addi %mul3A_1687, %add3A_1730 : vector<16xi32>
        %gather3A_1732 = tpu.vector_load_idx %arg6[%add3A_1731] : memref<3300xi32, #tpu.memory_space<vmem>>[vector<16xi32>], vector<16xi32>,
        %bitcast3A_1733 = vector.bitcast %gather3A_1732 : vector<16xi32> to vector<32xbf16>
        %add3A_1734 = arith.addf %scan3A_1656, %bitcast3A_1733 : vector<32xbf16>
        %add3A_1735 = arith.constant 8 : i32
        %add3A_1736 = vector.broadcast %add3A_1735 : i32 to vector<16xi32>
        %add3A_1737 = arith.addi %mul3A_1687, %add3A_1736 : vector<16xi32>
        %gather3A_1738 = tpu.vector_load_idx %arg6[%add3A_1737] : memref<3300xi32, #tpu.memory_space<vmem>>[vector<16xi32>], vector<16xi32>,
        %bitcast3A_1739 = vector.bitcast %gather3A_1738 : vector<16xi32> to vector<32xbf16>
        %add3A_1740 = arith.addf %scan3A_1657, %bitcast3A_1739 : vector<32xbf16>
        %add3A_1741 = arith.constant 9 : i32
        %add3A_1742 = vector.broadcast %add3A_1741 : i32 to vector<16xi32>
        %add3A_1743 = arith.addi %mul3A_1687, %add3A_1742 : vector<16xi32>
        %gather3A_1744 = tpu.vector_load_idx %arg6[%add3A_1743] : memref<3300xi32, #tpu.memory_space<vmem>>[vector<16xi32>], vector<16xi32>,
        %bitcast3A_1745 = vector.bitcast %gather3A_1744 : vector<16xi32> to vector<32xbf16>
        %add3A_1746 = arith.addf %scan3A_1658, %bitcast3A_1745 : vector<32xbf16>
        %add3A_1747 = arith.constant 10 : i32
        %add3A_1748 = vector.broadcast %add3A_1747 : i32 to vector<16xi32>
        %add3A_1749 = arith.addi %mul3A_1687, %add3A_1748 : vector<16xi32>
        %gather3A_1750 = tpu.vector_load_idx %arg6[%add3A_1749] : memref<3300xi32, #tpu.memory_space<vmem>>[vector<16xi32>], vector<16xi32>,
        %bitcast3A_1751 = vector.bitcast %gather3A_1750 : vector<16xi32> to vector<32xbf16>
        %add3A_1752 = arith.addf %scan3A_1659, %bitcast3A_1751 : vector<32xbf16>
        %add3A_1753 = arith.constant 11 : i32
        %add3A_1754 = vector.broadcast %add3A_1753 : i32 to vector<16xi32>
        %add3A_1755 = arith.addi %mul3A_1687, %add3A_1754 : vector<16xi32>
        %gather3A_1756 = tpu.vector_load_idx %arg6[%add3A_1755] : memref<3300xi32, #tpu.memory_space<vmem>>[vector<16xi32>], vector<16xi32>,
        %bitcast3A_1757 = vector.bitcast %gather3A_1756 : vector<16xi32> to vector<32xbf16>
        %add3A_1758 = arith.addf %scan3A_1660, %bitcast3A_1757 : vector<32xbf16>
        %add3A_1759 = arith.constant 12 : i32
        %add3A_1760 = vector.broadcast %add3A_1759 : i32 to vector<16xi32>
        %add3A_1761 = arith.addi %mul3A_1687, %add3A_1760 : vector<16xi32>
        %gather3A_1762 = tpu.vector_load_idx %arg6[%add3A_1761] : memref<3300xi32, #tpu.memory_space<vmem>>[vector<16xi32>], vector<16xi32>,
        %bitcast3A_1763 = vector.bitcast %gather3A_1762 : vector<16xi32> to vector<32xbf16>
        %add3A_1764 = arith.addf %scan3A_1661, %bitcast3A_1763 : vector<32xbf16>
        %add3A_1765 = arith.constant 13 : i32
        %add3A_1766 = vector.broadcast %add3A_1765 : i32 to vector<16xi32>
        %add3A_1767 = arith.addi %mul3A_1687, %add3A_1766 : vector<16xi32>
        %gather3A_1768 = tpu.vector_load_idx %arg6[%add3A_1767] : memref<3300xi32, #tpu.memory_space<vmem>>[vector<16xi32>], vector<16xi32>,
        %bitcast3A_1769 = vector.bitcast %gather3A_1768 : vector<16xi32> to vector<32xbf16>
        %add3A_1770 = arith.addf %scan3A_1662, %bitcast3A_1769 : vector<32xbf16>
        %add3A_1771 = arith.constant 14 : i32
        %add3A_1772 = vector.broadcast %add3A_1771 : i32 to vector<16xi32>
        %add3A_1773 = arith.addi %mul3A_1687, %add3A_1772 : vector<16xi32>
        %gather3A_1774 = tpu.vector_load_idx %arg6[%add3A_1773] : memref<3300xi32, #tpu.memory_space<vmem>>[vector<16xi32>], vector<16xi32>,
        %bitcast3A_1775 = vector.bitcast %gather3A_1774 : vector<16xi32> to vector<32xbf16>
        %add3A_1776 = arith.addf %scan3A_1663, %bitcast3A_1775 : vector<32xbf16>
        %add3A_1777 = arith.constant 15 : i32
        %add3A_1778 = vector.broadcast %add3A_1777 : i32 to vector<16xi32>
        %add3A_1779 = arith.addi %mul3A_1687, %add3A_1778 : vector<16xi32>
        %gather3A_1780 = tpu.vector_load_idx %arg6[%add3A_1779] : memref<3300xi32, #tpu.memory_space<vmem>>[vector<16xi32>], vector<16xi32>,
        %bitcast3A_1781 = vector.bitcast %gather3A_1780 : vector<16xi32> to vector<32xbf16>
        %add3A_1782 = arith.addf %scan3A_1664, %bitcast3A_1781 : vector<32xbf16>
        %add3A_1783 = arith.constant 16 : i32
        %add3A_1784 = vector.broadcast %add3A_1783 : i32 to vector<16xi32>
        %add3A_1785 = arith.addi %mul3A_1687, %add3A_1784 : vector<16xi32>
        %gather3A_1786 = tpu.vector_load_idx %arg6[%add3A_1785] : memref<3300xi32, #tpu.memory_space<vmem>>[vector<16xi32>], vector<16xi32>,
        %bitcast3A_1787 = vector.bitcast %gather3A_1786 : vector<16xi32> to vector<32xbf16>
        %add3A_1788 = arith.addf %scan3A_1665, %bitcast3A_1787 : vector<32xbf16>
        %add3A_1789 = arith.constant 17 : i32
        %add3A_1790 = vector.broadcast %add3A_1789 : i32 to vector<16xi32>
        %add3A_1791 = arith.addi %mul3A_1687, %add3A_1790 : vector<16xi32>
        %gather3A_1792 = tpu.vector_load_idx %arg6[%add3A_1791] : memref<3300xi32, #tpu.memory_space<vmem>>[vector<16xi32>], vector<16xi32>,
        %bitcast3A_1793 = vector.bitcast %gather3A_1792 : vector<16xi32> to vector<32xbf16>
        %add3A_1794 = arith.addf %scan3A_1666, %bitcast3A_1793 : vector<32xbf16>
        %add3A_1795 = arith.constant 18 : i32
        %add3A_1796 = vector.broadcast %add3A_1795 : i32 to vector<16xi32>
        %add3A_1797 = arith.addi %mul3A_1687, %add3A_1796 : vector<16xi32>
        %gather3A_1798 = tpu.vector_load_idx %arg6[%add3A_1797] : memref<3300xi32, #tpu.memory_space<vmem>>[vector<16xi32>], vector<16xi32>,
        %bitcast3A_1799 = vector.bitcast %gather3A_1798 : vector<16xi32> to vector<32xbf16>
        %add3A_1800 = arith.addf %scan3A_1667, %bitcast3A_1799 : vector<32xbf16>
        %add3A_1801 = arith.constant 19 : i32
        %add3A_1802 = vector.broadcast %add3A_1801 : i32 to vector<16xi32>
        %add3A_1803 = arith.addi %mul3A_1687, %add3A_1802 : vector<16xi32>
        %gather3A_1804 = tpu.vector_load_idx %arg6[%add3A_1803] : memref<3300xi32, #tpu.memory_space<vmem>>[vector<16xi32>], vector<16xi32>,
        %bitcast3A_1805 = vector.bitcast %gather3A_1804 : vector<16xi32> to vector<32xbf16>
        %add3A_1806 = arith.addf %scan3A_1668, %bitcast3A_1805 : vector<32xbf16>
        %add3A_1807 = arith.constant 20 : i32
        %add3A_1808 = vector.broadcast %add3A_1807 : i32 to vector<16xi32>
        %add3A_1809 = arith.addi %mul3A_1687, %add3A_1808 : vector<16xi32>
        %gather3A_1810 = tpu.vector_load_idx %arg6[%add3A_1809] : memref<3300xi32, #tpu.memory_space<vmem>>[vector<16xi32>], vector<16xi32>,
        %bitcast3A_1811 = vector.bitcast %gather3A_1810 : vector<16xi32> to vector<32xbf16>
        %add3A_1812 = arith.addf %scan3A_1669, %bitcast3A_1811 : vector<32xbf16>
        %add3A_1813 = arith.constant 21 : i32
        %add3A_1814 = vector.broadcast %add3A_1813 : i32 to vector<16xi32>
        %add3A_1815 = arith.addi %mul3A_1687, %add3A_1814 : vector<16xi32>
        %gather3A_1816 = tpu.vector_load_idx %arg6[%add3A_1815] : memref<3300xi32, #tpu.memory_space<vmem>>[vector<16xi32>], vector<16xi32>,
        %bitcast3A_1817 = vector.bitcast %gather3A_1816 : vector<16xi32> to vector<32xbf16>
        %add3A_1818 = arith.addf %scan3A_1670, %bitcast3A_1817 : vector<32xbf16>
        %add3A_1819 = arith.constant 22 : i32
        %add3A_1820 = vector.broadcast %add3A_1819 : i32 to vector<16xi32>
        %add3A_1821 = arith.addi %mul3A_1687, %add3A_1820 : vector<16xi32>
        %gather3A_1822 = tpu.vector_load_idx %arg6[%add3A_1821] : memref<3300xi32, #tpu.memory_space<vmem>>[vector<16xi32>], vector<16xi32>,
        %bitcast3A_1823 = vector.bitcast %gather3A_1822 : vector<16xi32> to vector<32xbf16>
        %add3A_1824 = arith.addf %scan3A_1671, %bitcast3A_1823 : vector<32xbf16>
        %add3A_1825 = arith.constant 23 : i32
        %add3A_1826 = vector.broadcast %add3A_1825 : i32 to vector<16xi32>
        %add3A_1827 = arith.addi %mul3A_1687, %add3A_1826 : vector<16xi32>
        %gather3A_1828 = tpu.vector_load_idx %arg6[%add3A_1827] : memref<3300xi32, #tpu.memory_space<vmem>>[vector<16xi32>], vector<16xi32>,
        %bitcast3A_1829 = vector.bitcast %gather3A_1828 : vector<16xi32> to vector<32xbf16>
        %add3A_1830 = arith.addf %scan3A_1672, %bitcast3A_1829 : vector<32xbf16>
        %add3A_1831 = arith.constant 24 : i32
        %add3A_1832 = vector.broadcast %add3A_1831 : i32 to vector<16xi32>
        %add3A_1833 = arith.addi %mul3A_1687, %add3A_1832 : vector<16xi32>
        %gather3A_1834 = tpu.vector_load_idx %arg6[%add3A_1833] : memref<3300xi32, #tpu.memory_space<vmem>>[vector<16xi32>], vector<16xi32>,
        %bitcast3A_1835 = vector.bitcast %gather3A_1834 : vector<16xi32> to vector<32xbf16>
        %add3A_1836 = arith.addf %scan3A_1673, %bitcast3A_1835 : vector<32xbf16>
        %add3A_1837 = arith.constant 25 : i32
        %add3A_1838 = vector.broadcast %add3A_1837 : i32 to vector<16xi32>
        %add3A_1839 = arith.addi %mul3A_1687, %add3A_1838 : vector<16xi32>
        %gather3A_1840 = tpu.vector_load_idx %arg6[%add3A_1839] : memref<3300xi32, #tpu.memory_space<vmem>>[vector<16xi32>], vector<16xi32>,
        %bitcast3A_1841 = vector.bitcast %gather3A_1840 : vector<16xi32> to vector<32xbf16>
        %add3A_1842 = arith.addf %scan3A_1674, %bitcast3A_1841 : vector<32xbf16>
        %add3A_1843 = arith.constant 26 : i32
        %add3A_1844 = vector.broadcast %add3A_1843 : i32 to vector<16xi32>
        %add3A_1845 = arith.addi %mul3A_1687, %add3A_1844 : vector<16xi32>
        %gather3A_1846 = tpu.vector_load_idx %arg6[%add3A_1845] : memref<3300xi32, #tpu.memory_space<vmem>>[vector<16xi32>], vector<16xi32>,
        %bitcast3A_1847 = vector.bitcast %gather3A_1846 : vector<16xi32> to vector<32xbf16>
        %add3A_1848 = arith.addf %scan3A_1675, %bitcast3A_1847 : vector<32xbf16>
        %add3A_1849 = arith.constant 27 : i32
        %add3A_1850 = vector.broadcast %add3A_1849 : i32 to vector<16xi32>
        %add3A_1851 = arith.addi %mul3A_1687, %add3A_1850 : vector<16xi32>
        %gather3A_1852 = tpu.vector_load_idx %arg6[%add3A_1851] : memref<3300xi32, #tpu.memory_space<vmem>>[vector<16xi32>], vector<16xi32>,
        %bitcast3A_1853 = vector.bitcast %gather3A_1852 : vector<16xi32> to vector<32xbf16>
        %add3A_1854 = arith.addf %scan3A_1676, %bitcast3A_1853 : vector<32xbf16>
        %add3A_1855 = arith.constant 28 : i32
        %add3A_1856 = vector.broadcast %add3A_1855 : i32 to vector<16xi32>
        %add3A_1857 = arith.addi %mul3A_1687, %add3A_1856 : vector<16xi32>
        %gather3A_1858 = tpu.vector_load_idx %arg6[%add3A_1857] : memref<3300xi32, #tpu.memory_space<vmem>>[vector<16xi32>], vector<16xi32>,
        %bitcast3A_1859 = vector.bitcast %gather3A_1858 : vector<16xi32> to vector<32xbf16>
        %add3A_1860 = arith.addf %scan3A_1677, %bitcast3A_1859 : vector<32xbf16>
        %add3A_1861 = arith.constant 29 : i32
        %add3A_1862 = vector.broadcast %add3A_1861 : i32 to vector<16xi32>
        %add3A_1863 = arith.addi %mul3A_1687, %add3A_1862 : vector<16xi32>
        %gather3A_1864 = tpu.vector_load_idx %arg6[%add3A_1863] : memref<3300xi32, #tpu.memory_space<vmem>>[vector<16xi32>], vector<16xi32>,
        %bitcast3A_1865 = vector.bitcast %gather3A_1864 : vector<16xi32> to vector<32xbf16>
        %add3A_1866 = arith.addf %scan3A_1678, %bitcast3A_1865 : vector<32xbf16>
        %add3A_1867 = arith.constant 30 : i32
        %add3A_1868 = vector.broadcast %add3A_1867 : i32 to vector<16xi32>
        %add3A_1869 = arith.addi %mul3A_1687, %add3A_1868 : vector<16xi32>
        %gather3A_1870 = tpu.vector_load_idx %arg6[%add3A_1869] : memref<3300xi32, #tpu.memory_space<vmem>>[vector<16xi32>], vector<16xi32>,
        %bitcast3A_1871 = vector.bitcast %gather3A_1870 : vector<16xi32> to vector<32xbf16>
        %add3A_1872 = arith.addf %scan3A_1679, %bitcast3A_1871 : vector<32xbf16>
        %add3A_1873 = arith.constant 31 : i32
        %add3A_1874 = vector.broadcast %add3A_1873 : i32 to vector<16xi32>
        %add3A_1875 = arith.addi %mul3A_1687, %add3A_1874 : vector<16xi32>
        %gather3A_1876 = tpu.vector_load_idx %arg6[%add3A_1875] : memref<3300xi32, #tpu.memory_space<vmem>>[vector<16xi32>], vector<16xi32>,
        %bitcast3A_1877 = vector.bitcast %gather3A_1876 : vector<16xi32> to vector<32xbf16>
        %add3A_1878 = arith.addf %scan3A_1680, %bitcast3A_1877 : vector<32xbf16>
        scf.yield %add3A_1692, %add3A_1698, %add3A_1704, %add3A_1710, %add3A_1716, %add3A_1722, %add3A_1728, %add3A_1734, %add3A_1740, %add3A_1746, %add3A_1752, %add3A_1758, %add3A_1764, %add3A_1770, %add3A_1776, %add3A_1782, %add3A_1788, %add3A_1794, %add3A_1800, %add3A_1806, %add3A_1812, %add3A_1818, %add3A_1824, %add3A_1830, %add3A_1836, %add3A_1842, %add3A_1848, %add3A_1854, %add3A_1860, %add3A_1866, %add3A_1872, %add3A_1878 : vector<32xbf16>, vector<32xbf16>, vector<32xbf16>, vector<32xbf16>, vector<32xbf16>, vector<32xbf16>, vector<32xbf16>, vector<32xbf16>, vector<32xbf16>, vector<32xbf16>, vector<32xbf16>, vector<32xbf16>, vector<32xbf16>, vector<32xbf16>, vector<32xbf16>, vector<32xbf16>, vector<32xbf16>, vector<32xbf16>, vector<32xbf16>, vector<32xbf16>, vector<32xbf16>, vector<32xbf16>, vector<32xbf16>, vector<32xbf16>, vector<32xbf16>, vector<32xbf16>, vector<32xbf16>, vector<32xbf16>, vector<32xbf16>, vector<32xbf16>, vector<32xbf16>, vector<32xbf16>
      }
      %scan3A_1389 = arith.constant 40 : i32
      %unpack3A_1390 = tpu.unpack_subelements %scan3A_1388#0, 0 {pack_format = #tpu.pack_format<interleaved>} : vector<32xbf16> -> vector<16xf32>
      %unpack3A_1391 = tpu.unpack_subelements %scan3A_1388#0, 1 {pack_format = #tpu.pack_format<interleaved>} : vector<32xbf16> -> vector<16xf32>
      %add3A_1392 = arith.constant 256 : i32
      %add3A_1393 = vector.broadcast %add3A_1392 : i32 to vector<16xi32>
      %add3A_1394 = arith.addi %mul3A_6, %add3A_1393 : vector<16xi32>
      tpu.vector_store_idx %arg7[%add3A_1394], %unpack3A_1390 : memref<5136xf32, #tpu.memory_space<vmem>>[vector<16xi32>], vector<16xf32>,
      %add3A_1395 = arith.constant 257 : i32
      %add3A_1396 = vector.broadcast %add3A_1395 : i32 to vector<16xi32>
      %add3A_1397 = arith.addi %mul3A_6, %add3A_1396 : vector<16xi32>
      tpu.vector_store_idx %arg7[%add3A_1397], %unpack3A_1391 : memref<5136xf32, #tpu.memory_space<vmem>>[vector<16xi32>], vector<16xf32>,
      %unpack3A_1398 = tpu.unpack_subelements %scan3A_1388#1, 0 {pack_format = #tpu.pack_format<interleaved>} : vector<32xbf16> -> vector<16xf32>
      %unpack3A_1399 = tpu.unpack_subelements %scan3A_1388#1, 1 {pack_format = #tpu.pack_format<interleaved>} : vector<32xbf16> -> vector<16xf32>
      %add3A_1400 = arith.constant 258 : i32
      %add3A_1401 = vector.broadcast %add3A_1400 : i32 to vector<16xi32>
      %add3A_1402 = arith.addi %mul3A_6, %add3A_1401 : vector<16xi32>
      tpu.vector_store_idx %arg7[%add3A_1402], %unpack3A_1398 : memref<5136xf32, #tpu.memory_space<vmem>>[vector<16xi32>], vector<16xf32>,
      %add3A_1403 = arith.constant 259 : i32
      %add3A_1404 = vector.broadcast %add3A_1403 : i32 to vector<16xi32>
      %add3A_1405 = arith.addi %mul3A_6, %add3A_1404 : vector<16xi32>
      tpu.vector_store_idx %arg7[%add3A_1405], %unpack3A_1399 : memref<5136xf32, #tpu.memory_space<vmem>>[vector<16xi32>], vector<16xf32>,
      %unpack3A_1406 = tpu.unpack_subelements %scan3A_1388#2, 0 {pack_format = #tpu.pack_format<interleaved>} : vector<32xbf16> -> vector<16xf32>
      %unpack3A_1407 = tpu.unpack_subelements %scan3A_1388#2, 1 {pack_format = #tpu.pack_format<interleaved>} : vector<32xbf16> -> vector<16xf32>
      %add3A_1408 = arith.constant 260 : i32
      %add3A_1409 = vector.broadcast %add3A_1408 : i32 to vector<16xi32>
      %add3A_1410 = arith.addi %mul3A_6, %add3A_1409 : vector<16xi32>
      tpu.vector_store_idx %arg7[%add3A_1410], %unpack3A_1406 : memref<5136xf32, #tpu.memory_space<vmem>>[vector<16xi32>], vector<16xf32>,
      %add3A_1411 = arith.constant 261 : i32
      %add3A_1412 = vector.broadcast %add3A_1411 : i32 to vector<16xi32>
      %add3A_1413 = arith.addi %mul3A_6, %add3A_1412 : vector<16xi32>
      tpu.vector_store_idx %arg7[%add3A_1413], %unpack3A_1407 : memref<5136xf32, #tpu.memory_space<vmem>>[vector<16xi32>], vector<16xf32>,
      %unpack3A_1414 = tpu.unpack_subelements %scan3A_1388#3, 0 {pack_format = #tpu.pack_format<interleaved>} : vector<32xbf16> -> vector<16xf32>
      %unpack3A_1415 = tpu.unpack_subelements %scan3A_1388#3, 1 {pack_format = #tpu.pack_format<interleaved>} : vector<32xbf16> -> vector<16xf32>
      %add3A_1416 = arith.constant 262 : i32
      %add3A_1417 = vector.broadcast %add3A_1416 : i32 to vector<16xi32>
      %add3A_1418 = arith.addi %mul3A_6, %add3A_1417 : vector<16xi32>
      tpu.vector_store_idx %arg7[%add3A_1418], %unpack3A_1414 : memref<5136xf32, #tpu.memory_space<vmem>>[vector<16xi32>], vector<16xf32>,
      %add3A_1419 = arith.constant 263 : i32
      %add3A_1420 = vector.broadcast %add3A_1419 : i32 to vector<16xi32>
      %add3A_1421 = arith.addi %mul3A_6, %add3A_1420 : vector<16xi32>
      tpu.vector_store_idx %arg7[%add3A_1421], %unpack3A_1415 : memref<5136xf32, #tpu.memory_space<vmem>>[vector<16xi32>], vector<16xf32>,
      %unpack3A_1422 = tpu.unpack_subelements %scan3A_1388#4, 0 {pack_format = #tpu.pack_format<interleaved>} : vector<32xbf16> -> vector<16xf32>
      %unpack3A_1423 = tpu.unpack_subelements %scan3A_1388#4, 1 {pack_format = #tpu.pack_format<interleaved>} : vector<32xbf16> -> vector<16xf32>
      %add3A_1424 = arith.constant 264 : i32
      %add3A_1425 = vector.broadcast %add3A_1424 : i32 to vector<16xi32>
      %add3A_1426 = arith.addi %mul3A_6, %add3A_1425 : vector<16xi32>
      tpu.vector_store_idx %arg7[%add3A_1426], %unpack3A_1422 : memref<5136xf32, #tpu.memory_space<vmem>>[vector<16xi32>], vector<16xf32>,
      %add3A_1427 = arith.constant 265 : i32
      %add3A_1428 = vector.broadcast %add3A_1427 : i32 to vector<16xi32>
      %add3A_1429 = arith.addi %mul3A_6, %add3A_1428 : vector<16xi32>
      tpu.vector_store_idx %arg7[%add3A_1429], %unpack3A_1423 : memref<5136xf32, #tpu.memory_space<vmem>>[vector<16xi32>], vector<16xf32>,
      %unpack3A_1430 = tpu.unpack_subelements %scan3A_1388#5, 0 {pack_format = #tpu.pack_format<interleaved>} : vector<32xbf16> -> vector<16xf32>
      %unpack3A_1431 = tpu.unpack_subelements %scan3A_1388#5, 1 {pack_format = #tpu.pack_format<interleaved>} : vector<32xbf16> -> vector<16xf32>
      %add3A_1432 = arith.constant 266 : i32
      %add3A_1433 = vector.broadcast %add3A_1432 : i32 to vector<16xi32>
      %add3A_1434 = arith.addi %mul3A_6, %add3A_1433 : vector<16xi32>
      tpu.vector_store_idx %arg7[%add3A_1434], %unpack3A_1430 : memref<5136xf32, #tpu.memory_space<vmem>>[vector<16xi32>], vector<16xf32>,
      %add3A_1435 = arith.constant 267 : i32
      %add3A_1436 = vector.broadcast %add3A_1435 : i32 to vector<16xi32>
      %add3A_1437 = arith.addi %mul3A_6, %add3A_1436 : vector<16xi32>
      tpu.vector_store_idx %arg7[%add3A_1437], %unpack3A_1431 : memref<5136xf32, #tpu.memory_space<vmem>>[vector<16xi32>], vector<16xf32>,
      %unpack3A_1438 = tpu.unpack_subelements %scan3A_1388#6, 0 {pack_format = #tpu.pack_format<interleaved>} : vector<32xbf16> -> vector<16xf32>
      %unpack3A_1439 = tpu.unpack_subelements %scan3A_1388#6, 1 {pack_format = #tpu.pack_format<interleaved>} : vector<32xbf16> -> vector<16xf32>
      %add3A_1440 = arith.constant 268 : i32
      %add3A_1441 = vector.broadcast %add3A_1440 : i32 to vector<16xi32>
      %add3A_1442 = arith.addi %mul3A_6, %add3A_1441 : vector<16xi32>
      tpu.vector_store_idx %arg7[%add3A_1442], %unpack3A_1438 : memref<5136xf32, #tpu.memory_space<vmem>>[vector<16xi32>], vector<16xf32>,
      %add3A_1443 = arith.constant 269 : i32
      %add3A_1444 = vector.broadcast %add3A_1443 : i32 to vector<16xi32>
      %add3A_1445 = arith.addi %mul3A_6, %add3A_1444 : vector<16xi32>
      tpu.vector_store_idx %arg7[%add3A_1445], %unpack3A_1439 : memref<5136xf32, #tpu.memory_space<vmem>>[vector<16xi32>], vector<16xf32>,
      %unpack3A_1446 = tpu.unpack_subelements %scan3A_1388#7, 0 {pack_format = #tpu.pack_format<interleaved>} : vector<32xbf16> -> vector<16xf32>
      %unpack3A_1447 = tpu.unpack_subelements %scan3A_1388#7, 1 {pack_format = #tpu.pack_format<interleaved>} : vector<32xbf16> -> vector<16xf32>
      %add3A_1448 = arith.constant 270 : i32
      %add3A_1449 = vector.broadcast %add3A_1448 : i32 to vector<16xi32>
      %add3A_1450 = arith.addi %mul3A_6, %add3A_1449 : vector<16xi32>
      tpu.vector_store_idx %arg7[%add3A_1450], %unpack3A_1446 : memref<5136xf32, #tpu.memory_space<vmem>>[vector<16xi32>], vector<16xf32>,
      %add3A_1451 = arith.constant 271 : i32
      %add3A_1452 = vector.broadcast %add3A_1451 : i32 to vector<16xi32>
      %add3A_1453 = arith.addi %mul3A_6, %add3A_1452 : vector<16xi32>
      tpu.vector_store_idx %arg7[%add3A_1453], %unpack3A_1447 : memref<5136xf32, #tpu.memory_space<vmem>>[vector<16xi32>], vector<16xf32>,
      %unpack3A_1454 = tpu.unpack_subelements %scan3A_1388#8, 0 {pack_format = #tpu.pack_format<interleaved>} : vector<32xbf16> -> vector<16xf32>
      %unpack3A_1455 = tpu.unpack_subelements %scan3A_1388#8, 1 {pack_format = #tpu.pack_format<interleaved>} : vector<32xbf16> -> vector<16xf32>
      %add3A_1456 = arith.constant 272 : i32
      %add3A_1457 = vector.broadcast %add3A_1456 : i32 to vector<16xi32>
      %add3A_1458 = arith.addi %mul3A_6, %add3A_1457 : vector<16xi32>
      tpu.vector_store_idx %arg7[%add3A_1458], %unpack3A_1454 : memref<5136xf32, #tpu.memory_space<vmem>>[vector<16xi32>], vector<16xf32>,
      %add3A_1459 = arith.constant 273 : i32
      %add3A_1460 = vector.broadcast %add3A_1459 : i32 to vector<16xi32>
      %add3A_1461 = arith.addi %mul3A_6, %add3A_1460 : vector<16xi32>
      tpu.vector_store_idx %arg7[%add3A_1461], %unpack3A_1455 : memref<5136xf32, #tpu.memory_space<vmem>>[vector<16xi32>], vector<16xf32>,
      %unpack3A_1462 = tpu.unpack_subelements %scan3A_1388#9, 0 {pack_format = #tpu.pack_format<interleaved>} : vector<32xbf16> -> vector<16xf32>
      %unpack3A_1463 = tpu.unpack_subelements %scan3A_1388#9, 1 {pack_format = #tpu.pack_format<interleaved>} : vector<32xbf16> -> vector<16xf32>
      %add3A_1464 = arith.constant 274 : i32
      %add3A_1465 = vector.broadcast %add3A_1464 : i32 to vector<16xi32>
      %add3A_1466 = arith.addi %mul3A_6, %add3A_1465 : vector<16xi32>
      tpu.vector_store_idx %arg7[%add3A_1466], %unpack3A_1462 : memref<5136xf32, #tpu.memory_space<vmem>>[vector<16xi32>], vector<16xf32>,
      %add3A_1467 = arith.constant 275 : i32
      %add3A_1468 = vector.broadcast %add3A_1467 : i32 to vector<16xi32>
      %add3A_1469 = arith.addi %mul3A_6, %add3A_1468 : vector<16xi32>
      tpu.vector_store_idx %arg7[%add3A_1469], %unpack3A_1463 : memref<5136xf32, #tpu.memory_space<vmem>>[vector<16xi32>], vector<16xf32>,
      %unpack3A_1470 = tpu.unpack_subelements %scan3A_1388#10, 0 {pack_format = #tpu.pack_format<interleaved>} : vector<32xbf16> -> vector<16xf32>
      %unpack3A_1471 = tpu.unpack_subelements %scan3A_1388#10, 1 {pack_format = #tpu.pack_format<interleaved>} : vector<32xbf16> -> vector<16xf32>
      %add3A_1472 = arith.constant 276 : i32
      %add3A_1473 = vector.broadcast %add3A_1472 : i32 to vector<16xi32>
      %add3A_1474 = arith.addi %mul3A_6, %add3A_1473 : vector<16xi32>
      tpu.vector_store_idx %arg7[%add3A_1474], %unpack3A_1470 : memref<5136xf32, #tpu.memory_space<vmem>>[vector<16xi32>], vector<16xf32>,
      %add3A_1475 = arith.constant 277 : i32
      %add3A_1476 = vector.broadcast %add3A_1475 : i32 to vector<16xi32>
      %add3A_1477 = arith.addi %mul3A_6, %add3A_1476 : vector<16xi32>
      tpu.vector_store_idx %arg7[%add3A_1477], %unpack3A_1471 : memref<5136xf32, #tpu.memory_space<vmem>>[vector<16xi32>], vector<16xf32>,
      %unpack3A_1478 = tpu.unpack_subelements %scan3A_1388#11, 0 {pack_format = #tpu.pack_format<interleaved>} : vector<32xbf16> -> vector<16xf32>
      %unpack3A_1479 = tpu.unpack_subelements %scan3A_1388#11, 1 {pack_format = #tpu.pack_format<interleaved>} : vector<32xbf16> -> vector<16xf32>
      %add3A_1480 = arith.constant 278 : i32
      %add3A_1481 = vector.broadcast %add3A_1480 : i32 to vector<16xi32>
      %add3A_1482 = arith.addi %mul3A_6, %add3A_1481 : vector<16xi32>
      tpu.vector_store_idx %arg7[%add3A_1482], %unpack3A_1478 : memref<5136xf32, #tpu.memory_space<vmem>>[vector<16xi32>], vector<16xf32>,
      %add3A_1483 = arith.constant 279 : i32
      %add3A_1484 = vector.broadcast %add3A_1483 : i32 to vector<16xi32>
      %add3A_1485 = arith.addi %mul3A_6, %add3A_1484 : vector<16xi32>
      tpu.vector_store_idx %arg7[%add3A_1485], %unpack3A_1479 : memref<5136xf32, #tpu.memory_space<vmem>>[vector<16xi32>], vector<16xf32>,
      %unpack3A_1486 = tpu.unpack_subelements %scan3A_1388#12, 0 {pack_format = #tpu.pack_format<interleaved>} : vector<32xbf16> -> vector<16xf32>
      %unpack3A_1487 = tpu.unpack_subelements %scan3A_1388#12, 1 {pack_format = #tpu.pack_format<interleaved>} : vector<32xbf16> -> vector<16xf32>
      %add3A_1488 = arith.constant 280 : i32
      %add3A_1489 = vector.broadcast %add3A_1488 : i32 to vector<16xi32>
      %add3A_1490 = arith.addi %mul3A_6, %add3A_1489 : vector<16xi32>
      tpu.vector_store_idx %arg7[%add3A_1490], %unpack3A_1486 : memref<5136xf32, #tpu.memory_space<vmem>>[vector<16xi32>], vector<16xf32>,
      %add3A_1491 = arith.constant 281 : i32
      %add3A_1492 = vector.broadcast %add3A_1491 : i32 to vector<16xi32>
      %add3A_1493 = arith.addi %mul3A_6, %add3A_1492 : vector<16xi32>
      tpu.vector_store_idx %arg7[%add3A_1493], %unpack3A_1487 : memref<5136xf32, #tpu.memory_space<vmem>>[vector<16xi32>], vector<16xf32>,
      %unpack3A_1494 = tpu.unpack_subelements %scan3A_1388#13, 0 {pack_format = #tpu.pack_format<interleaved>} : vector<32xbf16> -> vector<16xf32>
      %unpack3A_1495 = tpu.unpack_subelements %scan3A_1388#13, 1 {pack_format = #tpu.pack_format<interleaved>} : vector<32xbf16> -> vector<16xf32>
      %add3A_1496 = arith.constant 282 : i32
      %add3A_1497 = vector.broadcast %add3A_1496 : i32 to vector<16xi32>
      %add3A_1498 = arith.addi %mul3A_6, %add3A_1497 : vector<16xi32>
      tpu.vector_store_idx %arg7[%add3A_1498], %unpack3A_1494 : memref<5136xf32, #tpu.memory_space<vmem>>[vector<16xi32>], vector<16xf32>,
      %add3A_1499 = arith.constant 283 : i32
      %add3A_1500 = vector.broadcast %add3A_1499 : i32 to vector<16xi32>
      %add3A_1501 = arith.addi %mul3A_6, %add3A_1500 : vector<16xi32>
      tpu.vector_store_idx %arg7[%add3A_1501], %unpack3A_1495 : memref<5136xf32, #tpu.memory_space<vmem>>[vector<16xi32>], vector<16xf32>,
      %unpack3A_1502 = tpu.unpack_subelements %scan3A_1388#14, 0 {pack_format = #tpu.pack_format<interleaved>} : vector<32xbf16> -> vector<16xf32>
      %unpack3A_1503 = tpu.unpack_subelements %scan3A_1388#14, 1 {pack_format = #tpu.pack_format<interleaved>} : vector<32xbf16> -> vector<16xf32>
      %add3A_1504 = arith.constant 284 : i32
      %add3A_1505 = vector.broadcast %add3A_1504 : i32 to vector<16xi32>
      %add3A_1506 = arith.addi %mul3A_6, %add3A_1505 : vector<16xi32>
      tpu.vector_store_idx %arg7[%add3A_1506], %unpack3A_1502 : memref<5136xf32, #tpu.memory_space<vmem>>[vector<16xi32>], vector<16xf32>,
      %add3A_1507 = arith.constant 285 : i32
      %add3A_1508 = vector.broadcast %add3A_1507 : i32 to vector<16xi32>
      %add3A_1509 = arith.addi %mul3A_6, %add3A_1508 : vector<16xi32>
      tpu.vector_store_idx %arg7[%add3A_1509], %unpack3A_1503 : memref<5136xf32, #tpu.memory_space<vmem>>[vector<16xi32>], vector<16xf32>,
      %unpack3A_1510 = tpu.unpack_subelements %scan3A_1388#15, 0 {pack_format = #tpu.pack_format<interleaved>} : vector<32xbf16> -> vector<16xf32>
      %unpack3A_1511 = tpu.unpack_subelements %scan3A_1388#15, 1 {pack_format = #tpu.pack_format<interleaved>} : vector<32xbf16> -> vector<16xf32>
      %add3A_1512 = arith.constant 286 : i32
      %add3A_1513 = vector.broadcast %add3A_1512 : i32 to vector<16xi32>
      %add3A_1514 = arith.addi %mul3A_6, %add3A_1513 : vector<16xi32>
      tpu.vector_store_idx %arg7[%add3A_1514], %unpack3A_1510 : memref<5136xf32, #tpu.memory_space<vmem>>[vector<16xi32>], vector<16xf32>,
      %add3A_1515 = arith.constant 287 : i32
      %add3A_1516 = vector.broadcast %add3A_1515 : i32 to vector<16xi32>
      %add3A_1517 = arith.addi %mul3A_6, %add3A_1516 : vector<16xi32>
      tpu.vector_store_idx %arg7[%add3A_1517], %unpack3A_1511 : memref<5136xf32, #tpu.memory_space<vmem>>[vector<16xi32>], vector<16xf32>,
      %unpack3A_1518 = tpu.unpack_subelements %scan3A_1388#16, 0 {pack_format = #tpu.pack_format<interleaved>} : vector<32xbf16> -> vector<16xf32>
      %unpack3A_1519 = tpu.unpack_subelements %scan3A_1388#16, 1 {pack_format = #tpu.pack_format<interleaved>} : vector<32xbf16> -> vector<16xf32>
      %add3A_1520 = arith.constant 288 : i32
      %add3A_1521 = vector.broadcast %add3A_1520 : i32 to vector<16xi32>
      %add3A_1522 = arith.addi %mul3A_6, %add3A_1521 : vector<16xi32>
      tpu.vector_store_idx %arg7[%add3A_1522], %unpack3A_1518 : memref<5136xf32, #tpu.memory_space<vmem>>[vector<16xi32>], vector<16xf32>,
      %add3A_1523 = arith.constant 289 : i32
      %add3A_1524 = vector.broadcast %add3A_1523 : i32 to vector<16xi32>
      %add3A_1525 = arith.addi %mul3A_6, %add3A_1524 : vector<16xi32>
      tpu.vector_store_idx %arg7[%add3A_1525], %unpack3A_1519 : memref<5136xf32, #tpu.memory_space<vmem>>[vector<16xi32>], vector<16xf32>,
      %unpack3A_1526 = tpu.unpack_subelements %scan3A_1388#17, 0 {pack_format = #tpu.pack_format<interleaved>} : vector<32xbf16> -> vector<16xf32>
      %unpack3A_1527 = tpu.unpack_subelements %scan3A_1388#17, 1 {pack_format = #tpu.pack_format<interleaved>} : vector<32xbf16> -> vector<16xf32>
      %add3A_1528 = arith.constant 290 : i32
      %add3A_1529 = vector.broadcast %add3A_1528 : i32 to vector<16xi32>
      %add3A_1530 = arith.addi %mul3A_6, %add3A_1529 : vector<16xi32>
      tpu.vector_store_idx %arg7[%add3A_1530], %unpack3A_1526 : memref<5136xf32, #tpu.memory_space<vmem>>[vector<16xi32>], vector<16xf32>,
      %add3A_1531 = arith.constant 291 : i32
      %add3A_1532 = vector.broadcast %add3A_1531 : i32 to vector<16xi32>
      %add3A_1533 = arith.addi %mul3A_6, %add3A_1532 : vector<16xi32>
      tpu.vector_store_idx %arg7[%add3A_1533], %unpack3A_1527 : memref<5136xf32, #tpu.memory_space<vmem>>[vector<16xi32>], vector<16xf32>,
      %unpack3A_1534 = tpu.unpack_subelements %scan3A_1388#18, 0 {pack_format = #tpu.pack_format<interleaved>} : vector<32xbf16> -> vector<16xf32>
      %unpack3A_1535 = tpu.unpack_subelements %scan3A_1388#18, 1 {pack_format = #tpu.pack_format<interleaved>} : vector<32xbf16> -> vector<16xf32>
      %add3A_1536 = arith.constant 292 : i32
      %add3A_1537 = vector.broadcast %add3A_1536 : i32 to vector<16xi32>
      %add3A_1538 = arith.addi %mul3A_6, %add3A_1537 : vector<16xi32>
      tpu.vector_store_idx %arg7[%add3A_1538], %unpack3A_1534 : memref<5136xf32, #tpu.memory_space<vmem>>[vector<16xi32>], vector<16xf32>,
      %add3A_1539 = arith.constant 293 : i32
      %add3A_1540 = vector.broadcast %add3A_1539 : i32 to vector<16xi32>
      %add3A_1541 = arith.addi %mul3A_6, %add3A_1540 : vector<16xi32>
      tpu.vector_store_idx %arg7[%add3A_1541], %unpack3A_1535 : memref<5136xf32, #tpu.memory_space<vmem>>[vector<16xi32>], vector<16xf32>,
      %unpack3A_1542 = tpu.unpack_subelements %scan3A_1388#19, 0 {pack_format = #tpu.pack_format<interleaved>} : vector<32xbf16> -> vector<16xf32>
      %unpack3A_1543 = tpu.unpack_subelements %scan3A_1388#19, 1 {pack_format = #tpu.pack_format<interleaved>} : vector<32xbf16> -> vector<16xf32>
      %add3A_1544 = arith.constant 294 : i32
      %add3A_1545 = vector.broadcast %add3A_1544 : i32 to vector<16xi32>
      %add3A_1546 = arith.addi %mul3A_6, %add3A_1545 : vector<16xi32>
      tpu.vector_store_idx %arg7[%add3A_1546], %unpack3A_1542 : memref<5136xf32, #tpu.memory_space<vmem>>[vector<16xi32>], vector<16xf32>,
      %add3A_1547 = arith.constant 295 : i32
      %add3A_1548 = vector.broadcast %add3A_1547 : i32 to vector<16xi32>
      %add3A_1549 = arith.addi %mul3A_6, %add3A_1548 : vector<16xi32>
      tpu.vector_store_idx %arg7[%add3A_1549], %unpack3A_1543 : memref<5136xf32, #tpu.memory_space<vmem>>[vector<16xi32>], vector<16xf32>,
      %unpack3A_1550 = tpu.unpack_subelements %scan3A_1388#20, 0 {pack_format = #tpu.pack_format<interleaved>} : vector<32xbf16> -> vector<16xf32>
      %unpack3A_1551 = tpu.unpack_subelements %scan3A_1388#20, 1 {pack_format = #tpu.pack_format<interleaved>} : vector<32xbf16> -> vector<16xf32>
      %add3A_1552 = arith.constant 296 : i32
      %add3A_1553 = vector.broadcast %add3A_1552 : i32 to vector<16xi32>
      %add3A_1554 = arith.addi %mul3A_6, %add3A_1553 : vector<16xi32>
      tpu.vector_store_idx %arg7[%add3A_1554], %unpack3A_1550 : memref<5136xf32, #tpu.memory_space<vmem>>[vector<16xi32>], vector<16xf32>,
      %add3A_1555 = arith.constant 297 : i32
      %add3A_1556 = vector.broadcast %add3A_1555 : i32 to vector<16xi32>
      %add3A_1557 = arith.addi %mul3A_6, %add3A_1556 : vector<16xi32>
      tpu.vector_store_idx %arg7[%add3A_1557], %unpack3A_1551 : memref<5136xf32, #tpu.memory_space<vmem>>[vector<16xi32>], vector<16xf32>,
      %unpack3A_1558 = tpu.unpack_subelements %scan3A_1388#21, 0 {pack_format = #tpu.pack_format<interleaved>} : vector<32xbf16> -> vector<16xf32>
      %unpack3A_1559 = tpu.unpack_subelements %scan3A_1388#21, 1 {pack_format = #tpu.pack_format<interleaved>} : vector<32xbf16> -> vector<16xf32>
      %add3A_1560 = arith.constant 298 : i32
      %add3A_1561 = vector.broadcast %add3A_1560 : i32 to vector<16xi32>
      %add3A_1562 = arith.addi %mul3A_6, %add3A_1561 : vector<16xi32>
      tpu.vector_store_idx %arg7[%add3A_1562], %unpack3A_1558 : memref<5136xf32, #tpu.memory_space<vmem>>[vector<16xi32>], vector<16xf32>,
      %add3A_1563 = arith.constant 299 : i32
      %add3A_1564 = vector.broadcast %add3A_1563 : i32 to vector<16xi32>
      %add3A_1565 = arith.addi %mul3A_6, %add3A_1564 : vector<16xi32>
      tpu.vector_store_idx %arg7[%add3A_1565], %unpack3A_1559 : memref<5136xf32, #tpu.memory_space<vmem>>[vector<16xi32>], vector<16xf32>,
      %unpack3A_1566 = tpu.unpack_subelements %scan3A_1388#22, 0 {pack_format = #tpu.pack_format<interleaved>} : vector<32xbf16> -> vector<16xf32>
      %unpack3A_1567 = tpu.unpack_subelements %scan3A_1388#22, 1 {pack_format = #tpu.pack_format<interleaved>} : vector<32xbf16> -> vector<16xf32>
      %add3A_1568 = arith.constant 300 : i32
      %add3A_1569 = vector.broadcast %add3A_1568 : i32 to vector<16xi32>
      %add3A_1570 = arith.addi %mul3A_6, %add3A_1569 : vector<16xi32>
      tpu.vector_store_idx %arg7[%add3A_1570], %unpack3A_1566 : memref<5136xf32, #tpu.memory_space<vmem>>[vector<16xi32>], vector<16xf32>,
      %add3A_1571 = arith.constant 301 : i32
      %add3A_1572 = vector.broadcast %add3A_1571 : i32 to vector<16xi32>
      %add3A_1573 = arith.addi %mul3A_6, %add3A_1572 : vector<16xi32>
      tpu.vector_store_idx %arg7[%add3A_1573], %unpack3A_1567 : memref<5136xf32, #tpu.memory_space<vmem>>[vector<16xi32>], vector<16xf32>,
      %unpack3A_1574 = tpu.unpack_subelements %scan3A_1388#23, 0 {pack_format = #tpu.pack_format<interleaved>} : vector<32xbf16> -> vector<16xf32>
      %unpack3A_1575 = tpu.unpack_subelements %scan3A_1388#23, 1 {pack_format = #tpu.pack_format<interleaved>} : vector<32xbf16> -> vector<16xf32>
      %add3A_1576 = arith.constant 302 : i32
      %add3A_1577 = vector.broadcast %add3A_1576 : i32 to vector<16xi32>
      %add3A_1578 = arith.addi %mul3A_6, %add3A_1577 : vector<16xi32>
      tpu.vector_store_idx %arg7[%add3A_1578], %unpack3A_1574 : memref<5136xf32, #tpu.memory_space<vmem>>[vector<16xi32>], vector<16xf32>,
      %add3A_1579 = arith.constant 303 : i32
      %add3A_1580 = vector.broadcast %add3A_1579 : i32 to vector<16xi32>
      %add3A_1581 = arith.addi %mul3A_6, %add3A_1580 : vector<16xi32>
      tpu.vector_store_idx %arg7[%add3A_1581], %unpack3A_1575 : memref<5136xf32, #tpu.memory_space<vmem>>[vector<16xi32>], vector<16xf32>,
      %unpack3A_1582 = tpu.unpack_subelements %scan3A_1388#24, 0 {pack_format = #tpu.pack_format<interleaved>} : vector<32xbf16> -> vector<16xf32>
      %unpack3A_1583 = tpu.unpack_subelements %scan3A_1388#24, 1 {pack_format = #tpu.pack_format<interleaved>} : vector<32xbf16> -> vector<16xf32>
      %add3A_1584 = arith.constant 304 : i32
      %add3A_1585 = vector.broadcast %add3A_1584 : i32 to vector<16xi32>
      %add3A_1586 = arith.addi %mul3A_6, %add3A_1585 : vector<16xi32>
      tpu.vector_store_idx %arg7[%add3A_1586], %unpack3A_1582 : memref<5136xf32, #tpu.memory_space<vmem>>[vector<16xi32>], vector<16xf32>,
      %add3A_1587 = arith.constant 305 : i32
      %add3A_1588 = vector.broadcast %add3A_1587 : i32 to vector<16xi32>
      %add3A_1589 = arith.addi %mul3A_6, %add3A_1588 : vector<16xi32>
      tpu.vector_store_idx %arg7[%add3A_1589], %unpack3A_1583 : memref<5136xf32, #tpu.memory_space<vmem>>[vector<16xi32>], vector<16xf32>,
      %unpack3A_1590 = tpu.unpack_subelements %scan3A_1388#25, 0 {pack_format = #tpu.pack_format<interleaved>} : vector<32xbf16> -> vector<16xf32>
      %unpack3A_1591 = tpu.unpack_subelements %scan3A_1388#25, 1 {pack_format = #tpu.pack_format<interleaved>} : vector<32xbf16> -> vector<16xf32>
      %add3A_1592 = arith.constant 306 : i32
      %add3A_1593 = vector.broadcast %add3A_1592 : i32 to vector<16xi32>
      %add3A_1594 = arith.addi %mul3A_6, %add3A_1593 : vector<16xi32>
      tpu.vector_store_idx %arg7[%add3A_1594], %unpack3A_1590 : memref<5136xf32, #tpu.memory_space<vmem>>[vector<16xi32>], vector<16xf32>,
      %add3A_1595 = arith.constant 307 : i32
      %add3A_1596 = vector.broadcast %add3A_1595 : i32 to vector<16xi32>
      %add3A_1597 = arith.addi %mul3A_6, %add3A_1596 : vector<16xi32>
      tpu.vector_store_idx %arg7[%add3A_1597], %unpack3A_1591 : memref<5136xf32, #tpu.memory_space<vmem>>[vector<16xi32>], vector<16xf32>,
      %unpack3A_1598 = tpu.unpack_subelements %scan3A_1388#26, 0 {pack_format = #tpu.pack_format<interleaved>} : vector<32xbf16> -> vector<16xf32>
      %unpack3A_1599 = tpu.unpack_subelements %scan3A_1388#26, 1 {pack_format = #tpu.pack_format<interleaved>} : vector<32xbf16> -> vector<16xf32>
      %add3A_1600 = arith.constant 308 : i32
      %add3A_1601 = vector.broadcast %add3A_1600 : i32 to vector<16xi32>
      %add3A_1602 = arith.addi %mul3A_6, %add3A_1601 : vector<16xi32>
      tpu.vector_store_idx %arg7[%add3A_1602], %unpack3A_1598 : memref<5136xf32, #tpu.memory_space<vmem>>[vector<16xi32>], vector<16xf32>,
      %add3A_1603 = arith.constant 309 : i32
      %add3A_1604 = vector.broadcast %add3A_1603 : i32 to vector<16xi32>
      %add3A_1605 = arith.addi %mul3A_6, %add3A_1604 : vector<16xi32>
      tpu.vector_store_idx %arg7[%add3A_1605], %unpack3A_1599 : memref<5136xf32, #tpu.memory_space<vmem>>[vector<16xi32>], vector<16xf32>,
      %unpack3A_1606 = tpu.unpack_subelements %scan3A_1388#27, 0 {pack_format = #tpu.pack_format<interleaved>} : vector<32xbf16> -> vector<16xf32>
      %unpack3A_1607 = tpu.unpack_subelements %scan3A_1388#27, 1 {pack_format = #tpu.pack_format<interleaved>} : vector<32xbf16> -> vector<16xf32>
      %add3A_1608 = arith.constant 310 : i32
      %add3A_1609 = vector.broadcast %add3A_1608 : i32 to vector<16xi32>
      %add3A_1610 = arith.addi %mul3A_6, %add3A_1609 : vector<16xi32>
      tpu.vector_store_idx %arg7[%add3A_1610], %unpack3A_1606 : memref<5136xf32, #tpu.memory_space<vmem>>[vector<16xi32>], vector<16xf32>,
      %add3A_1611 = arith.constant 311 : i32
      %add3A_1612 = vector.broadcast %add3A_1611 : i32 to vector<16xi32>
      %add3A_1613 = arith.addi %mul3A_6, %add3A_1612 : vector<16xi32>
      tpu.vector_store_idx %arg7[%add3A_1613], %unpack3A_1607 : memref<5136xf32, #tpu.memory_space<vmem>>[vector<16xi32>], vector<16xf32>,
      %unpack3A_1614 = tpu.unpack_subelements %scan3A_1388#28, 0 {pack_format = #tpu.pack_format<interleaved>} : vector<32xbf16> -> vector<16xf32>
      %unpack3A_1615 = tpu.unpack_subelements %scan3A_1388#28, 1 {pack_format = #tpu.pack_format<interleaved>} : vector<32xbf16> -> vector<16xf32>
      %add3A_1616 = arith.constant 312 : i32
      %add3A_1617 = vector.broadcast %add3A_1616 : i32 to vector<16xi32>
      %add3A_1618 = arith.addi %mul3A_6, %add3A_1617 : vector<16xi32>
      tpu.vector_store_idx %arg7[%add3A_1618], %unpack3A_1614 : memref<5136xf32, #tpu.memory_space<vmem>>[vector<16xi32>], vector<16xf32>,
      %add3A_1619 = arith.constant 313 : i32
      %add3A_1620 = vector.broadcast %add3A_1619 : i32 to vector<16xi32>
      %add3A_1621 = arith.addi %mul3A_6, %add3A_1620 : vector<16xi32>
      tpu.vector_store_idx %arg7[%add3A_1621], %unpack3A_1615 : memref<5136xf32, #tpu.memory_space<vmem>>[vector<16xi32>], vector<16xf32>,
      %unpack3A_1622 = tpu.unpack_subelements %scan3A_1388#29, 0 {pack_format = #tpu.pack_format<interleaved>} : vector<32xbf16> -> vector<16xf32>
      %unpack3A_1623 = tpu.unpack_subelements %scan3A_1388#29, 1 {pack_format = #tpu.pack_format<interleaved>} : vector<32xbf16> -> vector<16xf32>
      %add3A_1624 = arith.constant 314 : i32
      %add3A_1625 = vector.broadcast %add3A_1624 : i32 to vector<16xi32>
      %add3A_1626 = arith.addi %mul3A_6, %add3A_1625 : vector<16xi32>
      tpu.vector_store_idx %arg7[%add3A_1626], %unpack3A_1622 : memref<5136xf32, #tpu.memory_space<vmem>>[vector<16xi32>], vector<16xf32>,
      %add3A_1627 = arith.constant 315 : i32
      %add3A_1628 = vector.broadcast %add3A_1627 : i32 to vector<16xi32>
      %add3A_1629 = arith.addi %mul3A_6, %add3A_1628 : vector<16xi32>
      tpu.vector_store_idx %arg7[%add3A_1629], %unpack3A_1623 : memref<5136xf32, #tpu.memory_space<vmem>>[vector<16xi32>], vector<16xf32>,
      %unpack3A_1630 = tpu.unpack_subelements %scan3A_1388#30, 0 {pack_format = #tpu.pack_format<interleaved>} : vector<32xbf16> -> vector<16xf32>
      %unpack3A_1631 = tpu.unpack_subelements %scan3A_1388#30, 1 {pack_format = #tpu.pack_format<interleaved>} : vector<32xbf16> -> vector<16xf32>
      %add3A_1632 = arith.constant 316 : i32
      %add3A_1633 = vector.broadcast %add3A_1632 : i32 to vector<16xi32>
      %add3A_1634 = arith.addi %mul3A_6, %add3A_1633 : vector<16xi32>
      tpu.vector_store_idx %arg7[%add3A_1634], %unpack3A_1630 : memref<5136xf32, #tpu.memory_space<vmem>>[vector<16xi32>], vector<16xf32>,
      %add3A_1635 = arith.constant 317 : i32
      %add3A_1636 = vector.broadcast %add3A_1635 : i32 to vector<16xi32>
      %add3A_1637 = arith.addi %mul3A_6, %add3A_1636 : vector<16xi32>
      tpu.vector_store_idx %arg7[%add3A_1637], %unpack3A_1631 : memref<5136xf32, #tpu.memory_space<vmem>>[vector<16xi32>], vector<16xf32>,
      %unpack3A_1638 = tpu.unpack_subelements %scan3A_1388#31, 0 {pack_format = #tpu.pack_format<interleaved>} : vector<32xbf16> -> vector<16xf32>
      %unpack3A_1639 = tpu.unpack_subelements %scan3A_1388#31, 1 {pack_format = #tpu.pack_format<interleaved>} : vector<32xbf16> -> vector<16xf32>
      %add3A_1640 = arith.constant 318 : i32
      %add3A_1641 = vector.broadcast %add3A_1640 : i32 to vector<16xi32>
      %add3A_1642 = arith.addi %mul3A_6, %add3A_1641 : vector<16xi32>
      tpu.vector_store_idx %arg7[%add3A_1642], %unpack3A_1638 : memref<5136xf32, #tpu.memory_space<vmem>>[vector<16xi32>], vector<16xf32>,
      %add3A_1643 = arith.constant 319 : i32
      %add3A_1644 = vector.broadcast %add3A_1643 : i32 to vector<16xi32>
      %add3A_1645 = arith.addi %mul3A_6, %add3A_1644 : vector<16xi32>
      tpu.vector_store_idx %arg7[%add3A_1645], %unpack3A_1639 : memref<5136xf32, #tpu.memory_space<vmem>>[vector<16xi32>], vector<16xf32>,
      %mul3A_1646 = arith.constant 5136 : i32
      %mul3A_1647 = arith.muli %add3A_15, %mul3A_1646 : i32
      "tpu.region"() ({
        %run_scoped3A = tpu.sem_alloc : memref<!tpu.dma_semaphore, #tpu.memory_space<semaphore_mem>>
        %dma_start3A = tpu.memref_slice %arg4[%mul3A_1647] : memref<5259264xf32, #tpu.memory_space<hbm>> -> memref<5136xf32, #tpu.memory_space<hbm>>
        %dma_start3A_1648 = tpu.memref_slice %arg4[%mul3A_1647] : memref<5259264xf32, #tpu.memory_space<hbm>> -> memref<5136xf32, #tpu.memory_space<hbm>>
        tpu.enqueue_dma source(%arg7 : memref<5136xf32, #tpu.memory_space<vmem>>) target(%dma_start3A_1648 : memref<5136xf32, #tpu.memory_space<hbm>>) target_semaphore(%run_scoped3A : memref<!tpu.dma_semaphore, #tpu.memory_space<semaphore_mem>>)
        %dma_wait3A = tpu.memref_slice %arg4[%mul3A_1647] : memref<5259264xf32, #tpu.memory_space<hbm>> -> memref<5136xf32, #tpu.memory_space<hbm>>
        %dma_wait3A_1649 = tpu.memref_slice %arg4[%mul3A_1647] : memref<5259264xf32, #tpu.memory_space<hbm>> -> memref<5136xf32, #tpu.memory_space<hbm>>
        tpu.wait_dma2 semaphore(%run_scoped3A : memref<!tpu.dma_semaphore, #tpu.memory_space<semaphore_mem>>) src(%arg7 : memref<5136xf32, #tpu.memory_space<vmem>>) dst(%dma_wait3A_1649 : memref<5136xf32, #tpu.memory_space<hbm>>)
        tpu.yield
      }) : () -> ()
    }
    %scan3A_11 = arith.constant 32 : i32
    return
  }
}

module attributes {stable_mosaic.version = 14 : i64} {
  func.func @_fuse_table_body(%arg0: memref<100x64xf32, #tpu.memory_space<vmem>>, %arg1: memref<64x64xf32, #tpu.memory_space<vmem>>, %arg2: memref<1x64xf32, #tpu.memory_space<vmem>>, %arg3: memref<100x64xf32, #tpu.memory_space<vmem>>) attributes {dimension_semantics = [], scalar_prefetch = 0 : i64, scratch_operands = 0 : i64, tpu.core_type = #tpu.core_type<tc>} {
    %get3A = arith.constant 0 : index
    %get3A_0 = arith.constant 0 : index
    %get3A_1 = vector.load %arg0[%get3A, %get3A_0] : memref<100x64xf32, #tpu.memory_space<vmem>>, vector<100x64xf32>
    %get3A_2 = arith.constant 0 : index
    %get3A_3 = arith.constant 0 : index
    %get3A_4 = vector.load %arg1[%get3A_2, %get3A_3] : memref<64x64xf32, #tpu.memory_space<vmem>>, vector<64x64xf32>
    %dot_general3A = arith.constant dense<0.000000e+00> : vector<100x64xf32>
    %dot_general3A_5 = tpu.matmul %get3A_1, %get3A_4, %dot_general3A {dimension_numbers = #tpu.dot_dimension_numbers<[1], [0], [0], [1], [0, 0, 1, 1], [], []>, transpose_lhs_hint = false} : vector<100x64xf32>, vector<64x64xf32>, vector<100x64xf32> -> vector<100x64xf32>
    %get3A_6 = arith.constant 0 : index
    %get3A_7 = arith.constant 0 : index
    %get3A_8 = vector.load %arg2[%get3A_6, %get3A_7] : memref<1x64xf32, #tpu.memory_space<vmem>>, vector<1x64xf32>
    %add3A = vector.broadcast %get3A_8 : vector<1x64xf32> to vector<100x64xf32>
    %add3A_9 = arith.addf %dot_general3A_5, %add3A : vector<100x64xf32>
    %mul3A = arith.constant 2.500000e-02 : f32
    %mul3A_10 = vector.broadcast %mul3A : f32 to vector<100x64xf32>
    %mul3A_11 = arith.mulf %add3A_9, %mul3A_10 : vector<100x64xf32>
    %swap3A = arith.constant 0 : index
    %swap3A_12 = arith.constant 0 : index
    %swap3A_13 = vector.load %arg3[%swap3A, %swap3A_12] : memref<100x64xf32, #tpu.memory_space<vmem>>, vector<100x64xf32>
    tpu.vector_store %arg3[%swap3A, %swap3A_12], %mul3A_11 {strides = array<i32>} : memref<100x64xf32, #tpu.memory_space<vmem>>, vector<100x64xf32>,
    return
  }
}

</mosaic_0001>

<sc_bundles>
// kernel: kernel.4.cloned.1.call-start
scs
__scs_entry_jumppad:
0x0: {  	(pc) =	sbr.rel $0x88, $3  }
0x1: {  	(tag) =	ssettag $0x0;
	lr =	simm.s32 $0x1  }
0x2: {  	[smem:$0x3F9D] =	sst lr;
	_ =	strace $0xD0000000  }
0x3: {  	_ = 	snop  }
0x4: {  	_ = 	snop  }
0x5: {  	_ = 	snop  }
0x6: {  	_ = 	snop  }
0x7: {  	_ = 	snop  }
__scs_overlays_trampoline_lowered:
0x8: {  	[smem:$0x3FAC] =	sst s0  }
0x9: {  	[smem:$0x3FAD] =	sst s1  }
0xa: {  	[smem:$0x3FAE] =	sst s2  }
0xb: {  	[smem:$0x3FAF] =	sst s3  }
0xc: {  	[smem:$0x3FB0] =	sst s4  }
0xd: {  	[smem:$0x3FB1] =	sst s5  }
0xe: {  	[smem:$0x3FB2] =	sst s6  }
0xf: {  	[smem:$0x3FB3] =	sst s7  }
0x10: {  	[smem:$0x3FB4] =	sst s8  }
0x11: {  	[smem:$0x3FB5] =	sst s9;
	s0 =	simm.s32 @!p0 $0x0  }
0x12: {  	s1 =	sld [smem:$0x3F9B];
	s0 =	simm.s32 @p0 $0x1  }
0x13: {  	[smem:$0x3FB6] =	sst s0;
	s0 =	simm.s32 @!p1 $0x0  }
0x14: {  	s2 =	sld [smem:$0x3F9A];
	s0 =	simm.s32 @p1 $0x1  }
0x15: {  	[smem:$0x3FB7] =	sst s0;
	s0 =	simm.s32 @!p2 $0x0  }
0x16: {  	s3 =	sld [smem:$0x3FDB];
	s0 =	simm.s32 @p2 $0x1  }
0x17: {  	s4 =	simm.s32 $0x1BF5;
	[smem:$0x3FB9] =	sst s0  }
0x18: {  	s0 =	sld [smem:$0x3F9C];
	_ =	swait.ge [sflag:s4], $0x0  }
0x19: {  	s7 =	sld [smem:$0x3F9D]  }
0x1a: {  	s8 =	sadd.s32 $0xFFFFE003, lr  }
0x1b: {  	s9 =	sadd.s32 $0xFFFFFEF7, lr;
	s5 =	simm.s32 $0xFFFFFFFF;
	p2 =	slt.u32 s8, $0xFFFFF086  }
0x1c: {  	p1 =	slt.u32 s9, $0xF7A;
	s5 =	simm.s32 @!p2 $0x0  }
0x1d: {  	s5 =	simm.s32 @p1 $0x1;
	p0 =	seq.s32 s7, s2  }
0x1e: {  	s7 =	smul.u32 @!p0 $0xF7A, s2;
	p2 =	seq.s32 @!p0 s5, $0x0  }
0x1f: {  	s9 =	smul.u32 $0xF7A, s1;
	s8 =	simm.s32 @!p0 $0x1BF5;
	p2 =	por !p2, p0  }
0x20: {  	[sflag:s8] =	ssyncset.s32 @!p0 $0xFFFFF086;
	s6 =	sadd.s32 @!p0 s3, s7;
	s7 =	simm.s32 @!p0 $0x108  }
0x21: {  	s3 =	sadd.s32 s3, s9;
	s6 =	sadd.s32 @!p0 $0x88, s6;
	s7 =	simm.s32 @p2 $0x1082  }
0x22: {  	[simem:s7], [sflag:s8] =	dma.local @!p0 [hbm:s6], $0xF7A  }
0x23: {  	s9 =	sor.u32 $0xD0000000, s2;
	s6 =	simm.s32 $0x108;
	_ =	swait.ge @!p0 [sflag:s8], $0x0  }
0x24: {  	s3 =	sadd.s32 $0x88, s3;
	s6 =	simm.s32 @!p1 $0x1082;
	[sflag:s4] =	ssyncset.s32 $0xFFFFF086  }
0x25: {  	[simem:s6], [sflag:s4] =	dma.local [hbm:s3], $0xF7A  }
0x26: {  	[smem:$0x3F9D] =	sst s1;
	(tag) =	ssettag s2;
	_ =	strace s9  }
0x27: {  	s1 =	sld [smem:$0x3FAD]  }
0x28: {  	s2 =	sld [smem:$0x3FAE]  }
0x29: {  	s4 =	sld [smem:$0x3FB0]  }
0x2a: {  	p0 =	seq.s32 s5, $0x0;
	s5 =	sld [smem:$0x3FB1]  }
0x2b: {  	s6 =	sld [smem:$0x3FB2]  }
0x2c: {  	s7 =	sld [smem:$0x3FB3]  }
0x2d: {  	s3 =	simm.s32 $0x108;
	s8 =	sld [smem:$0x3FB4]  }
0x2e: {  	s3 =	simm.s32 @!p0 $0x1082;
	s9 =	sld [smem:$0x3FB5]  }
0x2f: {  	lr =	sadd.s32 s0, s3;
	s0 =	sld [smem:$0x3FAC]  }
0x30: {  	s3 =	sld [smem:$0x3FAF]  }
0x31: {  	[smem:$0x3FB8] =	sst s10  }
0x32: {  	s10 =	sld [smem:$0x3FB6];
	_ =	sdelay $0x3  }
0x33: {  	p0 =	seq.s32 s10, $0x1;
	s10 =	sld [smem:$0x3FB8];
	_ =	sdelay $0x3  }
0x34: {  	[smem:$0x3FB8] =	sst s10  }
0x35: {  	s10 =	sld [smem:$0x3FB7];
	_ =	sdelay $0x3  }
0x36: {  	p1 =	seq.s32 s10, $0x1;
	s10 =	sld [smem:$0x3FB8];
	_ =	sdelay $0x3  }
0x37: {  	[smem:$0x3FB8] =	sst s10  }
0x38: {  	s10 =	sld [smem:$0x3FB9]  }
0x39: {  	_ = 	snop;
	(pc) =	sbr.ind lr, $3  }
0x3a: {  	_ = 	snop  }
0x3b: {  	_ = 	snop  }
0x3c: {  	p2 =	seq.s32 s10, $0x1;
	s10 =	sld [smem:$0x3FB8]  }
0x3d: {  	_ =	shalt  }
0x3e: {  	_ =	shalt  }
0x3f: {  	_ =	shalt  }
0x40: {  	_ =	shalt  }
0x41: {  	_ =	shalt  }
0x42: {  	_ =	shalt  }
0x43: {  	_ =	shalt  }
0x44: {  	_ =	shalt  }
0x45: {  	_ =	shalt  }
0x46: {  	_ =	shalt  }
0x47: {  	_ =	shalt  }
0x48: {  	_ =	shalt  }
0x49: {  	_ =	shalt  }
0x4a: {  	_ =	shalt  }
0x4b: {  	_ =	shalt  }
0x4c: {  	_ =	shalt  }
0x4d: {  	_ =	shalt  }
0x4e: {  	_ =	shalt  }
0x4f: {  	_ =	shalt  }
0x50: {  	_ =	shalt  }
0x51: {  	_ =	shalt  }
0x52: {  	_ =	shalt  }
0x53: {  	_ =	shalt  }
0x54: {  	_ =	shalt  }
0x55: {  	_ =	shalt  }
0x56: {  	_ =	shalt  }
0x57: {  	_ =	shalt  }
0x58: {  	_ =	shalt  }
0x59: {  	_ =	shalt  }
0x5a: {  	_ =	shalt  }
0x5b: {  	_ =	shalt  }
0x5c: {  	_ =	shalt  }
0x5d: {  	_ =	shalt  }
0x5e: {  	_ =	shalt  }
0x5f: {  	_ =	shalt  }
0x60: {  	_ =	shalt  }
0x61: {  	_ =	shalt  }
0x62: {  	_ =	shalt  }
0x63: {  	_ =	shalt  }
0x64: {  	_ =	shalt  }
0x65: {  	_ =	shalt  }
0x66: {  	_ =	shalt  }
0x67: {  	_ =	shalt  }
0x68: {  	_ =	shalt  }
0x69: {  	_ =	shalt  }
0x6a: {  	_ =	shalt  }
0x6b: {  	_ =	shalt  }
0x6c: {  	_ =	shalt  }
0x6d: {  	_ =	shalt  }
0x6e: {  	_ =	shalt  }
0x6f: {  	_ =	shalt  }
0x70: {  	_ =	shalt  }
0x71: {  	_ =	shalt  }
0x72: {  	_ =	shalt  }
0x73: {  	_ =	shalt  }
0x74: {  	_ =	shalt  }
0x75: {  	_ =	shalt  }
0x76: {  	_ =	shalt  }
0x77: {  	_ =	shalt  }
0x78: {  	_ =	shalt  }
0x79: {  	_ =	shalt  }
0x7a: {  	_ =	shalt  }
0x7b: {  	_ =	shalt  }
0x7c: {  	_ =	shalt  }
0x7d: {  	_ =	shalt  }
0x7e: {  	_ =	shalt  }
0x7f: {  	_ =	shalt  }
0x80: {  	_ =	shalt  }
0x81: {  	_ =	shalt  }
0x82: {  	_ =	shalt  }
0x83: {  	_ =	shalt  }
0x84: {  	_ =	shalt  }
0x85: {  	_ =	shalt  }
0x86: {  	_ =	shalt  }
0x87: {  	_ =	shalt  }
.Lfunc_end0:
.L_simem_size_0:
called_computation_lowered:
.L_overlay_start_0:
0x88: {  	s2 =	sld [smem:$0x3FD9]  }
0x89: {  	s3 =	sld [smem:$0x3FFE];
	_ =	sdelay $0x1  }
0x8a: {  	s1 =	srdreg.scid  }
0x8b: {  	s0 =	sand.u32 $0x1, s1  }
0x8c: {  	s17 =	sshll.u32 s0, $0xA;
	s2 =	sadd.s32 s3, s2  }
0x8d: {  	s2 =	sadd.s32 s2, s17  }
0x8e: {  	[smem:$0x3FC4] =	sst s2  }
0x8f: {  	_ = 	snop  }
0x90: {  	s2 =	sld [smem:$0x3FD0];
	(tm) =	ssettm $0x1  }
0x91: {  	s18 =	sld [smem:$0x3FFB];
	_ =	sdelay $0x3  }
0x92: {  	_ =	strace s18  }
0x93: {  	s3 =	sld [smem:$0x3FFC];
	_ =	sdelay $0x3  }
0x94: {  	_ =	strace s3  }
0x95: {  	s3 =	sld [smem:$0x3FFD];
	_ =	sdelay $0x3  }
0x96: {  	_ =	strace s3  }
0x97: {  	_ =	strace $0x8FFFFFFF  }
0x98: {  	s19 =	sld [smem:$0x3FDB];
	_ =	sdelay $0x1  }
0x99: {  	s4 =	simm.s32 $_scs_section_size  }
0x9a: {  	s5 =	simm.s32 $_size__tile_overlayer_lowered;
	s6 =	simm.s32 $_tile_overlayer_lowered  }
0x9b: {  	s22 =	simm.s32 $0x1BFF;
	s21 =	sshll.u32 s6, $0x1;
	s3 =	sadd.s32 s4, s19  }
0x9c: {  	s7 =	simm.s32 $0x0;
	s20 =	sshll.u32 s5, $0x1;
	s5 =	sadd.s32 s21, s3  }
0x9d: {  	[timem:s7], [sflag:s22] =	dma.local [hbm:s5], s20  }
0x9e: {  	_ =	swait.ge [sflag:s22], s20  }
0x9f: {  	s4 =	ssub.s32 $0x0, s20;
	[sflag:s22] =	ssyncset.done $0x0  }
0xa0: {  	[sflag:s22] =	ssyncadd.s32 s4;
	_ =	sdelay $0x1  }
0xa1: {  	s23 =	simm.s32 $0x1B8B  }
0xa2: {  	_ =	swait.ge [sflag:s23], $0x1  }
0xa3: {  	[sflag:s23] =	ssyncset.done $0x0  }
0xa4: {  	s25 =	simm.s32 $0x1B8E;
	s24 =	sld [smem:$0x3FFE];
	[sflag:s23] =	ssyncadd.s32 $0xFFFFFFFF  }
0xa5: {  	s26 =	simm.s32 $execute0_lowered;
	[smem:$0x3FD2] =	sst s25  }
0xa6: {  	s5 =	sshll.u32 s26, $0x1;
	_ =	strace $0x80000046;
	[dreg:$0x1] =	wrdreg $0xFFFFFFFF  }
0xa7: {  	s28 =	simm.s32 $_size_execute0_lowered;
	s3 =	sadd.s32 s3, s5;
	[dreg:$0x0] =	wrdreg $0x0  }
0xa8: {  	s5 =	sshll.u32 s28, $0x1;
	[dreg:$0x2] =	wrdreg s3  }
0xa9: {  	[dreg:$0x3] =	wrdreg s5  }
0xaa: {  	[dreg:$0x4] =	wrdreg $0xC0  }
0xab: {  	_ =	task [dreg:s7], $0x5FFFF  }
0xac: {  	[dreg:$0x1] =	wrdreg $0xFFFFFFFF  }
0xad: {  	[dreg:$0x0] =	wrdreg $0x60  }
0xae: {  	[dreg:$0x2] =	wrdreg s2  }
0xaf: {  	[dreg:$0x3] =	wrdreg s24  }
0xb0: {  	[dreg:$0x4] =	wrdreg $0x9  }
0xb1: {  	_ =	task.clear_ibuf [dreg:s7], $0x5FFFF;
	_ =	strace $0x90000046  }
0xb2: {  	s29 =	simm.s32 $0x9;
	_ =	strace $0x80000048  }
0xb3: {  	_ =	swait.ge [sflag:s29], $0x1  }
0xb4: {  	[sflag:s29] =	ssyncadd.s32 $0xFFFFFFFF  }
0xb5: {  	_ =	strace $0x90000048  }
0xb6: {  	_ =	sfence  }
0xb7: {  	s30 =	sld [smem:$0x0];
	_ =	sdelay $0x2  }
0xb8: {  	s31 =	sshll.u32 s1, $0xD;
	s1 =	sshrl.u32 s1, $0x2  }
0xb9: {  	s3 =	sand.u32 $0x4000, s31;
	s1 =	sadd.s32 s1, s30  }
0xba: {  	s0 =	sor.u32 s3, s0;
	s1 =	sshll.u32 s1, $0x11  }
0xbb: {  	s0 =	sor.u32 s1, s0  }
0xbc: {  	s0 =	sadd.s32 $0x8F2B, s0  }
0xbd: {  	[sflag:s0] =	ssyncadd.remote.s32 $0x1  }
0xbe: {  	_ =	sfence.sel $0xFFFF  }
0xbf: {  	[dreg:$0x0] =	wrdreg $0xFFFFFFFF;
	(pc) =	sbr.abs _section_cstart, $3  }
0xc0: {  	[dreg:$0x1] =	wrdreg $0xFFFFFFFF  }
0xc1: {  	_ =	task.clear_ibuf [dreg:s7], $0x2FFFF;
	_ =	strace $0x9FFFFFFF  }
0xc2: {  	(tm) =	ssettm $0x7FFFFFFF  }
0xc3: {  	_ =	shalt  }
tec
execute0_lowered:
.L_overlay_start_1:
0x0: {  	(tag) =	ssettag $0x1  }
0x1: {  	v1 =	vlaneseq.u32  }
0x2: {  	v0 =	vmul.u32 $0x141, v1;
	_ =	sdelay $0x1  }
0x3: {  	v2 =	vadd.s32 $0x1, v0  }
0x4: {  	[tilespmem:$0x1FE10] =	vst v2;
	v2 =	vadd.s32 $0x2, v0  }
0x5: {  	[tilespmem:$0x1FE20] =	vst v2;
	v2 =	vadd.s32 $0x3, v0  }
0x6: {  	[tilespmem:$0x1FE30] =	vst v2;
	v2 =	vadd.s32 $0x4, v0  }
0x7: {  	[tilespmem:$0x1FE40] =	vst v2;
	v2 =	vadd.s32 $0x5, v0  }
0x8: {  	[tilespmem:$0x1FE50] =	vst v2;
	v2 =	vadd.s32 $0x6, v0  }
0x9: {  	[tilespmem:$0x1FE60] =	vst v2;
	v2 =	vadd.s32 $0x7, v0  }
0xa: {  	[tilespmem:$0x1FE70] =	vst v2;
	v2 =	vadd.s32 $0x8, v0  }
0xb: {  	[tilespmem:$0x1FE80] =	vst v2;
	v2 =	vadd.s32 $0x9, v0  }
0xc: {  	[tilespmem:$0x1FE90] =	vst v2;
	v2 =	vadd.s32 $0xA, v0  }
0xd: {  	[tilespmem:$0x1FEA0] =	vst v2;
	v2 =	vadd.s32 $0xB, v0  }
0xe: {  	[tilespmem:$0x1FEB0] =	vst v2;
	v2 =	vadd.s32 $0xC, v0  }
0xf: {  	s0 =	rddreg [dreg:$0x0];
	[tilespmem:$0x1FEC0] =	vst v2;
	v2 =	vadd.s32 $0xD, v0  }
0x10: {  	s4 =	rddreg [dreg:$0x1];
	s2 =	simm.s32 $0x0;
	[tilespmem:$0x1FED0] =	vst v2;
	v2 =	vadd.s32 $0xE, v0  }
0x11: {  	[smem:$0x7FF] =	sst s2;
	[tilespmem:$0x1FEE0] =	vst v2;
	v2 =	vadd.s32 $0xF, v0  }
0x12: {  	s1 =	rddreg [dreg:$0x2];
	v1 =	vmul.u32 $0xC9, v1;
	_ =	strace $0x80000047;
	[tilespmem:$0x1FEF0] =	vst v2  }
0x13: {  	[tilespmem:$0x1FFD0] =	vst v0  }
0x14: {  	v2 =	vadd.s32 $0x10, v0;
	[tilespmem:$0x1FFF0] =	vst v1  }
0x15: {  	[tilespmem:$0x1FF00] =	vst v2;
	v2 =	vadd.s32 $0x11, v0  }
0x16: {  	[tilespmem:$0x1FF10] =	vst v2;
	v2 =	vadd.s32 $0x12, v0  }
0x17: {  	[tilespmem:$0x1FF20] =	vst v2;
	v2 =	vadd.s32 $0x13, v0  }
0x18: {  	[tilespmem:$0x1FF30] =	vst v2;
	v2 =	vadd.s32 $0x14, v0  }
0x19: {  	[tilespmem:$0x1FF40] =	vst v2;
	v2 =	vadd.s32 $0x15, v0  }
0x1a: {  	[tilespmem:$0x1FF50] =	vst v2;
	v2 =	vadd.s32 $0x16, v0  }
0x1b: {  	[tilespmem:$0x1FF60] =	vst v2;
	v2 =	vadd.s32 $0x17, v0  }
0x1c: {  	[tilespmem:$0x1FF70] =	vst v2;
	v2 =	vadd.s32 $0x18, v0  }
0x1d: {  	s3 =	srdreg.scid;
	s9 =	simm.s32 $0x1;
	[tilespmem:$0x1FF80] =	vst v2;
	v2 =	vadd.s32 $0x19, v0  }
0x1e: {  	s10 =	simm.s32 $0x1A00;
	s11 =	simm.s32 $0x0;
	s6 =	sand.u32 $0x1, s3;
	[tilespmem:$0x1FF90] =	vst v2;
	v2 =	vadd.s32 $0x1A, v0  }
0x1f: {  	s15 =	simm.s32 $0x0;
	s3 =	sadd.s32 $0x400, s4;
	s7 =	ssub.s32 $0x2, s6;
	[tilespmem:$0x1FFA0] =	vst v2;
	v2 =	vadd.s32 $0x1B, v0  }
0x20: {  	s5 =	sadd.s32 $0x600, s4;
	s4 =	stileid.u32;
	s8 =	sshrl.u32 s7, $0x1;
	[tilespmem:$0x1FFB0] =	vst v2;
	v2 =	vadd.s32 $0x1C, v0  }
0x21: {  	s31 =	sshll.u32 s4, $0x6;
	s6 =	sshll.u32 s6, $0x5;
	s7 =	ssub.s32 s7, s8;
	v0 =	vadd.s32 $0x1D, v0;
	[tilespmem:$0x1FFC0] =	vst v2  }
0x22: {  	s6 =	sor.u32 s6, s31;
	s8 =	simm.s32 $0xD00;
	s7 =	smax.u32 s7, $0x1;
	[tilespmem:$0x1FFE0] =	vst v0  }
.LBB2_1:
0x23: {  	[tilespmem:s8], [sflag:$0x1] =	stream.linear.gather [hbm4b:s3+s2], $0xD00, $0x38;
	[tilespmem:$0x2E80] =	vst v63  }
0x24: {  	_ =	swait.ge [sflag:s9], $0xD00  }
0x25: {  	[sflag:s9] =	ssyncset.done $0x0  }
0x26: {  	s12 =	simm.s32 $0x0;
	[sflag:s9] =	ssyncadd.s32 $0xFFFFF300  }
.LBB2_2:
0x27: {  	s13 =	sadd.s32 s6, s12  }
0x28: {  	s14 =	smul.u32 $0x192, s13;
	_ =	sdelay $0x1  }
0x29: {  	v2 =	vadd.s32 s15, v1;
	s14 =	sadd.s32 s0, s14  }
0x2a: {  	[tilespmem:s15], [sflag:$0x1] =	stream.linear.gather [hbm4b:s14+s15], $0xC90, $0x38;
	[tilespmem:$0x2E80] =	vst v63  }
0x2b: {  	_ =	swait.ge [sflag:s9], $0xC90  }
0x2c: {  	[sflag:s9] =	ssyncset.done $0x0  }
0x2d: {  	[sflag:s9] =	ssyncadd.s32 $0xFFFFF370  }
0x2e: {  	v2 =	vld.idx.msk [tilespmem:v2+s2+$0x0], $0xffff;
	_ =	sdelay $0x4  }
0x2f: {  	v4 =	vmul.u32 $0x21, v2;
	_ =	sdelay $0x1  }
0x30: {  	v2 =	vadd.s32 $0x1F, v4;
	_ =	sdelay $0x1  }
0x31: {  	v44 =	vimm.bf16 $0.0e+00;
	v52 =	vimm.bf16 $0.0e+00;
	v51 =	vimm.bf16 $0.0e+00  }
0x32: {  	v50 =	vimm.bf16 $0.0e+00;
	v49 =	vimm.bf16 $0.0e+00;
	v3 =	vadd.s32 $0x1, v4  }
0x33: {  	v48 =	vimm.bf16 $0.0e+00;
	v47 =	vimm.bf16 $0.0e+00;
	v5 =	vadd.s32 $0x2, v4  }
0x34: {  	v46 =	vimm.bf16 $0.0e+00;
	v45 =	vimm.bf16 $0.0e+00;
	v6 =	vadd.s32 $0x3, v4;
	v2 =	vld.idx.msk [tilespmem:v2+s8+$0x0], $0xffff  }
0x35: {  	v43 =	vimm.bf16 $0.0e+00;
	v42 =	vimm.bf16 $0.0e+00;
	v7 =	vadd.s32 $0x4, v4  }
0x36: {  	v8 =	vadd.s32 $0x5, v4;
	v9 =	vadd.s32 $0x6, v4;
	v11 =	vadd.s32 $0x7, v4;
	v19 =	vld.idx.msk [tilespmem:v4+s8+$0x0], $0xffff  }
0x37: {  	v20 =	vadd.s32 $0x8, v4;
	v21 =	vadd.s32 $0x9, v4;
	v22 =	vadd.s32 $0xA, v4;
	v3 =	vld.idx.msk [tilespmem:v3+s8+$0x0], $0xffff  }
0x38: {  	v23 =	vadd.s32 $0xB, v4;
	v25 =	vadd.s32 $0xC, v4;
	v27 =	vadd.s32 $0xD, v4;
	v5 =	vld.idx.msk [tilespmem:v5+s8+$0x0], $0xffff  }
0x39: {  	v28 =	vadd.s32 $0xE, v4;
	v29 =	vadd.s32 $0xF, v4;
	v24 =	vld.idx.msk [tilespmem:v6+s8+$0x0], $0xffff;
	v0 =	vadd.bf16 v2, v44  }
0x3a: {  	v17 =	vadd.s32 $0x10, v4;
	v15 =	vadd.s32 $0x11, v4;
	v18 =	vadd.s32 $0x12, v4;
	v26 =	vld.idx.msk [tilespmem:v7+s8+$0x0], $0xffff  }
0x3b: {  	v16 =	vadd.s32 $0x13, v4;
	v13 =	vadd.s32 $0x14, v4;
	v30 =	vld.idx.msk [tilespmem:v8+s8+$0x0], $0xffff;
	[tilespmem:$0x1FD60] =	vst v0;
	v0 =	vimm.bf16 $0.0e+00  }
0x3c: {  	v14 =	vadd.s32 $0x15, v4;
	v12 =	vadd.s32 $0x16, v4;
	v32 =	vld.idx.msk [tilespmem:v9+s8+$0x0], $0xffff;
	[tilespmem:$0x1FD70] =	vst v0;
	v0 =	vimm.bf16 $0.0e+00  }
0x3d: {  	v10 =	vadd.s32 $0x17, v4;
	v33 =	vld.idx.msk [tilespmem:v11+s8+$0x0], $0xffff;
	v11 =	vadd.s32 $0x18, v4;
	[tilespmem:$0x1FD80] =	vst v0;
	v0 =	vimm.bf16 $0.0e+00  }
0x3e: {  	v9 =	vadd.s32 $0x19, v4;
	v8 =	vadd.s32 $0x1A, v4;
	v20 =	vld.idx.msk [tilespmem:v20+s8+$0x0], $0xffff;
	[tilespmem:$0x1FD90] =	vst v0;
	v0 =	vimm.bf16 $0.0e+00  }
0x3f: {  	v7 =	vadd.s32 $0x1B, v4;
	v21 =	vld.idx.msk [tilespmem:v21+s8+$0x0], $0xffff;
	v6 =	vadd.s32 $0x1C, v4;
	[tilespmem:$0x1FDA0] =	vst v0;
	v0 =	vimm.bf16 $0.0e+00  }
0x40: {  	v23 =	vld.idx.msk [tilespmem:v23+s8+$0x0], $0xffff;
	v60 =	vadd.bf16 v3, v44;
	v3 =	vadd.bf16 v5, v44;
	[tilespmem:$0x1FDB0] =	vst v0;
	v0 =	vimm.bf16 $0.0e+00  }
0x41: {  	v59 =	vadd.bf16 v24, v44;
	v2 =	vadd.s32 $0x1D, v4;
	v24 =	vld.idx.msk [tilespmem:v22+s8+$0x0], $0xffff;
	[tilespmem:$0x1FDC0] =	vst v0;
	v0 =	vimm.bf16 $0.0e+00  }
0x42: {  	v58 =	vadd.bf16 v26, v44;
	v57 =	vadd.bf16 v30, v44;
	v22 =	vld.idx.msk [tilespmem:v25+s8+$0x0], $0xffff;
	[tilespmem:$0x1FDD0] =	vst v0;
	v0 =	vimm.bf16 $0.0e+00  }
0x43: {  	v4 =	vadd.s32 $0x1E, v4;
	v54 =	vadd.bf16 v20, v44;
	v20 =	vld.idx.msk [tilespmem:v27+s8+$0x0], $0xffff;
	[tilespmem:$0x1FDE0] =	vst v0;
	v0 =	vimm.bf16 $0.0e+00  }
0x44: {  	s31 =	simm.s32 $0x1;
	v56 =	vadd.bf16 v32, v44;
	v5 =	vadd.bf16 v19, v44;
	v19 =	vld.idx.msk [tilespmem:v28+s8+$0x0], $0xffff;
	[tilespmem:$0x1FDF0] =	vst v0;
	v0 =	vimm.bf16 $0.0e+00  }
0x45: {  	s14 =	simm.s32 $0x2;
	v55 =	vadd.bf16 v33, v44;
	v26 =	vadd.s32 s31, v1;
	v53 =	vadd.bf16 v21, v44;
	v25 =	vld.idx.msk [tilespmem:v29+s8+$0x0], $0xffff;
	[tilespmem:$0x1FE00] =	vst v0  }
.LBB2_3:
0x46: {  	v17 =	vld.idx.msk [tilespmem:v17+s8+$0x0], $0xffff  }
0x47: {  	v15 =	vld.idx.msk [tilespmem:v15+s8+$0x0], $0xffff  }
0x48: {  	v18 =	vld.idx.msk [tilespmem:v18+s8+$0x0], $0xffff  }
0x49: {  	v16 =	vld.idx.msk [tilespmem:v16+s8+$0x0], $0xffff  }
0x4a: {  	v50 =	vadd.bf16 v20, v50;
	v20 =	vld.idx.msk [tilespmem:v26+s2+$0x0], $0xffff  }
0x4b: {  	v13 =	vld.idx.msk [tilespmem:v13+s8+$0x0], $0xffff  }
0x4c: {  	v21 =	vld.idx.msk [tilespmem:v12+s8+$0x0], $0xffff  }
0x4d: {  	v44 =	vadd.bf16 v24, v44;
	v24 =	vld.idx.msk [tilespmem:v9+s8+$0x0], $0xffff;
	v52 =	vadd.bf16 v23, v52  }
0x4e: {  	v29 =	vld.idx.msk [tilespmem:v6+s8+$0x0], $0xffff;
	v51 =	vadd.bf16 v22, v51;
	v49 =	vadd.bf16 v19, v49  }
0x4f: {  	v63 =	vld.idx.msk [tilespmem:v2+s8+$0x0], $0xffff;
	v48 =	vadd.bf16 v25, v48;
	v47 =	vadd.bf16 v17, v47;
	v20 =	vmul.u32 $0x21, v20  }
0x50: {  	v22 =	vld.idx.msk [tilespmem:v10+s8+$0x0], $0xffff;
	v46 =	vadd.bf16 v15, v46;
	v45 =	vadd.bf16 v18, v45  }
0x51: {  	v25 =	vld.idx.msk [tilespmem:v8+s8+$0x0], $0xffff;
	v43 =	vadd.bf16 v16, v43;
	v42 =	vadd.bf16 v13, v42;
	v8 =	vadd.s32 $0x1, v20  }
0x52: {  	v26 =	vld.idx.msk [tilespmem:v7+s8+$0x0], $0xffff;
	v9 =	vadd.s32 $0x2, v20;
	v10 =	vadd.s32 $0x1F, v20;
	v7 =	vadd.s32 $0x3, v20  }
0x53: {  	v32 =	vld.idx.msk [tilespmem:v4+s8+$0x0], $0xffff;
	v27 =	vadd.s32 $0x4, v20;
	v28 =	vadd.s32 $0x5, v20;
	v30 =	vadd.s32 $0x6, v20  }
0x54: {  	v19 =	vld.idx.msk [tilespmem:v14+s8+$0x0], $0xffff;
	v61 =	vadd.s32 $0x7, v20;
	v62 =	vadd.s32 $0x8, v20;
	v0 =	vadd.s32 $0x9, v20  }
0x55: {  	v23 =	vld.idx.msk [tilespmem:v11+s8+$0x0], $0xffff;
	v1 =	vadd.s32 $0xA, v20;
	v31 =	vadd.s32 $0xB, v20;
	v34 =	vadd.s32 $0xC, v20  }
0x56: {  	v35 =	vadd.s32 $0xD, v20;
	v36 =	vadd.s32 $0xE, v20;
	v37 =	vadd.s32 $0xF, v20;
	v33 =	vld.idx.msk [tilespmem:v20+s8+$0x0], $0xffff  }
0x57: {  	v17 =	vadd.s32 $0x10, v20;
	v15 =	vadd.s32 $0x11, v20;
	v18 =	vadd.s32 $0x12, v20;
	v38 =	vld.idx.msk [tilespmem:v10+s8+$0x0], $0xffff  }
0x58: {  	v16 =	vadd.s32 $0x13, v20;
	v13 =	vadd.s32 $0x14, v20;
	v14 =	vadd.s32 $0x15, v20;
	v39 =	vld.idx.msk [tilespmem:v8+s8+$0x0], $0xffff  }
0x59: {  	v12 =	vadd.s32 $0x16, v20;
	v11 =	vadd.s32 $0x18, v20;
	v6 =	vadd.s32 $0x1C, v20;
	v40 =	vld.idx.msk [tilespmem:v9+s8+$0x0], $0xffff  }
0x5a: {  	v2 =	vadd.s32 $0x1D, v20;
	v4 =	vadd.s32 $0x1E, v20;
	v10 =	vadd.s32 $0x17, v20;
	v41 =	vld.idx.msk [tilespmem:v7+s8+$0x0], $0xffff  }
0x5b: {  	v9 =	vadd.s32 $0x19, v20;
	v8 =	vadd.s32 $0x1A, v20;
	v7 =	vadd.s32 $0x1B, v20;
	v20 =	vld [tilespmem:$0x1FD70];
	_ =	sdelay $0x4  }
0x5c: {  	v20 =	vadd.bf16 v19, v20;
	_ =	sdelay $0x1  }
0x5d: {  	[tilespmem:$0x1FD70] =	vst v20;
	v20 =	vld [tilespmem:$0x1FD60];
	_ =	sdelay $0x4  }
0x5e: {  	v20 =	vadd.bf16 v38, v20;
	_ =	sdelay $0x1  }
0x5f: {  	[tilespmem:$0x1FD60] =	vst v20;
	v20 =	vld [tilespmem:$0x1FD90];
	_ =	sdelay $0x4  }
0x60: {  	v20 =	vadd.bf16 v22, v20;
	v22 =	vld [tilespmem:$0x1FDB0];
	_ =	sdelay $0x4  }
0x61: {  	v22 =	vadd.bf16 v24, v22;
	v24 =	vld.idx.msk [tilespmem:v1+s8+$0x0], $0xffff  }
0x62: {  	v1 =	vld [tilespmem:$0x1FDD0];
	_ =	sdelay $0x4  }
0x63: {  	v1 =	vadd.bf16 v26, v1;
	_ =	sdelay $0x1  }
0x64: {  	[tilespmem:$0x1FDD0] =	vst v1;
	v1 =	vld [tilespmem:$0x1FDE0];
	_ =	sdelay $0x4  }
0x65: {  	v1 =	vadd.bf16 v29, v1;
	_ =	sdelay $0x1  }
0x66: {  	[tilespmem:$0x1FDE0] =	vst v1;
	v1 =	vld [tilespmem:$0x1FDF0]  }
0x67: {  	v19 =	vld [tilespmem:$0x1FD80];
	_ =	sdelay $0x3  }
0x68: {  	v27 =	vld.idx.msk [tilespmem:v27+s8+$0x0], $0xffff;
	v1 =	vadd.bf16 v63, v1  }
0x69: {  	v19 =	vadd.bf16 v21, v19;
	v21 =	vld [tilespmem:$0x1FDA0]  }
0x6a: {  	[tilespmem:$0x1FDF0] =	vst v1;
	v1 =	vld [tilespmem:$0x1FE00]  }
0x6b: {  	v28 =	vld.idx.msk [tilespmem:v28+s8+$0x0], $0xffff  }
0x6c: {  	v0 =	vld.idx.msk [tilespmem:v0+s8+$0x0], $0xffff  }
0x6d: {  	[tilespmem:$0x1FD80] =	vst v19;
	v19 =	vld.idx.msk [tilespmem:v30+s8+$0x0], $0xffff  }
0x6e: {  	v21 =	vadd.bf16 v23, v21;
	[tilespmem:$0x1FD90] =	vst v20;
	v20 =	vld.idx.msk [tilespmem:v61+s8+$0x0], $0xffff  }
0x6f: {  	[tilespmem:$0x1FDB0] =	vst v22;
	v22 =	vld [tilespmem:$0x1FDC0];
	v1 =	vadd.bf16 v32, v1  }
0x70: {  	[tilespmem:$0x1FDA0] =	vst v21;
	v21 =	vld.idx.msk [tilespmem:v62+s8+$0x0], $0xffff  }
0x71: {  	p0 =	sne.s32 s14, $0x27;
	v5 =	vadd.bf16 v33, v5;
	[tilespmem:$0x1FE00] =	vst v1;
	v1 =	vld [tilespmem:$0x1FFF0]  }
.Ltmp0:
0x72: {  	v60 =	vadd.bf16 v39, v60;
	v3 =	vadd.bf16 v40, v3;
	v23 =	vld.idx.msk [tilespmem:v31+s8+$0x0], $0xffff;
	(pc) =	sbr.rel @p0 .LBB2_3-.Ltmp0, $4  }
0x73: {  	v59 =	vadd.bf16 v41, v59;
	v56 =	vadd.bf16 v19, v56;
	v19 =	vld.idx.msk [tilespmem:v36+s8+$0x0], $0xffff  }
0x74: {  	v55 =	vadd.bf16 v20, v55;
	v20 =	vld.idx.msk [tilespmem:v35+s8+$0x0], $0xffff;
	v22 =	vadd.bf16 v25, v22  }
0x75: {  	v58 =	vadd.bf16 v27, v58;
	v57 =	vadd.bf16 v28, v57;
	v25 =	vld.idx.msk [tilespmem:v37+s8+$0x0], $0xffff  }
0x76: {  	v53 =	vadd.bf16 v0, v53;
	v54 =	vadd.bf16 v21, v54;
	[tilespmem:$0x1FDC0] =	vst v22;
	v22 =	vld.idx.msk [tilespmem:v34+s8+$0x0], $0xffff;
	v26 =	vadd.s32 s14, v1;
	s14 =	sadd.s32 $0x1, s14  }
0x77: {  	_ =	sdelay $0x3  }
0x78: {  	v1 =	vld.idx.msk [tilespmem:v14+s8+$0x0], $0xffff;
	_ =	sdelay $0x3  }
0x79: {  	v0 =	vld.idx.msk [tilespmem:v26+s2+$0x0], $0xffff  }
0x7a: {  	[tilespmem:$0x1FC00] =	vst v1;
	v1 =	vld.idx.msk [tilespmem:v12+s8+$0x0], $0xffff  }
0x7b: {  	v62 =	vld.idx.msk [tilespmem:v17+s8+$0x0], $0xffff  }
0x7c: {  	v29 =	vld.idx.msk [tilespmem:v15+s8+$0x0], $0xffff  }
0x7d: {  	v27 =	vld.idx.msk [tilespmem:v18+s8+$0x0], $0xffff  }
0x7e: {  	v6 =	vld.idx.msk [tilespmem:v6+s8+$0x0], $0xffff;
	v0 =	vmul.u32 $0x21, v0  }
0x7f: {  	[tilespmem:$0x1FC10] =	vst v1;
	v1 =	vld.idx.msk [tilespmem:v10+s8+$0x0], $0xffff  }
0x80: {  	v21 =	vld.idx.msk [tilespmem:v16+s8+$0x0], $0xffff;
	v14 =	vadd.s32 $0x1, v0  }
0x81: {  	v17 =	vld.idx.msk [tilespmem:v13+s8+$0x0], $0xffff;
	v16 =	vadd.s32 $0x2, v0  }
0x82: {  	v2 =	vld.idx.msk [tilespmem:v2+s8+$0x0], $0xffff  }
0x83: {  	v4 =	vld.idx.msk [tilespmem:v4+s8+$0x0], $0xffff;
	[tilespmem:$0x1FC70] =	vst v6;
	v6 =	vadd.s32 $0x3, v0  }
0x84: {  	[tilespmem:$0x1FC20] =	vst v1;
	v1 =	vld.idx.msk [tilespmem:v11+s8+$0x0], $0xffff  }
0x85: {  	v31 =	vld.idx.msk [tilespmem:v14+s8+$0x0], $0xffff;
	v14 =	vadd.s32 $0x7, v0  }
0x86: {  	v32 =	vld.idx.msk [tilespmem:v16+s8+$0x0], $0xffff;
	v16 =	vadd.s32 $0x8, v0  }
0x87: {  	v7 =	vld.idx.msk [tilespmem:v7+s8+$0x0], $0xffff;
	[tilespmem:$0x1FC80] =	vst v2;
	v2 =	vadd.s32 $0x4, v0  }
0x88: {  	[tilespmem:$0x1FC90] =	vst v4;
	v4 =	vadd.s32 $0x5, v0;
	v33 =	vld.idx.msk [tilespmem:v6+s8+$0x0], $0xffff  }
0x89: {  	[tilespmem:$0x1FC30] =	vst v1;
	v1 =	vld.idx.msk [tilespmem:v9+s8+$0x0], $0xffff  }
0x8a: {  	v36 =	vld.idx.msk [tilespmem:v14+s8+$0x0], $0xffff;
	v14 =	vadd.s32 $0xC, v0  }
0x8b: {  	v37 =	vld.idx.msk [tilespmem:v16+s8+$0x0], $0xffff;
	v16 =	vadd.s32 $0xD, v0  }
0x8c: {  	v26 =	vadd.s32 $0x18, v0;
	v34 =	vld.idx.msk [tilespmem:v2+s8+$0x0], $0xffff  }
0x8d: {  	v6 =	vadd.s32 $0x9, v0;
	v35 =	vld.idx.msk [tilespmem:v4+s8+$0x0], $0xffff  }
0x8e: {  	v2 =	vadd.s32 $0xA, v0;
	[tilespmem:$0x1FC40] =	vst v1;
	v1 =	vld.idx.msk [tilespmem:v8+s8+$0x0], $0xffff  }
0x8f: {  	v41 =	vld.idx.msk [tilespmem:v14+s8+$0x0], $0xffff;
	v14 =	vadd.s32 $0x11, v0  }
0x90: {  	v10 =	vld.idx.msk [tilespmem:v16+s8+$0x0], $0xffff;
	v16 =	vadd.s32 $0x12, v0  }
0x91: {  	v4 =	vadd.s32 $0xB, v0;
	v30 =	vld.idx.msk [tilespmem:v26+s8+$0x0], $0xffff  }
0x92: {  	v38 =	vld.idx.msk [tilespmem:v6+s8+$0x0], $0xffff;
	v6 =	vadd.s32 $0xE, v0  }
0x93: {  	v39 =	vld.idx.msk [tilespmem:v2+s8+$0x0], $0xffff;
	[tilespmem:$0x1FC50] =	vst v1;
	v1 =	vadd.s32 $0x1F, v0  }
0x94: {  	v13 =	vld.idx.msk [tilespmem:v14+s8+$0x0], $0xffff;
	v14 =	vadd.s32 $0x16, v0  }
0x95: {  	v15 =	vld.idx.msk [tilespmem:v16+s8+$0x0], $0xffff;
	v16 =	vadd.s32 $0x17, v0  }
0x96: {  	v2 =	vadd.s32 $0xF, v0;
	v40 =	vld.idx.msk [tilespmem:v4+s8+$0x0], $0xffff  }
0x97: {  	v4 =	vadd.s32 $0x10, v0;
	v18 =	vld.idx.msk [tilespmem:v6+s8+$0x0], $0xffff  }
0x98: {  	v1 =	vld.idx.msk [tilespmem:v1+s8+$0x0], $0xffff  }
0x99: {  	v63 =	vld.idx.msk [tilespmem:v14+s8+$0x0], $0xffff;
	v14 =	vadd.s32 $0x1A, v0  }
0x9a: {  	v61 =	vld.idx.msk [tilespmem:v16+s8+$0x0], $0xffff;
	v16 =	vadd.s32 $0x1B, v0  }
0x9b: {  	v11 =	vld.idx.msk [tilespmem:v2+s8+$0x0], $0xffff;
	v2 =	vadd.s32 $0x1C, v0  }
0x9c: {  	v12 =	vld.idx.msk [tilespmem:v4+s8+$0x0], $0xffff  }
0x9d: {  	v4 =	vld.idx.msk [tilespmem:v0+s8+$0x0], $0xffff;
	[tilespmem:$0x1FCA0] =	vst v1;
	v1 =	vadd.s32 $0x6, v0  }
0x9e: {  	v28 =	vadd.s32 $0x19, v0;
	v26 =	vld.idx.msk [tilespmem:v14+s8+$0x0], $0xffff  }
0x9f: {  	v9 =	vadd.s32 $0x15, v0;
	v14 =	vld.idx.msk [tilespmem:v16+s8+$0x0], $0xffff  }
0xa0: {  	v6 =	vadd.s32 $0x13, v0;
	v16 =	vld.idx.msk [tilespmem:v2+s8+$0x0], $0xffff  }
0xa1: {  	v8 =	vadd.s32 $0x14, v0;
	v2 =	vadd.bf16 v31, v60;
	v60 =	vld [tilespmem:$0x1FFD0]  }
0xa2: {  	[tilespmem:$0x1FC60] =	vst v7;
	v7 =	vld.idx.msk [tilespmem:v1+s8+$0x0], $0xffff;
	v1 =	vadd.s32 $0x1D, v0  }
0xa3: {  	v28 =	vld.idx.msk [tilespmem:v28+s8+$0x0], $0xffff;
	v0 =	vadd.s32 $0x1E, v0  }
0xa4: {  	v9 =	vld.idx.msk [tilespmem:v9+s8+$0x0], $0xffff  }
0xa5: {  	v6 =	vld.idx.msk [tilespmem:v6+s8+$0x0], $0xffff  }
0xa6: {  	v4 =	vadd.bf16 v4, v5;
	v8 =	vld.idx.msk [tilespmem:v8+s8+$0x0], $0xffff  }
0xa7: {  	v1 =	vld.idx.msk [tilespmem:v1+s8+$0x0], $0xffff  }
0xa8: {  	v5 =	vld.idx.msk [tilespmem:v0+s8+$0x0], $0xffff;
	v0 =	vunpack.i.l.bf16.f32 v4  }
0xa9: {  	[tilespmem:v60+s10+$0x0] =	vst.idx.msk $0xffff, v0;
	v0 =	vunpack.i.u.bf16.f32 v4;
	v4 =	vld [tilespmem:$0x1FE10];
	_ =	sdelay $0x7  }
0xaa: {  	[tilespmem:v4+s10+$0x0] =	vst.idx.msk $0xffff, v0;
	v4 =	vld [tilespmem:$0x1FE20];
	_ =	sdelay $0x6  }
0xab: {  	v0 =	vunpack.i.l.bf16.f32 v2  }
0xac: {  	[tilespmem:v4+s10+$0x0] =	vst.idx.msk $0xffff, v0;
	v4 =	vld [tilespmem:$0x1FE30];
	_ =	sdelay $0x6  }
0xad: {  	v0 =	vunpack.i.u.bf16.f32 v2  }
0xae: {  	[tilespmem:v4+s10+$0x0] =	vst.idx.msk $0xffff, v0;
	v4 =	vld [tilespmem:$0x1FE40];
	_ =	sdelay $0x4  }
0xaf: {  	v3 =	vadd.bf16 v32, v3;
	_ =	sdelay $0x1  }
0xb0: {  	v0 =	vunpack.i.l.bf16.f32 v3  }
0xb1: {  	[tilespmem:v4+s10+$0x0] =	vst.idx.msk $0xffff, v0;
	v4 =	vld [tilespmem:$0x1FE50];
	_ =	sdelay $0x6  }
0xb2: {  	v0 =	vunpack.i.u.bf16.f32 v3  }
0xb3: {  	[tilespmem:v4+s10+$0x0] =	vst.idx.msk $0xffff, v0;
	v4 =	vld [tilespmem:$0x1FE60];
	_ =	sdelay $0x4  }
0xb4: {  	v2 =	vadd.bf16 v33, v59;
	_ =	sdelay $0x1  }
0xb5: {  	v0 =	vunpack.i.l.bf16.f32 v2  }
0xb6: {  	[tilespmem:v4+s10+$0x0] =	vst.idx.msk $0xffff, v0;
	v4 =	vld [tilespmem:$0x1FE70];
	_ =	sdelay $0x6  }
0xb7: {  	v0 =	vunpack.i.u.bf16.f32 v2  }
0xb8: {  	[tilespmem:v4+s10+$0x0] =	vst.idx.msk $0xffff, v0;
	v4 =	vld [tilespmem:$0x1FE80];
	_ =	sdelay $0x4  }
0xb9: {  	v3 =	vadd.bf16 v34, v58;
	_ =	sdelay $0x1  }
0xba: {  	v0 =	vunpack.i.l.bf16.f32 v3  }
0xbb: {  	[tilespmem:v4+s10+$0x0] =	vst.idx.msk $0xffff, v0;
	v4 =	vld [tilespmem:$0x1FE90];
	_ =	sdelay $0x6  }
0xbc: {  	v0 =	vunpack.i.u.bf16.f32 v3  }
0xbd: {  	[tilespmem:v4+s10+$0x0] =	vst.idx.msk $0xffff, v0;
	v4 =	vld [tilespmem:$0x1FEA0];
	_ =	sdelay $0x4  }
0xbe: {  	v2 =	vadd.bf16 v35, v57;
	_ =	sdelay $0x1  }
0xbf: {  	v0 =	vunpack.i.l.bf16.f32 v2  }
0xc0: {  	[tilespmem:v4+s10+$0x0] =	vst.idx.msk $0xffff, v0;
	v4 =	vld [tilespmem:$0x1FEB0];
	_ =	sdelay $0x6  }
0xc1: {  	v0 =	vunpack.i.u.bf16.f32 v2  }
0xc2: {  	[tilespmem:v4+s10+$0x0] =	vst.idx.msk $0xffff, v0;
	v4 =	vld [tilespmem:$0x1FEC0];
	_ =	sdelay $0x4  }
0xc3: {  	v3 =	vadd.bf16 v7, v56;
	_ =	sdelay $0x1  }
0xc4: {  	v0 =	vunpack.i.l.bf16.f32 v3  }
0xc5: {  	[tilespmem:v4+s10+$0x0] =	vst.idx.msk $0xffff, v0;
	v4 =	vld [tilespmem:$0x1FED0];
	_ =	sdelay $0x6  }
0xc6: {  	v0 =	vunpack.i.u.bf16.f32 v3  }
0xc7: {  	[tilespmem:v4+s10+$0x0] =	vst.idx.msk $0xffff, v0;
	v4 =	vld [tilespmem:$0x1FEE0]  }
0xc8: {  	v7 =	vld [tilespmem:$0x1FEF0];
	_ =	sdelay $0x3  }
0xc9: {  	v2 =	vadd.bf16 v36, v55;
	_ =	sdelay $0x1  }
0xca: {  	v0 =	vunpack.i.l.bf16.f32 v2  }
0xcb: {  	[tilespmem:v4+s10+$0x0] =	vst.idx.msk $0xffff, v0;
	v0 =	vunpack.i.u.bf16.f32 v2  }
0xcc: {  	[tilespmem:v7+s10+$0x0] =	vst.idx.msk $0xffff, v0;
	v7 =	vld [tilespmem:$0x1FF00];
	_ =	sdelay $0x4  }
0xcd: {  	v3 =	vadd.bf16 v37, v54;
	_ =	sdelay $0x1  }
0xce: {  	v0 =	vunpack.i.l.bf16.f32 v3  }
0xcf: {  	[tilespmem:v7+s10+$0x0] =	vst.idx.msk $0xffff, v0;
	v7 =	vld [tilespmem:$0x1FF10];
	_ =	sdelay $0x6  }
0xd0: {  	v0 =	vunpack.i.u.bf16.f32 v3  }
0xd1: {  	[tilespmem:v7+s10+$0x0] =	vst.idx.msk $0xffff, v0;
	v7 =	vld [tilespmem:$0x1FF20];
	_ =	sdelay $0x4  }
0xd2: {  	v4 =	vadd.bf16 v38, v53;
	_ =	sdelay $0x1  }
0xd3: {  	v0 =	vunpack.i.l.bf16.f32 v4  }
0xd4: {  	[tilespmem:v7+s10+$0x0] =	vst.idx.msk $0xffff, v0;
	v7 =	vld [tilespmem:$0x1FF30];
	_ =	sdelay $0x6  }
0xd5: {  	v0 =	vunpack.i.u.bf16.f32 v4  }
0xd6: {  	[tilespmem:v7+s10+$0x0] =	vst.idx.msk $0xffff, v0;
	v7 =	vld [tilespmem:$0x1FF40];
	_ =	sdelay $0x2  }
0xd7: {  	v2 =	vadd.bf16 v24, v44;
	_ =	sdelay $0x1  }
0xd8: {  	v2 =	vadd.bf16 v39, v2;
	_ =	sdelay $0x1  }
0xd9: {  	v0 =	vunpack.i.l.bf16.f32 v2  }
0xda: {  	[tilespmem:v7+s10+$0x0] =	vst.idx.msk $0xffff, v0;
	v7 =	vld [tilespmem:$0x1FF50];
	_ =	sdelay $0x6  }
0xdb: {  	v0 =	vunpack.i.u.bf16.f32 v2  }
0xdc: {  	[tilespmem:v7+s10+$0x0] =	vst.idx.msk $0xffff, v0;
	v7 =	vld [tilespmem:$0x1FF60];
	_ =	sdelay $0x2  }
0xdd: {  	v3 =	vadd.bf16 v23, v52;
	_ =	sdelay $0x1  }
0xde: {  	v3 =	vadd.bf16 v40, v3;
	_ =	sdelay $0x1  }
0xdf: {  	v2 =	vadd.bf16 v20, v50;
	v0 =	vunpack.i.l.bf16.f32 v3  }
0xe0: {  	[tilespmem:v7+s10+$0x0] =	vst.idx.msk $0xffff, v0;
	v7 =	vld [tilespmem:$0x1FF70]  }
0xe1: {  	v2 =	vadd.bf16 v10, v2;
	v10 =	vld [tilespmem:$0x1FF80];
	_ =	sdelay $0x2  }
0xe2: {  	v4 =	vadd.bf16 v22, v51;
	_ =	sdelay $0x1  }
0xe3: {  	v4 =	vadd.bf16 v41, v4  }
0xe4: {  	v0 =	vunpack.i.u.bf16.f32 v3;
	v3 =	vadd.bf16 v19, v49  }
0xe5: {  	[tilespmem:v7+s10+$0x0] =	vst.idx.msk $0xffff, v0;
	v0 =	vunpack.i.l.bf16.f32 v4  }
0xe6: {  	v7 =	vadd.bf16 v25, v48;
	[tilespmem:v10+s10+$0x0] =	vst.idx.msk $0xffff, v0;
	v0 =	vadd.bf16 v18, v3;
	v3 =	vld [tilespmem:$0x1FF90]  }
0xe7: {  	v18 =	vld [tilespmem:$0x1FFA0]  }
0xe8: {  	v10 =	vadd.bf16 v62, v47;
	v7 =	vadd.bf16 v11, v7;
	v11 =	vld [tilespmem:$0x1FFB0]  }
0xe9: {  	v19 =	vld [tilespmem:$0x1FFC0]  }
0xea: {  	v10 =	vadd.bf16 v12, v10;
	v12 =	vld [tilespmem:$0x1FFE0];
	_ =	sdelay $0x2  }
0xeb: {  	v4 =	vunpack.i.u.bf16.f32 v4  }
0xec: {  	[tilespmem:v3+s10+$0x0] =	vst.idx.msk $0xffff, v4;
	v3 =	vunpack.i.l.bf16.f32 v2;
	v4 =	vadd.s32 $0x1E, v60  }
0xed: {  	v2 =	vunpack.i.u.bf16.f32 v2;
	[tilespmem:v18+s10+$0x0] =	vst.idx.msk $0xffff, v3;
	v3 =	vadd.s32 $0x1F, v60  }
0xee: {  	[tilespmem:v11+s10+$0x0] =	vst.idx.msk $0xffff, v2;
	v2 =	vunpack.i.l.bf16.f32 v0;
	v11 =	vadd.s32 $0x20, v60  }
0xef: {  	v0 =	vunpack.i.u.bf16.f32 v0;
	[tilespmem:v19+s10+$0x0] =	vst.idx.msk $0xffff, v2;
	v2 =	vadd.s32 $0x21, v60  }
0xf0: {  	v18 =	vadd.bf16 v29, v46;
	[tilespmem:v12+s10+$0x0] =	vst.idx.msk $0xffff, v0;
	v0 =	vunpack.i.l.bf16.f32 v7;
	v12 =	vadd.s32 $0x22, v60  }
0xf1: {  	v7 =	vunpack.i.u.bf16.f32 v7;
	[tilespmem:v4+s10+$0x0] =	vst.idx.msk $0xffff, v0;
	v0 =	vadd.s32 $0x23, v60  }
0xf2: {  	v4 =	vadd.bf16 v13, v18;
	v13 =	vadd.bf16 v21, v43;
	[tilespmem:v3+s10+$0x0] =	vst.idx.msk $0xffff, v7;
	v3 =	vunpack.i.l.bf16.f32 v10  }
0xf3: {  	v19 =	vadd.bf16 v27, v45;
	v7 =	vadd.s32 $0x24, v60;
	v10 =	vunpack.i.u.bf16.f32 v10;
	[tilespmem:v11+s10+$0x0] =	vst.idx.msk $0xffff, v3  }
0xf4: {  	v3 =	vadd.s32 $0x25, v60;
	v6 =	vadd.bf16 v6, v13;
	v13 =	vld [tilespmem:$0x1FC00];
	[tilespmem:v2+s10+$0x0] =	vst.idx.msk $0xffff, v10;
	v2 =	vunpack.i.l.bf16.f32 v4  }
0xf5: {  	v11 =	vadd.bf16 v15, v19;
	[tilespmem:v12+s10+$0x0] =	vst.idx.msk $0xffff, v2;
	v12 =	vld [tilespmem:$0x1FD70]  }
0xf6: {  	v4 =	vunpack.i.u.bf16.f32 v4  }
0xf7: {  	v10 =	vadd.s32 $0x26, v60;
	[tilespmem:v0+s10+$0x0] =	vst.idx.msk $0xffff, v4;
	v0 =	vunpack.i.l.bf16.f32 v11  }
0xf8: {  	v11 =	vunpack.i.u.bf16.f32 v11;
	[tilespmem:v7+s10+$0x0] =	vst.idx.msk $0xffff, v0  }
0xf9: {  	[tilespmem:v3+s10+$0x0] =	vst.idx.msk $0xffff, v11;
	v11 =	vld [tilespmem:$0x1FD80]  }
0xfa: {  	v12 =	vadd.bf16 v13, v12;
	v13 =	vld [tilespmem:$0x1FC10]  }
0xfb: {  	v2 =	vadd.s32 $0x27, v60;
	v3 =	vunpack.i.l.bf16.f32 v6  }
0xfc: {  	v15 =	vadd.bf16 v17, v42;
	v4 =	vadd.s32 $0x28, v60;
	[tilespmem:v10+s10+$0x0] =	vst.idx.msk $0xffff, v3;
	v10 =	vld [tilespmem:$0x1FD90]  }
0xfd: {  	v9 =	vadd.bf16 v9, v12;
	v12 =	vld [tilespmem:$0x1FC20]  }
0xfe: {  	v7 =	vadd.bf16 v8, v15  }
0xff: {  	v6 =	vunpack.i.u.bf16.f32 v6;
	v11 =	vadd.bf16 v13, v11  }
0x100: {  	v0 =	vadd.s32 $0x29, v60;
	[tilespmem:v2+s10+$0x0] =	vst.idx.msk $0xffff, v6;
	v2 =	vunpack.i.l.bf16.f32 v7  }
0x101: {  	v8 =	vadd.s32 $0x2A, v60;
	[tilespmem:v4+s10+$0x0] =	vst.idx.msk $0xffff, v2;
	v4 =	vadd.bf16 v63, v11;
	v11 =	vld [tilespmem:$0x1FDA0]  }
0x102: {  	v10 =	vadd.bf16 v12, v10;
	v12 =	vld [tilespmem:$0x1FC30];
	_ =	sdelay $0x1  }
0x103: {  	v7 =	vunpack.i.u.bf16.f32 v7  }
0x104: {  	v3 =	vadd.s32 $0x2B, v60;
	[tilespmem:v0+s10+$0x0] =	vst.idx.msk $0xffff, v7;
	v0 =	vunpack.i.l.bf16.f32 v9  }
0x105: {  	v6 =	vadd.s32 $0x2C, v60;
	[tilespmem:v8+s10+$0x0] =	vst.idx.msk $0xffff, v0;
	v8 =	vadd.bf16 v61, v10;
	v10 =	vld [tilespmem:$0x1FDB0]  }
0x106: {  	v11 =	vadd.bf16 v12, v11;
	v12 =	vld [tilespmem:$0x1FC40];
	_ =	sdelay $0x1  }
0x107: {  	v9 =	vunpack.i.u.bf16.f32 v9  }
0x108: {  	v2 =	vadd.s32 $0x2D, v60;
	[tilespmem:v3+s10+$0x0] =	vst.idx.msk $0xffff, v9;
	v3 =	vunpack.i.l.bf16.f32 v4  }
0x109: {  	v7 =	vadd.s32 $0x2E, v60;
	[tilespmem:v6+s10+$0x0] =	vst.idx.msk $0xffff, v3;
	v6 =	vadd.bf16 v30, v11;
	v11 =	vld [tilespmem:$0x1FDC0]  }
0x10a: {  	v10 =	vadd.bf16 v12, v10;
	v12 =	vld [tilespmem:$0x1FC50];
	_ =	sdelay $0x1  }
0x10b: {  	v4 =	vunpack.i.u.bf16.f32 v4  }
0x10c: {  	v0 =	vadd.s32 $0x2F, v60;
	[tilespmem:v2+s10+$0x0] =	vst.idx.msk $0xffff, v4;
	v2 =	vunpack.i.l.bf16.f32 v8  }
0x10d: {  	v9 =	vadd.s32 $0x30, v60;
	[tilespmem:v7+s10+$0x0] =	vst.idx.msk $0xffff, v2;
	v7 =	vadd.bf16 v28, v10;
	v10 =	vld [tilespmem:$0x1FDD0]  }
0x10e: {  	v11 =	vadd.bf16 v12, v11;
	v12 =	vld [tilespmem:$0x1FC60];
	_ =	sdelay $0x1  }
0x10f: {  	v8 =	vunpack.i.u.bf16.f32 v8  }
0x110: {  	v3 =	vadd.s32 $0x31, v60;
	[tilespmem:v0+s10+$0x0] =	vst.idx.msk $0xffff, v8;
	v0 =	vunpack.i.l.bf16.f32 v6  }
0x111: {  	v4 =	vadd.s32 $0x32, v60;
	[tilespmem:v9+s10+$0x0] =	vst.idx.msk $0xffff, v0;
	v9 =	vadd.bf16 v26, v11;
	v11 =	vld [tilespmem:$0x1FDE0]  }
0x112: {  	v10 =	vadd.bf16 v12, v10;
	v12 =	vld [tilespmem:$0x1FC70];
	_ =	sdelay $0x1  }
0x113: {  	v6 =	vunpack.i.u.bf16.f32 v6  }
0x114: {  	v2 =	vadd.s32 $0x33, v60;
	[tilespmem:v3+s10+$0x0] =	vst.idx.msk $0xffff, v6;
	v3 =	vunpack.i.l.bf16.f32 v7  }
0x115: {  	v8 =	vadd.s32 $0x34, v60;
	[tilespmem:v4+s10+$0x0] =	vst.idx.msk $0xffff, v3;
	v4 =	vadd.bf16 v14, v10;
	v10 =	vld [tilespmem:$0x1FDF0]  }
0x116: {  	v11 =	vadd.bf16 v12, v11;
	v12 =	vld [tilespmem:$0x1FC80]  }
0x117: {  	v0 =	vadd.s32 $0x35, v60  }
0x118: {  	v6 =	vadd.s32 $0x36, v60;
	v7 =	vunpack.i.u.bf16.f32 v7  }
0x119: {  	v3 =	vadd.s32 $0x37, v60;
	[tilespmem:v2+s10+$0x0] =	vst.idx.msk $0xffff, v7;
	v2 =	vunpack.i.l.bf16.f32 v9  }
0x11a: {  	v7 =	vadd.s32 $0x38, v60;
	[tilespmem:v8+s10+$0x0] =	vst.idx.msk $0xffff, v2;
	v8 =	vadd.bf16 v16, v11;
	v11 =	vld [tilespmem:$0x1FE00]  }
0x11b: {  	v9 =	vunpack.i.u.bf16.f32 v9;
	v10 =	vadd.bf16 v12, v10;
	v12 =	vld [tilespmem:$0x1FC90]  }
0x11c: {  	[tilespmem:v0+s10+$0x0] =	vst.idx.msk $0xffff, v9;
	v0 =	vunpack.i.l.bf16.f32 v4  }
0x11d: {  	v37 =	vld [tilespmem:$0x1FFF0];
	v2 =	vadd.s32 $0x39, v60;
	v4 =	vunpack.i.u.bf16.f32 v4;
	[tilespmem:v6+s10+$0x0] =	vst.idx.msk $0xffff, v0  }
0x11e: {  	v9 =	vadd.s32 $0x3A, v60;
	[tilespmem:v3+s10+$0x0] =	vst.idx.msk $0xffff, v4;
	v3 =	vunpack.i.l.bf16.f32 v8;
	v6 =	vunpack.i.u.bf16.f32 v8;
	v8 =	vld [tilespmem:$0x1FCA0]  }
0x11f: {  	v0 =	vadd.s32 $0x3B, v60;
	[tilespmem:v7+s10+$0x0] =	vst.idx.msk $0xffff, v3;
	v7 =	vld [tilespmem:$0x1FD60]  }
0x120: {  	v4 =	vadd.s32 $0x3C, v60;
	v1 =	vadd.bf16 v1, v10;
	v11 =	vadd.bf16 v12, v11  }
0x121: {  	v3 =	vadd.s32 $0x3D, v60  }
0x122: {  	[tilespmem:v2+s10+$0x0] =	vst.idx.msk $0xffff, v6;
	v6 =	vadd.s32 $0x3E, v60;
	v2 =	vunpack.i.l.bf16.f32 v1;
	v5 =	vadd.bf16 v5, v11  }
0x123: {  	s14 =	simm.s32 $0x28;
	v1 =	vunpack.i.u.bf16.f32 v1;
	[tilespmem:v9+s10+$0x0] =	vst.idx.msk $0xffff, v2;
	v2 =	vadd.s32 $0x3F, v60  }
0x124: {  	v7 =	vadd.bf16 v8, v7;
	[tilespmem:v0+s10+$0x0] =	vst.idx.msk $0xffff, v1;
	v1 =	vadd.s32 s14, v37;
	v0 =	vunpack.i.l.bf16.f32 v5  }
0x125: {  	v5 =	vunpack.i.u.bf16.f32 v5;
	[tilespmem:v4+s10+$0x0] =	vst.idx.msk $0xffff, v0  }
0x126: {  	v0 =	vunpack.i.l.bf16.f32 v7;
	[tilespmem:v3+s10+$0x0] =	vst.idx.msk $0xffff, v5  }
0x127: {  	v3 =	vunpack.i.u.bf16.f32 v7;
	[tilespmem:v6+s10+$0x0] =	vst.idx.msk $0xffff, v0  }
0x128: {  	[tilespmem:v2+s10+$0x0] =	vst.idx.msk $0xffff, v3  }
0x129: {  	v0 =	vld.idx.msk [tilespmem:v1+s2+$0x0], $0xffff;
	_ =	sdelay $0x4  }
0x12a: {  	v0 =	vmul.u32 $0x21, v0;
	_ =	sdelay $0x1  }
0x12b: {  	v1 =	vadd.s32 $0x1F, v0  }
0x12c: {  	v2 =	vadd.s32 $0x1, v0  }
0x12d: {  	v4 =	vadd.s32 $0x3, v0  }
0x12e: {  	v46 =	vimm.bf16 $0.0e+00;
	v3 =	vadd.s32 $0x2, v0;
	v5 =	vadd.s32 $0x4, v0  }
0x12f: {  	v7 =	vadd.s32 $0x5, v0;
	v8 =	vadd.s32 $0x6, v0;
	v12 =	vadd.s32 $0x7, v0  }
0x130: {  	v16 =	vadd.s32 $0x8, v0;
	v19 =	vadd.s32 $0x9, v0;
	v21 =	vadd.s32 $0xA, v0;
	v1 =	vld.idx.msk [tilespmem:v1+s8+$0x0], $0xffff  }
0x131: {  	v23 =	vadd.s32 $0xB, v0;
	v24 =	vadd.s32 $0xC, v0;
	v27 =	vadd.s32 $0xD, v0;
	v2 =	vld.idx.msk [tilespmem:v2+s8+$0x0], $0xffff  }
0x132: {  	v38 =	vadd.s32 $0xE, v0;
	v39 =	vadd.s32 $0xF, v0;
	v20 =	vadd.s32 $0x10, v0;
	v4 =	vld.idx.msk [tilespmem:v4+s8+$0x0], $0xffff  }
0x133: {  	v13 =	vadd.s32 $0x11, v0;
	v22 =	vadd.s32 $0x12, v0;
	v15 =	vadd.s32 $0x13, v0;
	v17 =	vld.idx.msk [tilespmem:v3+s8+$0x0], $0xffff  }
0x134: {  	v10 =	vadd.s32 $0x14, v0;
	v11 =	vadd.s32 $0x15, v0;
	v9 =	vadd.s32 $0x16, v0;
	v25 =	vld.idx.msk [tilespmem:v5+s8+$0x0], $0xffff  }
0x135: {  	v18 =	vadd.s32 $0x18, v0;
	v14 =	vadd.s32 $0x1A, v0;
	v54 =	vld.idx.msk [tilespmem:v8+s8+$0x0], $0xffff;
	v8 =	vadd.s32 $0x17, v0  }
0x136: {  	v26 =	vld.idx.msk [tilespmem:v7+s8+$0x0], $0xffff;
	v7 =	vadd.s32 $0x19, v0;
	v5 =	vadd.s32 $0x1B, v0;
	v1 =	vadd.bf16 v1, v46  }
0x137: {  	v55 =	vld.idx.msk [tilespmem:v12+s8+$0x0], $0xffff;
	v12 =	vadd.s32 $0x1C, v0;
	v3 =	vadd.bf16 v2, v46;
	v61 =	vadd.bf16 v4, v46  }
0x138: {  	v6 =	vld.idx.msk [tilespmem:v0+s8+$0x0], $0xffff;
	v2 =	vadd.s32 $0x1D, v0;
	v4 =	vadd.s32 $0x1E, v0;
	v0 =	vimm.bf16 $0.0e+00  }
0x139: {  	[tilespmem:$0x1FCC0] =	vst v0  }
0x13a: {  	v0 =	vimm.bf16 $0.0e+00;
	[tilespmem:$0x1FCB0] =	vst v1  }
0x13b: {  	v44 =	vimm.bf16 $0.0e+00;
	v52 =	vimm.bf16 $0.0e+00;
	[tilespmem:$0x1FCD0] =	vst v0;
	v0 =	vimm.bf16 $0.0e+00  }
0x13c: {  	v51 =	vimm.bf16 $0.0e+00;
	v50 =	vimm.bf16 $0.0e+00;
	v16 =	vld.idx.msk [tilespmem:v16+s8+$0x0], $0xffff;
	[tilespmem:$0x1FCE0] =	vst v0;
	v0 =	vimm.bf16 $0.0e+00  }
0x13d: {  	v49 =	vimm.bf16 $0.0e+00;
	v48 =	vimm.bf16 $0.0e+00;
	v23 =	vld.idx.msk [tilespmem:v23+s8+$0x0], $0xffff;
	[tilespmem:$0x1FCF0] =	vst v0;
	v0 =	vimm.bf16 $0.0e+00  }
0x13e: {  	v47 =	vimm.bf16 $0.0e+00;
	v45 =	vimm.bf16 $0.0e+00;
	v1 =	vld.idx.msk [tilespmem:v19+s8+$0x0], $0xffff;
	[tilespmem:$0x1FD00] =	vst v0;
	v0 =	vimm.bf16 $0.0e+00  }
0x13f: {  	v43 =	vimm.bf16 $0.0e+00;
	v59 =	vadd.bf16 v25, v46;
	v25 =	vld.idx.msk [tilespmem:v21+s8+$0x0], $0xffff;
	[tilespmem:$0x1FD10] =	vst v0;
	v0 =	vimm.bf16 $0.0e+00  }
0x140: {  	v42 =	vimm.bf16 $0.0e+00;
	v6 =	vadd.bf16 v6, v46;
	v21 =	vld.idx.msk [tilespmem:v24+s8+$0x0], $0xffff;
	[tilespmem:$0x1FD20] =	vst v0;
	v0 =	vimm.bf16 $0.0e+00  }
0x141: {  	v57 =	vadd.bf16 v54, v46;
	v54 =	vadd.bf16 v16, v46;
	v16 =	vld.idx.msk [tilespmem:v38+s8+$0x0], $0xffff;
	[tilespmem:$0x1FD30] =	vst v0;
	v0 =	vimm.bf16 $0.0e+00  }
0x142: {  	s31 =	simm.s32 $0x29;
	v63 =	vadd.bf16 v17, v46;
	v58 =	vadd.bf16 v26, v46;
	v17 =	vld.idx.msk [tilespmem:v39+s8+$0x0], $0xffff;
	[tilespmem:$0x1FD40] =	vst v0;
	v0 =	vimm.bf16 $0.0e+00  }
0x143: {  	s14 =	simm.s32 $0x2A;
	v55 =	vadd.bf16 v55, v46;
	v26 =	vadd.s32 s31, v37;
	v19 =	vld.idx.msk [tilespmem:v27+s8+$0x0], $0xffff;
	v53 =	vadd.bf16 v1, v46;
	[tilespmem:$0x1FD50] =	vst v0  }
.LBB2_5:
0x144: {  	v0 =	vld.idx.msk [tilespmem:v20+s8+$0x0], $0xffff  }
0x145: {  	v1 =	vld.idx.msk [tilespmem:v13+s8+$0x0], $0xffff  }
0x146: {  	v13 =	vld.idx.msk [tilespmem:v22+s8+$0x0], $0xffff  }
0x147: {  	v15 =	vld.idx.msk [tilespmem:v15+s8+$0x0], $0xffff  }
0x148: {  	v50 =	vadd.bf16 v19, v50;
	v19 =	vld.idx.msk [tilespmem:v26+s2+$0x0], $0xffff  }
0x149: {  	v10 =	vld.idx.msk [tilespmem:v10+s8+$0x0], $0xffff  }
0x14a: {  	v24 =	vld.idx.msk [tilespmem:v5+s8+$0x0], $0xffff  }
0x14b: {  	v27 =	vld.idx.msk [tilespmem:v12+s8+$0x0], $0xffff;
	v46 =	vadd.bf16 v25, v46;
	v52 =	vadd.bf16 v23, v52  }
0x14c: {  	v56 =	vld.idx.msk [tilespmem:v2+s8+$0x0], $0xffff;
	v51 =	vadd.bf16 v21, v51;
	v49 =	vadd.bf16 v16, v49  }
0x14d: {  	v32 =	vld.idx.msk [tilespmem:v4+s8+$0x0], $0xffff;
	v48 =	vadd.bf16 v17, v48;
	v47 =	vadd.bf16 v0, v47;
	v19 =	vmul.u32 $0x21, v19  }
0x14e: {  	v16 =	vld.idx.msk [tilespmem:v8+s8+$0x0], $0xffff;
	v45 =	vadd.bf16 v1, v45;
	v44 =	vadd.bf16 v13, v44  }
0x14f: {  	v21 =	vld.idx.msk [tilespmem:v7+s8+$0x0], $0xffff;
	v43 =	vadd.bf16 v15, v43;
	v42 =	vadd.bf16 v10, v42;
	v7 =	vadd.s32 $0x1, v19  }
0x150: {  	v1 =	vld.idx.msk [tilespmem:v9+s8+$0x0], $0xffff;
	v8 =	vadd.s32 $0x2, v19;
	v9 =	vadd.s32 $0x1F, v19;
	v5 =	vadd.s32 $0x3, v19  }
0x151: {  	v17 =	vld.idx.msk [tilespmem:v18+s8+$0x0], $0xffff;
	v25 =	vadd.s32 $0x4, v19;
	v26 =	vadd.s32 $0x5, v19;
	v28 =	vadd.s32 $0x6, v19  }
0x152: {  	v23 =	vld.idx.msk [tilespmem:v14+s8+$0x0], $0xffff;
	v29 =	vadd.s32 $0x7, v19;
	v30 =	vadd.s32 $0x8, v19;
	v60 =	vadd.s32 $0x9, v19  }
0x153: {  	v0 =	vld.idx.msk [tilespmem:v11+s8+$0x0], $0xffff;
	v62 =	vadd.s32 $0xA, v19;
	v31 =	vadd.s32 $0xB, v19;
	v34 =	vadd.s32 $0xC, v19  }
0x154: {  	v35 =	vadd.s32 $0xD, v19;
	v36 =	vadd.s32 $0xE, v19;
	v37 =	vadd.s32 $0xF, v19;
	v33 =	vld.idx.msk [tilespmem:v19+s8+$0x0], $0xffff  }
0x155: {  	v20 =	vadd.s32 $0x10, v19;
	v13 =	vadd.s32 $0x11, v19;
	v22 =	vadd.s32 $0x12, v19;
	v38 =	vld.idx.msk [tilespmem:v9+s8+$0x0], $0xffff  }
0x156: {  	v15 =	vadd.s32 $0x13, v19;
	v10 =	vadd.s32 $0x14, v19;
	v11 =	vadd.s32 $0x15, v19;
	v39 =	vld.idx.msk [tilespmem:v7+s8+$0x0], $0xffff  }
0x157: {  	v18 =	vadd.s32 $0x18, v19;
	v14 =	vadd.s32 $0x1A, v19;
	v12 =	vadd.s32 $0x1C, v19;
	v40 =	vld.idx.msk [tilespmem:v8+s8+$0x0], $0xffff  }
0x158: {  	v2 =	vadd.s32 $0x1D, v19;
	v4 =	vadd.s32 $0x1E, v19;
	v9 =	vadd.s32 $0x16, v19;
	v41 =	vld.idx.msk [tilespmem:v5+s8+$0x0], $0xffff  }
0x159: {  	v8 =	vadd.s32 $0x17, v19;
	v7 =	vadd.s32 $0x19, v19;
	v5 =	vadd.s32 $0x1B, v19;
	v19 =	vld [tilespmem:$0x1FCC0];
	_ =	sdelay $0x4  }
0x15a: {  	v19 =	vadd.bf16 v0, v19;
	v0 =	vld [tilespmem:$0x1FCD0];
	_ =	sdelay $0x4  }
0x15b: {  	v0 =	vadd.bf16 v1, v0;
	v1 =	vld [tilespmem:$0x1FCB0];
	_ =	sdelay $0x2  }
0x15c: {  	[tilespmem:$0x1FCC0] =	vst v19;
	v19 =	vld [tilespmem:$0x1FD10]  }
0x15d: {  	[tilespmem:$0x1FCD0] =	vst v0;
	v0 =	vld.idx.msk [tilespmem:v28+s8+$0x0], $0xffff  }
0x15e: {  	v1 =	vadd.bf16 v38, v1;
	_ =	sdelay $0x1  }
0x15f: {  	[tilespmem:$0x1FCB0] =	vst v1;
	v1 =	vld [tilespmem:$0x1FCE0];
	_ =	sdelay $0x1  }
0x160: {  	v19 =	vadd.bf16 v23, v19;
	v57 =	vadd.bf16 v0, v57;
	v0 =	vld [tilespmem:$0x1FD40];
	_ =	sdelay $0x1  }
0x161: {  	[tilespmem:$0x1FD10] =	vst v19;
	v19 =	vld [tilespmem:$0x1FD20]  }
0x162: {  	v1 =	vadd.bf16 v16, v1;
	v16 =	vld [tilespmem:$0x1FCF0];
	_ =	sdelay $0x1  }
0x163: {  	v0 =	vadd.bf16 v56, v0  }
0x164: {  	v25 =	vld.idx.msk [tilespmem:v25+s8+$0x0], $0xffff  }
0x165: {  	[tilespmem:$0x1FD40] =	vst v0;
	v0 =	vld [tilespmem:$0x1FD50]  }
0x166: {  	v19 =	vadd.bf16 v24, v19;
	v16 =	vadd.bf16 v17, v16;
	v17 =	vld [tilespmem:$0x1FD00]  }
0x167: {  	v26 =	vld.idx.msk [tilespmem:v26+s8+$0x0], $0xffff  }
0x168: {  	[tilespmem:$0x1FD20] =	vst v19;
	v19 =	vld [tilespmem:$0x1FD30]  }
0x169: {  	v59 =	vadd.bf16 v25, v59;
	v25 =	vld.idx.msk [tilespmem:v62+s8+$0x0], $0xffff  }
0x16a: {  	[tilespmem:$0x1FCE0] =	vst v1;
	v1 =	vld.idx.msk [tilespmem:v29+s8+$0x0], $0xffff;
	v0 =	vadd.bf16 v32, v0  }
0x16b: {  	[tilespmem:$0x1FCF0] =	vst v16;
	v16 =	vld.idx.msk [tilespmem:v30+s8+$0x0], $0xffff;
	v17 =	vadd.bf16 v21, v17  }
0x16c: {  	[tilespmem:$0x1FD50] =	vst v0;
	v0 =	vld [tilespmem:$0x1FFF0]  }
0x16d: {  	p0 =	sne.s32 s14, $0x4F;
	v19 =	vadd.bf16 v27, v19;
	[tilespmem:$0x1FD00] =	vst v17;
	v17 =	vld.idx.msk [tilespmem:v60+s8+$0x0], $0xffff  }
.Ltmp1:
0x16e: {  	v23 =	vld.idx.msk [tilespmem:v31+s8+$0x0], $0xffff;
	(pc) =	sbr.rel @p0 .LBB2_5-.Ltmp1, $4  }
0x16f: {  	v6 =	vadd.bf16 v33, v6;
	v3 =	vadd.bf16 v39, v3;
	[tilespmem:$0x1FD30] =	vst v19;
	v19 =	vld.idx.msk [tilespmem:v35+s8+$0x0], $0xffff  }
0x170: {  	v63 =	vadd.bf16 v40, v63;
	v61 =	vadd.bf16 v41, v61;
	v21 =	vld.idx.msk [tilespmem:v34+s8+$0x0], $0xffff  }
0x171: {  	v58 =	vadd.bf16 v26, v58;
	v54 =	vadd.bf16 v16, v54;
	v16 =	vld.idx.msk [tilespmem:v36+s8+$0x0], $0xffff  }
0x172: {  	v55 =	vadd.bf16 v1, v55;
	v26 =	vadd.s32 s14, v0;
	s14 =	sadd.s32 $0x1, s14;
	v53 =	vadd.bf16 v17, v53;
	v17 =	vld.idx.msk [tilespmem:v37+s8+$0x0], $0xffff  }
0x173: {  	_ =	sdelay $0x3  }
0x174: {  	v1 =	vld.idx.msk [tilespmem:v10+s8+$0x0], $0xffff;
	_ =	sdelay $0x4  }
0x175: {  	[tilespmem:$0x1FA70] =	vst v1;
	v1 =	vld.idx.msk [tilespmem:v11+s8+$0x0], $0xffff;
	_ =	sdelay $0x4  }
0x176: {  	[tilespmem:$0x1FA80] =	vst v1;
	v1 =	vld.idx.msk [tilespmem:v9+s8+$0x0], $0xffff  }
0x177: {  	v0 =	vld.idx.msk [tilespmem:v15+s8+$0x0], $0xffff;
	_ =	sdelay $0x3  }
0x178: {  	[tilespmem:$0x1FA90] =	vst v1;
	v1 =	vld.idx.msk [tilespmem:v8+s8+$0x0], $0xffff  }
0x179: {  	[tilespmem:$0x1FA60] =	vst v0;
	v0 =	vld.idx.msk [tilespmem:v26+s2+$0x0], $0xffff;
	_ =	sdelay $0x1  }
0x17a: {  	v5 =	vld.idx.msk [tilespmem:v5+s8+$0x0], $0xffff  }
0x17b: {  	v2 =	vld.idx.msk [tilespmem:v2+s8+$0x0], $0xffff  }
0x17c: {  	[tilespmem:$0x1FAA0] =	vst v1;
	v1 =	vld.idx.msk [tilespmem:v18+s8+$0x0], $0xffff  }
0x17d: {  	v4 =	vld.idx.msk [tilespmem:v4+s8+$0x0], $0xffff;
	v0 =	vmul.u32 $0x21, v0;
	_ =	sdelay $0x1  }
0x17e: {  	v28 =	vld.idx.msk [tilespmem:v20+s8+$0x0], $0xffff;
	[tilespmem:$0x1FAE0] =	vst v5;
	v5 =	vadd.s32 $0x2, v0  }
0x17f: {  	v56 =	vld.idx.msk [tilespmem:v13+s8+$0x0], $0xffff;
	[tilespmem:$0x1FB00] =	vst v2;
	v2 =	vadd.s32 $0x4, v0  }
0x180: {  	[tilespmem:$0x1FAB0] =	vst v1;
	v1 =	vld.idx.msk [tilespmem:v7+s8+$0x0], $0xffff  }
0x181: {  	v60 =	vld.idx.msk [tilespmem:v22+s8+$0x0], $0xffff;
	[tilespmem:$0x1FB20] =	vst v4;
	v4 =	vadd.s32 $0x5, v0  }
0x182: {  	v22 =	vadd.s32 $0x14, v0;
	v8 =	vld.idx.msk [tilespmem:v12+s8+$0x0], $0xffff  }
0x183: {  	v26 =	vadd.s32 $0x15, v0;
	v32 =	vld.idx.msk [tilespmem:v5+s8+$0x0], $0xffff  }
0x184: {  	v27 =	vadd.s32 $0x16, v0;
	v34 =	vld.idx.msk [tilespmem:v2+s8+$0x0], $0xffff  }
0x185: {  	v5 =	vadd.s32 $0x8, v0;
	[tilespmem:$0x1FAC0] =	vst v1;
	v1 =	vld.idx.msk [tilespmem:v14+s8+$0x0], $0xffff  }
0x186: {  	v35 =	vld.idx.msk [tilespmem:v4+s8+$0x0], $0xffff;
	v2 =	vadd.s32 $0xA, v0  }
0x187: {  	v24 =	vld.idx.msk [tilespmem:v22+s8+$0x0], $0xffff;
	[tilespmem:$0x1FAF0] =	vst v8;
	v8 =	vadd.s32 $0x3, v0  }
0x188: {  	v30 =	vld.idx.msk [tilespmem:v26+s8+$0x0], $0xffff;
	v7 =	vadd.s32 $0x1, v0  }
0x189: {  	v4 =	vadd.s32 $0xB, v0;
	v29 =	vld.idx.msk [tilespmem:v27+s8+$0x0], $0xffff  }
0x18a: {  	v37 =	vld.idx.msk [tilespmem:v5+s8+$0x0], $0xffff;
	[tilespmem:$0x1FAD0] =	vst v1;
	v1 =	vadd.s32 $0x1F, v0  }
0x18b: {  	v18 =	vadd.s32 $0x13, v0;
	v39 =	vld.idx.msk [tilespmem:v2+s8+$0x0], $0xffff  }
0x18c: {  	v33 =	vld.idx.msk [tilespmem:v8+s8+$0x0], $0xffff;
	v8 =	vadd.s32 $0x9, v0  }
0x18d: {  	v31 =	vld.idx.msk [tilespmem:v7+s8+$0x0], $0xffff;
	v7 =	vadd.s32 $0x7, v0  }
0x18e: {  	v40 =	vld.idx.msk [tilespmem:v4+s8+$0x0], $0xffff;
	v14 =	vadd.s32 $0x12, v0  }
0x18f: {  	v1 =	vld.idx.msk [tilespmem:v1+s8+$0x0], $0xffff  }
0x190: {  	v20 =	vld.idx.msk [tilespmem:v18+s8+$0x0], $0xffff;
	v18 =	vadd.s32 $0x18, v0  }
0x191: {  	v38 =	vld.idx.msk [tilespmem:v8+s8+$0x0], $0xffff;
	v8 =	vadd.s32 $0xE, v0  }
0x192: {  	v36 =	vld.idx.msk [tilespmem:v7+s8+$0x0], $0xffff;
	v7 =	vadd.s32 $0xC, v0  }
0x193: {  	v15 =	vld.idx.msk [tilespmem:v14+s8+$0x0], $0xffff;
	v14 =	vadd.s32 $0x17, v0  }
0x194: {  	v2 =	vld.idx.msk [tilespmem:v0+s8+$0x0], $0xffff;
	[tilespmem:$0x1FB40] =	vst v1;
	v1 =	vadd.s32 $0x6, v0  }
0x195: {  	v26 =	vld.idx.msk [tilespmem:v18+s8+$0x0], $0xffff  }
0x196: {  	v9 =	vadd.s32 $0xF, v0;
	v13 =	vld.idx.msk [tilespmem:v8+s8+$0x0], $0xffff  }
0x197: {  	v10 =	vadd.s32 $0x10, v0;
	v22 =	vadd.s32 $0x19, v0;
	v5 =	vadd.s32 $0xD, v0;
	v41 =	vld.idx.msk [tilespmem:v7+s8+$0x0], $0xffff  }
0x198: {  	v4 =	vadd.s32 $0x1C, v0;
	v18 =	vadd.s32 $0x1D, v0;
	v7 =	vadd.s32 $0x11, v0;
	v27 =	vld.idx.msk [tilespmem:v14+s8+$0x0], $0xffff  }
0x199: {  	v14 =	vadd.s32 $0x1B, v0;
	v11 =	vld.idx.msk [tilespmem:v1+s8+$0x0], $0xffff;
	v1 =	vadd.s32 $0x1A, v0;
	v0 =	vadd.s32 $0x1E, v0  }
0x19a: {  	v8 =	vld [tilespmem:$0x1FFD0]  }
0x19b: {  	v9 =	vld.idx.msk [tilespmem:v9+s8+$0x0], $0xffff  }
0x19c: {  	v10 =	vld.idx.msk [tilespmem:v10+s8+$0x0], $0xffff  }
0x19d: {  	v6 =	vadd.bf16 v2, v6;
	v2 =	vld.idx.msk [tilespmem:v4+s8+$0x0], $0xffff  }
0x19e: {  	v0 =	vld.idx.msk [tilespmem:v0+s8+$0x0], $0xffff  }
0x19f: {  	v62 =	vld.idx.msk [tilespmem:v1+s8+$0x0], $0xffff;
	v1 =	vadd.s32 $0x40, v8  }
0x1a0: {  	v12 =	vld.idx.msk [tilespmem:v5+s8+$0x0], $0xffff;
	v5 =	vadd.s32 $0x41, v8  }
0x1a1: {  	v22 =	vld.idx.msk [tilespmem:v22+s8+$0x0], $0xffff;
	v4 =	vadd.s32 $0x42, v8  }
0x1a2: {  	[tilespmem:$0x1FB10] =	vst v2;
	v18 =	vld.idx.msk [tilespmem:v18+s8+$0x0], $0xffff;
	v2 =	vadd.s32 $0x43, v8  }
0x1a3: {  	v31 =	vadd.bf16 v31, v3;
	v3 =	vadd.s32 $0x44, v8;
	v7 =	vld.idx.msk [tilespmem:v7+s8+$0x0], $0xffff;
	[tilespmem:$0x1FB30] =	vst v0;
	v0 =	vunpack.i.l.bf16.f32 v6  }
0x1a4: {  	v14 =	vld.idx.msk [tilespmem:v14+s8+$0x0], $0xffff;
	[tilespmem:v1+s10+$0x0] =	vst.idx.msk $0xffff, v0;
	v0 =	vunpack.i.u.bf16.f32 v6;
	v1 =	vadd.s32 $0x45, v8  }
0x1a5: {  	v6 =	vadd.s32 $0x46, v8;
	[tilespmem:v5+s10+$0x0] =	vst.idx.msk $0xffff, v0;
	v0 =	vadd.bf16 v32, v63;
	v5 =	vunpack.i.l.bf16.f32 v31  }
0x1a6: {  	[tilespmem:v4+s10+$0x0] =	vst.idx.msk $0xffff, v5;
	v4 =	vunpack.i.u.bf16.f32 v31;
	v5 =	vadd.s32 $0x47, v8  }
0x1a7: {  	[tilespmem:v2+s10+$0x0] =	vst.idx.msk $0xffff, v4;
	v2 =	vadd.bf16 v33, v61;
	v4 =	vunpack.i.l.bf16.f32 v0;
	v33 =	vadd.s32 $0x48, v8  }
0x1a8: {  	v0 =	vunpack.i.u.bf16.f32 v0;
	[tilespmem:v3+s10+$0x0] =	vst.idx.msk $0xffff, v4;
	v3 =	vadd.s32 $0x49, v8  }
0x1a9: {  	v4 =	vadd.s32 $0x4A, v8;
	[tilespmem:v1+s10+$0x0] =	vst.idx.msk $0xffff, v0;
	v0 =	vadd.bf16 v34, v59;
	v1 =	vunpack.i.l.bf16.f32 v2  }
0x1aa: {  	[tilespmem:v6+s10+$0x0] =	vst.idx.msk $0xffff, v1;
	v1 =	vunpack.i.u.bf16.f32 v2;
	v2 =	vadd.s32 $0x4B, v8  }
0x1ab: {  	v6 =	vadd.s32 $0x4C, v8;
	[tilespmem:v5+s10+$0x0] =	vst.idx.msk $0xffff, v1;
	v1 =	vadd.bf16 v35, v58;
	v5 =	vunpack.i.l.bf16.f32 v0  }
0x1ac: {  	v0 =	vunpack.i.u.bf16.f32 v0;
	[tilespmem:v33+s10+$0x0] =	vst.idx.msk $0xffff, v5;
	v5 =	vadd.s32 $0x4D, v8  }
0x1ad: {  	[tilespmem:v3+s10+$0x0] =	vst.idx.msk $0xffff, v0;
	v0 =	vadd.bf16 v11, v57;
	v3 =	vunpack.i.l.bf16.f32 v1;
	v11 =	vadd.s32 $0x4E, v8  }
0x1ae: {  	v1 =	vunpack.i.u.bf16.f32 v1;
	[tilespmem:v4+s10+$0x0] =	vst.idx.msk $0xffff, v3;
	v3 =	vadd.s32 $0x4F, v8  }
0x1af: {  	v4 =	vadd.s32 $0x50, v8;
	[tilespmem:v2+s10+$0x0] =	vst.idx.msk $0xffff, v1;
	v1 =	vadd.bf16 v36, v55;
	v2 =	vunpack.i.l.bf16.f32 v0  }
0x1b0: {  	v0 =	vunpack.i.u.bf16.f32 v0;
	[tilespmem:v6+s10+$0x0] =	vst.idx.msk $0xffff, v2;
	v2 =	vadd.s32 $0x51, v8  }
0x1b1: {  	v6 =	vadd.s32 $0x52, v8;
	[tilespmem:v5+s10+$0x0] =	vst.idx.msk $0xffff, v0;
	v0 =	vadd.bf16 v37, v54;
	v5 =	vunpack.i.l.bf16.f32 v1  }
0x1b2: {  	v1 =	vunpack.i.u.bf16.f32 v1;
	[tilespmem:v11+s10+$0x0] =	vst.idx.msk $0xffff, v5;
	v5 =	vadd.bf16 v25, v46;
	v11 =	vadd.s32 $0x53, v8  }
0x1b3: {  	v25 =	vadd.s32 $0x54, v8;
	[tilespmem:v3+s10+$0x0] =	vst.idx.msk $0xffff, v1;
	v1 =	vadd.bf16 v38, v53;
	v3 =	vunpack.i.l.bf16.f32 v0  }
0x1b4: {  	v0 =	vunpack.i.u.bf16.f32 v0;
	[tilespmem:v4+s10+$0x0] =	vst.idx.msk $0xffff, v3;
	v3 =	vadd.bf16 v23, v52;
	v4 =	vadd.s32 $0x55, v8  }
0x1b5: {  	[tilespmem:v2+s10+$0x0] =	vst.idx.msk $0xffff, v0;
	v0 =	vadd.bf16 v39, v5;
	v2 =	vunpack.i.l.bf16.f32 v1;
	v5 =	vadd.s32 $0x56, v8  }
0x1b6: {  	v1 =	vunpack.i.u.bf16.f32 v1;
	[tilespmem:v6+s10+$0x0] =	vst.idx.msk $0xffff, v2;
	v2 =	vadd.bf16 v21, v51;
	v6 =	vadd.s32 $0x57, v8  }
0x1b7: {  	[tilespmem:v11+s10+$0x0] =	vst.idx.msk $0xffff, v1;
	v1 =	vadd.bf16 v40, v3;
	v3 =	vunpack.i.l.bf16.f32 v0;
	v11 =	vadd.s32 $0x58, v8  }
0x1b8: {  	v0 =	vunpack.i.u.bf16.f32 v0;
	[tilespmem:v25+s10+$0x0] =	vst.idx.msk $0xffff, v3  }
0x1b9: {  	v2 =	vadd.bf16 v41, v2;
	[tilespmem:v4+s10+$0x0] =	vst.idx.msk $0xffff, v0;
	v0 =	vunpack.i.l.bf16.f32 v1  }
0x1ba: {  	v3 =	vadd.bf16 v19, v50;
	v19 =	vadd.s32 $0x59, v8;
	v1 =	vunpack.i.u.bf16.f32 v1;
	[tilespmem:v5+s10+$0x0] =	vst.idx.msk $0xffff, v0  }
0x1bb: {  	v4 =	vadd.s32 $0x5A, v8;
	[tilespmem:v6+s10+$0x0] =	vst.idx.msk $0xffff, v1;
	v1 =	vunpack.i.l.bf16.f32 v2  }
0x1bc: {  	v0 =	vadd.bf16 v16, v49;
	v5 =	vadd.s32 $0x5B, v8;
	[tilespmem:v11+s10+$0x0] =	vst.idx.msk $0xffff, v1;
	v1 =	vadd.bf16 v17, v48  }
0x1bd: {  	v3 =	vadd.bf16 v12, v3;
	v6 =	vadd.s32 $0x5C, v8;
	v2 =	vunpack.i.u.bf16.f32 v2  }
0x1be: {  	v11 =	vadd.s32 $0x5D, v8;
	v1 =	vadd.bf16 v9, v1;
	v9 =	vadd.bf16 v56, v45  }
0x1bf: {  	v12 =	vadd.s32 $0x5E, v8;
	v0 =	vadd.bf16 v13, v0;
	[tilespmem:v19+s10+$0x0] =	vst.idx.msk $0xffff, v2;
	v2 =	vunpack.i.l.bf16.f32 v3  }
0x1c0: {  	v3 =	vunpack.i.u.bf16.f32 v3;
	[tilespmem:v4+s10+$0x0] =	vst.idx.msk $0xffff, v2;
	v4 =	vadd.s32 $0x5F, v8;
	v7 =	vadd.bf16 v7, v9;
	v9 =	vld [tilespmem:$0x1FA60]  }
0x1c1: {  	v2 =	vadd.bf16 v28, v47;
	[tilespmem:v5+s10+$0x0] =	vst.idx.msk $0xffff, v3;
	v3 =	vunpack.i.l.bf16.f32 v0;
	v5 =	vadd.s32 $0x60, v8  }
0x1c2: {  	v0 =	vunpack.i.u.bf16.f32 v0;
	[tilespmem:v6+s10+$0x0] =	vst.idx.msk $0xffff, v3;
	v3 =	vadd.s32 $0x61, v8  }
0x1c3: {  	v2 =	vadd.bf16 v10, v2;
	v6 =	vadd.s32 $0x62, v8;
	[tilespmem:v11+s10+$0x0] =	vst.idx.msk $0xffff, v0;
	v0 =	vunpack.i.l.bf16.f32 v1  }
0x1c4: {  	v1 =	vunpack.i.u.bf16.f32 v1;
	[tilespmem:v12+s10+$0x0] =	vst.idx.msk $0xffff, v0  }
0x1c5: {  	v10 =	vadd.bf16 v60, v44;
	[tilespmem:v4+s10+$0x0] =	vst.idx.msk $0xffff, v1;
	v1 =	vunpack.i.l.bf16.f32 v2;
	v11 =	vadd.bf16 v9, v43;
	v9 =	vld [tilespmem:$0x1FA70]  }
0x1c6: {  	v0 =	vadd.s32 $0x63, v8;
	v2 =	vunpack.i.u.bf16.f32 v2;
	[tilespmem:v5+s10+$0x0] =	vst.idx.msk $0xffff, v1  }
0x1c7: {  	v4 =	vadd.s32 $0x64, v8;
	v5 =	vadd.bf16 v15, v10;
	v10 =	vld [tilespmem:$0x1FCC0];
	[tilespmem:v3+s10+$0x0] =	vst.idx.msk $0xffff, v2;
	v2 =	vunpack.i.l.bf16.f32 v7  }
0x1c8: {  	[tilespmem:v6+s10+$0x0] =	vst.idx.msk $0xffff, v2;
	v6 =	vadd.bf16 v20, v11;
	v11 =	vld [tilespmem:$0x1FA80];
	_ =	sdelay $0x1  }
0x1c9: {  	v7 =	vunpack.i.u.bf16.f32 v7;
	v9 =	vadd.bf16 v9, v42  }
0x1ca: {  	v1 =	vadd.s32 $0x65, v8;
	[tilespmem:v0+s10+$0x0] =	vst.idx.msk $0xffff, v7;
	v0 =	vunpack.i.l.bf16.f32 v5  }
0x1cb: {  	v3 =	vadd.s32 $0x66, v8;
	[tilespmem:v4+s10+$0x0] =	vst.idx.msk $0xffff, v0;
	v4 =	vadd.bf16 v24, v9;
	v9 =	vld [tilespmem:$0x1FCD0]  }
0x1cc: {  	v10 =	vadd.bf16 v11, v10;
	v11 =	vld [tilespmem:$0x1FA90];
	_ =	sdelay $0x1  }
0x1cd: {  	v5 =	vunpack.i.u.bf16.f32 v5  }
0x1ce: {  	v2 =	vadd.s32 $0x67, v8;
	[tilespmem:v1+s10+$0x0] =	vst.idx.msk $0xffff, v5;
	v1 =	vunpack.i.l.bf16.f32 v6  }
0x1cf: {  	v7 =	vadd.s32 $0x68, v8;
	[tilespmem:v3+s10+$0x0] =	vst.idx.msk $0xffff, v1;
	v3 =	vadd.bf16 v30, v10;
	v10 =	vld [tilespmem:$0x1FCE0]  }
0x1d0: {  	v9 =	vadd.bf16 v11, v9;
	v11 =	vld [tilespmem:$0x1FAA0];
	_ =	sdelay $0x1  }
0x1d1: {  	v6 =	vunpack.i.u.bf16.f32 v6  }
0x1d2: {  	v0 =	vadd.s32 $0x69, v8;
	[tilespmem:v2+s10+$0x0] =	vst.idx.msk $0xffff, v6;
	v2 =	vunpack.i.l.bf16.f32 v4  }
0x1d3: {  	v5 =	vadd.s32 $0x6A, v8;
	[tilespmem:v7+s10+$0x0] =	vst.idx.msk $0xffff, v2;
	v7 =	vadd.bf16 v29, v9;
	v9 =	vld [tilespmem:$0x1FCF0]  }
0x1d4: {  	v10 =	vadd.bf16 v11, v10;
	v11 =	vld [tilespmem:$0x1FAB0];
	_ =	sdelay $0x1  }
0x1d5: {  	v4 =	vunpack.i.u.bf16.f32 v4  }
0x1d6: {  	v1 =	vadd.s32 $0x6B, v8;
	[tilespmem:v0+s10+$0x0] =	vst.idx.msk $0xffff, v4;
	v0 =	vunpack.i.l.bf16.f32 v3  }
0x1d7: {  	v6 =	vadd.s32 $0x6C, v8;
	[tilespmem:v5+s10+$0x0] =	vst.idx.msk $0xffff, v0;
	v5 =	vadd.bf16 v27, v10;
	v10 =	vld [tilespmem:$0x1FD00]  }
0x1d8: {  	v9 =	vadd.bf16 v11, v9;
	v11 =	vld [tilespmem:$0x1FAC0];
	_ =	sdelay $0x1  }
0x1d9: {  	v3 =	vunpack.i.u.bf16.f32 v3  }
0x1da: {  	v2 =	vadd.s32 $0x6D, v8;
	[tilespmem:v1+s10+$0x0] =	vst.idx.msk $0xffff, v3;
	v1 =	vunpack.i.l.bf16.f32 v7  }
0x1db: {  	v4 =	vadd.s32 $0x6E, v8;
	[tilespmem:v6+s10+$0x0] =	vst.idx.msk $0xffff, v1;
	v6 =	vadd.bf16 v26, v9;
	v9 =	vld [tilespmem:$0x1FD10]  }
0x1dc: {  	v10 =	vadd.bf16 v11, v10;
	v11 =	vld [tilespmem:$0x1FAD0];
	_ =	sdelay $0x1  }
0x1dd: {  	v7 =	vunpack.i.u.bf16.f32 v7  }
0x1de: {  	v0 =	vadd.s32 $0x6F, v8;
	[tilespmem:v2+s10+$0x0] =	vst.idx.msk $0xffff, v7;
	v2 =	vunpack.i.l.bf16.f32 v5  }
0x1df: {  	v3 =	vadd.s32 $0x70, v8;
	[tilespmem:v4+s10+$0x0] =	vst.idx.msk $0xffff, v2;
	v4 =	vadd.bf16 v22, v10;
	v10 =	vld [tilespmem:$0x1FD20]  }
0x1e0: {  	v1 =	vadd.s32 $0x71, v8;
	v9 =	vadd.bf16 v11, v9;
	v11 =	vld [tilespmem:$0x1FAE0]  }
0x1e1: {  	v7 =	vadd.s32 $0x72, v8  }
0x1e2: {  	v5 =	vunpack.i.u.bf16.f32 v5;
	v2 =	vadd.s32 $0x73, v8  }
0x1e3: {  	[tilespmem:v0+s10+$0x0] =	vst.idx.msk $0xffff, v5;
	v5 =	vadd.s32 $0x74, v8;
	v0 =	vunpack.i.l.bf16.f32 v6  }
0x1e4: {  	v6 =	vunpack.i.u.bf16.f32 v6;
	[tilespmem:v3+s10+$0x0] =	vst.idx.msk $0xffff, v0;
	v3 =	vadd.bf16 v62, v9;
	v9 =	vld [tilespmem:$0x1FD30]  }
0x1e5: {  	[tilespmem:v1+s10+$0x0] =	vst.idx.msk $0xffff, v6;
	v1 =	vunpack.i.l.bf16.f32 v4;
	v10 =	vadd.bf16 v11, v10;
	v11 =	vld [tilespmem:$0x1FAF0]  }
0x1e6: {  	v4 =	vunpack.i.u.bf16.f32 v4;
	[tilespmem:v7+s10+$0x0] =	vst.idx.msk $0xffff, v1  }
0x1e7: {  	[tilespmem:v2+s10+$0x0] =	vst.idx.msk $0xffff, v4;
	v2 =	vunpack.i.l.bf16.f32 v3  }
0x1e8: {  	[tilespmem:v5+s10+$0x0] =	vst.idx.msk $0xffff, v2;
	v5 =	vld [tilespmem:$0x1FB10]  }
0x1e9: {  	v0 =	vadd.s32 $0x75, v8;
	v7 =	vadd.bf16 v14, v10;
	v10 =	vld [tilespmem:$0x1FD40]  }
0x1ea: {  	v9 =	vadd.bf16 v11, v9;
	v11 =	vld [tilespmem:$0x1FB00]  }
0x1eb: {  	v6 =	vadd.s32 $0x76, v8  }
0x1ec: {  	v1 =	vadd.s32 $0x77, v8  }
0x1ed: {  	v4 =	vadd.s32 $0x78, v8;
	v3 =	vunpack.i.u.bf16.f32 v3  }
0x1ee: {  	v2 =	vadd.s32 $0x79, v8;
	[tilespmem:v0+s10+$0x0] =	vst.idx.msk $0xffff, v3;
	v3 =	vadd.s32 $0x7A, v8  }
0x1ef: {  	v0 =	vunpack.i.l.bf16.f32 v7;
	v5 =	vadd.bf16 v5, v9;
	v10 =	vadd.bf16 v11, v10  }
0x1f0: {  	v7 =	vunpack.i.u.bf16.f32 v7;
	[tilespmem:v6+s10+$0x0] =	vst.idx.msk $0xffff, v0;
	v9 =	vld [tilespmem:$0x1FD50]  }
0x1f1: {  	[tilespmem:v1+s10+$0x0] =	vst.idx.msk $0xffff, v7;
	v1 =	vunpack.i.l.bf16.f32 v5;
	v11 =	vld [tilespmem:$0x1FB20];
	v6 =	vadd.bf16 v18, v10  }
0x1f2: {  	v37 =	vld [tilespmem:$0x1FFF0];
	v5 =	vunpack.i.u.bf16.f32 v5;
	[tilespmem:v4+s10+$0x0] =	vst.idx.msk $0xffff, v1  }
0x1f3: {  	v4 =	vld [tilespmem:$0x1FB30];
	[tilespmem:v2+s10+$0x0] =	vst.idx.msk $0xffff, v5;
	v2 =	vunpack.i.l.bf16.f32 v6  }
0x1f4: {  	v0 =	vadd.s32 $0x7B, v8;
	v7 =	vadd.s32 $0x7C, v8;
	[tilespmem:v3+s10+$0x0] =	vst.idx.msk $0xffff, v2;
	v3 =	vld [tilespmem:$0x1FCB0]  }
0x1f5: {  	v1 =	vadd.s32 $0x7D, v8;
	v5 =	vadd.s32 $0x7E, v8;
	v2 =	vadd.s32 $0x7F, v8;
	v8 =	vld [tilespmem:$0x1FB40]  }
0x1f6: {  	v9 =	vadd.bf16 v11, v9;
	_ =	sdelay $0x1  }
0x1f7: {  	v4 =	vadd.bf16 v4, v9  }
0x1f8: {  	s14 =	simm.s32 $0x50;
	v6 =	vunpack.i.u.bf16.f32 v6  }
0x1f9: {  	[tilespmem:v0+s10+$0x0] =	vst.idx.msk $0xffff, v6;
	v6 =	vadd.s32 s14, v37;
	v0 =	vunpack.i.l.bf16.f32 v4;
	v3 =	vadd.bf16 v8, v3  }
0x1fa: {  	v4 =	vunpack.i.u.bf16.f32 v4;
	[tilespmem:v7+s10+$0x0] =	vst.idx.msk $0xffff, v0  }
0x1fb: {  	[tilespmem:v1+s10+$0x0] =	vst.idx.msk $0xffff, v4;
	v0 =	vunpack.i.l.bf16.f32 v3  }
0x1fc: {  	v1 =	vunpack.i.u.bf16.f32 v3;
	[tilespmem:v5+s10+$0x0] =	vst.idx.msk $0xffff, v0  }
0x1fd: {  	[tilespmem:v2+s10+$0x0] =	vst.idx.msk $0xffff, v1  }
0x1fe: {  	v0 =	vld.idx.msk [tilespmem:v6+s2+$0x0], $0xffff;
	_ =	sdelay $0x4  }
0x1ff: {  	v0 =	vmul.u32 $0x21, v0;
	_ =	sdelay $0x1  }
0x200: {  	v1 =	vadd.s32 $0x1F, v0  }
0x201: {  	v2 =	vadd.s32 $0x1, v0  }
0x202: {  	v4 =	vadd.s32 $0x3, v0  }
0x203: {  	v46 =	vimm.bf16 $0.0e+00;
	v3 =	vadd.s32 $0x2, v0;
	v5 =	vadd.s32 $0x4, v0  }
0x204: {  	v7 =	vadd.s32 $0x5, v0;
	v8 =	vadd.s32 $0x6, v0;
	v12 =	vadd.s32 $0x7, v0  }
0x205: {  	v16 =	vadd.s32 $0x8, v0;
	v19 =	vadd.s32 $0x9, v0;
	v21 =	vadd.s32 $0xA, v0;
	v1 =	vld.idx.msk [tilespmem:v1+s8+$0x0], $0xffff  }
0x206: {  	v23 =	vadd.s32 $0xB, v0;
	v24 =	vadd.s32 $0xC, v0;
	v27 =	vadd.s32 $0xD, v0;
	v2 =	vld.idx.msk [tilespmem:v2+s8+$0x0], $0xffff  }
0x207: {  	v38 =	vadd.s32 $0xE, v0;
	v39 =	vadd.s32 $0xF, v0;
	v20 =	vadd.s32 $0x10, v0;
	v4 =	vld.idx.msk [tilespmem:v4+s8+$0x0], $0xffff  }
0x208: {  	v13 =	vadd.s32 $0x11, v0;
	v22 =	vadd.s32 $0x12, v0;
	v15 =	vadd.s32 $0x13, v0;
	v17 =	vld.idx.msk [tilespmem:v3+s8+$0x0], $0xffff  }
0x209: {  	v10 =	vadd.s32 $0x14, v0;
	v11 =	vadd.s32 $0x15, v0;
	v9 =	vadd.s32 $0x16, v0;
	v25 =	vld.idx.msk [tilespmem:v5+s8+$0x0], $0xffff  }
0x20a: {  	v18 =	vadd.s32 $0x18, v0;
	v14 =	vadd.s32 $0x1A, v0;
	v54 =	vld.idx.msk [tilespmem:v8+s8+$0x0], $0xffff;
	v8 =	vadd.s32 $0x17, v0  }
0x20b: {  	v26 =	vld.idx.msk [tilespmem:v7+s8+$0x0], $0xffff;
	v7 =	vadd.s32 $0x19, v0;
	v5 =	vadd.s32 $0x1B, v0;
	v1 =	vadd.bf16 v1, v46  }
0x20c: {  	v55 =	vld.idx.msk [tilespmem:v12+s8+$0x0], $0xffff;
	v12 =	vadd.s32 $0x1C, v0;
	v3 =	vadd.bf16 v2, v46;
	v61 =	vadd.bf16 v4, v46  }
0x20d: {  	v6 =	vld.idx.msk [tilespmem:v0+s8+$0x0], $0xffff;
	v2 =	vadd.s32 $0x1D, v0;
	v4 =	vadd.s32 $0x1E, v0;
	v0 =	vimm.bf16 $0.0e+00  }
0x20e: {  	[tilespmem:$0x1FB60] =	vst v0  }
0x20f: {  	v0 =	vimm.bf16 $0.0e+00;
	[tilespmem:$0x1FB50] =	vst v1  }
0x210: {  	v52 =	vimm.bf16 $0.0e+00;
	v51 =	vimm.bf16 $0.0e+00;
	[tilespmem:$0x1FB70] =	vst v0;
	v0 =	vimm.bf16 $0.0e+00  }
0x211: {  	v50 =	vimm.bf16 $0.0e+00;
	v49 =	vimm.bf16 $0.0e+00;
	v16 =	vld.idx.msk [tilespmem:v16+s8+$0x0], $0xffff;
	[tilespmem:$0x1FB80] =	vst v0;
	v0 =	vimm.bf16 $0.0e+00  }
0x212: {  	v48 =	vimm.bf16 $0.0e+00;
	v47 =	vimm.bf16 $0.0e+00;
	v23 =	vld.idx.msk [tilespmem:v23+s8+$0x0], $0xffff;
	[tilespmem:$0x1FB90] =	vst v0;
	v0 =	vimm.bf16 $0.0e+00  }
0x213: {  	v45 =	vimm.bf16 $0.0e+00;
	v44 =	vimm.bf16 $0.0e+00;
	v1 =	vld.idx.msk [tilespmem:v19+s8+$0x0], $0xffff;
	[tilespmem:$0x1FBA0] =	vst v0;
	v0 =	vimm.bf16 $0.0e+00  }
0x214: {  	v43 =	vimm.bf16 $0.0e+00;
	v59 =	vadd.bf16 v25, v46;
	v25 =	vld.idx.msk [tilespmem:v21+s8+$0x0], $0xffff;
	[tilespmem:$0x1FBB0] =	vst v0;
	v0 =	vimm.bf16 $0.0e+00  }
0x215: {  	v42 =	vimm.bf16 $0.0e+00;
	v6 =	vadd.bf16 v6, v46;
	v21 =	vld.idx.msk [tilespmem:v24+s8+$0x0], $0xffff;
	[tilespmem:$0x1FBC0] =	vst v0;
	v0 =	vimm.bf16 $0.0e+00  }
0x216: {  	v57 =	vadd.bf16 v54, v46;
	v54 =	vadd.bf16 v16, v46;
	v16 =	vld.idx.msk [tilespmem:v38+s8+$0x0], $0xffff;
	[tilespmem:$0x1FBD0] =	vst v0;
	v0 =	vimm.bf16 $0.0e+00  }
0x217: {  	s31 =	simm.s32 $0x51;
	v63 =	vadd.bf16 v17, v46;
	v58 =	vadd.bf16 v26, v46;
	v17 =	vld.idx.msk [tilespmem:v39+s8+$0x0], $0xffff;
	[tilespmem:$0x1FBE0] =	vst v0;
	v0 =	vimm.bf16 $0.0e+00  }
0x218: {  	s14 =	simm.s32 $0x52;
	v55 =	vadd.bf16 v55, v46;
	v26 =	vadd.s32 s31, v37;
	v19 =	vld.idx.msk [tilespmem:v27+s8+$0x0], $0xffff;
	v53 =	vadd.bf16 v1, v46;
	[tilespmem:$0x1FBF0] =	vst v0  }
.LBB2_7:
0x219: {  	v0 =	vld.idx.msk [tilespmem:v20+s8+$0x0], $0xffff  }
0x21a: {  	v1 =	vld.idx.msk [tilespmem:v13+s8+$0x0], $0xffff  }
0x21b: {  	v13 =	vld.idx.msk [tilespmem:v22+s8+$0x0], $0xffff  }
0x21c: {  	v15 =	vld.idx.msk [tilespmem:v15+s8+$0x0], $0xffff  }
0x21d: {  	v50 =	vadd.bf16 v19, v50;
	v19 =	vld.idx.msk [tilespmem:v26+s2+$0x0], $0xffff  }
0x21e: {  	v10 =	vld.idx.msk [tilespmem:v10+s8+$0x0], $0xffff  }
0x21f: {  	v24 =	vld.idx.msk [tilespmem:v5+s8+$0x0], $0xffff  }
0x220: {  	v27 =	vld.idx.msk [tilespmem:v12+s8+$0x0], $0xffff;
	v46 =	vadd.bf16 v25, v46;
	v52 =	vadd.bf16 v23, v52  }
0x221: {  	v56 =	vld.idx.msk [tilespmem:v2+s8+$0x0], $0xffff;
	v51 =	vadd.bf16 v21, v51;
	v49 =	vadd.bf16 v16, v49  }
0x222: {  	v32 =	vld.idx.msk [tilespmem:v4+s8+$0x0], $0xffff;
	v48 =	vadd.bf16 v17, v48;
	v47 =	vadd.bf16 v0, v47;
	v19 =	vmul.u32 $0x21, v19  }
0x223: {  	v16 =	vld.idx.msk [tilespmem:v8+s8+$0x0], $0xffff;
	v45 =	vadd.bf16 v1, v45;
	v44 =	vadd.bf16 v13, v44  }
0x224: {  	v21 =	vld.idx.msk [tilespmem:v7+s8+$0x0], $0xffff;
	v43 =	vadd.bf16 v15, v43;
	v42 =	vadd.bf16 v10, v42;
	v7 =	vadd.s32 $0x1, v19  }
0x225: {  	v1 =	vld.idx.msk [tilespmem:v9+s8+$0x0], $0xffff;
	v8 =	vadd.s32 $0x2, v19;
	v9 =	vadd.s32 $0x1F, v19;
	v5 =	vadd.s32 $0x3, v19  }
0x226: {  	v17 =	vld.idx.msk [tilespmem:v18+s8+$0x0], $0xffff;
	v25 =	vadd.s32 $0x4, v19;
	v26 =	vadd.s32 $0x5, v19;
	v28 =	vadd.s32 $0x6, v19  }
0x227: {  	v23 =	vld.idx.msk [tilespmem:v14+s8+$0x0], $0xffff;
	v29 =	vadd.s32 $0x7, v19;
	v30 =	vadd.s32 $0x8, v19;
	v60 =	vadd.s32 $0x9, v19  }
0x228: {  	v0 =	vld.idx.msk [tilespmem:v11+s8+$0x0], $0xffff;
	v62 =	vadd.s32 $0xA, v19;
	v31 =	vadd.s32 $0xB, v19;
	v34 =	vadd.s32 $0xC, v19  }
0x229: {  	v35 =	vadd.s32 $0xD, v19;
	v36 =	vadd.s32 $0xE, v19;
	v37 =	vadd.s32 $0xF, v19;
	v33 =	vld.idx.msk [tilespmem:v19+s8+$0x0], $0xffff  }
0x22a: {  	v20 =	vadd.s32 $0x10, v19;
	v13 =	vadd.s32 $0x11, v19;
	v22 =	vadd.s32 $0x12, v19;
	v38 =	vld.idx.msk [tilespmem:v9+s8+$0x0], $0xffff  }
0x22b: {  	v15 =	vadd.s32 $0x13, v19;
	v10 =	vadd.s32 $0x14, v19;
	v11 =	vadd.s32 $0x15, v19;
	v39 =	vld.idx.msk [tilespmem:v7+s8+$0x0], $0xffff  }
0x22c: {  	v18 =	vadd.s32 $0x18, v19;
	v14 =	vadd.s32 $0x1A, v19;
	v12 =	vadd.s32 $0x1C, v19;
	v40 =	vld.idx.msk [tilespmem:v8+s8+$0x0], $0xffff  }
0x22d: {  	v2 =	vadd.s32 $0x1D, v19;
	v4 =	vadd.s32 $0x1E, v19;
	v9 =	vadd.s32 $0x16, v19;
	v41 =	vld.idx.msk [tilespmem:v5+s8+$0x0], $0xffff  }
0x22e: {  	v8 =	vadd.s32 $0x17, v19;
	v7 =	vadd.s32 $0x19, v19;
	v5 =	vadd.s32 $0x1B, v19;
	v19 =	vld [tilespmem:$0x1FB60];
	_ =	sdelay $0x4  }
0x22f: {  	v19 =	vadd.bf16 v0, v19;
	v0 =	vld [tilespmem:$0x1FB70];
	_ =	sdelay $0x4  }
0x230: {  	v0 =	vadd.bf16 v1, v0;
	v1 =	vld [tilespmem:$0x1FB50];
	_ =	sdelay $0x2  }
0x231: {  	[tilespmem:$0x1FB60] =	vst v19;
	v19 =	vld [tilespmem:$0x1FBB0]  }
0x232: {  	[tilespmem:$0x1FB70] =	vst v0;
	v0 =	vld.idx.msk [tilespmem:v28+s8+$0x0], $0xffff  }
0x233: {  	v1 =	vadd.bf16 v38, v1;
	_ =	sdelay $0x1  }
0x234: {  	[tilespmem:$0x1FB50] =	vst v1;
	v1 =	vld [tilespmem:$0x1FB80];
	_ =	sdelay $0x1  }
0x235: {  	v19 =	vadd.bf16 v23, v19;
	v57 =	vadd.bf16 v0, v57;
	v0 =	vld [tilespmem:$0x1FBE0];
	_ =	sdelay $0x1  }
0x236: {  	[tilespmem:$0x1FBB0] =	vst v19;
	v19 =	vld [tilespmem:$0x1FBC0]  }
0x237: {  	v1 =	vadd.bf16 v16, v1;
	v16 =	vld [tilespmem:$0x1FB90];
	_ =	sdelay $0x1  }
0x238: {  	v0 =	vadd.bf16 v56, v0  }
0x239: {  	v25 =	vld.idx.msk [tilespmem:v25+s8+$0x0], $0xffff  }
0x23a: {  	[tilespmem:$0x1FBE0] =	vst v0;
	v0 =	vld [tilespmem:$0x1FBF0]  }
0x23b: {  	v19 =	vadd.bf16 v24, v19;
	v16 =	vadd.bf16 v17, v16;
	v17 =	vld [tilespmem:$0x1FBA0]  }
0x23c: {  	v26 =	vld.idx.msk [tilespmem:v26+s8+$0x0], $0xffff  }
0x23d: {  	[tilespmem:$0x1FBC0] =	vst v19;
	v19 =	vld [tilespmem:$0x1FBD0]  }
0x23e: {  	v59 =	vadd.bf16 v25, v59;
	v25 =	vld.idx.msk [tilespmem:v62+s8+$0x0], $0xffff  }
0x23f: {  	[tilespmem:$0x1FB80] =	vst v1;
	v1 =	vld.idx.msk [tilespmem:v29+s8+$0x0], $0xffff;
	v0 =	vadd.bf16 v32, v0  }
0x240: {  	[tilespmem:$0x1FB90] =	vst v16;
	v16 =	vld.idx.msk [tilespmem:v30+s8+$0x0], $0xffff;
	v17 =	vadd.bf16 v21, v17  }
0x241: {  	[tilespmem:$0x1FBF0] =	vst v0;
	v0 =	vld [tilespmem:$0x1FFF0]  }
0x242: {  	p0 =	sne.s32 s14, $0x77;
	v19 =	vadd.bf16 v27, v19;
	[tilespmem:$0x1FBA0] =	vst v17;
	v17 =	vld.idx.msk [tilespmem:v60+s8+$0x0], $0xffff  }
.Ltmp2:
0x243: {  	v23 =	vld.idx.msk [tilespmem:v31+s8+$0x0], $0xffff;
	(pc) =	sbr.rel @p0 .LBB2_7-.Ltmp2, $4  }
0x244: {  	v6 =	vadd.bf16 v33, v6;
	v3 =	vadd.bf16 v39, v3;
	[tilespmem:$0x1FBD0] =	vst v19;
	v19 =	vld.idx.msk [tilespmem:v35+s8+$0x0], $0xffff  }
0x245: {  	v63 =	vadd.bf16 v40, v63;
	v61 =	vadd.bf16 v41, v61;
	v21 =	vld.idx.msk [tilespmem:v34+s8+$0x0], $0xffff  }
0x246: {  	v58 =	vadd.bf16 v26, v58;
	v54 =	vadd.bf16 v16, v54;
	v16 =	vld.idx.msk [tilespmem:v36+s8+$0x0], $0xffff  }
0x247: {  	v55 =	vadd.bf16 v1, v55;
	v26 =	vadd.s32 s14, v0;
	s14 =	sadd.s32 $0x1, s14;
	v53 =	vadd.bf16 v17, v53;
	v17 =	vld.idx.msk [tilespmem:v37+s8+$0x0], $0xffff  }
0x248: {  	_ =	sdelay $0x3  }
0x249: {  	v1 =	vld.idx.msk [tilespmem:v10+s8+$0x0], $0xffff;
	_ =	sdelay $0x4  }
0x24a: {  	[tilespmem:$0x1F8D0] =	vst v1;
	v1 =	vld.idx.msk [tilespmem:v11+s8+$0x0], $0xffff;
	_ =	sdelay $0x4  }
0x24b: {  	[tilespmem:$0x1F8E0] =	vst v1;
	v1 =	vld.idx.msk [tilespmem:v9+s8+$0x0], $0xffff  }
0x24c: {  	v0 =	vld.idx.msk [tilespmem:v15+s8+$0x0], $0xffff;
	_ =	sdelay $0x3  }
0x24d: {  	[tilespmem:$0x1F8F0] =	vst v1;
	v1 =	vld.idx.msk [tilespmem:v8+s8+$0x0], $0xffff  }
0x24e: {  	[tilespmem:$0x1F8C0] =	vst v0;
	v0 =	vld.idx.msk [tilespmem:v26+s2+$0x0], $0xffff;
	_ =	sdelay $0x1  }
0x24f: {  	v5 =	vld.idx.msk [tilespmem:v5+s8+$0x0], $0xffff  }
0x250: {  	v2 =	vld.idx.msk [tilespmem:v2+s8+$0x0], $0xffff  }
0x251: {  	[tilespmem:$0x1F900] =	vst v1;
	v1 =	vld.idx.msk [tilespmem:v18+s8+$0x0], $0xffff  }
0x252: {  	v4 =	vld.idx.msk [tilespmem:v4+s8+$0x0], $0xffff;
	v0 =	vmul.u32 $0x21, v0;
	_ =	sdelay $0x1  }
0x253: {  	v28 =	vld.idx.msk [tilespmem:v20+s8+$0x0], $0xffff;
	[tilespmem:$0x1F940] =	vst v5;
	v5 =	vadd.s32 $0x2, v0  }
0x254: {  	v56 =	vld.idx.msk [tilespmem:v13+s8+$0x0], $0xffff;
	[tilespmem:$0x1F960] =	vst v2;
	v2 =	vadd.s32 $0x4, v0  }
0x255: {  	[tilespmem:$0x1F910] =	vst v1;
	v1 =	vld.idx.msk [tilespmem:v7+s8+$0x0], $0xffff  }
0x256: {  	v60 =	vld.idx.msk [tilespmem:v22+s8+$0x0], $0xffff;
	[tilespmem:$0x1F980] =	vst v4;
	v4 =	vadd.s32 $0x5, v0  }
0x257: {  	v22 =	vadd.s32 $0x14, v0;
	v8 =	vld.idx.msk [tilespmem:v12+s8+$0x0], $0xffff  }
0x258: {  	v26 =	vadd.s32 $0x15, v0;
	v32 =	vld.idx.msk [tilespmem:v5+s8+$0x0], $0xffff  }
0x259: {  	v27 =	vadd.s32 $0x16, v0;
	v34 =	vld.idx.msk [tilespmem:v2+s8+$0x0], $0xffff  }
0x25a: {  	v5 =	vadd.s32 $0x8, v0;
	[tilespmem:$0x1F920] =	vst v1;
	v1 =	vld.idx.msk [tilespmem:v14+s8+$0x0], $0xffff  }
0x25b: {  	v35 =	vld.idx.msk [tilespmem:v4+s8+$0x0], $0xffff;
	v2 =	vadd.s32 $0xA, v0  }
0x25c: {  	v24 =	vld.idx.msk [tilespmem:v22+s8+$0x0], $0xffff;
	[tilespmem:$0x1F950] =	vst v8;
	v8 =	vadd.s32 $0x3, v0  }
0x25d: {  	v30 =	vld.idx.msk [tilespmem:v26+s8+$0x0], $0xffff;
	v7 =	vadd.s32 $0x1, v0  }
0x25e: {  	v4 =	vadd.s32 $0xB, v0;
	v29 =	vld.idx.msk [tilespmem:v27+s8+$0x0], $0xffff  }
0x25f: {  	v37 =	vld.idx.msk [tilespmem:v5+s8+$0x0], $0xffff;
	[tilespmem:$0x1F930] =	vst v1;
	v1 =	vadd.s32 $0x1F, v0  }
0x260: {  	v18 =	vadd.s32 $0x13, v0;
	v39 =	vld.idx.msk [tilespmem:v2+s8+$0x0], $0xffff  }
0x261: {  	v33 =	vld.idx.msk [tilespmem:v8+s8+$0x0], $0xffff;
	v8 =	vadd.s32 $0x9, v0  }
0x262: {  	v31 =	vld.idx.msk [tilespmem:v7+s8+$0x0], $0xffff;
	v7 =	vadd.s32 $0x7, v0  }
0x263: {  	v40 =	vld.idx.msk [tilespmem:v4+s8+$0x0], $0xffff;
	v14 =	vadd.s32 $0x12, v0  }
0x264: {  	v1 =	vld.idx.msk [tilespmem:v1+s8+$0x0], $0xffff  }
0x265: {  	v20 =	vld.idx.msk [tilespmem:v18+s8+$0x0], $0xffff;
	v18 =	vadd.s32 $0x18, v0  }
0x266: {  	v38 =	vld.idx.msk [tilespmem:v8+s8+$0x0], $0xffff;
	v8 =	vadd.s32 $0xE, v0  }
0x267: {  	v36 =	vld.idx.msk [tilespmem:v7+s8+$0x0], $0xffff;
	v7 =	vadd.s32 $0xC, v0  }
0x268: {  	v15 =	vld.idx.msk [tilespmem:v14+s8+$0x0], $0xffff;
	v14 =	vadd.s32 $0x17, v0  }
0x269: {  	v2 =	vld.idx.msk [tilespmem:v0+s8+$0x0], $0xffff;
	[tilespmem:$0x1F9A0] =	vst v1;
	v1 =	vadd.s32 $0x6, v0  }
0x26a: {  	v26 =	vld.idx.msk [tilespmem:v18+s8+$0x0], $0xffff  }
0x26b: {  	v9 =	vadd.s32 $0xF, v0;
	v13 =	vld.idx.msk [tilespmem:v8+s8+$0x0], $0xffff  }
0x26c: {  	v10 =	vadd.s32 $0x10, v0;
	v22 =	vadd.s32 $0x19, v0;
	v5 =	vadd.s32 $0xD, v0;
	v41 =	vld.idx.msk [tilespmem:v7+s8+$0x0], $0xffff  }
0x26d: {  	v4 =	vadd.s32 $0x1C, v0;
	v18 =	vadd.s32 $0x1D, v0;
	v7 =	vadd.s32 $0x11, v0;
	v27 =	vld.idx.msk [tilespmem:v14+s8+$0x0], $0xffff  }
0x26e: {  	v14 =	vadd.s32 $0x1B, v0;
	v11 =	vld.idx.msk [tilespmem:v1+s8+$0x0], $0xffff;
	v1 =	vadd.s32 $0x1A, v0;
	v0 =	vadd.s32 $0x1E, v0  }
0x26f: {  	v8 =	vld [tilespmem:$0x1FFD0]  }
0x270: {  	v9 =	vld.idx.msk [tilespmem:v9+s8+$0x0], $0xffff  }
0x271: {  	v10 =	vld.idx.msk [tilespmem:v10+s8+$0x0], $0xffff  }
0x272: {  	v6 =	vadd.bf16 v2, v6;
	v2 =	vld.idx.msk [tilespmem:v4+s8+$0x0], $0xffff  }
0x273: {  	v0 =	vld.idx.msk [tilespmem:v0+s8+$0x0], $0xffff  }
0x274: {  	v62 =	vld.idx.msk [tilespmem:v1+s8+$0x0], $0xffff;
	v1 =	vadd.s32 $0x80, v8  }
0x275: {  	v12 =	vld.idx.msk [tilespmem:v5+s8+$0x0], $0xffff;
	v5 =	vadd.s32 $0x81, v8  }
0x276: {  	v22 =	vld.idx.msk [tilespmem:v22+s8+$0x0], $0xffff;
	v4 =	vadd.s32 $0x82, v8  }
0x277: {  	[tilespmem:$0x1F970] =	vst v2;
	v18 =	vld.idx.msk [tilespmem:v18+s8+$0x0], $0xffff;
	v2 =	vadd.s32 $0x83, v8  }
0x278: {  	v31 =	vadd.bf16 v31, v3;
	v3 =	vadd.s32 $0x84, v8;
	v7 =	vld.idx.msk [tilespmem:v7+s8+$0x0], $0xffff;
	[tilespmem:$0x1F990] =	vst v0;
	v0 =	vunpack.i.l.bf16.f32 v6  }
0x279: {  	v14 =	vld.idx.msk [tilespmem:v14+s8+$0x0], $0xffff;
	[tilespmem:v1+s10+$0x0] =	vst.idx.msk $0xffff, v0;
	v0 =	vunpack.i.u.bf16.f32 v6;
	v1 =	vadd.s32 $0x85, v8  }
0x27a: {  	v6 =	vadd.s32 $0x86, v8;
	[tilespmem:v5+s10+$0x0] =	vst.idx.msk $0xffff, v0;
	v0 =	vadd.bf16 v32, v63;
	v5 =	vunpack.i.l.bf16.f32 v31  }
0x27b: {  	[tilespmem:v4+s10+$0x0] =	vst.idx.msk $0xffff, v5;
	v4 =	vunpack.i.u.bf16.f32 v31;
	v5 =	vadd.s32 $0x87, v8  }
0x27c: {  	[tilespmem:v2+s10+$0x0] =	vst.idx.msk $0xffff, v4;
	v2 =	vadd.bf16 v33, v61;
	v4 =	vunpack.i.l.bf16.f32 v0;
	v33 =	vadd.s32 $0x88, v8  }
0x27d: {  	v0 =	vunpack.i.u.bf16.f32 v0;
	[tilespmem:v3+s10+$0x0] =	vst.idx.msk $0xffff, v4;
	v3 =	vadd.s32 $0x89, v8  }
0x27e: {  	v4 =	vadd.s32 $0x8A, v8;
	[tilespmem:v1+s10+$0x0] =	vst.idx.msk $0xffff, v0;
	v0 =	vadd.bf16 v34, v59;
	v1 =	vunpack.i.l.bf16.f32 v2  }
0x27f: {  	[tilespmem:v6+s10+$0x0] =	vst.idx.msk $0xffff, v1;
	v1 =	vunpack.i.u.bf16.f32 v2;
	v2 =	vadd.s32 $0x8B, v8  }
0x280: {  	v6 =	vadd.s32 $0x8C, v8;
	[tilespmem:v5+s10+$0x0] =	vst.idx.msk $0xffff, v1;
	v1 =	vadd.bf16 v35, v58;
	v5 =	vunpack.i.l.bf16.f32 v0  }
0x281: {  	v0 =	vunpack.i.u.bf16.f32 v0;
	[tilespmem:v33+s10+$0x0] =	vst.idx.msk $0xffff, v5;
	v5 =	vadd.s32 $0x8D, v8  }
0x282: {  	[tilespmem:v3+s10+$0x0] =	vst.idx.msk $0xffff, v0;
	v0 =	vadd.bf16 v11, v57;
	v3 =	vunpack.i.l.bf16.f32 v1;
	v11 =	vadd.s32 $0x8E, v8  }
0x283: {  	v1 =	vunpack.i.u.bf16.f32 v1;
	[tilespmem:v4+s10+$0x0] =	vst.idx.msk $0xffff, v3;
	v3 =	vadd.s32 $0x8F, v8  }
0x284: {  	v4 =	vadd.s32 $0x90, v8;
	[tilespmem:v2+s10+$0x0] =	vst.idx.msk $0xffff, v1;
	v1 =	vadd.bf16 v36, v55;
	v2 =	vunpack.i.l.bf16.f32 v0  }
0x285: {  	v0 =	vunpack.i.u.bf16.f32 v0;
	[tilespmem:v6+s10+$0x0] =	vst.idx.msk $0xffff, v2;
	v2 =	vadd.s32 $0x91, v8  }
0x286: {  	v6 =	vadd.s32 $0x92, v8;
	[tilespmem:v5+s10+$0x0] =	vst.idx.msk $0xffff, v0;
	v0 =	vadd.bf16 v37, v54;
	v5 =	vunpack.i.l.bf16.f32 v1  }
0x287: {  	v1 =	vunpack.i.u.bf16.f32 v1;
	[tilespmem:v11+s10+$0x0] =	vst.idx.msk $0xffff, v5;
	v5 =	vadd.bf16 v25, v46;
	v11 =	vadd.s32 $0x93, v8  }
0x288: {  	v25 =	vadd.s32 $0x94, v8;
	[tilespmem:v3+s10+$0x0] =	vst.idx.msk $0xffff, v1;
	v1 =	vadd.bf16 v38, v53;
	v3 =	vunpack.i.l.bf16.f32 v0  }
0x289: {  	v0 =	vunpack.i.u.bf16.f32 v0;
	[tilespmem:v4+s10+$0x0] =	vst.idx.msk $0xffff, v3;
	v3 =	vadd.bf16 v23, v52;
	v4 =	vadd.s32 $0x95, v8  }
0x28a: {  	[tilespmem:v2+s10+$0x0] =	vst.idx.msk $0xffff, v0;
	v0 =	vadd.bf16 v39, v5;
	v2 =	vunpack.i.l.bf16.f32 v1;
	v5 =	vadd.s32 $0x96, v8  }
0x28b: {  	v1 =	vunpack.i.u.bf16.f32 v1;
	[tilespmem:v6+s10+$0x0] =	vst.idx.msk $0xffff, v2;
	v2 =	vadd.bf16 v21, v51;
	v6 =	vadd.s32 $0x97, v8  }
0x28c: {  	[tilespmem:v11+s10+$0x0] =	vst.idx.msk $0xffff, v1;
	v1 =	vadd.bf16 v40, v3;
	v3 =	vunpack.i.l.bf16.f32 v0;
	v11 =	vadd.s32 $0x98, v8  }
0x28d: {  	v0 =	vunpack.i.u.bf16.f32 v0;
	[tilespmem:v25+s10+$0x0] =	vst.idx.msk $0xffff, v3  }
0x28e: {  	v2 =	vadd.bf16 v41, v2;
	[tilespmem:v4+s10+$0x0] =	vst.idx.msk $0xffff, v0;
	v0 =	vunpack.i.l.bf16.f32 v1  }
0x28f: {  	v3 =	vadd.bf16 v19, v50;
	v19 =	vadd.s32 $0x99, v8;
	v1 =	vunpack.i.u.bf16.f32 v1;
	[tilespmem:v5+s10+$0x0] =	vst.idx.msk $0xffff, v0  }
0x290: {  	v4 =	vadd.s32 $0x9A, v8;
	[tilespmem:v6+s10+$0x0] =	vst.idx.msk $0xffff, v1;
	v1 =	vunpack.i.l.bf16.f32 v2  }
0x291: {  	v0 =	vadd.bf16 v16, v49;
	v5 =	vadd.s32 $0x9B, v8;
	[tilespmem:v11+s10+$0x0] =	vst.idx.msk $0xffff, v1;
	v1 =	vadd.bf16 v17, v48  }
0x292: {  	v3 =	vadd.bf16 v12, v3;
	v6 =	vadd.s32 $0x9C, v8;
	v2 =	vunpack.i.u.bf16.f32 v2  }
0x293: {  	v11 =	vadd.s32 $0x9D, v8;
	v1 =	vadd.bf16 v9, v1;
	v9 =	vadd.bf16 v56, v45  }
0x294: {  	v12 =	vadd.s32 $0x9E, v8;
	v0 =	vadd.bf16 v13, v0;
	[tilespmem:v19+s10+$0x0] =	vst.idx.msk $0xffff, v2;
	v2 =	vunpack.i.l.bf16.f32 v3  }
0x295: {  	v3 =	vunpack.i.u.bf16.f32 v3;
	[tilespmem:v4+s10+$0x0] =	vst.idx.msk $0xffff, v2;
	v4 =	vadd.s32 $0x9F, v8;
	v7 =	vadd.bf16 v7, v9;
	v9 =	vld [tilespmem:$0x1F8C0]  }
0x296: {  	v2 =	vadd.bf16 v28, v47;
	[tilespmem:v5+s10+$0x0] =	vst.idx.msk $0xffff, v3;
	v3 =	vunpack.i.l.bf16.f32 v0;
	v5 =	vadd.s32 $0xA0, v8  }
0x297: {  	v0 =	vunpack.i.u.bf16.f32 v0;
	[tilespmem:v6+s10+$0x0] =	vst.idx.msk $0xffff, v3;
	v3 =	vadd.s32 $0xA1, v8  }
0x298: {  	v2 =	vadd.bf16 v10, v2;
	v6 =	vadd.s32 $0xA2, v8;
	[tilespmem:v11+s10+$0x0] =	vst.idx.msk $0xffff, v0;
	v0 =	vunpack.i.l.bf16.f32 v1  }
0x299: {  	v1 =	vunpack.i.u.bf16.f32 v1;
	[tilespmem:v12+s10+$0x0] =	vst.idx.msk $0xffff, v0  }
0x29a: {  	v10 =	vadd.bf16 v60, v44;
	[tilespmem:v4+s10+$0x0] =	vst.idx.msk $0xffff, v1;
	v1 =	vunpack.i.l.bf16.f32 v2;
	v11 =	vadd.bf16 v9, v43;
	v9 =	vld [tilespmem:$0x1F8D0]  }
0x29b: {  	v0 =	vadd.s32 $0xA3, v8;
	v2 =	vunpack.i.u.bf16.f32 v2;
	[tilespmem:v5+s10+$0x0] =	vst.idx.msk $0xffff, v1  }
0x29c: {  	v4 =	vadd.s32 $0xA4, v8;
	v5 =	vadd.bf16 v15, v10;
	v10 =	vld [tilespmem:$0x1FB60];
	[tilespmem:v3+s10+$0x0] =	vst.idx.msk $0xffff, v2;
	v2 =	vunpack.i.l.bf16.f32 v7  }
0x29d: {  	[tilespmem:v6+s10+$0x0] =	vst.idx.msk $0xffff, v2;
	v6 =	vadd.bf16 v20, v11;
	v11 =	vld [tilespmem:$0x1F8E0];
	_ =	sdelay $0x1  }
0x29e: {  	v7 =	vunpack.i.u.bf16.f32 v7;
	v9 =	vadd.bf16 v9, v42  }
0x29f: {  	v1 =	vadd.s32 $0xA5, v8;
	[tilespmem:v0+s10+$0x0] =	vst.idx.msk $0xffff, v7;
	v0 =	vunpack.i.l.bf16.f32 v5  }
0x2a0: {  	v3 =	vadd.s32 $0xA6, v8;
	[tilespmem:v4+s10+$0x0] =	vst.idx.msk $0xffff, v0;
	v4 =	vadd.bf16 v24, v9;
	v9 =	vld [tilespmem:$0x1FB70]  }
0x2a1: {  	v10 =	vadd.bf16 v11, v10;
	v11 =	vld [tilespmem:$0x1F8F0];
	_ =	sdelay $0x1  }
0x2a2: {  	v5 =	vunpack.i.u.bf16.f32 v5  }
0x2a3: {  	v2 =	vadd.s32 $0xA7, v8;
	[tilespmem:v1+s10+$0x0] =	vst.idx.msk $0xffff, v5;
	v1 =	vunpack.i.l.bf16.f32 v6  }
0x2a4: {  	v7 =	vadd.s32 $0xA8, v8;
	[tilespmem:v3+s10+$0x0] =	vst.idx.msk $0xffff, v1;
	v3 =	vadd.bf16 v30, v10;
	v10 =	vld [tilespmem:$0x1FB80]  }
0x2a5: {  	v9 =	vadd.bf16 v11, v9;
	v11 =	vld [tilespmem:$0x1F900];
	_ =	sdelay $0x1  }
0x2a6: {  	v6 =	vunpack.i.u.bf16.f32 v6  }
0x2a7: {  	v0 =	vadd.s32 $0xA9, v8;
	[tilespmem:v2+s10+$0x0] =	vst.idx.msk $0xffff, v6;
	v2 =	vunpack.i.l.bf16.f32 v4  }
0x2a8: {  	v5 =	vadd.s32 $0xAA, v8;
	[tilespmem:v7+s10+$0x0] =	vst.idx.msk $0xffff, v2;
	v7 =	vadd.bf16 v29, v9;
	v9 =	vld [tilespmem:$0x1FB90]  }
0x2a9: {  	v10 =	vadd.bf16 v11, v10;
	v11 =	vld [tilespmem:$0x1F910];
	_ =	sdelay $0x1  }
0x2aa: {  	v4 =	vunpack.i.u.bf16.f32 v4  }
0x2ab: {  	v1 =	vadd.s32 $0xAB, v8;
	[tilespmem:v0+s10+$0x0] =	vst.idx.msk $0xffff, v4;
	v0 =	vunpack.i.l.bf16.f32 v3  }
0x2ac: {  	v6 =	vadd.s32 $0xAC, v8;
	[tilespmem:v5+s10+$0x0] =	vst.idx.msk $0xffff, v0;
	v5 =	vadd.bf16 v27, v10;
	v10 =	vld [tilespmem:$0x1FBA0]  }
0x2ad: {  	v9 =	vadd.bf16 v11, v9;
	v11 =	vld [tilespmem:$0x1F920];
	_ =	sdelay $0x1  }
0x2ae: {  	v3 =	vunpack.i.u.bf16.f32 v3  }
0x2af: {  	v2 =	vadd.s32 $0xAD, v8;
	[tilespmem:v1+s10+$0x0] =	vst.idx.msk $0xffff, v3;
	v1 =	vunpack.i.l.bf16.f32 v7  }
0x2b0: {  	v4 =	vadd.s32 $0xAE, v8;
	[tilespmem:v6+s10+$0x0] =	vst.idx.msk $0xffff, v1;
	v6 =	vadd.bf16 v26, v9;
	v9 =	vld [tilespmem:$0x1FBB0]  }
0x2b1: {  	v10 =	vadd.bf16 v11, v10;
	v11 =	vld [tilespmem:$0x1F930];
	_ =	sdelay $0x1  }
0x2b2: {  	v7 =	vunpack.i.u.bf16.f32 v7  }
0x2b3: {  	v0 =	vadd.s32 $0xAF, v8;
	[tilespmem:v2+s10+$0x0] =	vst.idx.msk $0xffff, v7;
	v2 =	vunpack.i.l.bf16.f32 v5  }
0x2b4: {  	v3 =	vadd.s32 $0xB0, v8;
	[tilespmem:v4+s10+$0x0] =	vst.idx.msk $0xffff, v2;
	v4 =	vadd.bf16 v22, v10;
	v10 =	vld [tilespmem:$0x1FBC0]  }
0x2b5: {  	v1 =	vadd.s32 $0xB1, v8;
	v9 =	vadd.bf16 v11, v9;
	v11 =	vld [tilespmem:$0x1F940]  }
0x2b6: {  	v7 =	vadd.s32 $0xB2, v8  }
0x2b7: {  	v5 =	vunpack.i.u.bf16.f32 v5;
	v2 =	vadd.s32 $0xB3, v8  }
0x2b8: {  	[tilespmem:v0+s10+$0x0] =	vst.idx.msk $0xffff, v5;
	v5 =	vadd.s32 $0xB4, v8;
	v0 =	vunpack.i.l.bf16.f32 v6  }
0x2b9: {  	v6 =	vunpack.i.u.bf16.f32 v6;
	[tilespmem:v3+s10+$0x0] =	vst.idx.msk $0xffff, v0;
	v3 =	vadd.bf16 v62, v9;
	v9 =	vld [tilespmem:$0x1FBD0]  }
0x2ba: {  	[tilespmem:v1+s10+$0x0] =	vst.idx.msk $0xffff, v6;
	v1 =	vunpack.i.l.bf16.f32 v4;
	v10 =	vadd.bf16 v11, v10;
	v11 =	vld [tilespmem:$0x1F950]  }
0x2bb: {  	v4 =	vunpack.i.u.bf16.f32 v4;
	[tilespmem:v7+s10+$0x0] =	vst.idx.msk $0xffff, v1  }
0x2bc: {  	[tilespmem:v2+s10+$0x0] =	vst.idx.msk $0xffff, v4;
	v2 =	vunpack.i.l.bf16.f32 v3  }
0x2bd: {  	[tilespmem:v5+s10+$0x0] =	vst.idx.msk $0xffff, v2;
	v5 =	vld [tilespmem:$0x1F970]  }
0x2be: {  	v0 =	vadd.s32 $0xB5, v8;
	v7 =	vadd.bf16 v14, v10;
	v10 =	vld [tilespmem:$0x1FBE0]  }
0x2bf: {  	v9 =	vadd.bf16 v11, v9;
	v11 =	vld [tilespmem:$0x1F960]  }
0x2c0: {  	v6 =	vadd.s32 $0xB6, v8  }
0x2c1: {  	v1 =	vadd.s32 $0xB7, v8  }
0x2c2: {  	v4 =	vadd.s32 $0xB8, v8;
	v3 =	vunpack.i.u.bf16.f32 v3  }
0x2c3: {  	v2 =	vadd.s32 $0xB9, v8;
	[tilespmem:v0+s10+$0x0] =	vst.idx.msk $0xffff, v3;
	v3 =	vadd.s32 $0xBA, v8  }
0x2c4: {  	v0 =	vunpack.i.l.bf16.f32 v7;
	v5 =	vadd.bf16 v5, v9;
	v10 =	vadd.bf16 v11, v10  }
0x2c5: {  	v7 =	vunpack.i.u.bf16.f32 v7;
	[tilespmem:v6+s10+$0x0] =	vst.idx.msk $0xffff, v0;
	v9 =	vld [tilespmem:$0x1FBF0]  }
0x2c6: {  	[tilespmem:v1+s10+$0x0] =	vst.idx.msk $0xffff, v7;
	v1 =	vunpack.i.l.bf16.f32 v5;
	v11 =	vld [tilespmem:$0x1F980];
	v6 =	vadd.bf16 v18, v10  }
0x2c7: {  	v37 =	vld [tilespmem:$0x1FFF0];
	v5 =	vunpack.i.u.bf16.f32 v5;
	[tilespmem:v4+s10+$0x0] =	vst.idx.msk $0xffff, v1  }
0x2c8: {  	v4 =	vld [tilespmem:$0x1F990];
	[tilespmem:v2+s10+$0x0] =	vst.idx.msk $0xffff, v5;
	v2 =	vunpack.i.l.bf16.f32 v6  }
0x2c9: {  	v0 =	vadd.s32 $0xBB, v8;
	v7 =	vadd.s32 $0xBC, v8;
	[tilespmem:v3+s10+$0x0] =	vst.idx.msk $0xffff, v2;
	v3 =	vld [tilespmem:$0x1FB50]  }
0x2ca: {  	v1 =	vadd.s32 $0xBD, v8;
	v5 =	vadd.s32 $0xBE, v8;
	v2 =	vadd.s32 $0xBF, v8;
	v8 =	vld [tilespmem:$0x1F9A0]  }
0x2cb: {  	v9 =	vadd.bf16 v11, v9;
	_ =	sdelay $0x1  }
0x2cc: {  	v4 =	vadd.bf16 v4, v9  }
0x2cd: {  	s14 =	simm.s32 $0x78;
	v6 =	vunpack.i.u.bf16.f32 v6  }
0x2ce: {  	[tilespmem:v0+s10+$0x0] =	vst.idx.msk $0xffff, v6;
	v6 =	vadd.s32 s14, v37;
	v0 =	vunpack.i.l.bf16.f32 v4;
	v3 =	vadd.bf16 v8, v3  }
0x2cf: {  	v4 =	vunpack.i.u.bf16.f32 v4;
	[tilespmem:v7+s10+$0x0] =	vst.idx.msk $0xffff, v0  }
0x2d0: {  	[tilespmem:v1+s10+$0x0] =	vst.idx.msk $0xffff, v4;
	v0 =	vunpack.i.l.bf16.f32 v3  }
0x2d1: {  	v1 =	vunpack.i.u.bf16.f32 v3;
	[tilespmem:v5+s10+$0x0] =	vst.idx.msk $0xffff, v0  }
0x2d2: {  	[tilespmem:v2+s10+$0x0] =	vst.idx.msk $0xffff, v1  }
0x2d3: {  	v0 =	vld.idx.msk [tilespmem:v6+s2+$0x0], $0xffff;
	_ =	sdelay $0x4  }
0x2d4: {  	v0 =	vmul.u32 $0x21, v0;
	_ =	sdelay $0x1  }
0x2d5: {  	v1 =	vadd.s32 $0x1F, v0  }
0x2d6: {  	v2 =	vadd.s32 $0x1, v0  }
0x2d7: {  	v4 =	vadd.s32 $0x3, v0  }
0x2d8: {  	v46 =	vimm.bf16 $0.0e+00;
	v3 =	vadd.s32 $0x2, v0;
	v5 =	vadd.s32 $0x4, v0  }
0x2d9: {  	v7 =	vadd.s32 $0x5, v0;
	v8 =	vadd.s32 $0x6, v0;
	v12 =	vadd.s32 $0x7, v0  }
0x2da: {  	v16 =	vadd.s32 $0x8, v0;
	v19 =	vadd.s32 $0x9, v0;
	v21 =	vadd.s32 $0xA, v0;
	v1 =	vld.idx.msk [tilespmem:v1+s8+$0x0], $0xffff  }
0x2db: {  	v23 =	vadd.s32 $0xB, v0;
	v24 =	vadd.s32 $0xC, v0;
	v27 =	vadd.s32 $0xD, v0;
	v2 =	vld.idx.msk [tilespmem:v2+s8+$0x0], $0xffff  }
0x2dc: {  	v38 =	vadd.s32 $0xE, v0;
	v39 =	vadd.s32 $0xF, v0;
	v20 =	vadd.s32 $0x10, v0;
	v4 =	vld.idx.msk [tilespmem:v4+s8+$0x0], $0xffff  }
0x2dd: {  	v13 =	vadd.s32 $0x11, v0;
	v22 =	vadd.s32 $0x12, v0;
	v15 =	vadd.s32 $0x13, v0;
	v17 =	vld.idx.msk [tilespmem:v3+s8+$0x0], $0xffff  }
0x2de: {  	v10 =	vadd.s32 $0x14, v0;
	v11 =	vadd.s32 $0x15, v0;
	v9 =	vadd.s32 $0x16, v0;
	v25 =	vld.idx.msk [tilespmem:v5+s8+$0x0], $0xffff  }
0x2df: {  	v18 =	vadd.s32 $0x18, v0;
	v14 =	vadd.s32 $0x1A, v0;
	v54 =	vld.idx.msk [tilespmem:v8+s8+$0x0], $0xffff;
	v8 =	vadd.s32 $0x17, v0  }
0x2e0: {  	v26 =	vld.idx.msk [tilespmem:v7+s8+$0x0], $0xffff;
	v7 =	vadd.s32 $0x19, v0;
	v5 =	vadd.s32 $0x1B, v0;
	v1 =	vadd.bf16 v1, v46  }
0x2e1: {  	v55 =	vld.idx.msk [tilespmem:v12+s8+$0x0], $0xffff;
	v12 =	vadd.s32 $0x1C, v0;
	v3 =	vadd.bf16 v2, v46;
	v61 =	vadd.bf16 v4, v46  }
0x2e2: {  	v6 =	vld.idx.msk [tilespmem:v0+s8+$0x0], $0xffff;
	v2 =	vadd.s32 $0x1D, v0;
	v4 =	vadd.s32 $0x1E, v0;
	v0 =	vimm.bf16 $0.0e+00  }
0x2e3: {  	[tilespmem:$0x1F9C0] =	vst v0  }
0x2e4: {  	v0 =	vimm.bf16 $0.0e+00;
	[tilespmem:$0x1F9B0] =	vst v1  }
0x2e5: {  	v52 =	vimm.bf16 $0.0e+00;
	v51 =	vimm.bf16 $0.0e+00;
	[tilespmem:$0x1F9D0] =	vst v0;
	v0 =	vimm.bf16 $0.0e+00  }
0x2e6: {  	v50 =	vimm.bf16 $0.0e+00;
	v49 =	vimm.bf16 $0.0e+00;
	v16 =	vld.idx.msk [tilespmem:v16+s8+$0x0], $0xffff;
	[tilespmem:$0x1F9E0] =	vst v0;
	v0 =	vimm.bf16 $0.0e+00  }
0x2e7: {  	v48 =	vimm.bf16 $0.0e+00;
	v47 =	vimm.bf16 $0.0e+00;
	v23 =	vld.idx.msk [tilespmem:v23+s8+$0x0], $0xffff;
	[tilespmem:$0x1F9F0] =	vst v0;
	v0 =	vimm.bf16 $0.0e+00  }
0x2e8: {  	v45 =	vimm.bf16 $0.0e+00;
	v44 =	vimm.bf16 $0.0e+00;
	v1 =	vld.idx.msk [tilespmem:v19+s8+$0x0], $0xffff;
	[tilespmem:$0x1FA00] =	vst v0;
	v0 =	vimm.bf16 $0.0e+00  }
0x2e9: {  	v43 =	vimm.bf16 $0.0e+00;
	v59 =	vadd.bf16 v25, v46;
	v25 =	vld.idx.msk [tilespmem:v21+s8+$0x0], $0xffff;
	[tilespmem:$0x1FA10] =	vst v0;
	v0 =	vimm.bf16 $0.0e+00  }
0x2ea: {  	v42 =	vimm.bf16 $0.0e+00;
	v6 =	vadd.bf16 v6, v46;
	v21 =	vld.idx.msk [tilespmem:v24+s8+$0x0], $0xffff;
	[tilespmem:$0x1FA20] =	vst v0;
	v0 =	vimm.bf16 $0.0e+00  }
0x2eb: {  	v57 =	vadd.bf16 v54, v46;
	v54 =	vadd.bf16 v16, v46;
	v16 =	vld.idx.msk [tilespmem:v38+s8+$0x0], $0xffff;
	[tilespmem:$0x1FA30] =	vst v0;
	v0 =	vimm.bf16 $0.0e+00  }
0x2ec: {  	s31 =	simm.s32 $0x79;
	v63 =	vadd.bf16 v17, v46;
	v58 =	vadd.bf16 v26, v46;
	v17 =	vld.idx.msk [tilespmem:v39+s8+$0x0], $0xffff;
	[tilespmem:$0x1FA40] =	vst v0;
	v0 =	vimm.bf16 $0.0e+00  }
0x2ed: {  	s14 =	simm.s32 $0x7A;
	v55 =	vadd.bf16 v55, v46;
	v26 =	vadd.s32 s31, v37;
	v19 =	vld.idx.msk [tilespmem:v27+s8+$0x0], $0xffff;
	v53 =	vadd.bf16 v1, v46;
	[tilespmem:$0x1FA50] =	vst v0  }
.LBB2_9:
0x2ee: {  	v0 =	vld.idx.msk [tilespmem:v20+s8+$0x0], $0xffff  }
0x2ef: {  	v1 =	vld.idx.msk [tilespmem:v13+s8+$0x0], $0xffff  }
0x2f0: {  	v13 =	vld.idx.msk [tilespmem:v22+s8+$0x0], $0xffff  }
0x2f1: {  	v15 =	vld.idx.msk [tilespmem:v15+s8+$0x0], $0xffff  }
0x2f2: {  	v50 =	vadd.bf16 v19, v50;
	v19 =	vld.idx.msk [tilespmem:v26+s2+$0x0], $0xffff  }
0x2f3: {  	v10 =	vld.idx.msk [tilespmem:v10+s8+$0x0], $0xffff  }
0x2f4: {  	v24 =	vld.idx.msk [tilespmem:v5+s8+$0x0], $0xffff  }
0x2f5: {  	v27 =	vld.idx.msk [tilespmem:v12+s8+$0x0], $0xffff;
	v46 =	vadd.bf16 v25, v46;
	v52 =	vadd.bf16 v23, v52  }
0x2f6: {  	v56 =	vld.idx.msk [tilespmem:v2+s8+$0x0], $0xffff;
	v51 =	vadd.bf16 v21, v51;
	v49 =	vadd.bf16 v16, v49  }
0x2f7: {  	v32 =	vld.idx.msk [tilespmem:v4+s8+$0x0], $0xffff;
	v48 =	vadd.bf16 v17, v48;
	v47 =	vadd.bf16 v0, v47;
	v19 =	vmul.u32 $0x21, v19  }
0x2f8: {  	v16 =	vld.idx.msk [tilespmem:v8+s8+$0x0], $0xffff;
	v45 =	vadd.bf16 v1, v45;
	v44 =	vadd.bf16 v13, v44  }
0x2f9: {  	v21 =	vld.idx.msk [tilespmem:v7+s8+$0x0], $0xffff;
	v43 =	vadd.bf16 v15, v43;
	v42 =	vadd.bf16 v10, v42;
	v7 =	vadd.s32 $0x1, v19  }
0x2fa: {  	v1 =	vld.idx.msk [tilespmem:v9+s8+$0x0], $0xffff;
	v8 =	vadd.s32 $0x2, v19;
	v9 =	vadd.s32 $0x1F, v19;
	v5 =	vadd.s32 $0x3, v19  }
0x2fb: {  	v17 =	vld.idx.msk [tilespmem:v18+s8+$0x0], $0xffff;
	v25 =	vadd.s32 $0x4, v19;
	v26 =	vadd.s32 $0x5, v19;
	v28 =	vadd.s32 $0x6, v19  }
0x2fc: {  	v23 =	vld.idx.msk [tilespmem:v14+s8+$0x0], $0xffff;
	v29 =	vadd.s32 $0x7, v19;
	v30 =	vadd.s32 $0x8, v19;
	v60 =	vadd.s32 $0x9, v19  }
0x2fd: {  	v0 =	vld.idx.msk [tilespmem:v11+s8+$0x0], $0xffff;
	v62 =	vadd.s32 $0xA, v19;
	v31 =	vadd.s32 $0xB, v19;
	v34 =	vadd.s32 $0xC, v19  }
0x2fe: {  	v35 =	vadd.s32 $0xD, v19;
	v36 =	vadd.s32 $0xE, v19;
	v37 =	vadd.s32 $0xF, v19;
	v33 =	vld.idx.msk [tilespmem:v19+s8+$0x0], $0xffff  }
0x2ff: {  	v20 =	vadd.s32 $0x10, v19;
	v13 =	vadd.s32 $0x11, v19;
	v22 =	vadd.s32 $0x12, v19;
	v38 =	vld.idx.msk [tilespmem:v9+s8+$0x0], $0xffff  }
0x300: {  	v15 =	vadd.s32 $0x13, v19;
	v10 =	vadd.s32 $0x14, v19;
	v11 =	vadd.s32 $0x15, v19;
	v39 =	vld.idx.msk [tilespmem:v7+s8+$0x0], $0xffff  }
0x301: {  	v18 =	vadd.s32 $0x18, v19;
	v14 =	vadd.s32 $0x1A, v19;
	v12 =	vadd.s32 $0x1C, v19;
	v40 =	vld.idx.msk [tilespmem:v8+s8+$0x0], $0xffff  }
0x302: {  	v2 =	vadd.s32 $0x1D, v19;
	v4 =	vadd.s32 $0x1E, v19;
	v9 =	vadd.s32 $0x16, v19;
	v41 =	vld.idx.msk [tilespmem:v5+s8+$0x0], $0xffff  }
0x303: {  	v8 =	vadd.s32 $0x17, v19;
	v7 =	vadd.s32 $0x19, v19;
	v5 =	vadd.s32 $0x1B, v19;
	v19 =	vld [tilespmem:$0x1F9C0];
	_ =	sdelay $0x4  }
0x304: {  	v19 =	vadd.bf16 v0, v19;
	v0 =	vld [tilespmem:$0x1F9D0];
	_ =	sdelay $0x4  }
0x305: {  	v0 =	vadd.bf16 v1, v0;
	v1 =	vld [tilespmem:$0x1F9B0];
	_ =	sdelay $0x2  }
0x306: {  	[tilespmem:$0x1F9C0] =	vst v19;
	v19 =	vld [tilespmem:$0x1FA10]  }
0x307: {  	[tilespmem:$0x1F9D0] =	vst v0;
	v0 =	vld.idx.msk [tilespmem:v28+s8+$0x0], $0xffff  }
0x308: {  	v1 =	vadd.bf16 v38, v1;
	_ =	sdelay $0x1  }
0x309: {  	[tilespmem:$0x1F9B0] =	vst v1;
	v1 =	vld [tilespmem:$0x1F9E0];
	_ =	sdelay $0x1  }
0x30a: {  	v19 =	vadd.bf16 v23, v19;
	v57 =	vadd.bf16 v0, v57;
	v0 =	vld [tilespmem:$0x1FA40];
	_ =	sdelay $0x1  }
0x30b: {  	[tilespmem:$0x1FA10] =	vst v19;
	v19 =	vld [tilespmem:$0x1FA20]  }
0x30c: {  	v1 =	vadd.bf16 v16, v1;
	v16 =	vld [tilespmem:$0x1F9F0];
	_ =	sdelay $0x1  }
0x30d: {  	v0 =	vadd.bf16 v56, v0  }
0x30e: {  	v25 =	vld.idx.msk [tilespmem:v25+s8+$0x0], $0xffff  }
0x30f: {  	[tilespmem:$0x1FA40] =	vst v0;
	v0 =	vld [tilespmem:$0x1FA50]  }
0x310: {  	v19 =	vadd.bf16 v24, v19;
	v16 =	vadd.bf16 v17, v16;
	v17 =	vld [tilespmem:$0x1FA00]  }
0x311: {  	v26 =	vld.idx.msk [tilespmem:v26+s8+$0x0], $0xffff  }
0x312: {  	[tilespmem:$0x1FA20] =	vst v19;
	v19 =	vld [tilespmem:$0x1FA30]  }
0x313: {  	v59 =	vadd.bf16 v25, v59;
	v25 =	vld.idx.msk [tilespmem:v62+s8+$0x0], $0xffff  }
0x314: {  	[tilespmem:$0x1F9E0] =	vst v1;
	v1 =	vld.idx.msk [tilespmem:v29+s8+$0x0], $0xffff;
	v0 =	vadd.bf16 v32, v0  }
0x315: {  	[tilespmem:$0x1F9F0] =	vst v16;
	v16 =	vld.idx.msk [tilespmem:v30+s8+$0x0], $0xffff;
	v17 =	vadd.bf16 v21, v17  }
0x316: {  	[tilespmem:$0x1FA50] =	vst v0;
	v0 =	vld [tilespmem:$0x1FFF0]  }
0x317: {  	p0 =	sne.s32 s14, $0x9F;
	v19 =	vadd.bf16 v27, v19;
	[tilespmem:$0x1FA00] =	vst v17;
	v17 =	vld.idx.msk [tilespmem:v60+s8+$0x0], $0xffff  }
.Ltmp3:
0x318: {  	v23 =	vld.idx.msk [tilespmem:v31+s8+$0x0], $0xffff;
	(pc) =	sbr.rel @p0 .LBB2_9-.Ltmp3, $4  }
0x319: {  	v6 =	vadd.bf16 v33, v6;
	v3 =	vadd.bf16 v39, v3;
	[tilespmem:$0x1FA30] =	vst v19;
	v19 =	vld.idx.msk [tilespmem:v35+s8+$0x0], $0xffff  }
0x31a: {  	v63 =	vadd.bf16 v40, v63;
	v61 =	vadd.bf16 v41, v61;
	v21 =	vld.idx.msk [tilespmem:v34+s8+$0x0], $0xffff  }
0x31b: {  	v58 =	vadd.bf16 v26, v58;
	v54 =	vadd.bf16 v16, v54;
	v16 =	vld.idx.msk [tilespmem:v36+s8+$0x0], $0xffff  }
0x31c: {  	v55 =	vadd.bf16 v1, v55;
	v26 =	vadd.s32 s14, v0;
	s14 =	sadd.s32 $0x1, s14;
	v53 =	vadd.bf16 v17, v53;
	v17 =	vld.idx.msk [tilespmem:v37+s8+$0x0], $0xffff  }
0x31d: {  	_ =	sdelay $0x3  }
0x31e: {  	v1 =	vld.idx.msk [tilespmem:v10+s8+$0x0], $0xffff;
	_ =	sdelay $0x4  }
0x31f: {  	[tilespmem:$0x1F730] =	vst v1;
	v1 =	vld.idx.msk [tilespmem:v11+s8+$0x0], $0xffff;
	_ =	sdelay $0x4  }
0x320: {  	[tilespmem:$0x1F740] =	vst v1;
	v1 =	vld.idx.msk [tilespmem:v9+s8+$0x0], $0xffff  }
0x321: {  	v0 =	vld.idx.msk [tilespmem:v15+s8+$0x0], $0xffff;
	_ =	sdelay $0x3  }
0x322: {  	[tilespmem:$0x1F750] =	vst v1;
	v1 =	vld.idx.msk [tilespmem:v8+s8+$0x0], $0xffff  }
0x323: {  	[tilespmem:$0x1F720] =	vst v0;
	v0 =	vld.idx.msk [tilespmem:v26+s2+$0x0], $0xffff;
	_ =	sdelay $0x1  }
0x324: {  	v5 =	vld.idx.msk [tilespmem:v5+s8+$0x0], $0xffff  }
0x325: {  	v2 =	vld.idx.msk [tilespmem:v2+s8+$0x0], $0xffff  }
0x326: {  	[tilespmem:$0x1F760] =	vst v1;
	v1 =	vld.idx.msk [tilespmem:v18+s8+$0x0], $0xffff  }
0x327: {  	v4 =	vld.idx.msk [tilespmem:v4+s8+$0x0], $0xffff;
	v0 =	vmul.u32 $0x21, v0;
	_ =	sdelay $0x1  }
0x328: {  	v28 =	vld.idx.msk [tilespmem:v20+s8+$0x0], $0xffff;
	[tilespmem:$0x1F7A0] =	vst v5;
	v5 =	vadd.s32 $0x2, v0  }
0x329: {  	v56 =	vld.idx.msk [tilespmem:v13+s8+$0x0], $0xffff;
	[tilespmem:$0x1F7C0] =	vst v2;
	v2 =	vadd.s32 $0x4, v0  }
0x32a: {  	[tilespmem:$0x1F770] =	vst v1;
	v1 =	vld.idx.msk [tilespmem:v7+s8+$0x0], $0xffff  }
0x32b: {  	v60 =	vld.idx.msk [tilespmem:v22+s8+$0x0], $0xffff;
	[tilespmem:$0x1F7E0] =	vst v4;
	v4 =	vadd.s32 $0x5, v0  }
0x32c: {  	v22 =	vadd.s32 $0x14, v0;
	v8 =	vld.idx.msk [tilespmem:v12+s8+$0x0], $0xffff  }
0x32d: {  	v26 =	vadd.s32 $0x15, v0;
	v32 =	vld.idx.msk [tilespmem:v5+s8+$0x0], $0xffff  }
0x32e: {  	v27 =	vadd.s32 $0x16, v0;
	v34 =	vld.idx.msk [tilespmem:v2+s8+$0x0], $0xffff  }
0x32f: {  	v5 =	vadd.s32 $0x8, v0;
	[tilespmem:$0x1F780] =	vst v1;
	v1 =	vld.idx.msk [tilespmem:v14+s8+$0x0], $0xffff  }
0x330: {  	v35 =	vld.idx.msk [tilespmem:v4+s8+$0x0], $0xffff;
	v2 =	vadd.s32 $0xA, v0  }
0x331: {  	v24 =	vld.idx.msk [tilespmem:v22+s8+$0x0], $0xffff;
	[tilespmem:$0x1F7B0] =	vst v8;
	v8 =	vadd.s32 $0x3, v0  }
0x332: {  	v30 =	vld.idx.msk [tilespmem:v26+s8+$0x0], $0xffff;
	v7 =	vadd.s32 $0x1, v0  }
0x333: {  	v4 =	vadd.s32 $0xB, v0;
	v29 =	vld.idx.msk [tilespmem:v27+s8+$0x0], $0xffff  }
0x334: {  	v37 =	vld.idx.msk [tilespmem:v5+s8+$0x0], $0xffff;
	[tilespmem:$0x1F790] =	vst v1;
	v1 =	vadd.s32 $0x1F, v0  }
0x335: {  	v18 =	vadd.s32 $0x13, v0;
	v39 =	vld.idx.msk [tilespmem:v2+s8+$0x0], $0xffff  }
0x336: {  	v33 =	vld.idx.msk [tilespmem:v8+s8+$0x0], $0xffff;
	v8 =	vadd.s32 $0x9, v0  }
0x337: {  	v31 =	vld.idx.msk [tilespmem:v7+s8+$0x0], $0xffff;
	v7 =	vadd.s32 $0x7, v0  }
0x338: {  	v40 =	vld.idx.msk [tilespmem:v4+s8+$0x0], $0xffff;
	v14 =	vadd.s32 $0x12, v0  }
0x339: {  	v1 =	vld.idx.msk [tilespmem:v1+s8+$0x0], $0xffff  }
0x33a: {  	v20 =	vld.idx.msk [tilespmem:v18+s8+$0x0], $0xffff;
	v18 =	vadd.s32 $0x18, v0  }
0x33b: {  	v38 =	vld.idx.msk [tilespmem:v8+s8+$0x0], $0xffff;
	v8 =	vadd.s32 $0xE, v0  }
0x33c: {  	v36 =	vld.idx.msk [tilespmem:v7+s8+$0x0], $0xffff;
	v7 =	vadd.s32 $0xC, v0  }
0x33d: {  	v15 =	vld.idx.msk [tilespmem:v14+s8+$0x0], $0xffff;
	v14 =	vadd.s32 $0x17, v0  }
0x33e: {  	v2 =	vld.idx.msk [tilespmem:v0+s8+$0x0], $0xffff;
	[tilespmem:$0x1F800] =	vst v1;
	v1 =	vadd.s32 $0x6, v0  }
0x33f: {  	v26 =	vld.idx.msk [tilespmem:v18+s8+$0x0], $0xffff  }
0x340: {  	v9 =	vadd.s32 $0xF, v0;
	v13 =	vld.idx.msk [tilespmem:v8+s8+$0x0], $0xffff  }
0x341: {  	v10 =	vadd.s32 $0x10, v0;
	v22 =	vadd.s32 $0x19, v0;
	v5 =	vadd.s32 $0xD, v0;
	v41 =	vld.idx.msk [tilespmem:v7+s8+$0x0], $0xffff  }
0x342: {  	v4 =	vadd.s32 $0x1C, v0;
	v18 =	vadd.s32 $0x1D, v0;
	v7 =	vadd.s32 $0x11, v0;
	v27 =	vld.idx.msk [tilespmem:v14+s8+$0x0], $0xffff  }
0x343: {  	v14 =	vadd.s32 $0x1B, v0;
	v11 =	vld.idx.msk [tilespmem:v1+s8+$0x0], $0xffff;
	v1 =	vadd.s32 $0x1A, v0;
	v0 =	vadd.s32 $0x1E, v0  }
0x344: {  	v8 =	vld [tilespmem:$0x1FFD0]  }
0x345: {  	v9 =	vld.idx.msk [tilespmem:v9+s8+$0x0], $0xffff  }
0x346: {  	v10 =	vld.idx.msk [tilespmem:v10+s8+$0x0], $0xffff  }
0x347: {  	v6 =	vadd.bf16 v2, v6;
	v2 =	vld.idx.msk [tilespmem:v4+s8+$0x0], $0xffff  }
0x348: {  	v0 =	vld.idx.msk [tilespmem:v0+s8+$0x0], $0xffff  }
0x349: {  	v62 =	vld.idx.msk [tilespmem:v1+s8+$0x0], $0xffff;
	v1 =	vadd.s32 $0xC0, v8  }
0x34a: {  	v12 =	vld.idx.msk [tilespmem:v5+s8+$0x0], $0xffff;
	v5 =	vadd.s32 $0xC1, v8  }
0x34b: {  	v22 =	vld.idx.msk [tilespmem:v22+s8+$0x0], $0xffff;
	v4 =	vadd.s32 $0xC2, v8  }
0x34c: {  	[tilespmem:$0x1F7D0] =	vst v2;
	v18 =	vld.idx.msk [tilespmem:v18+s8+$0x0], $0xffff;
	v2 =	vadd.s32 $0xC3, v8  }
0x34d: {  	v31 =	vadd.bf16 v31, v3;
	v3 =	vadd.s32 $0xC4, v8;
	v7 =	vld.idx.msk [tilespmem:v7+s8+$0x0], $0xffff;
	[tilespmem:$0x1F7F0] =	vst v0;
	v0 =	vunpack.i.l.bf16.f32 v6  }
0x34e: {  	v14 =	vld.idx.msk [tilespmem:v14+s8+$0x0], $0xffff;
	[tilespmem:v1+s10+$0x0] =	vst.idx.msk $0xffff, v0;
	v0 =	vunpack.i.u.bf16.f32 v6;
	v1 =	vadd.s32 $0xC5, v8  }
0x34f: {  	v6 =	vadd.s32 $0xC6, v8;
	[tilespmem:v5+s10+$0x0] =	vst.idx.msk $0xffff, v0;
	v0 =	vadd.bf16 v32, v63;
	v5 =	vunpack.i.l.bf16.f32 v31  }
0x350: {  	[tilespmem:v4+s10+$0x0] =	vst.idx.msk $0xffff, v5;
	v4 =	vunpack.i.u.bf16.f32 v31;
	v5 =	vadd.s32 $0xC7, v8  }
0x351: {  	[tilespmem:v2+s10+$0x0] =	vst.idx.msk $0xffff, v4;
	v2 =	vadd.bf16 v33, v61;
	v4 =	vunpack.i.l.bf16.f32 v0;
	v33 =	vadd.s32 $0xC8, v8  }
0x352: {  	v0 =	vunpack.i.u.bf16.f32 v0;
	[tilespmem:v3+s10+$0x0] =	vst.idx.msk $0xffff, v4;
	v3 =	vadd.s32 $0xC9, v8  }
0x353: {  	v4 =	vadd.s32 $0xCA, v8;
	[tilespmem:v1+s10+$0x0] =	vst.idx.msk $0xffff, v0;
	v0 =	vadd.bf16 v34, v59;
	v1 =	vunpack.i.l.bf16.f32 v2  }
0x354: {  	[tilespmem:v6+s10+$0x0] =	vst.idx.msk $0xffff, v1;
	v1 =	vunpack.i.u.bf16.f32 v2;
	v2 =	vadd.s32 $0xCB, v8  }
0x355: {  	v6 =	vadd.s32 $0xCC, v8;
	[tilespmem:v5+s10+$0x0] =	vst.idx.msk $0xffff, v1;
	v1 =	vadd.bf16 v35, v58;
	v5 =	vunpack.i.l.bf16.f32 v0  }
0x356: {  	v0 =	vunpack.i.u.bf16.f32 v0;
	[tilespmem:v33+s10+$0x0] =	vst.idx.msk $0xffff, v5;
	v5 =	vadd.s32 $0xCD, v8  }
0x357: {  	[tilespmem:v3+s10+$0x0] =	vst.idx.msk $0xffff, v0;
	v0 =	vadd.bf16 v11, v57;
	v3 =	vunpack.i.l.bf16.f32 v1;
	v11 =	vadd.s32 $0xCE, v8  }
0x358: {  	v1 =	vunpack.i.u.bf16.f32 v1;
	[tilespmem:v4+s10+$0x0] =	vst.idx.msk $0xffff, v3;
	v3 =	vadd.s32 $0xCF, v8  }
0x359: {  	v4 =	vadd.s32 $0xD0, v8;
	[tilespmem:v2+s10+$0x0] =	vst.idx.msk $0xffff, v1;
	v1 =	vadd.bf16 v36, v55;
	v2 =	vunpack.i.l.bf16.f32 v0  }
0x35a: {  	v0 =	vunpack.i.u.bf16.f32 v0;
	[tilespmem:v6+s10+$0x0] =	vst.idx.msk $0xffff, v2;
	v2 =	vadd.s32 $0xD1, v8  }
0x35b: {  	v6 =	vadd.s32 $0xD2, v8;
	[tilespmem:v5+s10+$0x0] =	vst.idx.msk $0xffff, v0;
	v0 =	vadd.bf16 v37, v54;
	v5 =	vunpack.i.l.bf16.f32 v1  }
0x35c: {  	v1 =	vunpack.i.u.bf16.f32 v1;
	[tilespmem:v11+s10+$0x0] =	vst.idx.msk $0xffff, v5;
	v5 =	vadd.bf16 v25, v46;
	v11 =	vadd.s32 $0xD3, v8  }
0x35d: {  	v25 =	vadd.s32 $0xD4, v8;
	[tilespmem:v3+s10+$0x0] =	vst.idx.msk $0xffff, v1;
	v1 =	vadd.bf16 v38, v53;
	v3 =	vunpack.i.l.bf16.f32 v0  }
0x35e: {  	v0 =	vunpack.i.u.bf16.f32 v0;
	[tilespmem:v4+s10+$0x0] =	vst.idx.msk $0xffff, v3;
	v3 =	vadd.bf16 v23, v52;
	v4 =	vadd.s32 $0xD5, v8  }
0x35f: {  	[tilespmem:v2+s10+$0x0] =	vst.idx.msk $0xffff, v0;
	v0 =	vadd.bf16 v39, v5;
	v2 =	vunpack.i.l.bf16.f32 v1;
	v5 =	vadd.s32 $0xD6, v8  }
0x360: {  	v1 =	vunpack.i.u.bf16.f32 v1;
	[tilespmem:v6+s10+$0x0] =	vst.idx.msk $0xffff, v2;
	v2 =	vadd.bf16 v21, v51;
	v6 =	vadd.s32 $0xD7, v8  }
0x361: {  	[tilespmem:v11+s10+$0x0] =	vst.idx.msk $0xffff, v1;
	v1 =	vadd.bf16 v40, v3;
	v3 =	vunpack.i.l.bf16.f32 v0;
	v11 =	vadd.s32 $0xD8, v8  }
0x362: {  	v0 =	vunpack.i.u.bf16.f32 v0;
	[tilespmem:v25+s10+$0x0] =	vst.idx.msk $0xffff, v3  }
0x363: {  	v2 =	vadd.bf16 v41, v2;
	[tilespmem:v4+s10+$0x0] =	vst.idx.msk $0xffff, v0;
	v0 =	vunpack.i.l.bf16.f32 v1  }
0x364: {  	v3 =	vadd.bf16 v19, v50;
	v19 =	vadd.s32 $0xD9, v8;
	v1 =	vunpack.i.u.bf16.f32 v1;
	[tilespmem:v5+s10+$0x0] =	vst.idx.msk $0xffff, v0  }
0x365: {  	v4 =	vadd.s32 $0xDA, v8;
	[tilespmem:v6+s10+$0x0] =	vst.idx.msk $0xffff, v1;
	v1 =	vunpack.i.l.bf16.f32 v2  }
0x366: {  	v0 =	vadd.bf16 v16, v49;
	v5 =	vadd.s32 $0xDB, v8;
	[tilespmem:v11+s10+$0x0] =	vst.idx.msk $0xffff, v1;
	v1 =	vadd.bf16 v17, v48  }
0x367: {  	v3 =	vadd.bf16 v12, v3;
	v6 =	vadd.s32 $0xDC, v8;
	v2 =	vunpack.i.u.bf16.f32 v2  }
0x368: {  	v11 =	vadd.s32 $0xDD, v8;
	v1 =	vadd.bf16 v9, v1;
	v9 =	vadd.bf16 v56, v45  }
0x369: {  	v12 =	vadd.s32 $0xDE, v8;
	v0 =	vadd.bf16 v13, v0;
	[tilespmem:v19+s10+$0x0] =	vst.idx.msk $0xffff, v2;
	v2 =	vunpack.i.l.bf16.f32 v3  }
0x36a: {  	v3 =	vunpack.i.u.bf16.f32 v3;
	[tilespmem:v4+s10+$0x0] =	vst.idx.msk $0xffff, v2;
	v4 =	vadd.s32 $0xDF, v8;
	v7 =	vadd.bf16 v7, v9;
	v9 =	vld [tilespmem:$0x1F720]  }
0x36b: {  	v2 =	vadd.bf16 v28, v47;
	[tilespmem:v5+s10+$0x0] =	vst.idx.msk $0xffff, v3;
	v3 =	vunpack.i.l.bf16.f32 v0;
	v5 =	vadd.s32 $0xE0, v8  }
0x36c: {  	v0 =	vunpack.i.u.bf16.f32 v0;
	[tilespmem:v6+s10+$0x0] =	vst.idx.msk $0xffff, v3;
	v3 =	vadd.s32 $0xE1, v8  }
0x36d: {  	v2 =	vadd.bf16 v10, v2;
	v6 =	vadd.s32 $0xE2, v8;
	[tilespmem:v11+s10+$0x0] =	vst.idx.msk $0xffff, v0;
	v0 =	vunpack.i.l.bf16.f32 v1  }
0x36e: {  	v1 =	vunpack.i.u.bf16.f32 v1;
	[tilespmem:v12+s10+$0x0] =	vst.idx.msk $0xffff, v0  }
0x36f: {  	v10 =	vadd.bf16 v60, v44;
	[tilespmem:v4+s10+$0x0] =	vst.idx.msk $0xffff, v1;
	v1 =	vunpack.i.l.bf16.f32 v2;
	v11 =	vadd.bf16 v9, v43;
	v9 =	vld [tilespmem:$0x1F730]  }
0x370: {  	v0 =	vadd.s32 $0xE3, v8;
	v2 =	vunpack.i.u.bf16.f32 v2;
	[tilespmem:v5+s10+$0x0] =	vst.idx.msk $0xffff, v1  }
0x371: {  	v4 =	vadd.s32 $0xE4, v8;
	v5 =	vadd.bf16 v15, v10;
	v10 =	vld [tilespmem:$0x1F9C0];
	[tilespmem:v3+s10+$0x0] =	vst.idx.msk $0xffff, v2;
	v2 =	vunpack.i.l.bf16.f32 v7  }
0x372: {  	[tilespmem:v6+s10+$0x0] =	vst.idx.msk $0xffff, v2;
	v6 =	vadd.bf16 v20, v11;
	v11 =	vld [tilespmem:$0x1F740];
	_ =	sdelay $0x1  }
0x373: {  	v7 =	vunpack.i.u.bf16.f32 v7;
	v9 =	vadd.bf16 v9, v42  }
0x374: {  	v1 =	vadd.s32 $0xE5, v8;
	[tilespmem:v0+s10+$0x0] =	vst.idx.msk $0xffff, v7;
	v0 =	vunpack.i.l.bf16.f32 v5  }
0x375: {  	v3 =	vadd.s32 $0xE6, v8;
	[tilespmem:v4+s10+$0x0] =	vst.idx.msk $0xffff, v0;
	v4 =	vadd.bf16 v24, v9;
	v9 =	vld [tilespmem:$0x1F9D0]  }
0x376: {  	v10 =	vadd.bf16 v11, v10;
	v11 =	vld [tilespmem:$0x1F750];
	_ =	sdelay $0x1  }
0x377: {  	v5 =	vunpack.i.u.bf16.f32 v5  }
0x378: {  	v2 =	vadd.s32 $0xE7, v8;
	[tilespmem:v1+s10+$0x0] =	vst.idx.msk $0xffff, v5;
	v1 =	vunpack.i.l.bf16.f32 v6  }
0x379: {  	v7 =	vadd.s32 $0xE8, v8;
	[tilespmem:v3+s10+$0x0] =	vst.idx.msk $0xffff, v1;
	v3 =	vadd.bf16 v30, v10;
	v10 =	vld [tilespmem:$0x1F9E0]  }
0x37a: {  	v9 =	vadd.bf16 v11, v9;
	v11 =	vld [tilespmem:$0x1F760];
	_ =	sdelay $0x1  }
0x37b: {  	v6 =	vunpack.i.u.bf16.f32 v6  }
0x37c: {  	v0 =	vadd.s32 $0xE9, v8;
	[tilespmem:v2+s10+$0x0] =	vst.idx.msk $0xffff, v6;
	v2 =	vunpack.i.l.bf16.f32 v4  }
0x37d: {  	v5 =	vadd.s32 $0xEA, v8;
	[tilespmem:v7+s10+$0x0] =	vst.idx.msk $0xffff, v2;
	v7 =	vadd.bf16 v29, v9;
	v9 =	vld [tilespmem:$0x1F9F0]  }
0x37e: {  	v10 =	vadd.bf16 v11, v10;
	v11 =	vld [tilespmem:$0x1F770];
	_ =	sdelay $0x1  }
0x37f: {  	v4 =	vunpack.i.u.bf16.f32 v4  }
0x380: {  	v1 =	vadd.s32 $0xEB, v8;
	[tilespmem:v0+s10+$0x0] =	vst.idx.msk $0xffff, v4;
	v0 =	vunpack.i.l.bf16.f32 v3  }
0x381: {  	v6 =	vadd.s32 $0xEC, v8;
	[tilespmem:v5+s10+$0x0] =	vst.idx.msk $0xffff, v0;
	v5 =	vadd.bf16 v27, v10;
	v10 =	vld [tilespmem:$0x1FA00]  }
0x382: {  	v9 =	vadd.bf16 v11, v9;
	v11 =	vld [tilespmem:$0x1F780];
	_ =	sdelay $0x1  }
0x383: {  	v3 =	vunpack.i.u.bf16.f32 v3  }
0x384: {  	v2 =	vadd.s32 $0xED, v8;
	[tilespmem:v1+s10+$0x0] =	vst.idx.msk $0xffff, v3;
	v1 =	vunpack.i.l.bf16.f32 v7  }
0x385: {  	v4 =	vadd.s32 $0xEE, v8;
	[tilespmem:v6+s10+$0x0] =	vst.idx.msk $0xffff, v1;
	v6 =	vadd.bf16 v26, v9;
	v9 =	vld [tilespmem:$0x1FA10]  }
0x386: {  	v10 =	vadd.bf16 v11, v10;
	v11 =	vld [tilespmem:$0x1F790];
	_ =	sdelay $0x1  }
0x387: {  	v7 =	vunpack.i.u.bf16.f32 v7  }
0x388: {  	v0 =	vadd.s32 $0xEF, v8;
	[tilespmem:v2+s10+$0x0] =	vst.idx.msk $0xffff, v7;
	v2 =	vunpack.i.l.bf16.f32 v5  }
0x389: {  	v3 =	vadd.s32 $0xF0, v8;
	[tilespmem:v4+s10+$0x0] =	vst.idx.msk $0xffff, v2;
	v4 =	vadd.bf16 v22, v10;
	v10 =	vld [tilespmem:$0x1FA20]  }
0x38a: {  	v1 =	vadd.s32 $0xF1, v8;
	v9 =	vadd.bf16 v11, v9;
	v11 =	vld [tilespmem:$0x1F7A0]  }
0x38b: {  	v7 =	vadd.s32 $0xF2, v8  }
0x38c: {  	v5 =	vunpack.i.u.bf16.f32 v5;
	v2 =	vadd.s32 $0xF3, v8  }
0x38d: {  	[tilespmem:v0+s10+$0x0] =	vst.idx.msk $0xffff, v5;
	v5 =	vadd.s32 $0xF4, v8;
	v0 =	vunpack.i.l.bf16.f32 v6  }
0x38e: {  	v6 =	vunpack.i.u.bf16.f32 v6;
	[tilespmem:v3+s10+$0x0] =	vst.idx.msk $0xffff, v0;
	v3 =	vadd.bf16 v62, v9;
	v9 =	vld [tilespmem:$0x1FA30]  }
0x38f: {  	[tilespmem:v1+s10+$0x0] =	vst.idx.msk $0xffff, v6;
	v1 =	vunpack.i.l.bf16.f32 v4;
	v10 =	vadd.bf16 v11, v10;
	v11 =	vld [tilespmem:$0x1F7B0]  }
0x390: {  	v4 =	vunpack.i.u.bf16.f32 v4;
	[tilespmem:v7+s10+$0x0] =	vst.idx.msk $0xffff, v1  }
0x391: {  	[tilespmem:v2+s10+$0x0] =	vst.idx.msk $0xffff, v4;
	v2 =	vunpack.i.l.bf16.f32 v3  }
0x392: {  	[tilespmem:v5+s10+$0x0] =	vst.idx.msk $0xffff, v2;
	v5 =	vld [tilespmem:$0x1F7D0]  }
0x393: {  	v0 =	vadd.s32 $0xF5, v8;
	v7 =	vadd.bf16 v14, v10;
	v10 =	vld [tilespmem:$0x1FA40]  }
0x394: {  	v9 =	vadd.bf16 v11, v9;
	v11 =	vld [tilespmem:$0x1F7C0]  }
0x395: {  	v6 =	vadd.s32 $0xF6, v8  }
0x396: {  	v1 =	vadd.s32 $0xF7, v8  }
0x397: {  	v4 =	vadd.s32 $0xF8, v8;
	v3 =	vunpack.i.u.bf16.f32 v3  }
0x398: {  	v2 =	vadd.s32 $0xF9, v8;
	[tilespmem:v0+s10+$0x0] =	vst.idx.msk $0xffff, v3;
	v3 =	vadd.s32 $0xFA, v8  }
0x399: {  	v0 =	vunpack.i.l.bf16.f32 v7;
	v5 =	vadd.bf16 v5, v9;
	v10 =	vadd.bf16 v11, v10  }
0x39a: {  	v7 =	vunpack.i.u.bf16.f32 v7;
	[tilespmem:v6+s10+$0x0] =	vst.idx.msk $0xffff, v0;
	v9 =	vld [tilespmem:$0x1FA50]  }
0x39b: {  	[tilespmem:v1+s10+$0x0] =	vst.idx.msk $0xffff, v7;
	v1 =	vunpack.i.l.bf16.f32 v5;
	v11 =	vld [tilespmem:$0x1F7E0];
	v6 =	vadd.bf16 v18, v10  }
0x39c: {  	v37 =	vld [tilespmem:$0x1FFF0];
	v5 =	vunpack.i.u.bf16.f32 v5;
	[tilespmem:v4+s10+$0x0] =	vst.idx.msk $0xffff, v1  }
0x39d: {  	v4 =	vld [tilespmem:$0x1F7F0];
	[tilespmem:v2+s10+$0x0] =	vst.idx.msk $0xffff, v5;
	v2 =	vunpack.i.l.bf16.f32 v6  }
0x39e: {  	v0 =	vadd.s32 $0xFB, v8;
	v7 =	vadd.s32 $0xFC, v8;
	[tilespmem:v3+s10+$0x0] =	vst.idx.msk $0xffff, v2;
	v3 =	vld [tilespmem:$0x1F9B0]  }
0x39f: {  	v1 =	vadd.s32 $0xFD, v8;
	v5 =	vadd.s32 $0xFE, v8;
	v2 =	vadd.s32 $0xFF, v8;
	v8 =	vld [tilespmem:$0x1F800]  }
0x3a0: {  	v9 =	vadd.bf16 v11, v9;
	_ =	sdelay $0x1  }
0x3a1: {  	v4 =	vadd.bf16 v4, v9  }
0x3a2: {  	s14 =	simm.s32 $0xA0;
	v6 =	vunpack.i.u.bf16.f32 v6  }
0x3a3: {  	[tilespmem:v0+s10+$0x0] =	vst.idx.msk $0xffff, v6;
	v6 =	vadd.s32 s14, v37;
	v0 =	vunpack.i.l.bf16.f32 v4;
	v3 =	vadd.bf16 v8, v3  }
0x3a4: {  	v4 =	vunpack.i.u.bf16.f32 v4;
	[tilespmem:v7+s10+$0x0] =	vst.idx.msk $0xffff, v0  }
0x3a5: {  	[tilespmem:v1+s10+$0x0] =	vst.idx.msk $0xffff, v4;
	v0 =	vunpack.i.l.bf16.f32 v3  }
0x3a6: {  	v1 =	vunpack.i.u.bf16.f32 v3;
	[tilespmem:v5+s10+$0x0] =	vst.idx.msk $0xffff, v0  }
0x3a7: {  	[tilespmem:v2+s10+$0x0] =	vst.idx.msk $0xffff, v1  }
0x3a8: {  	v0 =	vld.idx.msk [tilespmem:v6+s2+$0x0], $0xffff;
	_ =	sdelay $0x4  }
0x3a9: {  	v0 =	vmul.u32 $0x21, v0;
	_ =	sdelay $0x1  }
0x3aa: {  	v1 =	vadd.s32 $0x1F, v0  }
0x3ab: {  	v2 =	vadd.s32 $0x1, v0  }
0x3ac: {  	v4 =	vadd.s32 $0x3, v0  }
0x3ad: {  	v46 =	vimm.bf16 $0.0e+00;
	v3 =	vadd.s32 $0x2, v0;
	v5 =	vadd.s32 $0x4, v0  }
0x3ae: {  	v6 =	vadd.s32 $0x5, v0;
	v8 =	vadd.s32 $0x6, v0;
	v12 =	vadd.s32 $0x7, v0  }
0x3af: {  	v16 =	vadd.s32 $0x8, v0;
	v19 =	vadd.s32 $0x9, v0;
	v21 =	vadd.s32 $0xA, v0;
	v1 =	vld.idx.msk [tilespmem:v1+s8+$0x0], $0xffff  }
0x3b0: {  	v23 =	vadd.s32 $0xB, v0;
	v24 =	vadd.s32 $0xC, v0;
	v27 =	vadd.s32 $0xD, v0;
	v2 =	vld.idx.msk [tilespmem:v2+s8+$0x0], $0xffff  }
0x3b1: {  	v38 =	vadd.s32 $0xE, v0;
	v39 =	vadd.s32 $0xF, v0;
	v20 =	vadd.s32 $0x10, v0;
	v4 =	vld.idx.msk [tilespmem:v4+s8+$0x0], $0xffff  }
0x3b2: {  	v13 =	vadd.s32 $0x11, v0;
	v22 =	vadd.s32 $0x12, v0;
	v15 =	vadd.s32 $0x13, v0;
	v17 =	vld.idx.msk [tilespmem:v3+s8+$0x0], $0xffff  }
0x3b3: {  	v10 =	vadd.s32 $0x14, v0;
	v11 =	vadd.s32 $0x15, v0;
	v9 =	vadd.s32 $0x16, v0;
	v25 =	vld.idx.msk [tilespmem:v5+s8+$0x0], $0xffff  }
0x3b4: {  	v18 =	vadd.s32 $0x18, v0;
	v14 =	vadd.s32 $0x1A, v0;
	v54 =	vld.idx.msk [tilespmem:v8+s8+$0x0], $0xffff;
	v8 =	vadd.s32 $0x17, v0  }
0x3b5: {  	v26 =	vld.idx.msk [tilespmem:v6+s8+$0x0], $0xffff;
	v6 =	vadd.s32 $0x19, v0;
	v5 =	vadd.s32 $0x1B, v0;
	v1 =	vadd.bf16 v1, v46  }
0x3b6: {  	v55 =	vld.idx.msk [tilespmem:v12+s8+$0x0], $0xffff;
	v12 =	vadd.s32 $0x1C, v0;
	v3 =	vadd.bf16 v2, v46;
	v61 =	vadd.bf16 v4, v46  }
0x3b7: {  	v7 =	vld.idx.msk [tilespmem:v0+s8+$0x0], $0xffff;
	v2 =	vadd.s32 $0x1D, v0;
	v4 =	vadd.s32 $0x1E, v0;
	v0 =	vimm.bf16 $0.0e+00  }
0x3b8: {  	[tilespmem:$0x1F820] =	vst v0  }
0x3b9: {  	v0 =	vimm.bf16 $0.0e+00;
	[tilespmem:$0x1F810] =	vst v1  }
0x3ba: {  	v52 =	vimm.bf16 $0.0e+00;
	v51 =	vimm.bf16 $0.0e+00;
	[tilespmem:$0x1F830] =	vst v0;
	v0 =	vimm.bf16 $0.0e+00  }
0x3bb: {  	v50 =	vimm.bf16 $0.0e+00;
	v49 =	vimm.bf16 $0.0e+00;
	v16 =	vld.idx.msk [tilespmem:v16+s8+$0x0], $0xffff;
	[tilespmem:$0x1F840] =	vst v0;
	v0 =	vimm.bf16 $0.0e+00  }
0x3bc: {  	v48 =	vimm.bf16 $0.0e+00;
	v47 =	vimm.bf16 $0.0e+00;
	v23 =	vld.idx.msk [tilespmem:v23+s8+$0x0], $0xffff;
	[tilespmem:$0x1F850] =	vst v0;
	v0 =	vimm.bf16 $0.0e+00  }
0x3bd: {  	v45 =	vimm.bf16 $0.0e+00;
	v44 =	vimm.bf16 $0.0e+00;
	v1 =	vld.idx.msk [tilespmem:v19+s8+$0x0], $0xffff;
	[tilespmem:$0x1F860] =	vst v0;
	v0 =	vimm.bf16 $0.0e+00  }
0x3be: {  	v43 =	vimm.bf16 $0.0e+00;
	v59 =	vadd.bf16 v25, v46;
	v25 =	vld.idx.msk [tilespmem:v21+s8+$0x0], $0xffff;
	[tilespmem:$0x1F870] =	vst v0;
	v0 =	vimm.bf16 $0.0e+00  }
0x3bf: {  	v42 =	vimm.bf16 $0.0e+00;
	v7 =	vadd.bf16 v7, v46;
	v21 =	vld.idx.msk [tilespmem:v24+s8+$0x0], $0xffff;
	[tilespmem:$0x1F880] =	vst v0;
	v0 =	vimm.bf16 $0.0e+00  }
0x3c0: {  	v57 =	vadd.bf16 v54, v46;
	v54 =	vadd.bf16 v16, v46;
	v16 =	vld.idx.msk [tilespmem:v38+s8+$0x0], $0xffff;
	[tilespmem:$0x1F890] =	vst v0;
	v0 =	vimm.bf16 $0.0e+00  }
0x3c1: {  	s31 =	simm.s32 $0xA1;
	v63 =	vadd.bf16 v17, v46;
	v58 =	vadd.bf16 v26, v46;
	v17 =	vld.idx.msk [tilespmem:v39+s8+$0x0], $0xffff;
	[tilespmem:$0x1F8A0] =	vst v0;
	v0 =	vimm.bf16 $0.0e+00  }
0x3c2: {  	s14 =	simm.s32 $0xA2;
	v55 =	vadd.bf16 v55, v46;
	v26 =	vadd.s32 s31, v37;
	v19 =	vld.idx.msk [tilespmem:v27+s8+$0x0], $0xffff;
	v53 =	vadd.bf16 v1, v46;
	[tilespmem:$0x1F8B0] =	vst v0  }
.LBB2_11:
0x3c3: {  	v0 =	vld.idx.msk [tilespmem:v20+s8+$0x0], $0xffff  }
0x3c4: {  	v1 =	vld.idx.msk [tilespmem:v13+s8+$0x0], $0xffff  }
0x3c5: {  	v13 =	vld.idx.msk [tilespmem:v22+s8+$0x0], $0xffff  }
0x3c6: {  	v15 =	vld.idx.msk [tilespmem:v15+s8+$0x0], $0xffff  }
0x3c7: {  	v50 =	vadd.bf16 v19, v50;
	v19 =	vld.idx.msk [tilespmem:v26+s2+$0x0], $0xffff  }
0x3c8: {  	v10 =	vld.idx.msk [tilespmem:v10+s8+$0x0], $0xffff  }
0x3c9: {  	v24 =	vld.idx.msk [tilespmem:v5+s8+$0x0], $0xffff  }
0x3ca: {  	v27 =	vld.idx.msk [tilespmem:v12+s8+$0x0], $0xffff;
	v46 =	vadd.bf16 v25, v46;
	v52 =	vadd.bf16 v23, v52  }
0x3cb: {  	v56 =	vld.idx.msk [tilespmem:v2+s8+$0x0], $0xffff;
	v51 =	vadd.bf16 v21, v51;
	v49 =	vadd.bf16 v16, v49  }
0x3cc: {  	v32 =	vld.idx.msk [tilespmem:v4+s8+$0x0], $0xffff;
	v48 =	vadd.bf16 v17, v48;
	v47 =	vadd.bf16 v0, v47;
	v19 =	vmul.u32 $0x21, v19  }
0x3cd: {  	v16 =	vld.idx.msk [tilespmem:v8+s8+$0x0], $0xffff;
	v45 =	vadd.bf16 v1, v45;
	v44 =	vadd.bf16 v13, v44  }
0x3ce: {  	v21 =	vld.idx.msk [tilespmem:v6+s8+$0x0], $0xffff;
	v43 =	vadd.bf16 v15, v43;
	v42 =	vadd.bf16 v10, v42;
	v6 =	vadd.s32 $0x1, v19  }
0x3cf: {  	v1 =	vld.idx.msk [tilespmem:v9+s8+$0x0], $0xffff;
	v8 =	vadd.s32 $0x2, v19;
	v9 =	vadd.s32 $0x1F, v19;
	v5 =	vadd.s32 $0x3, v19  }
0x3d0: {  	v17 =	vld.idx.msk [tilespmem:v18+s8+$0x0], $0xffff;
	v25 =	vadd.s32 $0x4, v19;
	v26 =	vadd.s32 $0x5, v19;
	v28 =	vadd.s32 $0x6, v19  }
0x3d1: {  	v23 =	vld.idx.msk [tilespmem:v14+s8+$0x0], $0xffff;
	v29 =	vadd.s32 $0x7, v19;
	v30 =	vadd.s32 $0x8, v19;
	v60 =	vadd.s32 $0x9, v19  }
0x3d2: {  	v0 =	vld.idx.msk [tilespmem:v11+s8+$0x0], $0xffff;
	v62 =	vadd.s32 $0xA, v19;
	v31 =	vadd.s32 $0xB, v19;
	v34 =	vadd.s32 $0xC, v19  }
0x3d3: {  	v35 =	vadd.s32 $0xD, v19;
	v36 =	vadd.s32 $0xE, v19;
	v37 =	vadd.s32 $0xF, v19;
	v33 =	vld.idx.msk [tilespmem:v19+s8+$0x0], $0xffff  }
0x3d4: {  	v20 =	vadd.s32 $0x10, v19;
	v13 =	vadd.s32 $0x11, v19;
	v22 =	vadd.s32 $0x12, v19;
	v38 =	vld.idx.msk [tilespmem:v9+s8+$0x0], $0xffff  }
0x3d5: {  	v15 =	vadd.s32 $0x13, v19;
	v10 =	vadd.s32 $0x14, v19;
	v11 =	vadd.s32 $0x15, v19;
	v39 =	vld.idx.msk [tilespmem:v6+s8+$0x0], $0xffff  }
0x3d6: {  	v18 =	vadd.s32 $0x18, v19;
	v14 =	vadd.s32 $0x1A, v19;
	v12 =	vadd.s32 $0x1C, v19;
	v40 =	vld.idx.msk [tilespmem:v8+s8+$0x0], $0xffff  }
0x3d7: {  	v2 =	vadd.s32 $0x1D, v19;
	v4 =	vadd.s32 $0x1E, v19;
	v9 =	vadd.s32 $0x16, v19;
	v41 =	vld.idx.msk [tilespmem:v5+s8+$0x0], $0xffff  }
0x3d8: {  	v8 =	vadd.s32 $0x17, v19;
	v6 =	vadd.s32 $0x19, v19;
	v5 =	vadd.s32 $0x1B, v19;
	v19 =	vld [tilespmem:$0x1F820];
	_ =	sdelay $0x4  }
0x3d9: {  	v19 =	vadd.bf16 v0, v19;
	v0 =	vld [tilespmem:$0x1F830];
	_ =	sdelay $0x4  }
0x3da: {  	v0 =	vadd.bf16 v1, v0;
	v1 =	vld [tilespmem:$0x1F810];
	_ =	sdelay $0x2  }
0x3db: {  	[tilespmem:$0x1F820] =	vst v19;
	v19 =	vld [tilespmem:$0x1F870]  }
0x3dc: {  	[tilespmem:$0x1F830] =	vst v0;
	v0 =	vld.idx.msk [tilespmem:v28+s8+$0x0], $0xffff  }
0x3dd: {  	v1 =	vadd.bf16 v38, v1;
	_ =	sdelay $0x1  }
0x3de: {  	[tilespmem:$0x1F810] =	vst v1;
	v1 =	vld [tilespmem:$0x1F840];
	_ =	sdelay $0x1  }
0x3df: {  	v19 =	vadd.bf16 v23, v19;
	v57 =	vadd.bf16 v0, v57;
	v0 =	vld [tilespmem:$0x1F8A0];
	_ =	sdelay $0x1  }
0x3e0: {  	[tilespmem:$0x1F870] =	vst v19;
	v19 =	vld [tilespmem:$0x1F880]  }
0x3e1: {  	v1 =	vadd.bf16 v16, v1;
	v16 =	vld [tilespmem:$0x1F850];
	_ =	sdelay $0x1  }
0x3e2: {  	v0 =	vadd.bf16 v56, v0  }
0x3e3: {  	v25 =	vld.idx.msk [tilespmem:v25+s8+$0x0], $0xffff  }
0x3e4: {  	[tilespmem:$0x1F8A0] =	vst v0;
	v0 =	vld [tilespmem:$0x1F8B0]  }
0x3e5: {  	v19 =	vadd.bf16 v24, v19;
	v16 =	vadd.bf16 v17, v16;
	v17 =	vld [tilespmem:$0x1F860]  }
0x3e6: {  	v26 =	vld.idx.msk [tilespmem:v26+s8+$0x0], $0xffff  }
0x3e7: {  	[tilespmem:$0x1F880] =	vst v19;
	v19 =	vld [tilespmem:$0x1F890]  }
0x3e8: {  	v59 =	vadd.bf16 v25, v59;
	v25 =	vld.idx.msk [tilespmem:v62+s8+$0x0], $0xffff  }
0x3e9: {  	[tilespmem:$0x1F840] =	vst v1;
	v1 =	vld.idx.msk [tilespmem:v29+s8+$0x0], $0xffff;
	v0 =	vadd.bf16 v32, v0  }
0x3ea: {  	[tilespmem:$0x1F850] =	vst v16;
	v16 =	vld.idx.msk [tilespmem:v30+s8+$0x0], $0xffff;
	v17 =	vadd.bf16 v21, v17  }
0x3eb: {  	[tilespmem:$0x1F8B0] =	vst v0;
	v0 =	vld [tilespmem:$0x1FFF0]  }
0x3ec: {  	p0 =	sne.s32 s14, $0xC7;
	v19 =	vadd.bf16 v27, v19;
	[tilespmem:$0x1F860] =	vst v17;
	v17 =	vld.idx.msk [tilespmem:v60+s8+$0x0], $0xffff  }
.Ltmp4:
0x3ed: {  	v23 =	vld.idx.msk [tilespmem:v31+s8+$0x0], $0xffff;
	(pc) =	sbr.rel @p0 .LBB2_11-.Ltmp4, $4  }
0x3ee: {  	v7 =	vadd.bf16 v33, v7;
	v3 =	vadd.bf16 v39, v3;
	[tilespmem:$0x1F890] =	vst v19;
	v19 =	vld.idx.msk [tilespmem:v35+s8+$0x0], $0xffff  }
0x3ef: {  	v63 =	vadd.bf16 v40, v63;
	v61 =	vadd.bf16 v41, v61;
	v21 =	vld.idx.msk [tilespmem:v34+s8+$0x0], $0xffff  }
0x3f0: {  	v58 =	vadd.bf16 v26, v58;
	v54 =	vadd.bf16 v16, v54;
	v16 =	vld.idx.msk [tilespmem:v36+s8+$0x0], $0xffff  }
0x3f1: {  	v55 =	vadd.bf16 v1, v55;
	v26 =	vadd.s32 s14, v0;
	s14 =	sadd.s32 $0x1, s14;
	v53 =	vadd.bf16 v17, v53;
	v17 =	vld.idx.msk [tilespmem:v37+s8+$0x0], $0xffff  }
0x3f2: {  	_ =	sdelay $0x3  }
0x3f3: {  	v1 =	vld.idx.msk [tilespmem:v10+s8+$0x0], $0xffff;
	_ =	sdelay $0x4  }
0x3f4: {  	[tilespmem:$0x1F640] =	vst v1;
	v1 =	vld.idx.msk [tilespmem:v11+s8+$0x0], $0xffff;
	_ =	sdelay $0x3  }
0x3f5: {  	v0 =	vld.idx.msk [tilespmem:v15+s8+$0x0], $0xffff  }
0x3f6: {  	[tilespmem:$0x1F650] =	vst v1;
	v1 =	vld.idx.msk [tilespmem:v9+s8+$0x0], $0xffff;
	_ =	sdelay $0x3  }
0x3f7: {  	[tilespmem:$0x1F630] =	vst v0;
	v0 =	vld.idx.msk [tilespmem:v26+s2+$0x0], $0xffff  }
0x3f8: {  	[tilespmem:$0x1F660] =	vst v1;
	v1 =	vld.idx.msk [tilespmem:v8+s8+$0x0], $0xffff;
	_ =	sdelay $0x1  }
0x3f9: {  	v28 =	vld.idx.msk [tilespmem:v20+s8+$0x0], $0xffff  }
0x3fa: {  	v56 =	vld.idx.msk [tilespmem:v13+s8+$0x0], $0xffff  }
0x3fb: {  	v2 =	vld.idx.msk [tilespmem:v2+s8+$0x0], $0xffff;
	v0 =	vmul.u32 $0x21, v0  }
0x3fc: {  	[tilespmem:$0x1F670] =	vst v1;
	v1 =	vld.idx.msk [tilespmem:v18+s8+$0x0], $0xffff  }
0x3fd: {  	v60 =	vld.idx.msk [tilespmem:v22+s8+$0x0], $0xffff;
	v39 =	vadd.s32 $0x1, v0  }
0x3fe: {  	v5 =	vld.idx.msk [tilespmem:v5+s8+$0x0], $0xffff;
	v40 =	vadd.s32 $0x2, v0  }
0x3ff: {  	v41 =	vld.idx.msk [tilespmem:v12+s8+$0x0], $0xffff;
	v62 =	vadd.s32 $0x3, v0  }
0x400: {  	v4 =	vld.idx.msk [tilespmem:v4+s8+$0x0], $0xffff;
	[tilespmem:$0x1F6D0] =	vst v2;
	v2 =	vadd.s32 $0x4, v0  }
0x401: {  	[tilespmem:$0x1F680] =	vst v1;
	v1 =	vld.idx.msk [tilespmem:v6+s8+$0x0], $0xffff  }
0x402: {  	v12 =	vadd.s32 $0x5, v0;
	v31 =	vld.idx.msk [tilespmem:v39+s8+$0x0], $0xffff  }
0x403: {  	v13 =	vadd.s32 $0x7, v0;
	v32 =	vld.idx.msk [tilespmem:v40+s8+$0x0], $0xffff  }
0x404: {  	v15 =	vadd.s32 $0x9, v0;
	v33 =	vld.idx.msk [tilespmem:v62+s8+$0x0], $0xffff  }
0x405: {  	v20 =	vadd.s32 $0xC, v0;
	v34 =	vld.idx.msk [tilespmem:v2+s8+$0x0], $0xffff  }
0x406: {  	v22 =	vadd.s32 $0xD, v0;
	[tilespmem:$0x1F690] =	vst v1;
	v1 =	vld.idx.msk [tilespmem:v14+s8+$0x0], $0xffff  }
0x407: {  	v24 =	vadd.s32 $0xE, v0;
	v35 =	vld.idx.msk [tilespmem:v12+s8+$0x0], $0xffff  }
0x408: {  	v26 =	vadd.s32 $0xF, v0;
	v36 =	vld.idx.msk [tilespmem:v13+s8+$0x0], $0xffff  }
0x409: {  	v27 =	vadd.s32 $0x10, v0;
	v38 =	vld.idx.msk [tilespmem:v15+s8+$0x0], $0xffff  }
0x40a: {  	[tilespmem:$0x1F6C0] =	vst v41;
	v29 =	vadd.s32 $0x11, v0;
	v41 =	vld.idx.msk [tilespmem:v20+s8+$0x0], $0xffff  }
0x40b: {  	v12 =	vld.idx.msk [tilespmem:v22+s8+$0x0], $0xffff;
	[tilespmem:$0x1F6A0] =	vst v1;
	v1 =	vadd.s32 $0x1F, v0  }
0x40c: {  	[tilespmem:$0x1F6F0] =	vst v4;
	v4 =	vadd.s32 $0x14, v0;
	v8 =	vld.idx.msk [tilespmem:v24+s8+$0x0], $0xffff  }
0x40d: {  	v2 =	vadd.s32 $0xA, v0;
	v9 =	vld.idx.msk [tilespmem:v26+s8+$0x0], $0xffff  }
0x40e: {  	v10 =	vld.idx.msk [tilespmem:v27+s8+$0x0], $0xffff;
	v18 =	vadd.s32 $0xB, v0  }
0x40f: {  	v62 =	vadd.s32 $0x13, v0;
	v13 =	vld.idx.msk [tilespmem:v29+s8+$0x0], $0xffff  }
0x410: {  	v27 =	vadd.s32 $0x16, v0;
	v1 =	vld.idx.msk [tilespmem:v1+s8+$0x0], $0xffff  }
0x411: {  	v24 =	vld.idx.msk [tilespmem:v4+s8+$0x0], $0xffff  }
0x412: {  	v39 =	vld.idx.msk [tilespmem:v2+s8+$0x0], $0xffff;
	v6 =	vadd.s32 $0x17, v0  }
0x413: {  	v40 =	vld.idx.msk [tilespmem:v18+s8+$0x0], $0xffff;
	v18 =	vadd.s32 $0x18, v0  }
0x414: {  	v20 =	vld.idx.msk [tilespmem:v62+s8+$0x0], $0xffff;
	v14 =	vadd.s32 $0x8, v0  }
0x415: {  	v29 =	vld.idx.msk [tilespmem:v27+s8+$0x0], $0xffff;
	[tilespmem:$0x1F710] =	vst v1;
	v1 =	vadd.s32 $0x6, v0  }
0x416: {  	v2 =	vld.idx.msk [tilespmem:v0+s8+$0x0], $0xffff  }
0x417: {  	v30 =	vadd.s32 $0x12, v0;
	v27 =	vld.idx.msk [tilespmem:v6+s8+$0x0], $0xffff  }
0x418: {  	v62 =	vadd.s32 $0x19, v0;
	v26 =	vld.idx.msk [tilespmem:v18+s8+$0x0], $0xffff  }
0x419: {  	[tilespmem:$0x1F6B0] =	vst v5;
	v5 =	vadd.s32 $0x15, v0;
	v4 =	vadd.s32 $0x1C, v0;
	v18 =	vadd.s32 $0x1D, v0;
	v37 =	vld.idx.msk [tilespmem:v14+s8+$0x0], $0xffff  }
0x41a: {  	v14 =	vadd.s32 $0x1B, v0;
	v11 =	vld.idx.msk [tilespmem:v1+s8+$0x0], $0xffff;
	v1 =	vadd.s32 $0x1A, v0;
	v0 =	vadd.s32 $0x1E, v0  }
0x41b: {  	v6 =	vld [tilespmem:$0x1FFD0]  }
0x41c: {  	v15 =	vld.idx.msk [tilespmem:v30+s8+$0x0], $0xffff  }
0x41d: {  	v22 =	vld.idx.msk [tilespmem:v62+s8+$0x0], $0xffff  }
0x41e: {  	v7 =	vadd.bf16 v2, v7;
	v2 =	vld.idx.msk [tilespmem:v4+s8+$0x0], $0xffff  }
0x41f: {  	v0 =	vld.idx.msk [tilespmem:v0+s8+$0x0], $0xffff  }
0x420: {  	v62 =	vld.idx.msk [tilespmem:v1+s8+$0x0], $0xffff;
	v1 =	vadd.s32 $0x100, v6  }
0x421: {  	v30 =	vld.idx.msk [tilespmem:v5+s8+$0x0], $0xffff;
	v5 =	vadd.s32 $0x101, v6  }
0x422: {  	v4 =	vadd.s32 $0x102, v6  }
0x423: {  	[tilespmem:$0x1F6E0] =	vst v2;
	v2 =	vadd.s32 $0x103, v6  }
0x424: {  	v31 =	vadd.bf16 v31, v3;
	v18 =	vld.idx.msk [tilespmem:v18+s8+$0x0], $0xffff;
	v3 =	vadd.s32 $0x104, v6;
	[tilespmem:$0x1F700] =	vst v0;
	v0 =	vunpack.i.l.bf16.f32 v7  }
0x425: {  	v14 =	vld.idx.msk [tilespmem:v14+s8+$0x0], $0xffff;
	[tilespmem:v1+s10+$0x0] =	vst.idx.msk $0xffff, v0;
	v0 =	vunpack.i.u.bf16.f32 v7;
	v1 =	vadd.s32 $0x105, v6  }
0x426: {  	v7 =	vadd.s32 $0x106, v6;
	[tilespmem:v5+s10+$0x0] =	vst.idx.msk $0xffff, v0;
	v0 =	vadd.bf16 v32, v63;
	v63 =	vunpack.i.l.bf16.f32 v31  }
0x427: {  	v32 =	vunpack.i.u.bf16.f32 v31;
	v5 =	vadd.s32 $0x107, v6;
	[tilespmem:v4+s10+$0x0] =	vst.idx.msk $0xffff, v63  }
0x428: {  	[tilespmem:v2+s10+$0x0] =	vst.idx.msk $0xffff, v32;
	v2 =	vadd.bf16 v33, v61;
	v63 =	vunpack.i.l.bf16.f32 v0;
	v33 =	vadd.s32 $0x108, v6  }
0x429: {  	v0 =	vunpack.i.u.bf16.f32 v0;
	[tilespmem:v3+s10+$0x0] =	vst.idx.msk $0xffff, v63;
	v3 =	vadd.s32 $0x109, v6  }
0x42a: {  	[tilespmem:v1+s10+$0x0] =	vst.idx.msk $0xffff, v0;
	v0 =	vadd.bf16 v34, v59;
	v1 =	vunpack.i.l.bf16.f32 v2;
	v34 =	vadd.s32 $0x10A, v6  }
0x42b: {  	[tilespmem:v7+s10+$0x0] =	vst.idx.msk $0xffff, v1;
	v1 =	vunpack.i.u.bf16.f32 v2;
	v2 =	vadd.s32 $0x10B, v6  }
0x42c: {  	v59 =	vadd.s32 $0x10C, v6;
	[tilespmem:v5+s10+$0x0] =	vst.idx.msk $0xffff, v1;
	v1 =	vadd.bf16 v35, v58;
	v58 =	vunpack.i.l.bf16.f32 v0  }
0x42d: {  	v61 =	vadd.s32 $0x10D, v6;
	v0 =	vunpack.i.u.bf16.f32 v0;
	[tilespmem:v33+s10+$0x0] =	vst.idx.msk $0xffff, v58  }
0x42e: {  	v63 =	vadd.s32 $0x10E, v6;
	[tilespmem:v3+s10+$0x0] =	vst.idx.msk $0xffff, v0;
	v0 =	vadd.bf16 v11, v57;
	v3 =	vunpack.i.l.bf16.f32 v1  }
0x42f: {  	v1 =	vunpack.i.u.bf16.f32 v1;
	[tilespmem:v34+s10+$0x0] =	vst.idx.msk $0xffff, v3;
	v3 =	vadd.s32 $0x10F, v6  }
0x430: {  	v31 =	vadd.s32 $0x110, v6;
	[tilespmem:v2+s10+$0x0] =	vst.idx.msk $0xffff, v1;
	v1 =	vadd.bf16 v36, v55;
	v2 =	vunpack.i.l.bf16.f32 v0  }
0x431: {  	v0 =	vunpack.i.u.bf16.f32 v0;
	[tilespmem:v59+s10+$0x0] =	vst.idx.msk $0xffff, v2;
	v2 =	vadd.s32 $0x111, v6  }
0x432: {  	v33 =	vadd.s32 $0x112, v6;
	[tilespmem:v61+s10+$0x0] =	vst.idx.msk $0xffff, v0;
	v0 =	vadd.bf16 v37, v54;
	v32 =	vunpack.i.l.bf16.f32 v1  }
0x433: {  	v35 =	vadd.s32 $0x113, v6;
	v34 =	vadd.bf16 v25, v46;
	v1 =	vunpack.i.u.bf16.f32 v1;
	[tilespmem:v63+s10+$0x0] =	vst.idx.msk $0xffff, v32  }
0x434: {  	v36 =	vadd.s32 $0x114, v6;
	[tilespmem:v3+s10+$0x0] =	vst.idx.msk $0xffff, v1;
	v1 =	vadd.bf16 v38, v53;
	v3 =	vunpack.i.l.bf16.f32 v0  }
0x435: {  	v37 =	vadd.s32 $0x115, v6;
	v0 =	vunpack.i.u.bf16.f32 v0;
	v38 =	vadd.s32 $0x116, v6;
	[tilespmem:v31+s10+$0x0] =	vst.idx.msk $0xffff, v3  }
0x436: {  	v3 =	vadd.bf16 v23, v52;
	[tilespmem:v2+s10+$0x0] =	vst.idx.msk $0xffff, v0;
	v0 =	vadd.bf16 v39, v34;
	v2 =	vunpack.i.l.bf16.f32 v1  }
0x437: {  	v46 =	vadd.s32 $0x118, v6;
	v1 =	vunpack.i.u.bf16.f32 v1;
	v39 =	vadd.s32 $0x117, v6;
	[tilespmem:v33+s10+$0x0] =	vst.idx.msk $0xffff, v2  }
0x438: {  	v2 =	vadd.bf16 v21, v51;
	[tilespmem:v35+s10+$0x0] =	vst.idx.msk $0xffff, v1;
	v1 =	vadd.bf16 v40, v3;
	v3 =	vunpack.i.l.bf16.f32 v0  }
0x439: {  	v52 =	vadd.s32 $0x11A, v6;
	v51 =	vadd.s32 $0x119, v6;
	v0 =	vunpack.i.u.bf16.f32 v0;
	[tilespmem:v36+s10+$0x0] =	vst.idx.msk $0xffff, v3  }
0x43a: {  	v3 =	vadd.bf16 v19, v50;
	v2 =	vadd.bf16 v41, v2;
	[tilespmem:v37+s10+$0x0] =	vst.idx.msk $0xffff, v0;
	v0 =	vunpack.i.l.bf16.f32 v1  }
0x43b: {  	v54 =	vadd.s32 $0x11C, v6;
	v53 =	vadd.s32 $0x11B, v6;
	v1 =	vunpack.i.u.bf16.f32 v1;
	[tilespmem:v38+s10+$0x0] =	vst.idx.msk $0xffff, v0  }
0x43c: {  	v0 =	vadd.bf16 v16, v49;
	v3 =	vadd.bf16 v12, v3;
	[tilespmem:v39+s10+$0x0] =	vst.idx.msk $0xffff, v1;
	v1 =	vunpack.i.l.bf16.f32 v2  }
0x43d: {  	v57 =	vadd.s32 $0x11E, v6;
	v55 =	vadd.s32 $0x11D, v6;
	v2 =	vunpack.i.u.bf16.f32 v2;
	[tilespmem:v46+s10+$0x0] =	vst.idx.msk $0xffff, v1  }
0x43e: {  	v1 =	vadd.bf16 v17, v48;
	v0 =	vadd.bf16 v8, v0;
	[tilespmem:v51+s10+$0x0] =	vst.idx.msk $0xffff, v2;
	v2 =	vunpack.i.l.bf16.f32 v3  }
0x43f: {  	v58 =	vadd.s32 $0x11F, v6;
	v59 =	vadd.s32 $0x120, v6;
	v3 =	vunpack.i.u.bf16.f32 v3;
	[tilespmem:v52+s10+$0x0] =	vst.idx.msk $0xffff, v2  }
0x440: {  	v2 =	vadd.bf16 v28, v47;
	v1 =	vadd.bf16 v9, v1;
	[tilespmem:v53+s10+$0x0] =	vst.idx.msk $0xffff, v3;
	v3 =	vunpack.i.l.bf16.f32 v0  }
0x441: {  	v61 =	vadd.s32 $0x121, v6;
	v63 =	vadd.s32 $0x122, v6;
	v0 =	vunpack.i.u.bf16.f32 v0;
	[tilespmem:v54+s10+$0x0] =	vst.idx.msk $0xffff, v3  }
0x442: {  	v3 =	vadd.bf16 v56, v45;
	v2 =	vadd.bf16 v10, v2;
	[tilespmem:v55+s10+$0x0] =	vst.idx.msk $0xffff, v0;
	v0 =	vunpack.i.l.bf16.f32 v1  }
0x443: {  	v1 =	vunpack.i.u.bf16.f32 v1;
	[tilespmem:v57+s10+$0x0] =	vst.idx.msk $0xffff, v0  }
0x444: {  	v3 =	vadd.bf16 v13, v3;
	[tilespmem:v58+s10+$0x0] =	vst.idx.msk $0xffff, v1;
	v1 =	vunpack.i.l.bf16.f32 v2  }
0x445: {  	v2 =	vunpack.i.u.bf16.f32 v2;
	[tilespmem:v59+s10+$0x0] =	vst.idx.msk $0xffff, v1;
	v1 =	vld [tilespmem:$0x1F630]  }
0x446: {  	[tilespmem:v61+s10+$0x0] =	vst.idx.msk $0xffff, v2;
	v2 =	vunpack.i.l.bf16.f32 v3  }
0x447: {  	v12 =	vadd.s32 $0x123, v6;
	[tilespmem:v63+s10+$0x0] =	vst.idx.msk $0xffff, v2;
	v2 =	vld [tilespmem:$0x1F640]  }
0x448: {  	v16 =	vadd.s32 $0x124, v6;
	v0 =	vadd.bf16 v60, v44  }
0x449: {  	v17 =	vadd.s32 $0x125, v6  }
0x44a: {  	v19 =	vadd.s32 $0x126, v6;
	v0 =	vadd.bf16 v15, v0;
	v1 =	vadd.bf16 v1, v43  }
0x44b: {  	v23 =	vadd.s32 $0x128, v6;
	v21 =	vadd.s32 $0x127, v6;
	v3 =	vunpack.i.u.bf16.f32 v3  }
0x44c: {  	v25 =	vld [tilespmem:$0x1F650];
	[tilespmem:v12+s10+$0x0] =	vst.idx.msk $0xffff, v3;
	v3 =	vunpack.i.l.bf16.f32 v0;
	v2 =	vadd.bf16 v2, v42;
	v1 =	vadd.bf16 v20, v1  }
0x44d: {  	v0 =	vunpack.i.u.bf16.f32 v0;
	[tilespmem:v16+s10+$0x0] =	vst.idx.msk $0xffff, v3;
	v3 =	vld [tilespmem:$0x1F820]  }
0x44e: {  	v32 =	vld [tilespmem:$0x1F660];
	[tilespmem:v17+s10+$0x0] =	vst.idx.msk $0xffff, v0;
	v2 =	vadd.bf16 v24, v2;
	v0 =	vunpack.i.l.bf16.f32 v1  }
0x44f: {  	v1 =	vunpack.i.u.bf16.f32 v1;
	[tilespmem:v19+s10+$0x0] =	vst.idx.msk $0xffff, v0;
	v0 =	vld [tilespmem:$0x1F830]  }
0x450: {  	v35 =	vld [tilespmem:$0x1F670];
	[tilespmem:v21+s10+$0x0] =	vst.idx.msk $0xffff, v1;
	v1 =	vunpack.i.l.bf16.f32 v2  }
0x451: {  	v28 =	vadd.s32 $0x129, v6;
	[tilespmem:v23+s10+$0x0] =	vst.idx.msk $0xffff, v1;
	v1 =	vld [tilespmem:$0x1F840]  }
0x452: {  	v31 =	vadd.s32 $0x12A, v6;
	v3 =	vadd.bf16 v25, v3  }
0x453: {  	v33 =	vadd.s32 $0x12B, v6  }
0x454: {  	v34 =	vadd.s32 $0x12C, v6;
	v3 =	vadd.bf16 v30, v3;
	v0 =	vadd.bf16 v32, v0  }
0x455: {  	v36 =	vadd.s32 $0x12D, v6;
	v37 =	vadd.s32 $0x12E, v6;
	v2 =	vunpack.i.u.bf16.f32 v2  }
0x456: {  	v38 =	vld [tilespmem:$0x1F680];
	[tilespmem:v28+s10+$0x0] =	vst.idx.msk $0xffff, v2;
	v2 =	vunpack.i.l.bf16.f32 v3;
	v1 =	vadd.bf16 v35, v1;
	v0 =	vadd.bf16 v29, v0  }
0x457: {  	v3 =	vunpack.i.u.bf16.f32 v3;
	[tilespmem:v31+s10+$0x0] =	vst.idx.msk $0xffff, v2;
	v2 =	vld [tilespmem:$0x1F850]  }
0x458: {  	v41 =	vld [tilespmem:$0x1F690];
	[tilespmem:v33+s10+$0x0] =	vst.idx.msk $0xffff, v3;
	v1 =	vadd.bf16 v27, v1;
	v3 =	vunpack.i.l.bf16.f32 v0  }
0x459: {  	v0 =	vunpack.i.u.bf16.f32 v0;
	[tilespmem:v34+s10+$0x0] =	vst.idx.msk $0xffff, v3;
	v3 =	vld [tilespmem:$0x1F860]  }
0x45a: {  	v44 =	vld [tilespmem:$0x1F6A0];
	[tilespmem:v36+s10+$0x0] =	vst.idx.msk $0xffff, v0;
	v0 =	vunpack.i.l.bf16.f32 v1  }
0x45b: {  	v39 =	vadd.s32 $0x12F, v6;
	[tilespmem:v37+s10+$0x0] =	vst.idx.msk $0xffff, v0;
	v0 =	vld [tilespmem:$0x1F870]  }
0x45c: {  	v40 =	vadd.s32 $0x130, v6;
	v2 =	vadd.bf16 v38, v2  }
0x45d: {  	v42 =	vadd.s32 $0x131, v6  }
0x45e: {  	v43 =	vadd.s32 $0x132, v6;
	v2 =	vadd.bf16 v26, v2;
	v3 =	vadd.bf16 v41, v3  }
0x45f: {  	v50 =	vld [tilespmem:$0x1F6C0];
	v46 =	vadd.s32 $0x134, v6;
	v45 =	vadd.s32 $0x133, v6;
	v1 =	vunpack.i.u.bf16.f32 v1  }
0x460: {  	v47 =	vld [tilespmem:$0x1F6B0];
	[tilespmem:v39+s10+$0x0] =	vst.idx.msk $0xffff, v1;
	v1 =	vunpack.i.l.bf16.f32 v2;
	v0 =	vadd.bf16 v44, v0;
	v3 =	vadd.bf16 v22, v3  }
0x461: {  	v2 =	vunpack.i.u.bf16.f32 v2;
	[tilespmem:v40+s10+$0x0] =	vst.idx.msk $0xffff, v1;
	v1 =	vld [tilespmem:$0x1F880]  }
0x462: {  	v53 =	vld [tilespmem:$0x1F6D0];
	[tilespmem:v42+s10+$0x0] =	vst.idx.msk $0xffff, v2;
	v0 =	vadd.bf16 v62, v0;
	v2 =	vunpack.i.l.bf16.f32 v3  }
0x463: {  	v3 =	vunpack.i.u.bf16.f32 v3;
	[tilespmem:v43+s10+$0x0] =	vst.idx.msk $0xffff, v2;
	v2 =	vld [tilespmem:$0x1F890]  }
0x464: {  	v55 =	vld [tilespmem:$0x1F6E0];
	[tilespmem:v45+s10+$0x0] =	vst.idx.msk $0xffff, v3;
	v3 =	vunpack.i.l.bf16.f32 v0  }
0x465: {  	v48 =	vadd.s32 $0x135, v6;
	[tilespmem:v46+s10+$0x0] =	vst.idx.msk $0xffff, v3;
	v3 =	vld [tilespmem:$0x1F8A0]  }
0x466: {  	v49 =	vadd.s32 $0x136, v6;
	v1 =	vadd.bf16 v47, v1  }
0x467: {  	v51 =	vadd.s32 $0x137, v6  }
0x468: {  	v52 =	vadd.s32 $0x138, v6;
	v1 =	vadd.bf16 v14, v1;
	v2 =	vadd.bf16 v50, v2  }
0x469: {  	v54 =	vadd.s32 $0x139, v6;
	v56 =	vadd.s32 $0x13A, v6;
	v0 =	vunpack.i.u.bf16.f32 v0  }
0x46a: {  	[tilespmem:v48+s10+$0x0] =	vst.idx.msk $0xffff, v0;
	v0 =	vunpack.i.l.bf16.f32 v1;
	v3 =	vadd.bf16 v53, v3;
	v2 =	vadd.bf16 v55, v2  }
0x46b: {  	v57 =	vld [tilespmem:$0x1F6F0];
	v58 =	vadd.s32 $0x13B, v6;
	v1 =	vunpack.i.u.bf16.f32 v1;
	[tilespmem:v49+s10+$0x0] =	vst.idx.msk $0xffff, v0  }
0x46c: {  	v0 =	vld [tilespmem:$0x1F8B0];
	[tilespmem:v51+s10+$0x0] =	vst.idx.msk $0xffff, v1;
	v3 =	vadd.bf16 v18, v3;
	v1 =	vunpack.i.l.bf16.f32 v2  }
0x46d: {  	[tilespmem:v52+s10+$0x0] =	vst.idx.msk $0xffff, v1;
	v1 =	vunpack.i.u.bf16.f32 v2  }
0x46e: {  	v60 =	vld [tilespmem:$0x1F700];
	[tilespmem:v54+s10+$0x0] =	vst.idx.msk $0xffff, v1;
	v1 =	vunpack.i.l.bf16.f32 v3  }
0x46f: {  	v62 =	vld [tilespmem:$0x1F710];
	[tilespmem:v56+s10+$0x0] =	vst.idx.msk $0xffff, v1;
	v1 =	vunpack.i.u.bf16.f32 v3  }
0x470: {  	[tilespmem:v58+s10+$0x0] =	vst.idx.msk $0xffff, v1;
	v1 =	vld [tilespmem:$0x1F810]  }
0x471: {  	v59 =	vadd.s32 $0x13C, v6;
	v0 =	vadd.bf16 v57, v0  }
0x472: {  	v2 =	vadd.s32 $0x13D, v6  }
0x473: {  	v61 =	vadd.s32 $0x13E, v6;
	v0 =	vadd.bf16 v60, v0  }
0x474: {  	v3 =	vadd.s32 $0x13F, v6  }
0x475: {  	v63 =	vunpack.i.l.bf16.f32 v0;
	v1 =	vadd.bf16 v62, v1  }
0x476: {  	v0 =	vunpack.i.u.bf16.f32 v0;
	[tilespmem:v59+s10+$0x0] =	vst.idx.msk $0xffff, v63  }
0x477: {  	s13 =	smul.u32 $0x282, s13;
	s12 =	sadd.s32 $0x1, s12;
	[tilespmem:v2+s10+$0x0] =	vst.idx.msk $0xffff, v0;
	v0 =	vunpack.i.l.bf16.f32 v1  }
0x478: {  	p0 =	sne.s32 s12, $0x20;
	[tilespmem:v61+s10+$0x0] =	vst.idx.msk $0xffff, v0;
	v0 =	vunpack.i.u.bf16.f32 v1  }
.Ltmp5:
0x479: {  	s13 =	sadd.s32 s5, s13;
	[tilespmem:v3+s10+$0x0] =	vst.idx.msk $0xffff, v0;
	(pc) =	sbr.rel @p0 .LBB2_2-.Ltmp5, $4  }
0x47a: {  	[hbm4b:s13+s2] =	stream.linear.scatter [tilespmem:s10], [sflag:$0x1], $0x1410, $0x38;
	[tilespmem:$0x2E80] =	vst v63  }
0x47b: {  	_ =	swait.ge [sflag:s9], $0x1410  }
0x47c: {  	[sflag:s9] =	ssyncset.done $0x0;
	v1 =	vld [tilespmem:$0x1FFF0]  }
0x47d: {  	[sflag:s9] =	ssyncadd.s32 $0xFFFFEBF0  }
0x47e: {  	s11 =	sadd.s32 $0x1, s11  }
0x47f: {  	p0 =	sne.s32 s11, s7  }
.Ltmp6:
0x480: {  	_ = 	snop;
	(pc) =	sbr.rel @p0 .LBB2_1-.Ltmp6, $1  }
0x481: {  	_ =	sdelay $0x3  }
0x482: {  	_ =	sfence.sel $0x180000  }
0x483: {  	[bflag:$0x0] =	sbarrier.arrive $0xFFFF  }
0x484: {  	p0 =	sne.s32 s4, $0x0;
	_ =	strace $0x90000047  }
0x485: {  	s0 =	sadd.s32 @!p0 $0x100000, s1;
	[bflag:$0x2] =	sbarrier.arrive $0xFFFF  }
0x486: {  	[sflag:s0] =	ssyncadd.tile.s32 @!p0 $0x1;
	_ =	shalt  }
.Lfunc_end2:
_tile_overlayer_lowered:
.L_overlay_start_2:
0x487: {  	(tag) =	ssettag $0x2  }
0x488: {  	s0 =	rddreg [dreg:$0x0];
	s2 =	stileid.u32  }
0x489: {  	s1 =	rddreg [dreg:$0x1];
	p0 =	sne.s32 s2, $0x0  }
0x48a: {  	s3 =	rddreg [dreg:$0x2];
	[bflag:$0x3] =	sbarrier.arrive $0xFFFF;
	s2 =	simm.s32 @!p0 $0x1C01  }
0x48b: {  	[timem:s3], [sflag:s2] =	dma.local @!p0 [hbm:s0], s1  }
0x48c: {  	s0 =	simm.s32 @!p0 $0x1  }
0x48d: {  	_ =	swait.ge @!p0 [sflag:s0], s1  }
0x48e: {  	s1 =	ssub.s32 @!p0 $0x0, s1;
	[sflag:s0] =	ssyncset.done @!p0 $0x0  }
0x48f: {  	[sflag:s0] =	ssyncadd.s32 @!p0 s1  }
0x490: {  	[bflag:$0x3] =	sbarrier.arrive $0xFFFF  }
0x491: {  	_ =	shalt  }

</sc_bundles>
